<compile_context>
chip_gen: v7x
topology: tpu7x:2x2x1
jax: 0.10.2.dev20260603
libtpu: 0.0.44.dev20260713+nightly
codegen_flags: <defaults>
</compile_context>

<pallas_src>
import functools

import jax
import jax.numpy as jnp
from jax import lax
from jax.experimental import pallas as pl
from jax.experimental.pallas import tpu as pltpu
from jax.experimental.pallas import tpu_sc as plsc

N = 10000
E = 320000
C = 32
G = 128
H = 8
NC, NS = 2, 16
NW = NC * NS

WROWS_PER_W = 3
WACT = 32
WPAD = WACT * WROWS_PER_W * 128
EROWS_PER_W = 79
EROWS = 2536
EPAD = EROWS * 128
CHUNK_ROWS = 8
NCHUNK = 10
RPW = N // NS
CP = 33
HP = 9

_mesh = plsc.VectorSubcoreMesh(core_axis_name="c", subcore_axis_name="s")


@functools.partial(
    pl.kernel,
    out_type=jax.ShapeDtypeStruct((WPAD, C), jnp.float32),
    mesh=_mesh,
    scratch_types=[
        pltpu.VMEM((WROWS_PER_W, 128), jnp.int32),
        pltpu.VMEM((WROWS_PER_W * 128, C), jnp.float32),
        pltpu.SemaphoreType.DMA,
    ],
    compiler_params=pltpu.CompilerParams(use_tc_tiling_on_sc=False, needs_layout_passes=False),
)
def _wgather(idx_hbm, w_hbm, out_hbm, idx_v, rows_v, sem):
    wid = lax.axis_index("s") * NC + lax.axis_index("c")

    @pl.when(wid < WACT)
    def _():
        pltpu.sync_copy(
            idx_hbm.at[pl.ds(wid * WROWS_PER_W, WROWS_PER_W), :], idx_v)
        cps = [
            pltpu.async_copy(w_hbm.at[idx_v.at[j]],
                             rows_v.at[pl.ds(j * 128, 128)], sem)
            for j in range(WROWS_PER_W)
        ]
        for cp in cps:
            cp.wait()
        pltpu.sync_copy(rows_v, out_hbm.at[pl.ds(wid * WROWS_PER_W * 128,
                                                 WROWS_PER_W * 128)])


def _dense_body(x_ref, mu_ref, ws_ref, llw_ref, llb_ref, lrw_ref, lrb_ref,
                p_ref, l_ref, xl_ref, xr_ref, cos_ref, ll_ref):
    i = pl.program_id(0)
    x = x_ref[...]
    z1 = jnp.zeros((x.shape[0], 1), jnp.float32)
    xl_ref[...] = jnp.concatenate(
        [jnp.dot(x, llw_ref[...],
                 preferred_element_type=jnp.float32) + llb_ref[...], z1], axis=1)
    xr_ref[...] = jnp.concatenate(
        [jnp.dot(x, lrw_ref[...],
                 preferred_element_type=jnp.float32) + lrb_ref[...], z1], axis=1)
    w = ws_ref[...]
    ew = jnp.exp(w - jnp.max(w, axis=1, keepdims=True))
    p = ew / jnp.sum(ew, axis=1, keepdims=True)
    p_ref[...] = p
    l_ref[...] = jnp.log(p + 1e-8)
    xn = x / jnp.maximum(
        jnp.sqrt(jnp.sum(x * x, axis=1, keepdims=True)), 1e-12)
    mu = mu_ref[...]
    mun = mu / jnp.maximum(
        jnp.sqrt(jnp.sum(mu * mu, axis=1, keepdims=True)), 1e-12)
    cos = lax.dot_general(xn, mun, (((1,), (1,)), ((), ())),
                          preferred_element_type=jnp.float32)
    cos_ref[...] = cos

    @pl.when(i == 0)
    def _():
        ll_ref[0, 0] = 0.0

    ll_ref[0, 0] += jnp.sum(p * cos) * 10.0


_dense_call = pl.pallas_call(
    _dense_body,
    grid=(10,),
    in_specs=[
        pl.BlockSpec((1000, G), lambda i: (i, 0)),
        pl.BlockSpec((C, G), lambda i: (0, 0)),
        pl.BlockSpec((1000, C), lambda i: (i, 0)),
        pl.BlockSpec((G, H), lambda i: (0, 0)),
        pl.BlockSpec((1, H), lambda i: (0, 0)),
        pl.BlockSpec((G, H), lambda i: (0, 0)),
        pl.BlockSpec((1, H), lambda i: (0, 0)),
    ],
    out_specs=[
        pl.BlockSpec((1000, C), lambda i: (i, 0)),
        pl.BlockSpec((1000, C), lambda i: (i, 0)),
        pl.BlockSpec((1000, HP), lambda i: (i, 0)),
        pl.BlockSpec((1000, HP), lambda i: (i, 0)),
        pl.BlockSpec((1000, C), lambda i: (i, 0)),
        pl.BlockSpec((1, 1), lambda i: (0, 0), memory_space=pltpu.SMEM),
    ],
    out_shape=[
        jax.ShapeDtypeStruct((N, C), jnp.float32),
        jax.ShapeDtypeStruct((N, C), jnp.float32),
        jax.ShapeDtypeStruct((N, HP), jnp.float32),
        jax.ShapeDtypeStruct((N, HP), jnp.float32),
        jax.ShapeDtypeStruct((N, C), jnp.float32),
        jax.ShapeDtypeStruct((1, 1), jnp.float32),
    ],
)


@functools.partial(
    pl.kernel,
    out_type=jax.ShapeDtypeStruct((NC, N, C), jnp.float32),
    mesh=_mesh,
    scratch_types=[
        pltpu.VMEM((2, CHUNK_ROWS, 128), jnp.int32),
        pltpu.VMEM((2, CHUNK_ROWS, 128), jnp.int32),
        pltpu.VMEM((2, CHUNK_ROWS * 128, HP), jnp.float32),
        pltpu.VMEM((2, CHUNK_ROWS * 128, HP), jnp.float32),
        pltpu.VMEM((CHUNK_ROWS * 128, C), jnp.float32),
        pltpu.VMEM((CHUNK_ROWS * 128,), jnp.float32),
        pltpu.VMEM((H,), jnp.float32),
        pltpu.VMEM_SHARED((N, C), jnp.float32),
        pltpu.SemaphoreType.DMA,
        pltpu.SemaphoreType.DMA,
        pltpu.SemaphoreType.DMA,
    ],
    compiler_params=pltpu.CompilerParams(use_tc_tiling_on_sc=False, needs_layout_passes=False),
)
def _edges(eidx_hbm, xl_hbm, xr_hbm, p_hbm, att_hbm, vout_hbm,
           sidx, didx, xlr, xrr, prows, exb, attv, vsh, sem0, sem1, semp):
    cid = lax.axis_index("c")
    sid = lax.axis_index("s")
    wid = sid * NC + cid
    sems = (sem0, sem1)
    pltpu.sync_copy(att_hbm, attv)
    atts = [plsc.load_gather(attv, [jnp.full((16,), k, jnp.int32)])
            for k in range(H)]

    def zbody(r, carry):
        z = jnp.zeros((16,), jnp.float32)
        prows[r, pl.ds(0, 16)] = z
        prows[r, pl.ds(16, 16)] = z
        return carry

    lax.fori_loop(0, RPW, zbody, 0)
    pltpu.sync_copy(prows.at[pl.ds(0, RPW)], vsh.at[pl.ds(sid * RPW, RPW)])
    plsc.subcore_barrier()

    row0 = wid * EROWS_PER_W
    wend = jnp.minimum((row0 + EROWS_PER_W) * 128, E)

    def issue(c, b):
        r0 = row0 + c * CHUNK_ROWS
        pltpu.sync_copy(eidx_hbm.at[0, pl.ds(r0, CHUNK_ROWS), :], sidx.at[b])
        pltpu.sync_copy(eidx_hbm.at[1, pl.ds(r0, CHUNK_ROWS), :], didx.at[b])
        cps = []
        for j in range(CHUNK_ROWS):
            cps.append(pltpu.async_copy(
                xl_hbm.at[sidx.at[b].at[j]],
                xlr.at[b].at[pl.ds(j * 128, 128)], sems[0]))
            cps.append(pltpu.async_copy(
                xr_hbm.at[didx.at[b].at[j]],
                xrr.at[b].at[pl.ds(j * 128, 128)], sems[0]))
        return cps

    issue(0, 0)

    def chunk_body(c, carry):
        b = c & 1
        r0 = row0 + c * CHUNK_ROWS
        for j in range(CHUNK_ROWS):
            pltpu.make_async_copy(
                xl_hbm.at[sidx.at[b].at[j]],
                xlr.at[b].at[pl.ds(j * 128, 128)], sems[0]).wait()
            pltpu.make_async_copy(
                xr_hbm.at[didx.at[b].at[j]],
                xrr.at[b].at[pl.ds(j * 128, 128)], sems[0]).wait()
        pcps = [pltpu.async_copy(
            p_hbm.at[sidx.at[b].at[j]],
            prows.at[pl.ds(j * 128, 128)], semp)
            for j in range(CHUNK_ROWS)]

        @pl.when(c + 1 < NCHUNK)
        def _():
            issue(c + 1, 1 - b)

        gbase = r0 * 128
        xlr_b, xrr_b = xlr.at[b], xrr.at[b]

        def ebody(g):
            ids = g * 16 + lax.iota(jnp.int32, 16)
            gid = gbase + ids
            mask = gid < wend
            acc = jnp.zeros((16,), jnp.float32)
            for k in range(H):
                kf = jnp.full((16,), k, jnp.int32)
                a = plsc.load_gather(xlr_b, [ids, kf])
                bb = plsc.load_gather(xrr_b, [ids, kf])
                s = a + bb
                acc = acc + atts[k] * jnp.maximum(s, 0.2 * s)
            exb[pl.ds(g * 16, 16)] = jnp.where(mask, jnp.exp(acc), 0.0)

        plsc.parallel_loop(0, CHUNK_ROWS * 8, unroll=8)(ebody)
        for cp in pcps:
            cp.wait()

        def sbody(i):
            exs = plsc.load_gather(exb, [jnp.full((16,), 0, jnp.int32) + i])
            a = prows[i, pl.ds(0, 16)]
            bq = prows[i, pl.ds(16, 16)]
            prows[i, pl.ds(0, 16)] = exs * a
            prows[i, pl.ds(16, 16)] = exs * bq

        plsc.parallel_loop(0, CHUNK_ROWS * 128, unroll=8)(sbody)
        for j in range(CHUNK_ROWS):
            pltpu.sync_copy(prows.at[pl.ds(j * 128, 128)],
                            vsh.at[didx.at[b].at[j]], add=True)
        return carry

    lax.fori_loop(0, NCHUNK, chunk_body, 0)
    plsc.subcore_barrier()
    pltpu.sync_copy(vsh.at[pl.ds(sid * RPW, RPW)],
                    vout_hbm.at[cid, pl.ds(sid * RPW, RPW), :])


def _final_body(l_ref, v_ref, ce_ref):
    i = pl.program_id(0)
    v = v_ref[0] + v_ref[1]
    den = jnp.sum(v, axis=1, keepdims=True) + 1e-16
    part = jnp.sum(l_ref[...] * v / den)

    @pl.when(i == 0)
    def _():
        ce_ref[0, 0] = 0.0

    ce_ref[0, 0] += part


_final_call = pl.pallas_call(
    _final_body,
    grid=(10,),
    in_specs=[
        pl.BlockSpec((1000, C), lambda i: (i, 0)),
        pl.BlockSpec((NC, 1000, C), lambda i: (0, i, 0)),
    ],
    out_specs=pl.BlockSpec((1, 1), lambda i: (0, 0), memory_space=pltpu.SMEM),
    out_shape=jax.ShapeDtypeStruct((1, 1), jnp.float32),
)


def kernel(x_sub, Mu, edge_index_sub, subset_idx, W, lin_l_w, lin_l_b,
           lin_r_w, lin_r_b, att):
    sidx_pad = jnp.zeros((WPAD,), jnp.int32).at[:N].set(
        subset_idx.astype(jnp.int32)).reshape(WPAD // 128, 128)
    w_sub = _wgather(sidx_pad, W)[:N]
    p_sub, l_log, x_l, x_r, cos, ll_raw = _dense_call(
        x_sub, Mu, w_sub, lin_l_w, lin_l_b.reshape(1, H),
        lin_r_w, lin_r_b.reshape(1, H))
    eidx_pad = jnp.zeros((2, EPAD), jnp.int32).at[:, :E].set(
        edge_index_sub.astype(jnp.int32)).reshape(2, EROWS, 128)
    vparts = _edges(eidx_pad, x_l, x_r, p_sub, att)
    ce_raw = _final_call(l_log, vparts)
    ll_prot = ll_raw[0, 0] / N
    ce_space = -ce_raw[0, 0] / N
    return (ll_prot, ce_space, p_sub)

# --- scband reference (transcript-rebuilt; emitter-appended) ---
"""Pipeline reference for scband-batched-sthd-sp-gat-cosine-43301860278533 (READ-ONLY COPY).

The authoritative reference and input builder live on the scoring server;
editing this copy changes nothing except your own understanding.
"""

import jax, jax.numpy as jnp
import numpy as np

NUM_CELLS = 100000
NUM_CLASSES = 32
NUM_GENES = 128
N_SUB = 10000
N_EDGES = 320000
OUT_CH = 8  # GATv2Conv out_channels, heads=1, concat=False


def _leaky_relu(x, slope=0.2):
    return jnp.where(x >= 0, x, slope * x)


def setup_inputs(seed: int = 0) -> dict:
    key = jax.random.key(seed)
    ks = jax.random.split(key, 10)
    x_sub = jax.random.uniform(ks[0], (N_SUB, NUM_GENES), dtype=jnp.float32)
    Mu = jax.random.normal(ks[1], (NUM_CLASSES, NUM_GENES), dtype=jnp.float32)
    edge_index_sub = jax.random.randint(ks[2], (2, N_EDGES), 0, N_SUB, dtype=jnp.int32)
    subset_idx = jax.random.randint(ks[3], (N_SUB,), 0, NUM_CELLS, dtype=jnp.int32)
    # learned parameters
    W = jax.random.normal(ks[4], (NUM_CELLS, NUM_CLASSES), dtype=jnp.float32) * 0.1
    g_in = float(np.sqrt(6.0 / (NUM_GENES + OUT_CH)))
    lin_l_w = jax.random.uniform(ks[5], (NUM_GENES, OUT_CH), dtype=jnp.float32, minval=-g_in, maxval=g_in)
    lin_l_b = jnp.zeros((OUT_CH,), dtype=jnp.float32)
    lin_r_w = jax.random.uniform(ks[6], (NUM_GENES, OUT_CH), dtype=jnp.float32, minval=-g_in, maxval=g_in)
    lin_r_b = jnp.zeros((OUT_CH,), dtype=jnp.float32)
    g_att = float(np.sqrt(6.0 / (OUT_CH + 1)))
    att = jax.random.uniform(ks[7], (OUT_CH,), dtype=jnp.float32, minval=-g_att, maxval=g_att)
    return {
        "x_sub": x_sub,
        "Mu": Mu,
        "edge_index_sub": edge_index_sub,
        "subset_idx": subset_idx,
        "W": W,
        "lin_l_w": lin_l_w,
        "lin_l_b": lin_l_b,
        "lin_r_w": lin_r_w,
        "lin_r_b": lin_r_b,
        "att": att,
    }


def reference(x_sub, Mu, edge_index_sub, subset_idx, W, lin_l_w, lin_l_b, lin_r_w, lin_r_b, att):
    n = x_sub.shape[0]
    # W_sub = self.W[subset_idx]; P_sub = softmax(W_sub, dim=1)
    W_sub = jnp.take(W, subset_idx, axis=0)
    P_sub = jax.nn.softmax(W_sub, axis=1)
    # cosine similarity term
    x_norm = x_sub / jnp.maximum(jnp.linalg.norm(x_sub, axis=1, keepdims=True), 1e-12)
    mu_norm = Mu / jnp.maximum(jnp.linalg.norm(Mu, axis=1, keepdims=True), 1e-12)
    cos_sim = x_norm @ mu_norm.T
    ll_prot = jnp.sum(P_sub * (cos_sim * 10.0)) / n
    # GATv2 attention (heads=1, add_self_loops=False): alpha over edges, softmax by dst
    src = edge_index_sub[0]
    dst = edge_index_sub[1]
    x_l = x_sub @ lin_l_w + lin_l_b  # source transform
    x_r = x_sub @ lin_r_w + lin_r_b  # target transform
    e = _leaky_relu(jnp.take(x_l, src, axis=0) + jnp.take(x_r, dst, axis=0)) @ att  # [E]
    m = jax.ops.segment_max(e, dst, num_segments=n)
    m = jnp.where(jnp.isfinite(m), m, 0.0)
    ex = jnp.exp(e - jnp.take(m, dst))
    denom = jax.ops.segment_sum(ex, dst, num_segments=n)
    alpha = ex / (jnp.take(denom, dst) + 1e-16)
    # ce_space = -sum(P_sub[src] * alpha * log(P_sub[dst] + 1e-8)) / n
    ce_space = -jnp.sum(jnp.take(P_sub, src, axis=0) * alpha[:, None] * jnp.log(jnp.take(P_sub, dst, axis=0) + 1e-08)) / n
    return (ll_prot, ce_space, P_sub)

if __name__ == "__main__":
    import jax
    _d = setup_inputs()
    print(jax.jit(kernel)(*tuple(_d.values())))

</pallas_src>

<mosaic_0001>
#map = affine_map<(d0, d1) -> (0, 0)>
module attributes {stable_mosaic.version = 14 : i64} {
  func.func @_wgather(%arg0: i32, %arg1: i32, %arg2: memref<96x128xi32, #tpu.memory_space<hbm>>, %arg3: memref<100000x32xf32, #tpu.memory_space<hbm>>, %arg4: memref<12288x32xf32, #tpu.memory_space<hbm>>, %arg5: memref<3x128xi32, #tpu.memory_space<vmem>>, %arg6: memref<384x32xf32, #tpu.memory_space<vmem>>, %arg7: memref<!tpu.dma_semaphore, #tpu.memory_space<semaphore_mem>>) attributes {dimension_semantics = [#tpu.dimension_semantics<core_parallel>, #tpu.dimension_semantics<subcore_parallel>], iteration_bounds = array<i64: 2, 16>, scalar_prefetch = 0 : i64, scratch_operands = 3 : i64, tpu.core_type = #tpu.core_type<sc_vector_subcore>, window_params = [{transform_indices = #map}, {transform_indices = #map}, {transform_indices = #map}]} {
    %mul3A = arith.constant 2 : i32
    %mul3A_0 = arith.muli %arg1, %mul3A : i32
    %add3A = arith.addi %mul3A_0, %arg0 : i32
    %lt3A = arith.constant 32 : i32
    %lt3A_1 = arith.cmpi slt, %add3A, %lt3A : i32
    %convert_element_type3A = arith.extui %lt3A_1 : i1 to i32
    %cond3A = arith.constant 0 : i32
    %cond3A_2 = arith.cmpi ne, %convert_element_type3A, %cond3A : i32
    scf.if %cond3A_2 {
      %mul3A_3 = arith.constant 3 : i32
      %mul3A_4 = arith.muli %add3A, %mul3A_3 : i32
      "tpu.region"() ({
        %run_scoped3A = tpu.sem_alloc : memref<!tpu.dma_semaphore, #tpu.memory_space<semaphore_mem>>
        %dma_start3A_67 = arith.constant 0 : i32
        %dma_start3A_68 = tpu.memref_slice %arg2[%mul3A_4, %dma_start3A_67] : memref<96x128xi32, #tpu.memory_space<hbm>> -> memref<3x128xi32, #tpu.memory_space<hbm>>
        %dma_start3A_69 = arith.constant 0 : i32
        %dma_start3A_70 = tpu.memref_slice %arg2[%mul3A_4, %dma_start3A_69] : memref<96x128xi32, #tpu.memory_space<hbm>> -> memref<3x128xi32, #tpu.memory_space<hbm>>
        tpu.enqueue_dma source(%dma_start3A_70 : memref<3x128xi32, #tpu.memory_space<hbm>>) target(%arg5 : memref<3x128xi32, #tpu.memory_space<vmem>>) target_semaphore(%run_scoped3A : memref<!tpu.dma_semaphore, #tpu.memory_space<semaphore_mem>>)
        %dma_wait3A_71 = arith.constant 0 : i32
        %dma_wait3A_72 = tpu.memref_slice %arg2[%mul3A_4, %dma_wait3A_71] : memref<96x128xi32, #tpu.memory_space<hbm>> -> memref<3x128xi32, #tpu.memory_space<hbm>>
        %dma_wait3A_73 = arith.constant 0 : i32
        %dma_wait3A_74 = tpu.memref_slice %arg2[%mul3A_4, %dma_wait3A_73] : memref<96x128xi32, #tpu.memory_space<hbm>> -> memref<3x128xi32, #tpu.memory_space<hbm>>
        tpu.wait_dma2 semaphore(%run_scoped3A : memref<!tpu.dma_semaphore, #tpu.memory_space<semaphore_mem>>) src(%dma_wait3A_74 : memref<3x128xi32, #tpu.memory_space<hbm>>) dst(%arg5 : memref<3x128xi32, #tpu.memory_space<vmem>>)
        tpu.yield
      }) : () -> ()
      %dma_start3A = arith.constant 0 : i32
      %dma_start3A_5 = arith.constant 0 : i32
      %dma_start3A_6 = arith.constant 0 : i32
      %dma_start3A_7 = tpu.memref_slice %arg6[%dma_start3A_5, %dma_start3A_6] : memref<384x32xf32, #tpu.memory_space<vmem>> -> memref<128x32xf32, #tpu.memory_space<vmem>>
      %dma_start3A_8 = arith.constant 0 : i32
      %dma_start3A_9 = tpu.memref_slice %arg5[%dma_start3A, %dma_start3A_8] : memref<3x128xi32, #tpu.memory_space<vmem>> -> memref<1x128xi32, #tpu.memory_space<vmem>>
      %dma_start3A_10 = tpu.memref_squeeze %dma_start3A_9 : memref<1x128xi32, #tpu.memory_space<vmem>> -> memref<128xi32, #tpu.memory_space<vmem>>
      %dma_start3A_11 = arith.constant 0 : i32
      %dma_start3A_12 = arith.constant 0 : i32
      %dma_start3A_13 = tpu.memref_slice %arg3[%dma_start3A_11, %dma_start3A_12] : memref<100000x32xf32, #tpu.memory_space<hbm>> -> memref<100000x32xf32, #tpu.memory_space<hbm>>
      tpu.enqueue_indirect_dma source(%dma_start3A_13 : memref<100000x32xf32, #tpu.memory_space<hbm>>) target(%dma_start3A_7 : memref<128x32xf32, #tpu.memory_space<vmem>>) offsets(%dma_start3A_10 : memref<128xi32, #tpu.memory_space<vmem>>) semaphore(%arg7 : memref<!tpu.dma_semaphore, #tpu.memory_space<semaphore_mem>>)
      %dma_start3A_14 = arith.constant 1 : i32
      %dma_start3A_15 = arith.constant 128 : i32
      %dma_start3A_16 = arith.constant 0 : i32
      %dma_start3A_17 = tpu.memref_slice %arg6[%dma_start3A_15, %dma_start3A_16] : memref<384x32xf32, #tpu.memory_space<vmem>> -> memref<128x32xf32, #tpu.memory_space<vmem>>
      %dma_start3A_18 = arith.constant 0 : i32
      %dma_start3A_19 = tpu.memref_slice %arg5[%dma_start3A_14, %dma_start3A_18] : memref<3x128xi32, #tpu.memory_space<vmem>> -> memref<1x128xi32, #tpu.memory_space<vmem>>
      %dma_start3A_20 = tpu.memref_squeeze %dma_start3A_19 : memref<1x128xi32, #tpu.memory_space<vmem>> -> memref<128xi32, #tpu.memory_space<vmem>>
      %dma_start3A_21 = arith.constant 0 : i32
      %dma_start3A_22 = arith.constant 0 : i32
      %dma_start3A_23 = tpu.memref_slice %arg3[%dma_start3A_21, %dma_start3A_22] : memref<100000x32xf32, #tpu.memory_space<hbm>> -> memref<100000x32xf32, #tpu.memory_space<hbm>>
      tpu.enqueue_indirect_dma source(%dma_start3A_23 : memref<100000x32xf32, #tpu.memory_space<hbm>>) target(%dma_start3A_17 : memref<128x32xf32, #tpu.memory_space<vmem>>) offsets(%dma_start3A_20 : memref<128xi32, #tpu.memory_space<vmem>>) semaphore(%arg7 : memref<!tpu.dma_semaphore, #tpu.memory_space<semaphore_mem>>)
      %dma_start3A_24 = arith.constant 2 : i32
      %dma_start3A_25 = arith.constant 256 : i32
      %dma_start3A_26 = arith.constant 0 : i32
      %dma_start3A_27 = tpu.memref_slice %arg6[%dma_start3A_25, %dma_start3A_26] : memref<384x32xf32, #tpu.memory_space<vmem>> -> memref<128x32xf32, #tpu.memory_space<vmem>>
      %dma_start3A_28 = arith.constant 0 : i32
      %dma_start3A_29 = tpu.memref_slice %arg5[%dma_start3A_24, %dma_start3A_28] : memref<3x128xi32, #tpu.memory_space<vmem>> -> memref<1x128xi32, #tpu.memory_space<vmem>>
      %dma_start3A_30 = tpu.memref_squeeze %dma_start3A_29 : memref<1x128xi32, #tpu.memory_space<vmem>> -> memref<128xi32, #tpu.memory_space<vmem>>
      %dma_start3A_31 = arith.constant 0 : i32
      %dma_start3A_32 = arith.constant 0 : i32
      %dma_start3A_33 = tpu.memref_slice %arg3[%dma_start3A_31, %dma_start3A_32] : memref<100000x32xf32, #tpu.memory_space<hbm>> -> memref<100000x32xf32, #tpu.memory_space<hbm>>
      tpu.enqueue_indirect_dma source(%dma_start3A_33 : memref<100000x32xf32, #tpu.memory_space<hbm>>) target(%dma_start3A_27 : memref<128x32xf32, #tpu.memory_space<vmem>>) offsets(%dma_start3A_30 : memref<128xi32, #tpu.memory_space<vmem>>) semaphore(%arg7 : memref<!tpu.dma_semaphore, #tpu.memory_space<semaphore_mem>>)
      %dma_wait3A = arith.constant 0 : i32
      %dma_wait3A_34 = arith.constant 0 : i32
      %dma_wait3A_35 = arith.constant 0 : i32
      %dma_wait3A_36 = tpu.memref_slice %arg6[%dma_wait3A_34, %dma_wait3A_35] : memref<384x32xf32, #tpu.memory_space<vmem>> -> memref<128x32xf32, #tpu.memory_space<vmem>>
      %dma_wait3A_37 = arith.constant 0 : i32
      %dma_wait3A_38 = tpu.memref_slice %arg5[%dma_wait3A, %dma_wait3A_37] : memref<3x128xi32, #tpu.memory_space<vmem>> -> memref<1x128xi32, #tpu.memory_space<vmem>>
      %dma_wait3A_39 = tpu.memref_squeeze %dma_wait3A_38 : memref<1x128xi32, #tpu.memory_space<vmem>> -> memref<128xi32, #tpu.memory_space<vmem>>
      %dma_wait3A_40 = arith.constant 0 : i32
      %dma_wait3A_41 = arith.constant 0 : i32
      %dma_wait3A_42 = tpu.memref_slice %arg3[%dma_wait3A_40, %dma_wait3A_41] : memref<100000x32xf32, #tpu.memory_space<hbm>> -> memref<100000x32xf32, #tpu.memory_space<hbm>>
      tpu.wait_indirect_dma semaphore(%arg7 : memref<!tpu.dma_semaphore, #tpu.memory_space<semaphore_mem>>) src(%dma_wait3A_42 : memref<100000x32xf32, #tpu.memory_space<hbm>>) dst(%dma_wait3A_36 : memref<128x32xf32, #tpu.memory_space<vmem>>)
      %dma_wait3A_43 = arith.constant 1 : i32
      %dma_wait3A_44 = arith.constant 128 : i32
      %dma_wait3A_45 = arith.constant 0 : i32
      %dma_wait3A_46 = tpu.memref_slice %arg6[%dma_wait3A_44, %dma_wait3A_45] : memref<384x32xf32, #tpu.memory_space<vmem>> -> memref<128x32xf32, #tpu.memory_space<vmem>>
      %dma_wait3A_47 = arith.constant 0 : i32
      %dma_wait3A_48 = tpu.memref_slice %arg5[%dma_wait3A_43, %dma_wait3A_47] : memref<3x128xi32, #tpu.memory_space<vmem>> -> memref<1x128xi32, #tpu.memory_space<vmem>>
      %dma_wait3A_49 = tpu.memref_squeeze %dma_wait3A_48 : memref<1x128xi32, #tpu.memory_space<vmem>> -> memref<128xi32, #tpu.memory_space<vmem>>
      %dma_wait3A_50 = arith.constant 0 : i32
      %dma_wait3A_51 = arith.constant 0 : i32
      %dma_wait3A_52 = tpu.memref_slice %arg3[%dma_wait3A_50, %dma_wait3A_51] : memref<100000x32xf32, #tpu.memory_space<hbm>> -> memref<100000x32xf32, #tpu.memory_space<hbm>>
      tpu.wait_indirect_dma semaphore(%arg7 : memref<!tpu.dma_semaphore, #tpu.memory_space<semaphore_mem>>) src(%dma_wait3A_52 : memref<100000x32xf32, #tpu.memory_space<hbm>>) dst(%dma_wait3A_46 : memref<128x32xf32, #tpu.memory_space<vmem>>)
      %dma_wait3A_53 = arith.constant 2 : i32
      %dma_wait3A_54 = arith.constant 256 : i32
      %dma_wait3A_55 = arith.constant 0 : i32
      %dma_wait3A_56 = tpu.memref_slice %arg6[%dma_wait3A_54, %dma_wait3A_55] : memref<384x32xf32, #tpu.memory_space<vmem>> -> memref<128x32xf32, #tpu.memory_space<vmem>>
      %dma_wait3A_57 = arith.constant 0 : i32
      %dma_wait3A_58 = tpu.memref_slice %arg5[%dma_wait3A_53, %dma_wait3A_57] : memref<3x128xi32, #tpu.memory_space<vmem>> -> memref<1x128xi32, #tpu.memory_space<vmem>>
      %dma_wait3A_59 = tpu.memref_squeeze %dma_wait3A_58 : memref<1x128xi32, #tpu.memory_space<vmem>> -> memref<128xi32, #tpu.memory_space<vmem>>
      %dma_wait3A_60 = arith.constant 0 : i32
      %dma_wait3A_61 = arith.constant 0 : i32
      %dma_wait3A_62 = tpu.memref_slice %arg3[%dma_wait3A_60, %dma_wait3A_61] : memref<100000x32xf32, #tpu.memory_space<hbm>> -> memref<100000x32xf32, #tpu.memory_space<hbm>>
      tpu.wait_indirect_dma semaphore(%arg7 : memref<!tpu.dma_semaphore, #tpu.memory_space<semaphore_mem>>) src(%dma_wait3A_62 : memref<100000x32xf32, #tpu.memory_space<hbm>>) dst(%dma_wait3A_56 : memref<128x32xf32, #tpu.memory_space<vmem>>)
      %mul3A_63 = arith.constant 3 : i32
      %mul3A_64 = arith.muli %add3A, %mul3A_63 : i32
      %mul3A_65 = arith.constant 128 : i32
      %mul3A_66 = arith.muli %mul3A_64, %mul3A_65 : i32
      "tpu.region"() ({
        %run_scoped3A = tpu.sem_alloc : memref<!tpu.dma_semaphore, #tpu.memory_space<semaphore_mem>>
        %dma_start3A_67 = arith.constant 0 : i32
        %dma_start3A_68 = tpu.memref_slice %arg4[%mul3A_66, %dma_start3A_67] : memref<12288x32xf32, #tpu.memory_space<hbm>> -> memref<384x32xf32, #tpu.memory_space<hbm>>
        %dma_start3A_69 = arith.constant 0 : i32
        %dma_start3A_70 = tpu.memref_slice %arg4[%mul3A_66, %dma_start3A_69] : memref<12288x32xf32, #tpu.memory_space<hbm>> -> memref<384x32xf32, #tpu.memory_space<hbm>>
        tpu.enqueue_dma source(%arg6 : memref<384x32xf32, #tpu.memory_space<vmem>>) target(%dma_start3A_70 : memref<384x32xf32, #tpu.memory_space<hbm>>) target_semaphore(%run_scoped3A : memref<!tpu.dma_semaphore, #tpu.memory_space<semaphore_mem>>)
        %dma_wait3A_71 = arith.constant 0 : i32
        %dma_wait3A_72 = tpu.memref_slice %arg4[%mul3A_66, %dma_wait3A_71] : memref<12288x32xf32, #tpu.memory_space<hbm>> -> memref<384x32xf32, #tpu.memory_space<hbm>>
        %dma_wait3A_73 = arith.constant 0 : i32
        %dma_wait3A_74 = tpu.memref_slice %arg4[%mul3A_66, %dma_wait3A_73] : memref<12288x32xf32, #tpu.memory_space<hbm>> -> memref<384x32xf32, #tpu.memory_space<hbm>>
        tpu.wait_dma2 semaphore(%run_scoped3A : memref<!tpu.dma_semaphore, #tpu.memory_space<semaphore_mem>>) src(%arg6 : memref<384x32xf32, #tpu.memory_space<vmem>>) dst(%dma_wait3A_74 : memref<384x32xf32, #tpu.memory_space<hbm>>)
        tpu.yield
      }) : () -> ()
    } else {
    }
    return
  }
}

#map = affine_map<(d0, d1) -> (0, 0, 0)>
#map1 = affine_map<(d0, d1) -> (0, 0)>
#map2 = affine_map<(d0, d1) -> (0)>
module attributes {stable_mosaic.version = 14 : i64} {
  func.func @_edges(%arg0: i32, %arg1: i32, %arg2: memref<2x2536x128xi32, #tpu.memory_space<hbm>>, %arg3: memref<10000x9xf32, #tpu.memory_space<hbm>>, %arg4: memref<10000x9xf32, #tpu.memory_space<hbm>>, %arg5: memref<10000x32xf32, #tpu.memory_space<hbm>>, %arg6: memref<8xf32, #tpu.memory_space<hbm>>, %arg7: memref<2x10000x32xf32, #tpu.memory_space<hbm>>, %arg8: memref<2x8x128xi32, #tpu.memory_space<vmem>>, %arg9: memref<2x8x128xi32, #tpu.memory_space<vmem>>, %arg10: memref<2x1024x9xf32, #tpu.memory_space<vmem>>, %arg11: memref<2x1024x9xf32, #tpu.memory_space<vmem>>, %arg12: memref<1024x32xf32, #tpu.memory_space<vmem>>, %arg13: memref<1024xf32, #tpu.memory_space<vmem>>, %arg14: memref<8xf32, #tpu.memory_space<vmem>>, %arg15: memref<10000x32xf32, #tpu.memory_space<vmem_shared>>, %arg16: memref<!tpu.dma_semaphore, #tpu.memory_space<semaphore_mem>>, %arg17: memref<!tpu.dma_semaphore, #tpu.memory_space<semaphore_mem>>, %arg18: memref<!tpu.dma_semaphore, #tpu.memory_space<semaphore_mem>>) attributes {dimension_semantics = [#tpu.dimension_semantics<core_parallel>, #tpu.dimension_semantics<subcore_parallel>], iteration_bounds = array<i64: 2, 16>, scalar_prefetch = 0 : i64, scratch_operands = 11 : i64, tpu.core_type = #tpu.core_type<sc_vector_subcore>, window_params = [{transform_indices = #map}, {transform_indices = #map1}, {transform_indices = #map1}, {transform_indices = #map1}, {transform_indices = #map2}, {transform_indices = #map}]} {
    %mul3A = arith.constant 2 : i32
    %mul3A_0 = arith.muli %arg1, %mul3A : i32
    %add3A = arith.addi %mul3A_0, %arg0 : i32
    "tpu.region"() ({
      %run_scoped3A_372 = tpu.sem_alloc : memref<!tpu.dma_semaphore, #tpu.memory_space<semaphore_mem>>
      tpu.enqueue_dma source(%arg6 : memref<8xf32, #tpu.memory_space<hbm>>) target(%arg14 : memref<8xf32, #tpu.memory_space<vmem>>) target_semaphore(%run_scoped3A_372 : memref<!tpu.dma_semaphore, #tpu.memory_space<semaphore_mem>>)
      tpu.wait_dma2 semaphore(%run_scoped3A_372 : memref<!tpu.dma_semaphore, #tpu.memory_space<semaphore_mem>>) src(%arg6 : memref<8xf32, #tpu.memory_space<hbm>>) dst(%arg14 : memref<8xf32, #tpu.memory_space<vmem>>)
      tpu.yield
    }) : () -> ()
    %broadcast_in_dim3A = arith.constant 0 : i32
    %broadcast_in_dim3A_1 = vector.broadcast %broadcast_in_dim3A : i32 to vector<16xi32>
    %gather3A = tpu.vector_load_idx %arg14[%broadcast_in_dim3A_1] : memref<8xf32, #tpu.memory_space<vmem>>[vector<16xi32>], vector<16xf32>,
    %broadcast_in_dim3A_2 = arith.constant 1 : i32
    %broadcast_in_dim3A_3 = vector.broadcast %broadcast_in_dim3A_2 : i32 to vector<16xi32>
    %gather3A_4 = tpu.vector_load_idx %arg14[%broadcast_in_dim3A_3] : memref<8xf32, #tpu.memory_space<vmem>>[vector<16xi32>], vector<16xf32>,
    %broadcast_in_dim3A_5 = arith.constant 2 : i32
    %broadcast_in_dim3A_6 = vector.broadcast %broadcast_in_dim3A_5 : i32 to vector<16xi32>
    %gather3A_7 = tpu.vector_load_idx %arg14[%broadcast_in_dim3A_6] : memref<8xf32, #tpu.memory_space<vmem>>[vector<16xi32>], vector<16xf32>,
    %broadcast_in_dim3A_8 = arith.constant 3 : i32
    %broadcast_in_dim3A_9 = vector.broadcast %broadcast_in_dim3A_8 : i32 to vector<16xi32>
    %gather3A_10 = tpu.vector_load_idx %arg14[%broadcast_in_dim3A_9] : memref<8xf32, #tpu.memory_space<vmem>>[vector<16xi32>], vector<16xf32>,
    %broadcast_in_dim3A_11 = arith.constant 4 : i32
    %broadcast_in_dim3A_12 = vector.broadcast %broadcast_in_dim3A_11 : i32 to vector<16xi32>
    %gather3A_13 = tpu.vector_load_idx %arg14[%broadcast_in_dim3A_12] : memref<8xf32, #tpu.memory_space<vmem>>[vector<16xi32>], vector<16xf32>,
    %broadcast_in_dim3A_14 = arith.constant 5 : i32
    %broadcast_in_dim3A_15 = vector.broadcast %broadcast_in_dim3A_14 : i32 to vector<16xi32>
    %gather3A_16 = tpu.vector_load_idx %arg14[%broadcast_in_dim3A_15] : memref<8xf32, #tpu.memory_space<vmem>>[vector<16xi32>], vector<16xf32>,
    %broadcast_in_dim3A_17 = arith.constant 6 : i32
    %broadcast_in_dim3A_18 = vector.broadcast %broadcast_in_dim3A_17 : i32 to vector<16xi32>
    %gather3A_19 = tpu.vector_load_idx %arg14[%broadcast_in_dim3A_18] : memref<8xf32, #tpu.memory_space<vmem>>[vector<16xi32>], vector<16xf32>,
    %broadcast_in_dim3A_20 = arith.constant 7 : i32
    %broadcast_in_dim3A_21 = vector.broadcast %broadcast_in_dim3A_20 : i32 to vector<16xi32>
    %gather3A_22 = tpu.vector_load_idx %arg14[%broadcast_in_dim3A_21] : memref<8xf32, #tpu.memory_space<vmem>>[vector<16xi32>], vector<16xf32>,
    %scan3A = arith.constant 0 : i32
    %scan3A_23 = arith.constant 0 : i32
    %scan3A_24 = arith.constant 625 : i32
    %scan3A_25 = arith.addi %scan3A_23, %scan3A_24 : i32
    %scan3A_26 = arith.constant 1 : i32
    scf.for %scan3A_372 = %scan3A_23 to %scan3A_25 step %scan3A_26  : i32 {
      %broadcast_in_dim3A_373 = arith.constant 0.000000e+00 : f32
      %broadcast_in_dim3A_374 = vector.broadcast %broadcast_in_dim3A_373 : f32 to vector<16xf32>
      %swap3A = arith.index_cast %scan3A_372 : i32 to index
      %swap3A_375 = arith.constant 0 : index
      %swap3A_376 = tpu.vector_load %arg12[%swap3A, %swap3A_375] {strides = array<i32>} : memref<1024x32xf32, #tpu.memory_space<vmem>>, vector<16xf32>,
      tpu.vector_store %arg12[%swap3A, %swap3A_375], %broadcast_in_dim3A_374 {strides = array<i32>} : memref<1024x32xf32, #tpu.memory_space<vmem>>, vector<16xf32>,
      %swap3A_377 = arith.index_cast %scan3A_372 : i32 to index
      %swap3A_378 = arith.constant 16 : index
      %swap3A_379 = tpu.vector_load %arg12[%swap3A_377, %swap3A_378] {strides = array<i32>} : memref<1024x32xf32, #tpu.memory_space<vmem>>, vector<16xf32>,
      tpu.vector_store %arg12[%swap3A_377, %swap3A_378], %broadcast_in_dim3A_374 {strides = array<i32>} : memref<1024x32xf32, #tpu.memory_space<vmem>>, vector<16xf32>,
    }
    %scan3A_27 = arith.constant 625 : i32
    %mul3A_28 = arith.constant 625 : i32
    %mul3A_29 = arith.muli %arg1, %mul3A_28 : i32
    "tpu.region"() ({
      %run_scoped3A_372 = tpu.sem_alloc : memref<!tpu.dma_semaphore, #tpu.memory_space<semaphore_mem>>
      %dma_start3A_373 = arith.constant 0 : i32
      %dma_start3A_374 = arith.constant 0 : i32
      %dma_start3A_375 = tpu.memref_slice %arg12[%dma_start3A_373, %dma_start3A_374] : memref<1024x32xf32, #tpu.memory_space<vmem>> -> memref<625x32xf32, #tpu.memory_space<vmem>>
      %dma_start3A_376 = arith.constant 0 : i32
      %dma_start3A_377 = tpu.memref_slice %arg15[%mul3A_29, %dma_start3A_376] : memref<10000x32xf32, #tpu.memory_space<vmem_shared>> -> memref<625x32xf32, #tpu.memory_space<vmem_shared>>
      %dma_start3A_378 = arith.constant 0 : i32
      %dma_start3A_379 = tpu.memref_slice %arg15[%mul3A_29, %dma_start3A_378] : memref<10000x32xf32, #tpu.memory_space<vmem_shared>> -> memref<625x32xf32, #tpu.memory_space<vmem_shared>>
      %dma_start3A_380 = arith.constant 0 : i32
      %dma_start3A_381 = arith.constant 0 : i32
      %dma_start3A_382 = tpu.memref_slice %arg12[%dma_start3A_380, %dma_start3A_381] : memref<1024x32xf32, #tpu.memory_space<vmem>> -> memref<625x32xf32, #tpu.memory_space<vmem>>
      tpu.enqueue_dma source(%dma_start3A_382 : memref<625x32xf32, #tpu.memory_space<vmem>>) target(%dma_start3A_379 : memref<625x32xf32, #tpu.memory_space<vmem_shared>>) target_semaphore(%run_scoped3A_372 : memref<!tpu.dma_semaphore, #tpu.memory_space<semaphore_mem>>)
      %dma_wait3A = arith.constant 0 : i32
      %dma_wait3A_383 = arith.constant 0 : i32
      %dma_wait3A_384 = tpu.memref_slice %arg12[%dma_wait3A, %dma_wait3A_383] : memref<1024x32xf32, #tpu.memory_space<vmem>> -> memref<625x32xf32, #tpu.memory_space<vmem>>
      %dma_wait3A_385 = arith.constant 0 : i32
      %dma_wait3A_386 = tpu.memref_slice %arg15[%mul3A_29, %dma_wait3A_385] : memref<10000x32xf32, #tpu.memory_space<vmem_shared>> -> memref<625x32xf32, #tpu.memory_space<vmem_shared>>
      %dma_wait3A_387 = arith.constant 0 : i32
      %dma_wait3A_388 = tpu.memref_slice %arg15[%mul3A_29, %dma_wait3A_387] : memref<10000x32xf32, #tpu.memory_space<vmem_shared>> -> memref<625x32xf32, #tpu.memory_space<vmem_shared>>
      %dma_wait3A_389 = arith.constant 0 : i32
      %dma_wait3A_390 = arith.constant 0 : i32
      %dma_wait3A_391 = tpu.memref_slice %arg12[%dma_wait3A_389, %dma_wait3A_390] : memref<1024x32xf32, #tpu.memory_space<vmem>> -> memref<625x32xf32, #tpu.memory_space<vmem>>
      tpu.wait_dma2 semaphore(%run_scoped3A_372 : memref<!tpu.dma_semaphore, #tpu.memory_space<semaphore_mem>>) src(%dma_wait3A_391 : memref<625x32xf32, #tpu.memory_space<vmem>>) dst(%dma_wait3A_388 : memref<625x32xf32, #tpu.memory_space<vmem_shared>>)
      tpu.yield
    }) : () -> ()
    %barrier3A = arith.constant 0 : index
    tpu.barrier barrier_id(%barrier3A)
    %mul3A_30 = arith.constant 79 : i32
    %mul3A_31 = arith.muli %add3A, %mul3A_30 : i32
    %add3A_32 = arith.constant 79 : i32
    %add3A_33 = arith.addi %mul3A_31, %add3A_32 : i32
    %mul3A_34 = arith.constant 128 : i32
    %mul3A_35 = arith.muli %add3A_33, %mul3A_34 : i32
    %min3A = arith.constant 320000 : i32
    %min3A_36 = arith.minsi %mul3A_35, %min3A : i32
    %add3A_37 = arith.constant 0 : i32
    %add3A_38 = arith.addi %mul3A_31, %add3A_37 : i32
    %run_scoped3A = arith.constant 0 : i32
    %run_scoped3A_39 = arith.constant 0 : i32
    "tpu.region"() ({
      %run_scoped3A_372 = tpu.sem_alloc : memref<!tpu.dma_semaphore, #tpu.memory_space<semaphore_mem>>
      %dma_start3A_373 = arith.constant 0 : i32
      %dma_start3A_374 = arith.constant 0 : i32
      %dma_start3A_375 = tpu.memref_slice %arg8[%run_scoped3A_39, %dma_start3A_373, %dma_start3A_374] : memref<2x8x128xi32, #tpu.memory_space<vmem>> -> memref<1x8x128xi32, #tpu.memory_space<vmem>>
      %dma_start3A_376 = tpu.memref_squeeze %dma_start3A_375 : memref<1x8x128xi32, #tpu.memory_space<vmem>> -> memref<8x128xi32, #tpu.memory_space<vmem>>
      %dma_start3A_377 = arith.constant 0 : i32
      %dma_start3A_378 = tpu.memref_slice %arg2[%run_scoped3A, %add3A_38, %dma_start3A_377] : memref<2x2536x128xi32, #tpu.memory_space<hbm>> -> memref<1x8x128xi32, #tpu.memory_space<hbm>>
      %dma_start3A_379 = tpu.memref_squeeze %dma_start3A_378 : memref<1x8x128xi32, #tpu.memory_space<hbm>> -> memref<8x128xi32, #tpu.memory_space<hbm>>
      %dma_start3A_380 = arith.constant 0 : i32
      %dma_start3A_381 = arith.constant 0 : i32
      %dma_start3A_382 = tpu.memref_slice %arg8[%run_scoped3A_39, %dma_start3A_380, %dma_start3A_381] : memref<2x8x128xi32, #tpu.memory_space<vmem>> -> memref<1x8x128xi32, #tpu.memory_space<vmem>>
      %dma_start3A_383 = tpu.memref_squeeze %dma_start3A_382 : memref<1x8x128xi32, #tpu.memory_space<vmem>> -> memref<8x128xi32, #tpu.memory_space<vmem>>
      %dma_start3A_384 = arith.constant 0 : i32
      %dma_start3A_385 = tpu.memref_slice %arg2[%run_scoped3A, %add3A_38, %dma_start3A_384] : memref<2x2536x128xi32, #tpu.memory_space<hbm>> -> memref<1x8x128xi32, #tpu.memory_space<hbm>>
      %dma_start3A_386 = tpu.memref_squeeze %dma_start3A_385 : memref<1x8x128xi32, #tpu.memory_space<hbm>> -> memref<8x128xi32, #tpu.memory_space<hbm>>
      tpu.enqueue_dma source(%dma_start3A_386 : memref<8x128xi32, #tpu.memory_space<hbm>>) target(%dma_start3A_383 : memref<8x128xi32, #tpu.memory_space<vmem>>) target_semaphore(%run_scoped3A_372 : memref<!tpu.dma_semaphore, #tpu.memory_space<semaphore_mem>>)
      %dma_wait3A = arith.constant 0 : i32
      %dma_wait3A_387 = arith.constant 0 : i32
      %dma_wait3A_388 = tpu.memref_slice %arg8[%run_scoped3A_39, %dma_wait3A, %dma_wait3A_387] : memref<2x8x128xi32, #tpu.memory_space<vmem>> -> memref<1x8x128xi32, #tpu.memory_space<vmem>>
      %dma_wait3A_389 = tpu.memref_squeeze %dma_wait3A_388 : memref<1x8x128xi32, #tpu.memory_space<vmem>> -> memref<8x128xi32, #tpu.memory_space<vmem>>
      %dma_wait3A_390 = arith.constant 0 : i32
      %dma_wait3A_391 = tpu.memref_slice %arg2[%run_scoped3A, %add3A_38, %dma_wait3A_390] : memref<2x2536x128xi32, #tpu.memory_space<hbm>> -> memref<1x8x128xi32, #tpu.memory_space<hbm>>
      %dma_wait3A_392 = tpu.memref_squeeze %dma_wait3A_391 : memref<1x8x128xi32, #tpu.memory_space<hbm>> -> memref<8x128xi32, #tpu.memory_space<hbm>>
      %dma_wait3A_393 = arith.constant 0 : i32
      %dma_wait3A_394 = arith.constant 0 : i32
      %dma_wait3A_395 = tpu.memref_slice %arg8[%run_scoped3A_39, %dma_wait3A_393, %dma_wait3A_394] : memref<2x8x128xi32, #tpu.memory_space<vmem>> -> memref<1x8x128xi32, #tpu.memory_space<vmem>>
      %dma_wait3A_396 = tpu.memref_squeeze %dma_wait3A_395 : memref<1x8x128xi32, #tpu.memory_space<vmem>> -> memref<8x128xi32, #tpu.memory_space<vmem>>
      %dma_wait3A_397 = arith.constant 0 : i32
      %dma_wait3A_398 = tpu.memref_slice %arg2[%run_scoped3A, %add3A_38, %dma_wait3A_397] : memref<2x2536x128xi32, #tpu.memory_space<hbm>> -> memref<1x8x128xi32, #tpu.memory_space<hbm>>
      %dma_wait3A_399 = tpu.memref_squeeze %dma_wait3A_398 : memref<1x8x128xi32, #tpu.memory_space<hbm>> -> memref<8x128xi32, #tpu.memory_space<hbm>>
      tpu.wait_dma2 semaphore(%run_scoped3A_372 : memref<!tpu.dma_semaphore, #tpu.memory_space<semaphore_mem>>) src(%dma_wait3A_399 : memref<8x128xi32, #tpu.memory_space<hbm>>) dst(%dma_wait3A_396 : memref<8x128xi32, #tpu.memory_space<vmem>>)
      tpu.yield
    }) : () -> ()
    %run_scoped3A_40 = arith.constant 1 : i32
    %run_scoped3A_41 = arith.constant 0 : i32
    "tpu.region"() ({
      %run_scoped3A_372 = tpu.sem_alloc : memref<!tpu.dma_semaphore, #tpu.memory_space<semaphore_mem>>
      %dma_start3A_373 = arith.constant 0 : i32
      %dma_start3A_374 = arith.constant 0 : i32
      %dma_start3A_375 = tpu.memref_slice %arg9[%run_scoped3A_41, %dma_start3A_373, %dma_start3A_374] : memref<2x8x128xi32, #tpu.memory_space<vmem>> -> memref<1x8x128xi32, #tpu.memory_space<vmem>>
      %dma_start3A_376 = tpu.memref_squeeze %dma_start3A_375 : memref<1x8x128xi32, #tpu.memory_space<vmem>> -> memref<8x128xi32, #tpu.memory_space<vmem>>
      %dma_start3A_377 = arith.constant 0 : i32
      %dma_start3A_378 = tpu.memref_slice %arg2[%run_scoped3A_40, %add3A_38, %dma_start3A_377] : memref<2x2536x128xi32, #tpu.memory_space<hbm>> -> memref<1x8x128xi32, #tpu.memory_space<hbm>>
      %dma_start3A_379 = tpu.memref_squeeze %dma_start3A_378 : memref<1x8x128xi32, #tpu.memory_space<hbm>> -> memref<8x128xi32, #tpu.memory_space<hbm>>
      %dma_start3A_380 = arith.constant 0 : i32
      %dma_start3A_381 = arith.constant 0 : i32
      %dma_start3A_382 = tpu.memref_slice %arg9[%run_scoped3A_41, %dma_start3A_380, %dma_start3A_381] : memref<2x8x128xi32, #tpu.memory_space<vmem>> -> memref<1x8x128xi32, #tpu.memory_space<vmem>>
      %dma_start3A_383 = tpu.memref_squeeze %dma_start3A_382 : memref<1x8x128xi32, #tpu.memory_space<vmem>> -> memref<8x128xi32, #tpu.memory_space<vmem>>
      %dma_start3A_384 = arith.constant 0 : i32
      %dma_start3A_385 = tpu.memref_slice %arg2[%run_scoped3A_40, %add3A_38, %dma_start3A_384] : memref<2x2536x128xi32, #tpu.memory_space<hbm>> -> memref<1x8x128xi32, #tpu.memory_space<hbm>>
      %dma_start3A_386 = tpu.memref_squeeze %dma_start3A_385 : memref<1x8x128xi32, #tpu.memory_space<hbm>> -> memref<8x128xi32, #tpu.memory_space<hbm>>
      tpu.enqueue_dma source(%dma_start3A_386 : memref<8x128xi32, #tpu.memory_space<hbm>>) target(%dma_start3A_383 : memref<8x128xi32, #tpu.memory_space<vmem>>) target_semaphore(%run_scoped3A_372 : memref<!tpu.dma_semaphore, #tpu.memory_space<semaphore_mem>>)
      %dma_wait3A = arith.constant 0 : i32
      %dma_wait3A_387 = arith.constant 0 : i32
      %dma_wait3A_388 = tpu.memref_slice %arg9[%run_scoped3A_41, %dma_wait3A, %dma_wait3A_387] : memref<2x8x128xi32, #tpu.memory_space<vmem>> -> memref<1x8x128xi32, #tpu.memory_space<vmem>>
      %dma_wait3A_389 = tpu.memref_squeeze %dma_wait3A_388 : memref<1x8x128xi32, #tpu.memory_space<vmem>> -> memref<8x128xi32, #tpu.memory_space<vmem>>
      %dma_wait3A_390 = arith.constant 0 : i32
      %dma_wait3A_391 = tpu.memref_slice %arg2[%run_scoped3A_40, %add3A_38, %dma_wait3A_390] : memref<2x2536x128xi32, #tpu.memory_space<hbm>> -> memref<1x8x128xi32, #tpu.memory_space<hbm>>
      %dma_wait3A_392 = tpu.memref_squeeze %dma_wait3A_391 : memref<1x8x128xi32, #tpu.memory_space<hbm>> -> memref<8x128xi32, #tpu.memory_space<hbm>>
      %dma_wait3A_393 = arith.constant 0 : i32
      %dma_wait3A_394 = arith.constant 0 : i32
      %dma_wait3A_395 = tpu.memref_slice %arg9[%run_scoped3A_41, %dma_wait3A_393, %dma_wait3A_394] : memref<2x8x128xi32, #tpu.memory_space<vmem>> -> memref<1x8x128xi32, #tpu.memory_space<vmem>>
      %dma_wait3A_396 = tpu.memref_squeeze %dma_wait3A_395 : memref<1x8x128xi32, #tpu.memory_space<vmem>> -> memref<8x128xi32, #tpu.memory_space<vmem>>
      %dma_wait3A_397 = arith.constant 0 : i32
      %dma_wait3A_398 = tpu.memref_slice %arg2[%run_scoped3A_40, %add3A_38, %dma_wait3A_397] : memref<2x2536x128xi32, #tpu.memory_space<hbm>> -> memref<1x8x128xi32, #tpu.memory_space<hbm>>
      %dma_wait3A_399 = tpu.memref_squeeze %dma_wait3A_398 : memref<1x8x128xi32, #tpu.memory_space<hbm>> -> memref<8x128xi32, #tpu.memory_space<hbm>>
      tpu.wait_dma2 semaphore(%run_scoped3A_372 : memref<!tpu.dma_semaphore, #tpu.memory_space<semaphore_mem>>) src(%dma_wait3A_399 : memref<8x128xi32, #tpu.memory_space<hbm>>) dst(%dma_wait3A_396 : memref<8x128xi32, #tpu.memory_space<vmem>>)
      tpu.yield
    }) : () -> ()
    %dma_start3A = arith.constant 0 : i32
    %dma_start3A_42 = arith.constant 0 : i32
    %dma_start3A_43 = arith.constant 0 : i32
    %dma_start3A_44 = arith.constant 0 : i32
    %dma_start3A_45 = arith.constant 0 : i32
    %dma_start3A_46 = tpu.memref_slice %arg10[%dma_start3A_43, %dma_start3A_44, %dma_start3A_45] : memref<2x1024x9xf32, #tpu.memory_space<vmem>> -> memref<1x1024x9xf32, #tpu.memory_space<vmem>>
    %dma_start3A_47 = tpu.memref_squeeze %dma_start3A_46 : memref<1x1024x9xf32, #tpu.memory_space<vmem>> -> memref<1024x9xf32, #tpu.memory_space<vmem>>
    %dma_start3A_48 = arith.constant 0 : i32
    %dma_start3A_49 = arith.constant 0 : i32
    %dma_start3A_50 = tpu.memref_slice %dma_start3A_47[%dma_start3A_48, %dma_start3A_49] : memref<1024x9xf32, #tpu.memory_space<vmem>> -> memref<128x9xf32, #tpu.memory_space<vmem>>
    %dma_start3A_51 = arith.constant 0 : i32
    %dma_start3A_52 = arith.constant 0 : i32
    %dma_start3A_53 = tpu.memref_slice %arg8[%dma_start3A, %dma_start3A_51, %dma_start3A_52] : memref<2x8x128xi32, #tpu.memory_space<vmem>> -> memref<1x8x128xi32, #tpu.memory_space<vmem>>
    %dma_start3A_54 = tpu.memref_squeeze %dma_start3A_53 : memref<1x8x128xi32, #tpu.memory_space<vmem>> -> memref<8x128xi32, #tpu.memory_space<vmem>>
    %dma_start3A_55 = arith.constant 0 : i32
    %dma_start3A_56 = tpu.memref_slice %dma_start3A_54[%dma_start3A_42, %dma_start3A_55] : memref<8x128xi32, #tpu.memory_space<vmem>> -> memref<1x128xi32, #tpu.memory_space<vmem>>
    %dma_start3A_57 = tpu.memref_squeeze %dma_start3A_56 : memref<1x128xi32, #tpu.memory_space<vmem>> -> memref<128xi32, #tpu.memory_space<vmem>>
    %dma_start3A_58 = arith.constant 0 : i32
    %dma_start3A_59 = arith.constant 0 : i32
    %dma_start3A_60 = tpu.memref_slice %arg3[%dma_start3A_58, %dma_start3A_59] : memref<10000x9xf32, #tpu.memory_space<hbm>> -> memref<10000x9xf32, #tpu.memory_space<hbm>>
    tpu.enqueue_indirect_dma source(%dma_start3A_60 : memref<10000x9xf32, #tpu.memory_space<hbm>>) target(%dma_start3A_50 : memref<128x9xf32, #tpu.memory_space<vmem>>) offsets(%dma_start3A_57 : memref<128xi32, #tpu.memory_space<vmem>>) semaphore(%arg16 : memref<!tpu.dma_semaphore, #tpu.memory_space<semaphore_mem>>)
    %dma_start3A_61 = arith.constant 0 : i32
    %dma_start3A_62 = arith.constant 0 : i32
    %dma_start3A_63 = arith.constant 0 : i32
    %dma_start3A_64 = arith.constant 0 : i32
    %dma_start3A_65 = arith.constant 0 : i32
    %dma_start3A_66 = tpu.memref_slice %arg11[%dma_start3A_63, %dma_start3A_64, %dma_start3A_65] : memref<2x1024x9xf32, #tpu.memory_space<vmem>> -> memref<1x1024x9xf32, #tpu.memory_space<vmem>>
    %dma_start3A_67 = tpu.memref_squeeze %dma_start3A_66 : memref<1x1024x9xf32, #tpu.memory_space<vmem>> -> memref<1024x9xf32, #tpu.memory_space<vmem>>
    %dma_start3A_68 = arith.constant 0 : i32
    %dma_start3A_69 = arith.constant 0 : i32
    %dma_start3A_70 = tpu.memref_slice %dma_start3A_67[%dma_start3A_68, %dma_start3A_69] : memref<1024x9xf32, #tpu.memory_space<vmem>> -> memref<128x9xf32, #tpu.memory_space<vmem>>
    %dma_start3A_71 = arith.constant 0 : i32
    %dma_start3A_72 = arith.constant 0 : i32
    %dma_start3A_73 = tpu.memref_slice %arg9[%dma_start3A_61, %dma_start3A_71, %dma_start3A_72] : memref<2x8x128xi32, #tpu.memory_space<vmem>> -> memref<1x8x128xi32, #tpu.memory_space<vmem>>
    %dma_start3A_74 = tpu.memref_squeeze %dma_start3A_73 : memref<1x8x128xi32, #tpu.memory_space<vmem>> -> memref<8x128xi32, #tpu.memory_space<vmem>>
    %dma_start3A_75 = arith.constant 0 : i32
    %dma_start3A_76 = tpu.memref_slice %dma_start3A_74[%dma_start3A_62, %dma_start3A_75] : memref<8x128xi32, #tpu.memory_space<vmem>> -> memref<1x128xi32, #tpu.memory_space<vmem>>
    %dma_start3A_77 = tpu.memref_squeeze %dma_start3A_76 : memref<1x128xi32, #tpu.memory_space<vmem>> -> memref<128xi32, #tpu.memory_space<vmem>>
    %dma_start3A_78 = arith.constant 0 : i32
    %dma_start3A_79 = arith.constant 0 : i32
    %dma_start3A_80 = tpu.memref_slice %arg4[%dma_start3A_78, %dma_start3A_79] : memref<10000x9xf32, #tpu.memory_space<hbm>> -> memref<10000x9xf32, #tpu.memory_space<hbm>>
    tpu.enqueue_indirect_dma source(%dma_start3A_80 : memref<10000x9xf32, #tpu.memory_space<hbm>>) target(%dma_start3A_70 : memref<128x9xf32, #tpu.memory_space<vmem>>) offsets(%dma_start3A_77 : memref<128xi32, #tpu.memory_space<vmem>>) semaphore(%arg16 : memref<!tpu.dma_semaphore, #tpu.memory_space<semaphore_mem>>)
    %dma_start3A_81 = arith.constant 0 : i32
    %dma_start3A_82 = arith.constant 1 : i32
    %dma_start3A_83 = arith.constant 0 : i32
    %dma_start3A_84 = arith.constant 0 : i32
    %dma_start3A_85 = arith.constant 0 : i32
    %dma_start3A_86 = tpu.memref_slice %arg10[%dma_start3A_83, %dma_start3A_84, %dma_start3A_85] : memref<2x1024x9xf32, #tpu.memory_space<vmem>> -> memref<1x1024x9xf32, #tpu.memory_space<vmem>>
    %dma_start3A_87 = tpu.memref_squeeze %dma_start3A_86 : memref<1x1024x9xf32, #tpu.memory_space<vmem>> -> memref<1024x9xf32, #tpu.memory_space<vmem>>
    %dma_start3A_88 = arith.constant 128 : i32
    %dma_start3A_89 = arith.constant 0 : i32
    %dma_start3A_90 = tpu.memref_slice %dma_start3A_87[%dma_start3A_88, %dma_start3A_89] : memref<1024x9xf32, #tpu.memory_space<vmem>> -> memref<128x9xf32, #tpu.memory_space<vmem>>
    %dma_start3A_91 = arith.constant 0 : i32
    %dma_start3A_92 = arith.constant 0 : i32
    %dma_start3A_93 = tpu.memref_slice %arg8[%dma_start3A_81, %dma_start3A_91, %dma_start3A_92] : memref<2x8x128xi32, #tpu.memory_space<vmem>> -> memref<1x8x128xi32, #tpu.memory_space<vmem>>
    %dma_start3A_94 = tpu.memref_squeeze %dma_start3A_93 : memref<1x8x128xi32, #tpu.memory_space<vmem>> -> memref<8x128xi32, #tpu.memory_space<vmem>>
    %dma_start3A_95 = arith.constant 0 : i32
    %dma_start3A_96 = tpu.memref_slice %dma_start3A_94[%dma_start3A_82, %dma_start3A_95] : memref<8x128xi32, #tpu.memory_space<vmem>> -> memref<1x128xi32, #tpu.memory_space<vmem>>
    %dma_start3A_97 = tpu.memref_squeeze %dma_start3A_96 : memref<1x128xi32, #tpu.memory_space<vmem>> -> memref<128xi32, #tpu.memory_space<vmem>>
    %dma_start3A_98 = arith.constant 0 : i32
    %dma_start3A_99 = arith.constant 0 : i32
    %dma_start3A_100 = tpu.memref_slice %arg3[%dma_start3A_98, %dma_start3A_99] : memref<10000x9xf32, #tpu.memory_space<hbm>> -> memref<10000x9xf32, #tpu.memory_space<hbm>>
    tpu.enqueue_indirect_dma source(%dma_start3A_100 : memref<10000x9xf32, #tpu.memory_space<hbm>>) target(%dma_start3A_90 : memref<128x9xf32, #tpu.memory_space<vmem>>) offsets(%dma_start3A_97 : memref<128xi32, #tpu.memory_space<vmem>>) semaphore(%arg16 : memref<!tpu.dma_semaphore, #tpu.memory_space<semaphore_mem>>)
    %dma_start3A_101 = arith.constant 0 : i32
    %dma_start3A_102 = arith.constant 1 : i32
    %dma_start3A_103 = arith.constant 0 : i32
    %dma_start3A_104 = arith.constant 0 : i32
    %dma_start3A_105 = arith.constant 0 : i32
    %dma_start3A_106 = tpu.memref_slice %arg11[%dma_start3A_103, %dma_start3A_104, %dma_start3A_105] : memref<2x1024x9xf32, #tpu.memory_space<vmem>> -> memref<1x1024x9xf32, #tpu.memory_space<vmem>>
    %dma_start3A_107 = tpu.memref_squeeze %dma_start3A_106 : memref<1x1024x9xf32, #tpu.memory_space<vmem>> -> memref<1024x9xf32, #tpu.memory_space<vmem>>
    %dma_start3A_108 = arith.constant 128 : i32
    %dma_start3A_109 = arith.constant 0 : i32
    %dma_start3A_110 = tpu.memref_slice %dma_start3A_107[%dma_start3A_108, %dma_start3A_109] : memref<1024x9xf32, #tpu.memory_space<vmem>> -> memref<128x9xf32, #tpu.memory_space<vmem>>
    %dma_start3A_111 = arith.constant 0 : i32
    %dma_start3A_112 = arith.constant 0 : i32
    %dma_start3A_113 = tpu.memref_slice %arg9[%dma_start3A_101, %dma_start3A_111, %dma_start3A_112] : memref<2x8x128xi32, #tpu.memory_space<vmem>> -> memref<1x8x128xi32, #tpu.memory_space<vmem>>
    %dma_start3A_114 = tpu.memref_squeeze %dma_start3A_113 : memref<1x8x128xi32, #tpu.memory_space<vmem>> -> memref<8x128xi32, #tpu.memory_space<vmem>>
    %dma_start3A_115 = arith.constant 0 : i32
    %dma_start3A_116 = tpu.memref_slice %dma_start3A_114[%dma_start3A_102, %dma_start3A_115] : memref<8x128xi32, #tpu.memory_space<vmem>> -> memref<1x128xi32, #tpu.memory_space<vmem>>
    %dma_start3A_117 = tpu.memref_squeeze %dma_start3A_116 : memref<1x128xi32, #tpu.memory_space<vmem>> -> memref<128xi32, #tpu.memory_space<vmem>>
    %dma_start3A_118 = arith.constant 0 : i32
    %dma_start3A_119 = arith.constant 0 : i32
    %dma_start3A_120 = tpu.memref_slice %arg4[%dma_start3A_118, %dma_start3A_119] : memref<10000x9xf32, #tpu.memory_space<hbm>> -> memref<10000x9xf32, #tpu.memory_space<hbm>>
    tpu.enqueue_indirect_dma source(%dma_start3A_120 : memref<10000x9xf32, #tpu.memory_space<hbm>>) target(%dma_start3A_110 : memref<128x9xf32, #tpu.memory_space<vmem>>) offsets(%dma_start3A_117 : memref<128xi32, #tpu.memory_space<vmem>>) semaphore(%arg16 : memref<!tpu.dma_semaphore, #tpu.memory_space<semaphore_mem>>)
    %dma_start3A_121 = arith.constant 0 : i32
    %dma_start3A_122 = arith.constant 2 : i32
    %dma_start3A_123 = arith.constant 0 : i32
    %dma_start3A_124 = arith.constant 0 : i32
    %dma_start3A_125 = arith.constant 0 : i32
    %dma_start3A_126 = tpu.memref_slice %arg10[%dma_start3A_123, %dma_start3A_124, %dma_start3A_125] : memref<2x1024x9xf32, #tpu.memory_space<vmem>> -> memref<1x1024x9xf32, #tpu.memory_space<vmem>>
    %dma_start3A_127 = tpu.memref_squeeze %dma_start3A_126 : memref<1x1024x9xf32, #tpu.memory_space<vmem>> -> memref<1024x9xf32, #tpu.memory_space<vmem>>
    %dma_start3A_128 = arith.constant 256 : i32
    %dma_start3A_129 = arith.constant 0 : i32
    %dma_start3A_130 = tpu.memref_slice %dma_start3A_127[%dma_start3A_128, %dma_start3A_129] : memref<1024x9xf32, #tpu.memory_space<vmem>> -> memref<128x9xf32, #tpu.memory_space<vmem>>
    %dma_start3A_131 = arith.constant 0 : i32
    %dma_start3A_132 = arith.constant 0 : i32
    %dma_start3A_133 = tpu.memref_slice %arg8[%dma_start3A_121, %dma_start3A_131, %dma_start3A_132] : memref<2x8x128xi32, #tpu.memory_space<vmem>> -> memref<1x8x128xi32, #tpu.memory_space<vmem>>
    %dma_start3A_134 = tpu.memref_squeeze %dma_start3A_133 : memref<1x8x128xi32, #tpu.memory_space<vmem>> -> memref<8x128xi32, #tpu.memory_space<vmem>>
    %dma_start3A_135 = arith.constant 0 : i32
    %dma_start3A_136 = tpu.memref_slice %dma_start3A_134[%dma_start3A_122, %dma_start3A_135] : memref<8x128xi32, #tpu.memory_space<vmem>> -> memref<1x128xi32, #tpu.memory_space<vmem>>
    %dma_start3A_137 = tpu.memref_squeeze %dma_start3A_136 : memref<1x128xi32, #tpu.memory_space<vmem>> -> memref<128xi32, #tpu.memory_space<vmem>>
    %dma_start3A_138 = arith.constant 0 : i32
    %dma_start3A_139 = arith.constant 0 : i32
    %dma_start3A_140 = tpu.memref_slice %arg3[%dma_start3A_138, %dma_start3A_139] : memref<10000x9xf32, #tpu.memory_space<hbm>> -> memref<10000x9xf32, #tpu.memory_space<hbm>>
    tpu.enqueue_indirect_dma source(%dma_start3A_140 : memref<10000x9xf32, #tpu.memory_space<hbm>>) target(%dma_start3A_130 : memref<128x9xf32, #tpu.memory_space<vmem>>) offsets(%dma_start3A_137 : memref<128xi32, #tpu.memory_space<vmem>>) semaphore(%arg16 : memref<!tpu.dma_semaphore, #tpu.memory_space<semaphore_mem>>)
    %dma_start3A_141 = arith.constant 0 : i32
    %dma_start3A_142 = arith.constant 2 : i32
    %dma_start3A_143 = arith.constant 0 : i32
    %dma_start3A_144 = arith.constant 0 : i32
    %dma_start3A_145 = arith.constant 0 : i32
    %dma_start3A_146 = tpu.memref_slice %arg11[%dma_start3A_143, %dma_start3A_144, %dma_start3A_145] : memref<2x1024x9xf32, #tpu.memory_space<vmem>> -> memref<1x1024x9xf32, #tpu.memory_space<vmem>>
    %dma_start3A_147 = tpu.memref_squeeze %dma_start3A_146 : memref<1x1024x9xf32, #tpu.memory_space<vmem>> -> memref<1024x9xf32, #tpu.memory_space<vmem>>
    %dma_start3A_148 = arith.constant 256 : i32
    %dma_start3A_149 = arith.constant 0 : i32
    %dma_start3A_150 = tpu.memref_slice %dma_start3A_147[%dma_start3A_148, %dma_start3A_149] : memref<1024x9xf32, #tpu.memory_space<vmem>> -> memref<128x9xf32, #tpu.memory_space<vmem>>
    %dma_start3A_151 = arith.constant 0 : i32
    %dma_start3A_152 = arith.constant 0 : i32
    %dma_start3A_153 = tpu.memref_slice %arg9[%dma_start3A_141, %dma_start3A_151, %dma_start3A_152] : memref<2x8x128xi32, #tpu.memory_space<vmem>> -> memref<1x8x128xi32, #tpu.memory_space<vmem>>
    %dma_start3A_154 = tpu.memref_squeeze %dma_start3A_153 : memref<1x8x128xi32, #tpu.memory_space<vmem>> -> memref<8x128xi32, #tpu.memory_space<vmem>>
    %dma_start3A_155 = arith.constant 0 : i32
    %dma_start3A_156 = tpu.memref_slice %dma_start3A_154[%dma_start3A_142, %dma_start3A_155] : memref<8x128xi32, #tpu.memory_space<vmem>> -> memref<1x128xi32, #tpu.memory_space<vmem>>
    %dma_start3A_157 = tpu.memref_squeeze %dma_start3A_156 : memref<1x128xi32, #tpu.memory_space<vmem>> -> memref<128xi32, #tpu.memory_space<vmem>>
    %dma_start3A_158 = arith.constant 0 : i32
    %dma_start3A_159 = arith.constant 0 : i32
    %dma_start3A_160 = tpu.memref_slice %arg4[%dma_start3A_158, %dma_start3A_159] : memref<10000x9xf32, #tpu.memory_space<hbm>> -> memref<10000x9xf32, #tpu.memory_space<hbm>>
    tpu.enqueue_indirect_dma source(%dma_start3A_160 : memref<10000x9xf32, #tpu.memory_space<hbm>>) target(%dma_start3A_150 : memref<128x9xf32, #tpu.memory_space<vmem>>) offsets(%dma_start3A_157 : memref<128xi32, #tpu.memory_space<vmem>>) semaphore(%arg16 : memref<!tpu.dma_semaphore, #tpu.memory_space<semaphore_mem>>)
    %dma_start3A_161 = arith.constant 0 : i32
    %dma_start3A_162 = arith.constant 3 : i32
    %dma_start3A_163 = arith.constant 0 : i32
    %dma_start3A_164 = arith.constant 0 : i32
    %dma_start3A_165 = arith.constant 0 : i32
    %dma_start3A_166 = tpu.memref_slice %arg10[%dma_start3A_163, %dma_start3A_164, %dma_start3A_165] : memref<2x1024x9xf32, #tpu.memory_space<vmem>> -> memref<1x1024x9xf32, #tpu.memory_space<vmem>>
    %dma_start3A_167 = tpu.memref_squeeze %dma_start3A_166 : memref<1x1024x9xf32, #tpu.memory_space<vmem>> -> memref<1024x9xf32, #tpu.memory_space<vmem>>
    %dma_start3A_168 = arith.constant 384 : i32
    %dma_start3A_169 = arith.constant 0 : i32
    %dma_start3A_170 = tpu.memref_slice %dma_start3A_167[%dma_start3A_168, %dma_start3A_169] : memref<1024x9xf32, #tpu.memory_space<vmem>> -> memref<128x9xf32, #tpu.memory_space<vmem>>
    %dma_start3A_171 = arith.constant 0 : i32
    %dma_start3A_172 = arith.constant 0 : i32
    %dma_start3A_173 = tpu.memref_slice %arg8[%dma_start3A_161, %dma_start3A_171, %dma_start3A_172] : memref<2x8x128xi32, #tpu.memory_space<vmem>> -> memref<1x8x128xi32, #tpu.memory_space<vmem>>
    %dma_start3A_174 = tpu.memref_squeeze %dma_start3A_173 : memref<1x8x128xi32, #tpu.memory_space<vmem>> -> memref<8x128xi32, #tpu.memory_space<vmem>>
    %dma_start3A_175 = arith.constant 0 : i32
    %dma_start3A_176 = tpu.memref_slice %dma_start3A_174[%dma_start3A_162, %dma_start3A_175] : memref<8x128xi32, #tpu.memory_space<vmem>> -> memref<1x128xi32, #tpu.memory_space<vmem>>
    %dma_start3A_177 = tpu.memref_squeeze %dma_start3A_176 : memref<1x128xi32, #tpu.memory_space<vmem>> -> memref<128xi32, #tpu.memory_space<vmem>>
    %dma_start3A_178 = arith.constant 0 : i32
    %dma_start3A_179 = arith.constant 0 : i32
    %dma_start3A_180 = tpu.memref_slice %arg3[%dma_start3A_178, %dma_start3A_179] : memref<10000x9xf32, #tpu.memory_space<hbm>> -> memref<10000x9xf32, #tpu.memory_space<hbm>>
    tpu.enqueue_indirect_dma source(%dma_start3A_180 : memref<10000x9xf32, #tpu.memory_space<hbm>>) target(%dma_start3A_170 : memref<128x9xf32, #tpu.memory_space<vmem>>) offsets(%dma_start3A_177 : memref<128xi32, #tpu.memory_space<vmem>>) semaphore(%arg16 : memref<!tpu.dma_semaphore, #tpu.memory_space<semaphore_mem>>)
    %dma_start3A_181 = arith.constant 0 : i32
    %dma_start3A_182 = arith.constant 3 : i32
    %dma_start3A_183 = arith.constant 0 : i32
    %dma_start3A_184 = arith.constant 0 : i32
    %dma_start3A_185 = arith.constant 0 : i32
    %dma_start3A_186 = tpu.memref_slice %arg11[%dma_start3A_183, %dma_start3A_184, %dma_start3A_185] : memref<2x1024x9xf32, #tpu.memory_space<vmem>> -> memref<1x1024x9xf32, #tpu.memory_space<vmem>>
    %dma_start3A_187 = tpu.memref_squeeze %dma_start3A_186 : memref<1x1024x9xf32, #tpu.memory_space<vmem>> -> memref<1024x9xf32, #tpu.memory_space<vmem>>
    %dma_start3A_188 = arith.constant 384 : i32
    %dma_start3A_189 = arith.constant 0 : i32
    %dma_start3A_190 = tpu.memref_slice %dma_start3A_187[%dma_start3A_188, %dma_start3A_189] : memref<1024x9xf32, #tpu.memory_space<vmem>> -> memref<128x9xf32, #tpu.memory_space<vmem>>
    %dma_start3A_191 = arith.constant 0 : i32
    %dma_start3A_192 = arith.constant 0 : i32
    %dma_start3A_193 = tpu.memref_slice %arg9[%dma_start3A_181, %dma_start3A_191, %dma_start3A_192] : memref<2x8x128xi32, #tpu.memory_space<vmem>> -> memref<1x8x128xi32, #tpu.memory_space<vmem>>
    %dma_start3A_194 = tpu.memref_squeeze %dma_start3A_193 : memref<1x8x128xi32, #tpu.memory_space<vmem>> -> memref<8x128xi32, #tpu.memory_space<vmem>>
    %dma_start3A_195 = arith.constant 0 : i32
    %dma_start3A_196 = tpu.memref_slice %dma_start3A_194[%dma_start3A_182, %dma_start3A_195] : memref<8x128xi32, #tpu.memory_space<vmem>> -> memref<1x128xi32, #tpu.memory_space<vmem>>
    %dma_start3A_197 = tpu.memref_squeeze %dma_start3A_196 : memref<1x128xi32, #tpu.memory_space<vmem>> -> memref<128xi32, #tpu.memory_space<vmem>>
    %dma_start3A_198 = arith.constant 0 : i32
    %dma_start3A_199 = arith.constant 0 : i32
    %dma_start3A_200 = tpu.memref_slice %arg4[%dma_start3A_198, %dma_start3A_199] : memref<10000x9xf32, #tpu.memory_space<hbm>> -> memref<10000x9xf32, #tpu.memory_space<hbm>>
    tpu.enqueue_indirect_dma source(%dma_start3A_200 : memref<10000x9xf32, #tpu.memory_space<hbm>>) target(%dma_start3A_190 : memref<128x9xf32, #tpu.memory_space<vmem>>) offsets(%dma_start3A_197 : memref<128xi32, #tpu.memory_space<vmem>>) semaphore(%arg16 : memref<!tpu.dma_semaphore, #tpu.memory_space<semaphore_mem>>)
    %dma_start3A_201 = arith.constant 0 : i32
    %dma_start3A_202 = arith.constant 4 : i32
    %dma_start3A_203 = arith.constant 0 : i32
    %dma_start3A_204 = arith.constant 0 : i32
    %dma_start3A_205 = arith.constant 0 : i32
    %dma_start3A_206 = tpu.memref_slice %arg10[%dma_start3A_203, %dma_start3A_204, %dma_start3A_205] : memref<2x1024x9xf32, #tpu.memory_space<vmem>> -> memref<1x1024x9xf32, #tpu.memory_space<vmem>>
    %dma_start3A_207 = tpu.memref_squeeze %dma_start3A_206 : memref<1x1024x9xf32, #tpu.memory_space<vmem>> -> memref<1024x9xf32, #tpu.memory_space<vmem>>
    %dma_start3A_208 = arith.constant 512 : i32
    %dma_start3A_209 = arith.constant 0 : i32
    %dma_start3A_210 = tpu.memref_slice %dma_start3A_207[%dma_start3A_208, %dma_start3A_209] : memref<1024x9xf32, #tpu.memory_space<vmem>> -> memref<128x9xf32, #tpu.memory_space<vmem>>
    %dma_start3A_211 = arith.constant 0 : i32
    %dma_start3A_212 = arith.constant 0 : i32
    %dma_start3A_213 = tpu.memref_slice %arg8[%dma_start3A_201, %dma_start3A_211, %dma_start3A_212] : memref<2x8x128xi32, #tpu.memory_space<vmem>> -> memref<1x8x128xi32, #tpu.memory_space<vmem>>
    %dma_start3A_214 = tpu.memref_squeeze %dma_start3A_213 : memref<1x8x128xi32, #tpu.memory_space<vmem>> -> memref<8x128xi32, #tpu.memory_space<vmem>>
    %dma_start3A_215 = arith.constant 0 : i32
    %dma_start3A_216 = tpu.memref_slice %dma_start3A_214[%dma_start3A_202, %dma_start3A_215] : memref<8x128xi32, #tpu.memory_space<vmem>> -> memref<1x128xi32, #tpu.memory_space<vmem>>
    %dma_start3A_217 = tpu.memref_squeeze %dma_start3A_216 : memref<1x128xi32, #tpu.memory_space<vmem>> -> memref<128xi32, #tpu.memory_space<vmem>>
    %dma_start3A_218 = arith.constant 0 : i32
    %dma_start3A_219 = arith.constant 0 : i32
    %dma_start3A_220 = tpu.memref_slice %arg3[%dma_start3A_218, %dma_start3A_219] : memref<10000x9xf32, #tpu.memory_space<hbm>> -> memref<10000x9xf32, #tpu.memory_space<hbm>>
    tpu.enqueue_indirect_dma source(%dma_start3A_220 : memref<10000x9xf32, #tpu.memory_space<hbm>>) target(%dma_start3A_210 : memref<128x9xf32, #tpu.memory_space<vmem>>) offsets(%dma_start3A_217 : memref<128xi32, #tpu.memory_space<vmem>>) semaphore(%arg16 : memref<!tpu.dma_semaphore, #tpu.memory_space<semaphore_mem>>)
    %dma_start3A_221 = arith.constant 0 : i32
    %dma_start3A_222 = arith.constant 4 : i32
    %dma_start3A_223 = arith.constant 0 : i32
    %dma_start3A_224 = arith.constant 0 : i32
    %dma_start3A_225 = arith.constant 0 : i32
    %dma_start3A_226 = tpu.memref_slice %arg11[%dma_start3A_223, %dma_start3A_224, %dma_start3A_225] : memref<2x1024x9xf32, #tpu.memory_space<vmem>> -> memref<1x1024x9xf32, #tpu.memory_space<vmem>>
    %dma_start3A_227 = tpu.memref_squeeze %dma_start3A_226 : memref<1x1024x9xf32, #tpu.memory_space<vmem>> -> memref<1024x9xf32, #tpu.memory_space<vmem>>
    %dma_start3A_228 = arith.constant 512 : i32
    %dma_start3A_229 = arith.constant 0 : i32
    %dma_start3A_230 = tpu.memref_slice %dma_start3A_227[%dma_start3A_228, %dma_start3A_229] : memref<1024x9xf32, #tpu.memory_space<vmem>> -> memref<128x9xf32, #tpu.memory_space<vmem>>
    %dma_start3A_231 = arith.constant 0 : i32
    %dma_start3A_232 = arith.constant 0 : i32
    %dma_start3A_233 = tpu.memref_slice %arg9[%dma_start3A_221, %dma_start3A_231, %dma_start3A_232] : memref<2x8x128xi32, #tpu.memory_space<vmem>> -> memref<1x8x128xi32, #tpu.memory_space<vmem>>
    %dma_start3A_234 = tpu.memref_squeeze %dma_start3A_233 : memref<1x8x128xi32, #tpu.memory_space<vmem>> -> memref<8x128xi32, #tpu.memory_space<vmem>>
    %dma_start3A_235 = arith.constant 0 : i32
    %dma_start3A_236 = tpu.memref_slice %dma_start3A_234[%dma_start3A_222, %dma_start3A_235] : memref<8x128xi32, #tpu.memory_space<vmem>> -> memref<1x128xi32, #tpu.memory_space<vmem>>
    %dma_start3A_237 = tpu.memref_squeeze %dma_start3A_236 : memref<1x128xi32, #tpu.memory_space<vmem>> -> memref<128xi32, #tpu.memory_space<vmem>>
    %dma_start3A_238 = arith.constant 0 : i32
    %dma_start3A_239 = arith.constant 0 : i32
    %dma_start3A_240 = tpu.memref_slice %arg4[%dma_start3A_238, %dma_start3A_239] : memref<10000x9xf32, #tpu.memory_space<hbm>> -> memref<10000x9xf32, #tpu.memory_space<hbm>>
    tpu.enqueue_indirect_dma source(%dma_start3A_240 : memref<10000x9xf32, #tpu.memory_space<hbm>>) target(%dma_start3A_230 : memref<128x9xf32, #tpu.memory_space<vmem>>) offsets(%dma_start3A_237 : memref<128xi32, #tpu.memory_space<vmem>>) semaphore(%arg16 : memref<!tpu.dma_semaphore, #tpu.memory_space<semaphore_mem>>)
    %dma_start3A_241 = arith.constant 0 : i32
    %dma_start3A_242 = arith.constant 5 : i32
    %dma_start3A_243 = arith.constant 0 : i32
    %dma_start3A_244 = arith.constant 0 : i32
    %dma_start3A_245 = arith.constant 0 : i32
    %dma_start3A_246 = tpu.memref_slice %arg10[%dma_start3A_243, %dma_start3A_244, %dma_start3A_245] : memref<2x1024x9xf32, #tpu.memory_space<vmem>> -> memref<1x1024x9xf32, #tpu.memory_space<vmem>>
    %dma_start3A_247 = tpu.memref_squeeze %dma_start3A_246 : memref<1x1024x9xf32, #tpu.memory_space<vmem>> -> memref<1024x9xf32, #tpu.memory_space<vmem>>
    %dma_start3A_248 = arith.constant 640 : i32
    %dma_start3A_249 = arith.constant 0 : i32
    %dma_start3A_250 = tpu.memref_slice %dma_start3A_247[%dma_start3A_248, %dma_start3A_249] : memref<1024x9xf32, #tpu.memory_space<vmem>> -> memref<128x9xf32, #tpu.memory_space<vmem>>
    %dma_start3A_251 = arith.constant 0 : i32
    %dma_start3A_252 = arith.constant 0 : i32
    %dma_start3A_253 = tpu.memref_slice %arg8[%dma_start3A_241, %dma_start3A_251, %dma_start3A_252] : memref<2x8x128xi32, #tpu.memory_space<vmem>> -> memref<1x8x128xi32, #tpu.memory_space<vmem>>
    %dma_start3A_254 = tpu.memref_squeeze %dma_start3A_253 : memref<1x8x128xi32, #tpu.memory_space<vmem>> -> memref<8x128xi32, #tpu.memory_space<vmem>>
    %dma_start3A_255 = arith.constant 0 : i32
    %dma_start3A_256 = tpu.memref_slice %dma_start3A_254[%dma_start3A_242, %dma_start3A_255] : memref<8x128xi32, #tpu.memory_space<vmem>> -> memref<1x128xi32, #tpu.memory_space<vmem>>
    %dma_start3A_257 = tpu.memref_squeeze %dma_start3A_256 : memref<1x128xi32, #tpu.memory_space<vmem>> -> memref<128xi32, #tpu.memory_space<vmem>>
    %dma_start3A_258 = arith.constant 0 : i32
    %dma_start3A_259 = arith.constant 0 : i32
    %dma_start3A_260 = tpu.memref_slice %arg3[%dma_start3A_258, %dma_start3A_259] : memref<10000x9xf32, #tpu.memory_space<hbm>> -> memref<10000x9xf32, #tpu.memory_space<hbm>>
    tpu.enqueue_indirect_dma source(%dma_start3A_260 : memref<10000x9xf32, #tpu.memory_space<hbm>>) target(%dma_start3A_250 : memref<128x9xf32, #tpu.memory_space<vmem>>) offsets(%dma_start3A_257 : memref<128xi32, #tpu.memory_space<vmem>>) semaphore(%arg16 : memref<!tpu.dma_semaphore, #tpu.memory_space<semaphore_mem>>)
    %dma_start3A_261 = arith.constant 0 : i32
    %dma_start3A_262 = arith.constant 5 : i32
    %dma_start3A_263 = arith.constant 0 : i32
    %dma_start3A_264 = arith.constant 0 : i32
    %dma_start3A_265 = arith.constant 0 : i32
    %dma_start3A_266 = tpu.memref_slice %arg11[%dma_start3A_263, %dma_start3A_264, %dma_start3A_265] : memref<2x1024x9xf32, #tpu.memory_space<vmem>> -> memref<1x1024x9xf32, #tpu.memory_space<vmem>>
    %dma_start3A_267 = tpu.memref_squeeze %dma_start3A_266 : memref<1x1024x9xf32, #tpu.memory_space<vmem>> -> memref<1024x9xf32, #tpu.memory_space<vmem>>
    %dma_start3A_268 = arith.constant 640 : i32
    %dma_start3A_269 = arith.constant 0 : i32
    %dma_start3A_270 = tpu.memref_slice %dma_start3A_267[%dma_start3A_268, %dma_start3A_269] : memref<1024x9xf32, #tpu.memory_space<vmem>> -> memref<128x9xf32, #tpu.memory_space<vmem>>
    %dma_start3A_271 = arith.constant 0 : i32
    %dma_start3A_272 = arith.constant 0 : i32
    %dma_start3A_273 = tpu.memref_slice %arg9[%dma_start3A_261, %dma_start3A_271, %dma_start3A_272] : memref<2x8x128xi32, #tpu.memory_space<vmem>> -> memref<1x8x128xi32, #tpu.memory_space<vmem>>
    %dma_start3A_274 = tpu.memref_squeeze %dma_start3A_273 : memref<1x8x128xi32, #tpu.memory_space<vmem>> -> memref<8x128xi32, #tpu.memory_space<vmem>>
    %dma_start3A_275 = arith.constant 0 : i32
    %dma_start3A_276 = tpu.memref_slice %dma_start3A_274[%dma_start3A_262, %dma_start3A_275] : memref<8x128xi32, #tpu.memory_space<vmem>> -> memref<1x128xi32, #tpu.memory_space<vmem>>
    %dma_start3A_277 = tpu.memref_squeeze %dma_start3A_276 : memref<1x128xi32, #tpu.memory_space<vmem>> -> memref<128xi32, #tpu.memory_space<vmem>>
    %dma_start3A_278 = arith.constant 0 : i32
    %dma_start3A_279 = arith.constant 0 : i32
    %dma_start3A_280 = tpu.memref_slice %arg4[%dma_start3A_278, %dma_start3A_279] : memref<10000x9xf32, #tpu.memory_space<hbm>> -> memref<10000x9xf32, #tpu.memory_space<hbm>>
    tpu.enqueue_indirect_dma source(%dma_start3A_280 : memref<10000x9xf32, #tpu.memory_space<hbm>>) target(%dma_start3A_270 : memref<128x9xf32, #tpu.memory_space<vmem>>) offsets(%dma_start3A_277 : memref<128xi32, #tpu.memory_space<vmem>>) semaphore(%arg16 : memref<!tpu.dma_semaphore, #tpu.memory_space<semaphore_mem>>)
    %dma_start3A_281 = arith.constant 0 : i32
    %dma_start3A_282 = arith.constant 6 : i32
    %dma_start3A_283 = arith.constant 0 : i32
    %dma_start3A_284 = arith.constant 0 : i32
    %dma_start3A_285 = arith.constant 0 : i32
    %dma_start3A_286 = tpu.memref_slice %arg10[%dma_start3A_283, %dma_start3A_284, %dma_start3A_285] : memref<2x1024x9xf32, #tpu.memory_space<vmem>> -> memref<1x1024x9xf32, #tpu.memory_space<vmem>>
    %dma_start3A_287 = tpu.memref_squeeze %dma_start3A_286 : memref<1x1024x9xf32, #tpu.memory_space<vmem>> -> memref<1024x9xf32, #tpu.memory_space<vmem>>
    %dma_start3A_288 = arith.constant 768 : i32
    %dma_start3A_289 = arith.constant 0 : i32
    %dma_start3A_290 = tpu.memref_slice %dma_start3A_287[%dma_start3A_288, %dma_start3A_289] : memref<1024x9xf32, #tpu.memory_space<vmem>> -> memref<128x9xf32, #tpu.memory_space<vmem>>
    %dma_start3A_291 = arith.constant 0 : i32
    %dma_start3A_292 = arith.constant 0 : i32
    %dma_start3A_293 = tpu.memref_slice %arg8[%dma_start3A_281, %dma_start3A_291, %dma_start3A_292] : memref<2x8x128xi32, #tpu.memory_space<vmem>> -> memref<1x8x128xi32, #tpu.memory_space<vmem>>
    %dma_start3A_294 = tpu.memref_squeeze %dma_start3A_293 : memref<1x8x128xi32, #tpu.memory_space<vmem>> -> memref<8x128xi32, #tpu.memory_space<vmem>>
    %dma_start3A_295 = arith.constant 0 : i32
    %dma_start3A_296 = tpu.memref_slice %dma_start3A_294[%dma_start3A_282, %dma_start3A_295] : memref<8x128xi32, #tpu.memory_space<vmem>> -> memref<1x128xi32, #tpu.memory_space<vmem>>
    %dma_start3A_297 = tpu.memref_squeeze %dma_start3A_296 : memref<1x128xi32, #tpu.memory_space<vmem>> -> memref<128xi32, #tpu.memory_space<vmem>>
    %dma_start3A_298 = arith.constant 0 : i32
    %dma_start3A_299 = arith.constant 0 : i32
    %dma_start3A_300 = tpu.memref_slice %arg3[%dma_start3A_298, %dma_start3A_299] : memref<10000x9xf32, #tpu.memory_space<hbm>> -> memref<10000x9xf32, #tpu.memory_space<hbm>>
    tpu.enqueue_indirect_dma source(%dma_start3A_300 : memref<10000x9xf32, #tpu.memory_space<hbm>>) target(%dma_start3A_290 : memref<128x9xf32, #tpu.memory_space<vmem>>) offsets(%dma_start3A_297 : memref<128xi32, #tpu.memory_space<vmem>>) semaphore(%arg16 : memref<!tpu.dma_semaphore, #tpu.memory_space<semaphore_mem>>)
    %dma_start3A_301 = arith.constant 0 : i32
    %dma_start3A_302 = arith.constant 6 : i32
    %dma_start3A_303 = arith.constant 0 : i32
    %dma_start3A_304 = arith.constant 0 : i32
    %dma_start3A_305 = arith.constant 0 : i32
    %dma_start3A_306 = tpu.memref_slice %arg11[%dma_start3A_303, %dma_start3A_304, %dma_start3A_305] : memref<2x1024x9xf32, #tpu.memory_space<vmem>> -> memref<1x1024x9xf32, #tpu.memory_space<vmem>>
    %dma_start3A_307 = tpu.memref_squeeze %dma_start3A_306 : memref<1x1024x9xf32, #tpu.memory_space<vmem>> -> memref<1024x9xf32, #tpu.memory_space<vmem>>
    %dma_start3A_308 = arith.constant 768 : i32
    %dma_start3A_309 = arith.constant 0 : i32
    %dma_start3A_310 = tpu.memref_slice %dma_start3A_307[%dma_start3A_308, %dma_start3A_309] : memref<1024x9xf32, #tpu.memory_space<vmem>> -> memref<128x9xf32, #tpu.memory_space<vmem>>
    %dma_start3A_311 = arith.constant 0 : i32
    %dma_start3A_312 = arith.constant 0 : i32
    %dma_start3A_313 = tpu.memref_slice %arg9[%dma_start3A_301, %dma_start3A_311, %dma_start3A_312] : memref<2x8x128xi32, #tpu.memory_space<vmem>> -> memref<1x8x128xi32, #tpu.memory_space<vmem>>
    %dma_start3A_314 = tpu.memref_squeeze %dma_start3A_313 : memref<1x8x128xi32, #tpu.memory_space<vmem>> -> memref<8x128xi32, #tpu.memory_space<vmem>>
    %dma_start3A_315 = arith.constant 0 : i32
    %dma_start3A_316 = tpu.memref_slice %dma_start3A_314[%dma_start3A_302, %dma_start3A_315] : memref<8x128xi32, #tpu.memory_space<vmem>> -> memref<1x128xi32, #tpu.memory_space<vmem>>
    %dma_start3A_317 = tpu.memref_squeeze %dma_start3A_316 : memref<1x128xi32, #tpu.memory_space<vmem>> -> memref<128xi32, #tpu.memory_space<vmem>>
    %dma_start3A_318 = arith.constant 0 : i32
    %dma_start3A_319 = arith.constant 0 : i32
    %dma_start3A_320 = tpu.memref_slice %arg4[%dma_start3A_318, %dma_start3A_319] : memref<10000x9xf32, #tpu.memory_space<hbm>> -> memref<10000x9xf32, #tpu.memory_space<hbm>>
    tpu.enqueue_indirect_dma source(%dma_start3A_320 : memref<10000x9xf32, #tpu.memory_space<hbm>>) target(%dma_start3A_310 : memref<128x9xf32, #tpu.memory_space<vmem>>) offsets(%dma_start3A_317 : memref<128xi32, #tpu.memory_space<vmem>>) semaphore(%arg16 : memref<!tpu.dma_semaphore, #tpu.memory_space<semaphore_mem>>)
    %dma_start3A_321 = arith.constant 0 : i32
    %dma_start3A_322 = arith.constant 7 : i32
    %dma_start3A_323 = arith.constant 0 : i32
    %dma_start3A_324 = arith.constant 0 : i32
    %dma_start3A_325 = arith.constant 0 : i32
    %dma_start3A_326 = tpu.memref_slice %arg10[%dma_start3A_323, %dma_start3A_324, %dma_start3A_325] : memref<2x1024x9xf32, #tpu.memory_space<vmem>> -> memref<1x1024x9xf32, #tpu.memory_space<vmem>>
    %dma_start3A_327 = tpu.memref_squeeze %dma_start3A_326 : memref<1x1024x9xf32, #tpu.memory_space<vmem>> -> memref<1024x9xf32, #tpu.memory_space<vmem>>
    %dma_start3A_328 = arith.constant 896 : i32
    %dma_start3A_329 = arith.constant 0 : i32
    %dma_start3A_330 = tpu.memref_slice %dma_start3A_327[%dma_start3A_328, %dma_start3A_329] : memref<1024x9xf32, #tpu.memory_space<vmem>> -> memref<128x9xf32, #tpu.memory_space<vmem>>
    %dma_start3A_331 = arith.constant 0 : i32
    %dma_start3A_332 = arith.constant 0 : i32
    %dma_start3A_333 = tpu.memref_slice %arg8[%dma_start3A_321, %dma_start3A_331, %dma_start3A_332] : memref<2x8x128xi32, #tpu.memory_space<vmem>> -> memref<1x8x128xi32, #tpu.memory_space<vmem>>
    %dma_start3A_334 = tpu.memref_squeeze %dma_start3A_333 : memref<1x8x128xi32, #tpu.memory_space<vmem>> -> memref<8x128xi32, #tpu.memory_space<vmem>>
    %dma_start3A_335 = arith.constant 0 : i32
    %dma_start3A_336 = tpu.memref_slice %dma_start3A_334[%dma_start3A_322, %dma_start3A_335] : memref<8x128xi32, #tpu.memory_space<vmem>> -> memref<1x128xi32, #tpu.memory_space<vmem>>
    %dma_start3A_337 = tpu.memref_squeeze %dma_start3A_336 : memref<1x128xi32, #tpu.memory_space<vmem>> -> memref<128xi32, #tpu.memory_space<vmem>>
    %dma_start3A_338 = arith.constant 0 : i32
    %dma_start3A_339 = arith.constant 0 : i32
    %dma_start3A_340 = tpu.memref_slice %arg3[%dma_start3A_338, %dma_start3A_339] : memref<10000x9xf32, #tpu.memory_space<hbm>> -> memref<10000x9xf32, #tpu.memory_space<hbm>>
    tpu.enqueue_indirect_dma source(%dma_start3A_340 : memref<10000x9xf32, #tpu.memory_space<hbm>>) target(%dma_start3A_330 : memref<128x9xf32, #tpu.memory_space<vmem>>) offsets(%dma_start3A_337 : memref<128xi32, #tpu.memory_space<vmem>>) semaphore(%arg16 : memref<!tpu.dma_semaphore, #tpu.memory_space<semaphore_mem>>)
    %dma_start3A_341 = arith.constant 0 : i32
    %dma_start3A_342 = arith.constant 7 : i32
    %dma_start3A_343 = arith.constant 0 : i32
    %dma_start3A_344 = arith.constant 0 : i32
    %dma_start3A_345 = arith.constant 0 : i32
    %dma_start3A_346 = tpu.memref_slice %arg11[%dma_start3A_343, %dma_start3A_344, %dma_start3A_345] : memref<2x1024x9xf32, #tpu.memory_space<vmem>> -> memref<1x1024x9xf32, #tpu.memory_space<vmem>>
    %dma_start3A_347 = tpu.memref_squeeze %dma_start3A_346 : memref<1x1024x9xf32, #tpu.memory_space<vmem>> -> memref<1024x9xf32, #tpu.memory_space<vmem>>
    %dma_start3A_348 = arith.constant 896 : i32
    %dma_start3A_349 = arith.constant 0 : i32
    %dma_start3A_350 = tpu.memref_slice %dma_start3A_347[%dma_start3A_348, %dma_start3A_349] : memref<1024x9xf32, #tpu.memory_space<vmem>> -> memref<128x9xf32, #tpu.memory_space<vmem>>
    %dma_start3A_351 = arith.constant 0 : i32
    %dma_start3A_352 = arith.constant 0 : i32
    %dma_start3A_353 = tpu.memref_slice %arg9[%dma_start3A_341, %dma_start3A_351, %dma_start3A_352] : memref<2x8x128xi32, #tpu.memory_space<vmem>> -> memref<1x8x128xi32, #tpu.memory_space<vmem>>
    %dma_start3A_354 = tpu.memref_squeeze %dma_start3A_353 : memref<1x8x128xi32, #tpu.memory_space<vmem>> -> memref<8x128xi32, #tpu.memory_space<vmem>>
    %dma_start3A_355 = arith.constant 0 : i32
    %dma_start3A_356 = tpu.memref_slice %dma_start3A_354[%dma_start3A_342, %dma_start3A_355] : memref<8x128xi32, #tpu.memory_space<vmem>> -> memref<1x128xi32, #tpu.memory_space<vmem>>
    %dma_start3A_357 = tpu.memref_squeeze %dma_start3A_356 : memref<1x128xi32, #tpu.memory_space<vmem>> -> memref<128xi32, #tpu.memory_space<vmem>>
    %dma_start3A_358 = arith.constant 0 : i32
    %dma_start3A_359 = arith.constant 0 : i32
    %dma_start3A_360 = tpu.memref_slice %arg4[%dma_start3A_358, %dma_start3A_359] : memref<10000x9xf32, #tpu.memory_space<hbm>> -> memref<10000x9xf32, #tpu.memory_space<hbm>>
    tpu.enqueue_indirect_dma source(%dma_start3A_360 : memref<10000x9xf32, #tpu.memory_space<hbm>>) target(%dma_start3A_350 : memref<128x9xf32, #tpu.memory_space<vmem>>) offsets(%dma_start3A_357 : memref<128xi32, #tpu.memory_space<vmem>>) semaphore(%arg16 : memref<!tpu.dma_semaphore, #tpu.memory_space<semaphore_mem>>)
    %scan3A_361 = arith.constant 0 : i32
    %scan3A_362 = arith.constant 0 : i32
    %scan3A_363 = arith.constant 10 : i32
    %scan3A_364 = arith.addi %scan3A_362, %scan3A_363 : i32
    %scan3A_365 = arith.constant 1 : i32
    scf.for %scan3A_372 = %scan3A_362 to %scan3A_364 step %scan3A_365  : i32 {
      %and3A = arith.constant 1 : i32
      %and3A_373 = arith.andi %scan3A_372, %and3A : i32
      %mul3A_374 = arith.constant 8 : i32
      %mul3A_375 = arith.muli %scan3A_372, %mul3A_374 : i32
      %add3A_376 = arith.addi %mul3A_31, %mul3A_375 : i32
      %dma_wait3A = arith.constant 0 : i32
      %dma_wait3A_377 = arith.constant 0 : i32
      %dma_wait3A_378 = arith.constant 0 : i32
      %dma_wait3A_379 = tpu.memref_slice %arg10[%and3A_373, %dma_wait3A_377, %dma_wait3A_378] : memref<2x1024x9xf32, #tpu.memory_space<vmem>> -> memref<1x1024x9xf32, #tpu.memory_space<vmem>>
      %dma_wait3A_380 = tpu.memref_squeeze %dma_wait3A_379 : memref<1x1024x9xf32, #tpu.memory_space<vmem>> -> memref<1024x9xf32, #tpu.memory_space<vmem>>
      %dma_wait3A_381 = arith.constant 0 : i32
      %dma_wait3A_382 = arith.constant 0 : i32
      %dma_wait3A_383 = tpu.memref_slice %dma_wait3A_380[%dma_wait3A_381, %dma_wait3A_382] : memref<1024x9xf32, #tpu.memory_space<vmem>> -> memref<128x9xf32, #tpu.memory_space<vmem>>
      %dma_wait3A_384 = arith.constant 0 : i32
      %dma_wait3A_385 = arith.constant 0 : i32
      %dma_wait3A_386 = tpu.memref_slice %arg8[%and3A_373, %dma_wait3A_384, %dma_wait3A_385] : memref<2x8x128xi32, #tpu.memory_space<vmem>> -> memref<1x8x128xi32, #tpu.memory_space<vmem>>
      %dma_wait3A_387 = tpu.memref_squeeze %dma_wait3A_386 : memref<1x8x128xi32, #tpu.memory_space<vmem>> -> memref<8x128xi32, #tpu.memory_space<vmem>>
      %dma_wait3A_388 = arith.constant 0 : i32
      %dma_wait3A_389 = tpu.memref_slice %dma_wait3A_387[%dma_wait3A, %dma_wait3A_388] : memref<8x128xi32, #tpu.memory_space<vmem>> -> memref<1x128xi32, #tpu.memory_space<vmem>>
      %dma_wait3A_390 = tpu.memref_squeeze %dma_wait3A_389 : memref<1x128xi32, #tpu.memory_space<vmem>> -> memref<128xi32, #tpu.memory_space<vmem>>
      %dma_wait3A_391 = arith.constant 0 : i32
      %dma_wait3A_392 = arith.constant 0 : i32
      %dma_wait3A_393 = tpu.memref_slice %arg3[%dma_wait3A_391, %dma_wait3A_392] : memref<10000x9xf32, #tpu.memory_space<hbm>> -> memref<10000x9xf32, #tpu.memory_space<hbm>>
      tpu.wait_indirect_dma semaphore(%arg16 : memref<!tpu.dma_semaphore, #tpu.memory_space<semaphore_mem>>) src(%dma_wait3A_393 : memref<10000x9xf32, #tpu.memory_space<hbm>>) dst(%dma_wait3A_383 : memref<128x9xf32, #tpu.memory_space<vmem>>)
      %dma_wait3A_394 = arith.constant 0 : i32
      %dma_wait3A_395 = arith.constant 0 : i32
      %dma_wait3A_396 = arith.constant 0 : i32
      %dma_wait3A_397 = tpu.memref_slice %arg11[%and3A_373, %dma_wait3A_395, %dma_wait3A_396] : memref<2x1024x9xf32, #tpu.memory_space<vmem>> -> memref<1x1024x9xf32, #tpu.memory_space<vmem>>
      %dma_wait3A_398 = tpu.memref_squeeze %dma_wait3A_397 : memref<1x1024x9xf32, #tpu.memory_space<vmem>> -> memref<1024x9xf32, #tpu.memory_space<vmem>>
      %dma_wait3A_399 = arith.constant 0 : i32
      %dma_wait3A_400 = arith.constant 0 : i32
      %dma_wait3A_401 = tpu.memref_slice %dma_wait3A_398[%dma_wait3A_399, %dma_wait3A_400] : memref<1024x9xf32, #tpu.memory_space<vmem>> -> memref<128x9xf32, #tpu.memory_space<vmem>>
      %dma_wait3A_402 = arith.constant 0 : i32
      %dma_wait3A_403 = arith.constant 0 : i32
      %dma_wait3A_404 = tpu.memref_slice %arg9[%and3A_373, %dma_wait3A_402, %dma_wait3A_403] : memref<2x8x128xi32, #tpu.memory_space<vmem>> -> memref<1x8x128xi32, #tpu.memory_space<vmem>>
      %dma_wait3A_405 = tpu.memref_squeeze %dma_wait3A_404 : memref<1x8x128xi32, #tpu.memory_space<vmem>> -> memref<8x128xi32, #tpu.memory_space<vmem>>
      %dma_wait3A_406 = arith.constant 0 : i32
      %dma_wait3A_407 = tpu.memref_slice %dma_wait3A_405[%dma_wait3A_394, %dma_wait3A_406] : memref<8x128xi32, #tpu.memory_space<vmem>> -> memref<1x128xi32, #tpu.memory_space<vmem>>
      %dma_wait3A_408 = tpu.memref_squeeze %dma_wait3A_407 : memref<1x128xi32, #tpu.memory_space<vmem>> -> memref<128xi32, #tpu.memory_space<vmem>>
      %dma_wait3A_409 = arith.constant 0 : i32
      %dma_wait3A_410 = arith.constant 0 : i32
      %dma_wait3A_411 = tpu.memref_slice %arg4[%dma_wait3A_409, %dma_wait3A_410] : memref<10000x9xf32, #tpu.memory_space<hbm>> -> memref<10000x9xf32, #tpu.memory_space<hbm>>
      tpu.wait_indirect_dma semaphore(%arg16 : memref<!tpu.dma_semaphore, #tpu.memory_space<semaphore_mem>>) src(%dma_wait3A_411 : memref<10000x9xf32, #tpu.memory_space<hbm>>) dst(%dma_wait3A_401 : memref<128x9xf32, #tpu.memory_space<vmem>>)
      %dma_wait3A_412 = arith.constant 1 : i32
      %dma_wait3A_413 = arith.constant 0 : i32
      %dma_wait3A_414 = arith.constant 0 : i32
      %dma_wait3A_415 = tpu.memref_slice %arg10[%and3A_373, %dma_wait3A_413, %dma_wait3A_414] : memref<2x1024x9xf32, #tpu.memory_space<vmem>> -> memref<1x1024x9xf32, #tpu.memory_space<vmem>>
      %dma_wait3A_416 = tpu.memref_squeeze %dma_wait3A_415 : memref<1x1024x9xf32, #tpu.memory_space<vmem>> -> memref<1024x9xf32, #tpu.memory_space<vmem>>
      %dma_wait3A_417 = arith.constant 128 : i32
      %dma_wait3A_418 = arith.constant 0 : i32
      %dma_wait3A_419 = tpu.memref_slice %dma_wait3A_416[%dma_wait3A_417, %dma_wait3A_418] : memref<1024x9xf32, #tpu.memory_space<vmem>> -> memref<128x9xf32, #tpu.memory_space<vmem>>
      %dma_wait3A_420 = arith.constant 0 : i32
      %dma_wait3A_421 = arith.constant 0 : i32
      %dma_wait3A_422 = tpu.memref_slice %arg8[%and3A_373, %dma_wait3A_420, %dma_wait3A_421] : memref<2x8x128xi32, #tpu.memory_space<vmem>> -> memref<1x8x128xi32, #tpu.memory_space<vmem>>
      %dma_wait3A_423 = tpu.memref_squeeze %dma_wait3A_422 : memref<1x8x128xi32, #tpu.memory_space<vmem>> -> memref<8x128xi32, #tpu.memory_space<vmem>>
      %dma_wait3A_424 = arith.constant 0 : i32
      %dma_wait3A_425 = tpu.memref_slice %dma_wait3A_423[%dma_wait3A_412, %dma_wait3A_424] : memref<8x128xi32, #tpu.memory_space<vmem>> -> memref<1x128xi32, #tpu.memory_space<vmem>>
      %dma_wait3A_426 = tpu.memref_squeeze %dma_wait3A_425 : memref<1x128xi32, #tpu.memory_space<vmem>> -> memref<128xi32, #tpu.memory_space<vmem>>
      %dma_wait3A_427 = arith.constant 0 : i32
      %dma_wait3A_428 = arith.constant 0 : i32
      %dma_wait3A_429 = tpu.memref_slice %arg3[%dma_wait3A_427, %dma_wait3A_428] : memref<10000x9xf32, #tpu.memory_space<hbm>> -> memref<10000x9xf32, #tpu.memory_space<hbm>>
      tpu.wait_indirect_dma semaphore(%arg16 : memref<!tpu.dma_semaphore, #tpu.memory_space<semaphore_mem>>) src(%dma_wait3A_429 : memref<10000x9xf32, #tpu.memory_space<hbm>>) dst(%dma_wait3A_419 : memref<128x9xf32, #tpu.memory_space<vmem>>)
      %dma_wait3A_430 = arith.constant 1 : i32
      %dma_wait3A_431 = arith.constant 0 : i32
      %dma_wait3A_432 = arith.constant 0 : i32
      %dma_wait3A_433 = tpu.memref_slice %arg11[%and3A_373, %dma_wait3A_431, %dma_wait3A_432] : memref<2x1024x9xf32, #tpu.memory_space<vmem>> -> memref<1x1024x9xf32, #tpu.memory_space<vmem>>
      %dma_wait3A_434 = tpu.memref_squeeze %dma_wait3A_433 : memref<1x1024x9xf32, #tpu.memory_space<vmem>> -> memref<1024x9xf32, #tpu.memory_space<vmem>>
      %dma_wait3A_435 = arith.constant 128 : i32
      %dma_wait3A_436 = arith.constant 0 : i32
      %dma_wait3A_437 = tpu.memref_slice %dma_wait3A_434[%dma_wait3A_435, %dma_wait3A_436] : memref<1024x9xf32, #tpu.memory_space<vmem>> -> memref<128x9xf32, #tpu.memory_space<vmem>>
      %dma_wait3A_438 = arith.constant 0 : i32
      %dma_wait3A_439 = arith.constant 0 : i32
      %dma_wait3A_440 = tpu.memref_slice %arg9[%and3A_373, %dma_wait3A_438, %dma_wait3A_439] : memref<2x8x128xi32, #tpu.memory_space<vmem>> -> memref<1x8x128xi32, #tpu.memory_space<vmem>>
      %dma_wait3A_441 = tpu.memref_squeeze %dma_wait3A_440 : memref<1x8x128xi32, #tpu.memory_space<vmem>> -> memref<8x128xi32, #tpu.memory_space<vmem>>
      %dma_wait3A_442 = arith.constant 0 : i32
      %dma_wait3A_443 = tpu.memref_slice %dma_wait3A_441[%dma_wait3A_430, %dma_wait3A_442] : memref<8x128xi32, #tpu.memory_space<vmem>> -> memref<1x128xi32, #tpu.memory_space<vmem>>
      %dma_wait3A_444 = tpu.memref_squeeze %dma_wait3A_443 : memref<1x128xi32, #tpu.memory_space<vmem>> -> memref<128xi32, #tpu.memory_space<vmem>>
      %dma_wait3A_445 = arith.constant 0 : i32
      %dma_wait3A_446 = arith.constant 0 : i32
      %dma_wait3A_447 = tpu.memref_slice %arg4[%dma_wait3A_445, %dma_wait3A_446] : memref<10000x9xf32, #tpu.memory_space<hbm>> -> memref<10000x9xf32, #tpu.memory_space<hbm>>
      tpu.wait_indirect_dma semaphore(%arg16 : memref<!tpu.dma_semaphore, #tpu.memory_space<semaphore_mem>>) src(%dma_wait3A_447 : memref<10000x9xf32, #tpu.memory_space<hbm>>) dst(%dma_wait3A_437 : memref<128x9xf32, #tpu.memory_space<vmem>>)
      %dma_wait3A_448 = arith.constant 2 : i32
      %dma_wait3A_449 = arith.constant 0 : i32
      %dma_wait3A_450 = arith.constant 0 : i32
      %dma_wait3A_451 = tpu.memref_slice %arg10[%and3A_373, %dma_wait3A_449, %dma_wait3A_450] : memref<2x1024x9xf32, #tpu.memory_space<vmem>> -> memref<1x1024x9xf32, #tpu.memory_space<vmem>>
      %dma_wait3A_452 = tpu.memref_squeeze %dma_wait3A_451 : memref<1x1024x9xf32, #tpu.memory_space<vmem>> -> memref<1024x9xf32, #tpu.memory_space<vmem>>
      %dma_wait3A_453 = arith.constant 256 : i32
      %dma_wait3A_454 = arith.constant 0 : i32
      %dma_wait3A_455 = tpu.memref_slice %dma_wait3A_452[%dma_wait3A_453, %dma_wait3A_454] : memref<1024x9xf32, #tpu.memory_space<vmem>> -> memref<128x9xf32, #tpu.memory_space<vmem>>
      %dma_wait3A_456 = arith.constant 0 : i32
      %dma_wait3A_457 = arith.constant 0 : i32
      %dma_wait3A_458 = tpu.memref_slice %arg8[%and3A_373, %dma_wait3A_456, %dma_wait3A_457] : memref<2x8x128xi32, #tpu.memory_space<vmem>> -> memref<1x8x128xi32, #tpu.memory_space<vmem>>
      %dma_wait3A_459 = tpu.memref_squeeze %dma_wait3A_458 : memref<1x8x128xi32, #tpu.memory_space<vmem>> -> memref<8x128xi32, #tpu.memory_space<vmem>>
      %dma_wait3A_460 = arith.constant 0 : i32
      %dma_wait3A_461 = tpu.memref_slice %dma_wait3A_459[%dma_wait3A_448, %dma_wait3A_460] : memref<8x128xi32, #tpu.memory_space<vmem>> -> memref<1x128xi32, #tpu.memory_space<vmem>>
      %dma_wait3A_462 = tpu.memref_squeeze %dma_wait3A_461 : memref<1x128xi32, #tpu.memory_space<vmem>> -> memref<128xi32, #tpu.memory_space<vmem>>
      %dma_wait3A_463 = arith.constant 0 : i32
      %dma_wait3A_464 = arith.constant 0 : i32
      %dma_wait3A_465 = tpu.memref_slice %arg3[%dma_wait3A_463, %dma_wait3A_464] : memref<10000x9xf32, #tpu.memory_space<hbm>> -> memref<10000x9xf32, #tpu.memory_space<hbm>>
      tpu.wait_indirect_dma semaphore(%arg16 : memref<!tpu.dma_semaphore, #tpu.memory_space<semaphore_mem>>) src(%dma_wait3A_465 : memref<10000x9xf32, #tpu.memory_space<hbm>>) dst(%dma_wait3A_455 : memref<128x9xf32, #tpu.memory_space<vmem>>)
      %dma_wait3A_466 = arith.constant 2 : i32
      %dma_wait3A_467 = arith.constant 0 : i32
      %dma_wait3A_468 = arith.constant 0 : i32
      %dma_wait3A_469 = tpu.memref_slice %arg11[%and3A_373, %dma_wait3A_467, %dma_wait3A_468] : memref<2x1024x9xf32, #tpu.memory_space<vmem>> -> memref<1x1024x9xf32, #tpu.memory_space<vmem>>
      %dma_wait3A_470 = tpu.memref_squeeze %dma_wait3A_469 : memref<1x1024x9xf32, #tpu.memory_space<vmem>> -> memref<1024x9xf32, #tpu.memory_space<vmem>>
      %dma_wait3A_471 = arith.constant 256 : i32
      %dma_wait3A_472 = arith.constant 0 : i32
      %dma_wait3A_473 = tpu.memref_slice %dma_wait3A_470[%dma_wait3A_471, %dma_wait3A_472] : memref<1024x9xf32, #tpu.memory_space<vmem>> -> memref<128x9xf32, #tpu.memory_space<vmem>>
      %dma_wait3A_474 = arith.constant 0 : i32
      %dma_wait3A_475 = arith.constant 0 : i32
      %dma_wait3A_476 = tpu.memref_slice %arg9[%and3A_373, %dma_wait3A_474, %dma_wait3A_475] : memref<2x8x128xi32, #tpu.memory_space<vmem>> -> memref<1x8x128xi32, #tpu.memory_space<vmem>>
      %dma_wait3A_477 = tpu.memref_squeeze %dma_wait3A_476 : memref<1x8x128xi32, #tpu.memory_space<vmem>> -> memref<8x128xi32, #tpu.memory_space<vmem>>
      %dma_wait3A_478 = arith.constant 0 : i32
      %dma_wait3A_479 = tpu.memref_slice %dma_wait3A_477[%dma_wait3A_466, %dma_wait3A_478] : memref<8x128xi32, #tpu.memory_space<vmem>> -> memref<1x128xi32, #tpu.memory_space<vmem>>
      %dma_wait3A_480 = tpu.memref_squeeze %dma_wait3A_479 : memref<1x128xi32, #tpu.memory_space<vmem>> -> memref<128xi32, #tpu.memory_space<vmem>>
      %dma_wait3A_481 = arith.constant 0 : i32
      %dma_wait3A_482 = arith.constant 0 : i32
      %dma_wait3A_483 = tpu.memref_slice %arg4[%dma_wait3A_481, %dma_wait3A_482] : memref<10000x9xf32, #tpu.memory_space<hbm>> -> memref<10000x9xf32, #tpu.memory_space<hbm>>
      tpu.wait_indirect_dma semaphore(%arg16 : memref<!tpu.dma_semaphore, #tpu.memory_space<semaphore_mem>>) src(%dma_wait3A_483 : memref<10000x9xf32, #tpu.memory_space<hbm>>) dst(%dma_wait3A_473 : memref<128x9xf32, #tpu.memory_space<vmem>>)
      %dma_wait3A_484 = arith.constant 3 : i32
      %dma_wait3A_485 = arith.constant 0 : i32
      %dma_wait3A_486 = arith.constant 0 : i32
      %dma_wait3A_487 = tpu.memref_slice %arg10[%and3A_373, %dma_wait3A_485, %dma_wait3A_486] : memref<2x1024x9xf32, #tpu.memory_space<vmem>> -> memref<1x1024x9xf32, #tpu.memory_space<vmem>>
      %dma_wait3A_488 = tpu.memref_squeeze %dma_wait3A_487 : memref<1x1024x9xf32, #tpu.memory_space<vmem>> -> memref<1024x9xf32, #tpu.memory_space<vmem>>
      %dma_wait3A_489 = arith.constant 384 : i32
      %dma_wait3A_490 = arith.constant 0 : i32
      %dma_wait3A_491 = tpu.memref_slice %dma_wait3A_488[%dma_wait3A_489, %dma_wait3A_490] : memref<1024x9xf32, #tpu.memory_space<vmem>> -> memref<128x9xf32, #tpu.memory_space<vmem>>
      %dma_wait3A_492 = arith.constant 0 : i32
      %dma_wait3A_493 = arith.constant 0 : i32
      %dma_wait3A_494 = tpu.memref_slice %arg8[%and3A_373, %dma_wait3A_492, %dma_wait3A_493] : memref<2x8x128xi32, #tpu.memory_space<vmem>> -> memref<1x8x128xi32, #tpu.memory_space<vmem>>
      %dma_wait3A_495 = tpu.memref_squeeze %dma_wait3A_494 : memref<1x8x128xi32, #tpu.memory_space<vmem>> -> memref<8x128xi32, #tpu.memory_space<vmem>>
      %dma_wait3A_496 = arith.constant 0 : i32
      %dma_wait3A_497 = tpu.memref_slice %dma_wait3A_495[%dma_wait3A_484, %dma_wait3A_496] : memref<8x128xi32, #tpu.memory_space<vmem>> -> memref<1x128xi32, #tpu.memory_space<vmem>>
      %dma_wait3A_498 = tpu.memref_squeeze %dma_wait3A_497 : memref<1x128xi32, #tpu.memory_space<vmem>> -> memref<128xi32, #tpu.memory_space<vmem>>
      %dma_wait3A_499 = arith.constant 0 : i32
      %dma_wait3A_500 = arith.constant 0 : i32
      %dma_wait3A_501 = tpu.memref_slice %arg3[%dma_wait3A_499, %dma_wait3A_500] : memref<10000x9xf32, #tpu.memory_space<hbm>> -> memref<10000x9xf32, #tpu.memory_space<hbm>>
      tpu.wait_indirect_dma semaphore(%arg16 : memref<!tpu.dma_semaphore, #tpu.memory_space<semaphore_mem>>) src(%dma_wait3A_501 : memref<10000x9xf32, #tpu.memory_space<hbm>>) dst(%dma_wait3A_491 : memref<128x9xf32, #tpu.memory_space<vmem>>)
      %dma_wait3A_502 = arith.constant 3 : i32
      %dma_wait3A_503 = arith.constant 0 : i32
      %dma_wait3A_504 = arith.constant 0 : i32
      %dma_wait3A_505 = tpu.memref_slice %arg11[%and3A_373, %dma_wait3A_503, %dma_wait3A_504] : memref<2x1024x9xf32, #tpu.memory_space<vmem>> -> memref<1x1024x9xf32, #tpu.memory_space<vmem>>
      %dma_wait3A_506 = tpu.memref_squeeze %dma_wait3A_505 : memref<1x1024x9xf32, #tpu.memory_space<vmem>> -> memref<1024x9xf32, #tpu.memory_space<vmem>>
      %dma_wait3A_507 = arith.constant 384 : i32
      %dma_wait3A_508 = arith.constant 0 : i32
      %dma_wait3A_509 = tpu.memref_slice %dma_wait3A_506[%dma_wait3A_507, %dma_wait3A_508] : memref<1024x9xf32, #tpu.memory_space<vmem>> -> memref<128x9xf32, #tpu.memory_space<vmem>>
      %dma_wait3A_510 = arith.constant 0 : i32
      %dma_wait3A_511 = arith.constant 0 : i32
      %dma_wait3A_512 = tpu.memref_slice %arg9[%and3A_373, %dma_wait3A_510, %dma_wait3A_511] : memref<2x8x128xi32, #tpu.memory_space<vmem>> -> memref<1x8x128xi32, #tpu.memory_space<vmem>>
      %dma_wait3A_513 = tpu.memref_squeeze %dma_wait3A_512 : memref<1x8x128xi32, #tpu.memory_space<vmem>> -> memref<8x128xi32, #tpu.memory_space<vmem>>
      %dma_wait3A_514 = arith.constant 0 : i32
      %dma_wait3A_515 = tpu.memref_slice %dma_wait3A_513[%dma_wait3A_502, %dma_wait3A_514] : memref<8x128xi32, #tpu.memory_space<vmem>> -> memref<1x128xi32, #tpu.memory_space<vmem>>
      %dma_wait3A_516 = tpu.memref_squeeze %dma_wait3A_515 : memref<1x128xi32, #tpu.memory_space<vmem>> -> memref<128xi32, #tpu.memory_space<vmem>>
      %dma_wait3A_517 = arith.constant 0 : i32
      %dma_wait3A_518 = arith.constant 0 : i32
      %dma_wait3A_519 = tpu.memref_slice %arg4[%dma_wait3A_517, %dma_wait3A_518] : memref<10000x9xf32, #tpu.memory_space<hbm>> -> memref<10000x9xf32, #tpu.memory_space<hbm>>
      tpu.wait_indirect_dma semaphore(%arg16 : memref<!tpu.dma_semaphore, #tpu.memory_space<semaphore_mem>>) src(%dma_wait3A_519 : memref<10000x9xf32, #tpu.memory_space<hbm>>) dst(%dma_wait3A_509 : memref<128x9xf32, #tpu.memory_space<vmem>>)
      %dma_wait3A_520 = arith.constant 4 : i32
      %dma_wait3A_521 = arith.constant 0 : i32
      %dma_wait3A_522 = arith.constant 0 : i32
      %dma_wait3A_523 = tpu.memref_slice %arg10[%and3A_373, %dma_wait3A_521, %dma_wait3A_522] : memref<2x1024x9xf32, #tpu.memory_space<vmem>> -> memref<1x1024x9xf32, #tpu.memory_space<vmem>>
      %dma_wait3A_524 = tpu.memref_squeeze %dma_wait3A_523 : memref<1x1024x9xf32, #tpu.memory_space<vmem>> -> memref<1024x9xf32, #tpu.memory_space<vmem>>
      %dma_wait3A_525 = arith.constant 512 : i32
      %dma_wait3A_526 = arith.constant 0 : i32
      %dma_wait3A_527 = tpu.memref_slice %dma_wait3A_524[%dma_wait3A_525, %dma_wait3A_526] : memref<1024x9xf32, #tpu.memory_space<vmem>> -> memref<128x9xf32, #tpu.memory_space<vmem>>
      %dma_wait3A_528 = arith.constant 0 : i32
      %dma_wait3A_529 = arith.constant 0 : i32
      %dma_wait3A_530 = tpu.memref_slice %arg8[%and3A_373, %dma_wait3A_528, %dma_wait3A_529] : memref<2x8x128xi32, #tpu.memory_space<vmem>> -> memref<1x8x128xi32, #tpu.memory_space<vmem>>
      %dma_wait3A_531 = tpu.memref_squeeze %dma_wait3A_530 : memref<1x8x128xi32, #tpu.memory_space<vmem>> -> memref<8x128xi32, #tpu.memory_space<vmem>>
      %dma_wait3A_532 = arith.constant 0 : i32
      %dma_wait3A_533 = tpu.memref_slice %dma_wait3A_531[%dma_wait3A_520, %dma_wait3A_532] : memref<8x128xi32, #tpu.memory_space<vmem>> -> memref<1x128xi32, #tpu.memory_space<vmem>>
      %dma_wait3A_534 = tpu.memref_squeeze %dma_wait3A_533 : memref<1x128xi32, #tpu.memory_space<vmem>> -> memref<128xi32, #tpu.memory_space<vmem>>
      %dma_wait3A_535 = arith.constant 0 : i32
      %dma_wait3A_536 = arith.constant 0 : i32
      %dma_wait3A_537 = tpu.memref_slice %arg3[%dma_wait3A_535, %dma_wait3A_536] : memref<10000x9xf32, #tpu.memory_space<hbm>> -> memref<10000x9xf32, #tpu.memory_space<hbm>>
      tpu.wait_indirect_dma semaphore(%arg16 : memref<!tpu.dma_semaphore, #tpu.memory_space<semaphore_mem>>) src(%dma_wait3A_537 : memref<10000x9xf32, #tpu.memory_space<hbm>>) dst(%dma_wait3A_527 : memref<128x9xf32, #tpu.memory_space<vmem>>)
      %dma_wait3A_538 = arith.constant 4 : i32
      %dma_wait3A_539 = arith.constant 0 : i32
      %dma_wait3A_540 = arith.constant 0 : i32
      %dma_wait3A_541 = tpu.memref_slice %arg11[%and3A_373, %dma_wait3A_539, %dma_wait3A_540] : memref<2x1024x9xf32, #tpu.memory_space<vmem>> -> memref<1x1024x9xf32, #tpu.memory_space<vmem>>
      %dma_wait3A_542 = tpu.memref_squeeze %dma_wait3A_541 : memref<1x1024x9xf32, #tpu.memory_space<vmem>> -> memref<1024x9xf32, #tpu.memory_space<vmem>>
      %dma_wait3A_543 = arith.constant 512 : i32
      %dma_wait3A_544 = arith.constant 0 : i32
      %dma_wait3A_545 = tpu.memref_slice %dma_wait3A_542[%dma_wait3A_543, %dma_wait3A_544] : memref<1024x9xf32, #tpu.memory_space<vmem>> -> memref<128x9xf32, #tpu.memory_space<vmem>>
      %dma_wait3A_546 = arith.constant 0 : i32
      %dma_wait3A_547 = arith.constant 0 : i32
      %dma_wait3A_548 = tpu.memref_slice %arg9[%and3A_373, %dma_wait3A_546, %dma_wait3A_547] : memref<2x8x128xi32, #tpu.memory_space<vmem>> -> memref<1x8x128xi32, #tpu.memory_space<vmem>>
      %dma_wait3A_549 = tpu.memref_squeeze %dma_wait3A_548 : memref<1x8x128xi32, #tpu.memory_space<vmem>> -> memref<8x128xi32, #tpu.memory_space<vmem>>
      %dma_wait3A_550 = arith.constant 0 : i32
      %dma_wait3A_551 = tpu.memref_slice %dma_wait3A_549[%dma_wait3A_538, %dma_wait3A_550] : memref<8x128xi32, #tpu.memory_space<vmem>> -> memref<1x128xi32, #tpu.memory_space<vmem>>
      %dma_wait3A_552 = tpu.memref_squeeze %dma_wait3A_551 : memref<1x128xi32, #tpu.memory_space<vmem>> -> memref<128xi32, #tpu.memory_space<vmem>>
      %dma_wait3A_553 = arith.constant 0 : i32
      %dma_wait3A_554 = arith.constant 0 : i32
      %dma_wait3A_555 = tpu.memref_slice %arg4[%dma_wait3A_553, %dma_wait3A_554] : memref<10000x9xf32, #tpu.memory_space<hbm>> -> memref<10000x9xf32, #tpu.memory_space<hbm>>
      tpu.wait_indirect_dma semaphore(%arg16 : memref<!tpu.dma_semaphore, #tpu.memory_space<semaphore_mem>>) src(%dma_wait3A_555 : memref<10000x9xf32, #tpu.memory_space<hbm>>) dst(%dma_wait3A_545 : memref<128x9xf32, #tpu.memory_space<vmem>>)
      %dma_wait3A_556 = arith.constant 5 : i32
      %dma_wait3A_557 = arith.constant 0 : i32
      %dma_wait3A_558 = arith.constant 0 : i32
      %dma_wait3A_559 = tpu.memref_slice %arg10[%and3A_373, %dma_wait3A_557, %dma_wait3A_558] : memref<2x1024x9xf32, #tpu.memory_space<vmem>> -> memref<1x1024x9xf32, #tpu.memory_space<vmem>>
      %dma_wait3A_560 = tpu.memref_squeeze %dma_wait3A_559 : memref<1x1024x9xf32, #tpu.memory_space<vmem>> -> memref<1024x9xf32, #tpu.memory_space<vmem>>
      %dma_wait3A_561 = arith.constant 640 : i32
      %dma_wait3A_562 = arith.constant 0 : i32
      %dma_wait3A_563 = tpu.memref_slice %dma_wait3A_560[%dma_wait3A_561, %dma_wait3A_562] : memref<1024x9xf32, #tpu.memory_space<vmem>> -> memref<128x9xf32, #tpu.memory_space<vmem>>
      %dma_wait3A_564 = arith.constant 0 : i32
      %dma_wait3A_565 = arith.constant 0 : i32
      %dma_wait3A_566 = tpu.memref_slice %arg8[%and3A_373, %dma_wait3A_564, %dma_wait3A_565] : memref<2x8x128xi32, #tpu.memory_space<vmem>> -> memref<1x8x128xi32, #tpu.memory_space<vmem>>
      %dma_wait3A_567 = tpu.memref_squeeze %dma_wait3A_566 : memref<1x8x128xi32, #tpu.memory_space<vmem>> -> memref<8x128xi32, #tpu.memory_space<vmem>>
      %dma_wait3A_568 = arith.constant 0 : i32
      %dma_wait3A_569 = tpu.memref_slice %dma_wait3A_567[%dma_wait3A_556, %dma_wait3A_568] : memref<8x128xi32, #tpu.memory_space<vmem>> -> memref<1x128xi32, #tpu.memory_space<vmem>>
      %dma_wait3A_570 = tpu.memref_squeeze %dma_wait3A_569 : memref<1x128xi32, #tpu.memory_space<vmem>> -> memref<128xi32, #tpu.memory_space<vmem>>
      %dma_wait3A_571 = arith.constant 0 : i32
      %dma_wait3A_572 = arith.constant 0 : i32
      %dma_wait3A_573 = tpu.memref_slice %arg3[%dma_wait3A_571, %dma_wait3A_572] : memref<10000x9xf32, #tpu.memory_space<hbm>> -> memref<10000x9xf32, #tpu.memory_space<hbm>>
      tpu.wait_indirect_dma semaphore(%arg16 : memref<!tpu.dma_semaphore, #tpu.memory_space<semaphore_mem>>) src(%dma_wait3A_573 : memref<10000x9xf32, #tpu.memory_space<hbm>>) dst(%dma_wait3A_563 : memref<128x9xf32, #tpu.memory_space<vmem>>)
      %dma_wait3A_574 = arith.constant 5 : i32
      %dma_wait3A_575 = arith.constant 0 : i32
      %dma_wait3A_576 = arith.constant 0 : i32
      %dma_wait3A_577 = tpu.memref_slice %arg11[%and3A_373, %dma_wait3A_575, %dma_wait3A_576] : memref<2x1024x9xf32, #tpu.memory_space<vmem>> -> memref<1x1024x9xf32, #tpu.memory_space<vmem>>
      %dma_wait3A_578 = tpu.memref_squeeze %dma_wait3A_577 : memref<1x1024x9xf32, #tpu.memory_space<vmem>> -> memref<1024x9xf32, #tpu.memory_space<vmem>>
      %dma_wait3A_579 = arith.constant 640 : i32
      %dma_wait3A_580 = arith.constant 0 : i32
      %dma_wait3A_581 = tpu.memref_slice %dma_wait3A_578[%dma_wait3A_579, %dma_wait3A_580] : memref<1024x9xf32, #tpu.memory_space<vmem>> -> memref<128x9xf32, #tpu.memory_space<vmem>>
      %dma_wait3A_582 = arith.constant 0 : i32
      %dma_wait3A_583 = arith.constant 0 : i32
      %dma_wait3A_584 = tpu.memref_slice %arg9[%and3A_373, %dma_wait3A_582, %dma_wait3A_583] : memref<2x8x128xi32, #tpu.memory_space<vmem>> -> memref<1x8x128xi32, #tpu.memory_space<vmem>>
      %dma_wait3A_585 = tpu.memref_squeeze %dma_wait3A_584 : memref<1x8x128xi32, #tpu.memory_space<vmem>> -> memref<8x128xi32, #tpu.memory_space<vmem>>
      %dma_wait3A_586 = arith.constant 0 : i32
      %dma_wait3A_587 = tpu.memref_slice %dma_wait3A_585[%dma_wait3A_574, %dma_wait3A_586] : memref<8x128xi32, #tpu.memory_space<vmem>> -> memref<1x128xi32, #tpu.memory_space<vmem>>
      %dma_wait3A_588 = tpu.memref_squeeze %dma_wait3A_587 : memref<1x128xi32, #tpu.memory_space<vmem>> -> memref<128xi32, #tpu.memory_space<vmem>>
      %dma_wait3A_589 = arith.constant 0 : i32
      %dma_wait3A_590 = arith.constant 0 : i32
      %dma_wait3A_591 = tpu.memref_slice %arg4[%dma_wait3A_589, %dma_wait3A_590] : memref<10000x9xf32, #tpu.memory_space<hbm>> -> memref<10000x9xf32, #tpu.memory_space<hbm>>
      tpu.wait_indirect_dma semaphore(%arg16 : memref<!tpu.dma_semaphore, #tpu.memory_space<semaphore_mem>>) src(%dma_wait3A_591 : memref<10000x9xf32, #tpu.memory_space<hbm>>) dst(%dma_wait3A_581 : memref<128x9xf32, #tpu.memory_space<vmem>>)
      %dma_wait3A_592 = arith.constant 6 : i32
      %dma_wait3A_593 = arith.constant 0 : i32
      %dma_wait3A_594 = arith.constant 0 : i32
      %dma_wait3A_595 = tpu.memref_slice %arg10[%and3A_373, %dma_wait3A_593, %dma_wait3A_594] : memref<2x1024x9xf32, #tpu.memory_space<vmem>> -> memref<1x1024x9xf32, #tpu.memory_space<vmem>>
      %dma_wait3A_596 = tpu.memref_squeeze %dma_wait3A_595 : memref<1x1024x9xf32, #tpu.memory_space<vmem>> -> memref<1024x9xf32, #tpu.memory_space<vmem>>
      %dma_wait3A_597 = arith.constant 768 : i32
      %dma_wait3A_598 = arith.constant 0 : i32
      %dma_wait3A_599 = tpu.memref_slice %dma_wait3A_596[%dma_wait3A_597, %dma_wait3A_598] : memref<1024x9xf32, #tpu.memory_space<vmem>> -> memref<128x9xf32, #tpu.memory_space<vmem>>
      %dma_wait3A_600 = arith.constant 0 : i32
      %dma_wait3A_601 = arith.constant 0 : i32
      %dma_wait3A_602 = tpu.memref_slice %arg8[%and3A_373, %dma_wait3A_600, %dma_wait3A_601] : memref<2x8x128xi32, #tpu.memory_space<vmem>> -> memref<1x8x128xi32, #tpu.memory_space<vmem>>
      %dma_wait3A_603 = tpu.memref_squeeze %dma_wait3A_602 : memref<1x8x128xi32, #tpu.memory_space<vmem>> -> memref<8x128xi32, #tpu.memory_space<vmem>>
      %dma_wait3A_604 = arith.constant 0 : i32
      %dma_wait3A_605 = tpu.memref_slice %dma_wait3A_603[%dma_wait3A_592, %dma_wait3A_604] : memref<8x128xi32, #tpu.memory_space<vmem>> -> memref<1x128xi32, #tpu.memory_space<vmem>>
      %dma_wait3A_606 = tpu.memref_squeeze %dma_wait3A_605 : memref<1x128xi32, #tpu.memory_space<vmem>> -> memref<128xi32, #tpu.memory_space<vmem>>
      %dma_wait3A_607 = arith.constant 0 : i32
      %dma_wait3A_608 = arith.constant 0 : i32
      %dma_wait3A_609 = tpu.memref_slice %arg3[%dma_wait3A_607, %dma_wait3A_608] : memref<10000x9xf32, #tpu.memory_space<hbm>> -> memref<10000x9xf32, #tpu.memory_space<hbm>>
      tpu.wait_indirect_dma semaphore(%arg16 : memref<!tpu.dma_semaphore, #tpu.memory_space<semaphore_mem>>) src(%dma_wait3A_609 : memref<10000x9xf32, #tpu.memory_space<hbm>>) dst(%dma_wait3A_599 : memref<128x9xf32, #tpu.memory_space<vmem>>)
      %dma_wait3A_610 = arith.constant 6 : i32
      %dma_wait3A_611 = arith.constant 0 : i32
      %dma_wait3A_612 = arith.constant 0 : i32
      %dma_wait3A_613 = tpu.memref_slice %arg11[%and3A_373, %dma_wait3A_611, %dma_wait3A_612] : memref<2x1024x9xf32, #tpu.memory_space<vmem>> -> memref<1x1024x9xf32, #tpu.memory_space<vmem>>
      %dma_wait3A_614 = tpu.memref_squeeze %dma_wait3A_613 : memref<1x1024x9xf32, #tpu.memory_space<vmem>> -> memref<1024x9xf32, #tpu.memory_space<vmem>>
      %dma_wait3A_615 = arith.constant 768 : i32
      %dma_wait3A_616 = arith.constant 0 : i32
      %dma_wait3A_617 = tpu.memref_slice %dma_wait3A_614[%dma_wait3A_615, %dma_wait3A_616] : memref<1024x9xf32, #tpu.memory_space<vmem>> -> memref<128x9xf32, #tpu.memory_space<vmem>>
      %dma_wait3A_618 = arith.constant 0 : i32
      %dma_wait3A_619 = arith.constant 0 : i32
      %dma_wait3A_620 = tpu.memref_slice %arg9[%and3A_373, %dma_wait3A_618, %dma_wait3A_619] : memref<2x8x128xi32, #tpu.memory_space<vmem>> -> memref<1x8x128xi32, #tpu.memory_space<vmem>>
      %dma_wait3A_621 = tpu.memref_squeeze %dma_wait3A_620 : memref<1x8x128xi32, #tpu.memory_space<vmem>> -> memref<8x128xi32, #tpu.memory_space<vmem>>
      %dma_wait3A_622 = arith.constant 0 : i32
      %dma_wait3A_623 = tpu.memref_slice %dma_wait3A_621[%dma_wait3A_610, %dma_wait3A_622] : memref<8x128xi32, #tpu.memory_space<vmem>> -> memref<1x128xi32, #tpu.memory_space<vmem>>
      %dma_wait3A_624 = tpu.memref_squeeze %dma_wait3A_623 : memref<1x128xi32, #tpu.memory_space<vmem>> -> memref<128xi32, #tpu.memory_space<vmem>>
      %dma_wait3A_625 = arith.constant 0 : i32
      %dma_wait3A_626 = arith.constant 0 : i32
      %dma_wait3A_627 = tpu.memref_slice %arg4[%dma_wait3A_625, %dma_wait3A_626] : memref<10000x9xf32, #tpu.memory_space<hbm>> -> memref<10000x9xf32, #tpu.memory_space<hbm>>
      tpu.wait_indirect_dma semaphore(%arg16 : memref<!tpu.dma_semaphore, #tpu.memory_space<semaphore_mem>>) src(%dma_wait3A_627 : memref<10000x9xf32, #tpu.memory_space<hbm>>) dst(%dma_wait3A_617 : memref<128x9xf32, #tpu.memory_space<vmem>>)
      %dma_wait3A_628 = arith.constant 7 : i32
      %dma_wait3A_629 = arith.constant 0 : i32
      %dma_wait3A_630 = arith.constant 0 : i32
      %dma_wait3A_631 = tpu.memref_slice %arg10[%and3A_373, %dma_wait3A_629, %dma_wait3A_630] : memref<2x1024x9xf32, #tpu.memory_space<vmem>> -> memref<1x1024x9xf32, #tpu.memory_space<vmem>>
      %dma_wait3A_632 = tpu.memref_squeeze %dma_wait3A_631 : memref<1x1024x9xf32, #tpu.memory_space<vmem>> -> memref<1024x9xf32, #tpu.memory_space<vmem>>
      %dma_wait3A_633 = arith.constant 896 : i32
      %dma_wait3A_634 = arith.constant 0 : i32
      %dma_wait3A_635 = tpu.memref_slice %dma_wait3A_632[%dma_wait3A_633, %dma_wait3A_634] : memref<1024x9xf32, #tpu.memory_space<vmem>> -> memref<128x9xf32, #tpu.memory_space<vmem>>
      %dma_wait3A_636 = arith.constant 0 : i32
      %dma_wait3A_637 = arith.constant 0 : i32
      %dma_wait3A_638 = tpu.memref_slice %arg8[%and3A_373, %dma_wait3A_636, %dma_wait3A_637] : memref<2x8x128xi32, #tpu.memory_space<vmem>> -> memref<1x8x128xi32, #tpu.memory_space<vmem>>
      %dma_wait3A_639 = tpu.memref_squeeze %dma_wait3A_638 : memref<1x8x128xi32, #tpu.memory_space<vmem>> -> memref<8x128xi32, #tpu.memory_space<vmem>>
      %dma_wait3A_640 = arith.constant 0 : i32
      %dma_wait3A_641 = tpu.memref_slice %dma_wait3A_639[%dma_wait3A_628, %dma_wait3A_640] : memref<8x128xi32, #tpu.memory_space<vmem>> -> memref<1x128xi32, #tpu.memory_space<vmem>>
      %dma_wait3A_642 = tpu.memref_squeeze %dma_wait3A_641 : memref<1x128xi32, #tpu.memory_space<vmem>> -> memref<128xi32, #tpu.memory_space<vmem>>
      %dma_wait3A_643 = arith.constant 0 : i32
      %dma_wait3A_644 = arith.constant 0 : i32
      %dma_wait3A_645 = tpu.memref_slice %arg3[%dma_wait3A_643, %dma_wait3A_644] : memref<10000x9xf32, #tpu.memory_space<hbm>> -> memref<10000x9xf32, #tpu.memory_space<hbm>>
      tpu.wait_indirect_dma semaphore(%arg16 : memref<!tpu.dma_semaphore, #tpu.memory_space<semaphore_mem>>) src(%dma_wait3A_645 : memref<10000x9xf32, #tpu.memory_space<hbm>>) dst(%dma_wait3A_635 : memref<128x9xf32, #tpu.memory_space<vmem>>)
      %dma_wait3A_646 = arith.constant 7 : i32
      %dma_wait3A_647 = arith.constant 0 : i32
      %dma_wait3A_648 = arith.constant 0 : i32
      %dma_wait3A_649 = tpu.memref_slice %arg11[%and3A_373, %dma_wait3A_647, %dma_wait3A_648] : memref<2x1024x9xf32, #tpu.memory_space<vmem>> -> memref<1x1024x9xf32, #tpu.memory_space<vmem>>
      %dma_wait3A_650 = tpu.memref_squeeze %dma_wait3A_649 : memref<1x1024x9xf32, #tpu.memory_space<vmem>> -> memref<1024x9xf32, #tpu.memory_space<vmem>>
      %dma_wait3A_651 = arith.constant 896 : i32
      %dma_wait3A_652 = arith.constant 0 : i32
      %dma_wait3A_653 = tpu.memref_slice %dma_wait3A_650[%dma_wait3A_651, %dma_wait3A_652] : memref<1024x9xf32, #tpu.memory_space<vmem>> -> memref<128x9xf32, #tpu.memory_space<vmem>>
      %dma_wait3A_654 = arith.constant 0 : i32
      %dma_wait3A_655 = arith.constant 0 : i32
      %dma_wait3A_656 = tpu.memref_slice %arg9[%and3A_373, %dma_wait3A_654, %dma_wait3A_655] : memref<2x8x128xi32, #tpu.memory_space<vmem>> -> memref<1x8x128xi32, #tpu.memory_space<vmem>>
      %dma_wait3A_657 = tpu.memref_squeeze %dma_wait3A_656 : memref<1x8x128xi32, #tpu.memory_space<vmem>> -> memref<8x128xi32, #tpu.memory_space<vmem>>
      %dma_wait3A_658 = arith.constant 0 : i32
      %dma_wait3A_659 = tpu.memref_slice %dma_wait3A_657[%dma_wait3A_646, %dma_wait3A_658] : memref<8x128xi32, #tpu.memory_space<vmem>> -> memref<1x128xi32, #tpu.memory_space<vmem>>
      %dma_wait3A_660 = tpu.memref_squeeze %dma_wait3A_659 : memref<1x128xi32, #tpu.memory_space<vmem>> -> memref<128xi32, #tpu.memory_space<vmem>>
      %dma_wait3A_661 = arith.constant 0 : i32
      %dma_wait3A_662 = arith.constant 0 : i32
      %dma_wait3A_663 = tpu.memref_slice %arg4[%dma_wait3A_661, %dma_wait3A_662] : memref<10000x9xf32, #tpu.memory_space<hbm>> -> memref<10000x9xf32, #tpu.memory_space<hbm>>
      tpu.wait_indirect_dma semaphore(%arg16 : memref<!tpu.dma_semaphore, #tpu.memory_space<semaphore_mem>>) src(%dma_wait3A_663 : memref<10000x9xf32, #tpu.memory_space<hbm>>) dst(%dma_wait3A_653 : memref<128x9xf32, #tpu.memory_space<vmem>>)
      %dma_start3A_664 = arith.constant 0 : i32
      %dma_start3A_665 = arith.constant 0 : i32
      %dma_start3A_666 = arith.constant 0 : i32
      %dma_start3A_667 = tpu.memref_slice %arg12[%dma_start3A_665, %dma_start3A_666] : memref<1024x32xf32, #tpu.memory_space<vmem>> -> memref<128x32xf32, #tpu.memory_space<vmem>>
      %dma_start3A_668 = arith.constant 0 : i32
      %dma_start3A_669 = arith.constant 0 : i32
      %dma_start3A_670 = tpu.memref_slice %arg8[%and3A_373, %dma_start3A_668, %dma_start3A_669] : memref<2x8x128xi32, #tpu.memory_space<vmem>> -> memref<1x8x128xi32, #tpu.memory_space<vmem>>
      %dma_start3A_671 = tpu.memref_squeeze %dma_start3A_670 : memref<1x8x128xi32, #tpu.memory_space<vmem>> -> memref<8x128xi32, #tpu.memory_space<vmem>>
      %dma_start3A_672 = arith.constant 0 : i32
      %dma_start3A_673 = tpu.memref_slice %dma_start3A_671[%dma_start3A_664, %dma_start3A_672] : memref<8x128xi32, #tpu.memory_space<vmem>> -> memref<1x128xi32, #tpu.memory_space<vmem>>
      %dma_start3A_674 = tpu.memref_squeeze %dma_start3A_673 : memref<1x128xi32, #tpu.memory_space<vmem>> -> memref<128xi32, #tpu.memory_space<vmem>>
      %dma_start3A_675 = arith.constant 0 : i32
      %dma_start3A_676 = arith.constant 0 : i32
      %dma_start3A_677 = tpu.memref_slice %arg5[%dma_start3A_675, %dma_start3A_676] : memref<10000x32xf32, #tpu.memory_space<hbm>> -> memref<10000x32xf32, #tpu.memory_space<hbm>>
      tpu.enqueue_indirect_dma source(%dma_start3A_677 : memref<10000x32xf32, #tpu.memory_space<hbm>>) target(%dma_start3A_667 : memref<128x32xf32, #tpu.memory_space<vmem>>) offsets(%dma_start3A_674 : memref<128xi32, #tpu.memory_space<vmem>>) semaphore(%arg18 : memref<!tpu.dma_semaphore, #tpu.memory_space<semaphore_mem>>)
      %dma_start3A_678 = arith.constant 1 : i32
      %dma_start3A_679 = arith.constant 128 : i32
      %dma_start3A_680 = arith.constant 0 : i32
      %dma_start3A_681 = tpu.memref_slice %arg12[%dma_start3A_679, %dma_start3A_680] : memref<1024x32xf32, #tpu.memory_space<vmem>> -> memref<128x32xf32, #tpu.memory_space<vmem>>
      %dma_start3A_682 = arith.constant 0 : i32
      %dma_start3A_683 = arith.constant 0 : i32
      %dma_start3A_684 = tpu.memref_slice %arg8[%and3A_373, %dma_start3A_682, %dma_start3A_683] : memref<2x8x128xi32, #tpu.memory_space<vmem>> -> memref<1x8x128xi32, #tpu.memory_space<vmem>>
      %dma_start3A_685 = tpu.memref_squeeze %dma_start3A_684 : memref<1x8x128xi32, #tpu.memory_space<vmem>> -> memref<8x128xi32, #tpu.memory_space<vmem>>
      %dma_start3A_686 = arith.constant 0 : i32
      %dma_start3A_687 = tpu.memref_slice %dma_start3A_685[%dma_start3A_678, %dma_start3A_686] : memref<8x128xi32, #tpu.memory_space<vmem>> -> memref<1x128xi32, #tpu.memory_space<vmem>>
      %dma_start3A_688 = tpu.memref_squeeze %dma_start3A_687 : memref<1x128xi32, #tpu.memory_space<vmem>> -> memref<128xi32, #tpu.memory_space<vmem>>
      %dma_start3A_689 = arith.constant 0 : i32
      %dma_start3A_690 = arith.constant 0 : i32
      %dma_start3A_691 = tpu.memref_slice %arg5[%dma_start3A_689, %dma_start3A_690] : memref<10000x32xf32, #tpu.memory_space<hbm>> -> memref<10000x32xf32, #tpu.memory_space<hbm>>
      tpu.enqueue_indirect_dma source(%dma_start3A_691 : memref<10000x32xf32, #tpu.memory_space<hbm>>) target(%dma_start3A_681 : memref<128x32xf32, #tpu.memory_space<vmem>>) offsets(%dma_start3A_688 : memref<128xi32, #tpu.memory_space<vmem>>) semaphore(%arg18 : memref<!tpu.dma_semaphore, #tpu.memory_space<semaphore_mem>>)
      %dma_start3A_692 = arith.constant 2 : i32
      %dma_start3A_693 = arith.constant 256 : i32
      %dma_start3A_694 = arith.constant 0 : i32
      %dma_start3A_695 = tpu.memref_slice %arg12[%dma_start3A_693, %dma_start3A_694] : memref<1024x32xf32, #tpu.memory_space<vmem>> -> memref<128x32xf32, #tpu.memory_space<vmem>>
      %dma_start3A_696 = arith.constant 0 : i32
      %dma_start3A_697 = arith.constant 0 : i32
      %dma_start3A_698 = tpu.memref_slice %arg8[%and3A_373, %dma_start3A_696, %dma_start3A_697] : memref<2x8x128xi32, #tpu.memory_space<vmem>> -> memref<1x8x128xi32, #tpu.memory_space<vmem>>
      %dma_start3A_699 = tpu.memref_squeeze %dma_start3A_698 : memref<1x8x128xi32, #tpu.memory_space<vmem>> -> memref<8x128xi32, #tpu.memory_space<vmem>>
      %dma_start3A_700 = arith.constant 0 : i32
      %dma_start3A_701 = tpu.memref_slice %dma_start3A_699[%dma_start3A_692, %dma_start3A_700] : memref<8x128xi32, #tpu.memory_space<vmem>> -> memref<1x128xi32, #tpu.memory_space<vmem>>
      %dma_start3A_702 = tpu.memref_squeeze %dma_start3A_701 : memref<1x128xi32, #tpu.memory_space<vmem>> -> memref<128xi32, #tpu.memory_space<vmem>>
      %dma_start3A_703 = arith.constant 0 : i32
      %dma_start3A_704 = arith.constant 0 : i32
      %dma_start3A_705 = tpu.memref_slice %arg5[%dma_start3A_703, %dma_start3A_704] : memref<10000x32xf32, #tpu.memory_space<hbm>> -> memref<10000x32xf32, #tpu.memory_space<hbm>>
      tpu.enqueue_indirect_dma source(%dma_start3A_705 : memref<10000x32xf32, #tpu.memory_space<hbm>>) target(%dma_start3A_695 : memref<128x32xf32, #tpu.memory_space<vmem>>) offsets(%dma_start3A_702 : memref<128xi32, #tpu.memory_space<vmem>>) semaphore(%arg18 : memref<!tpu.dma_semaphore, #tpu.memory_space<semaphore_mem>>)
      %dma_start3A_706 = arith.constant 3 : i32
      %dma_start3A_707 = arith.constant 384 : i32
      %dma_start3A_708 = arith.constant 0 : i32
      %dma_start3A_709 = tpu.memref_slice %arg12[%dma_start3A_707, %dma_start3A_708] : memref<1024x32xf32, #tpu.memory_space<vmem>> -> memref<128x32xf32, #tpu.memory_space<vmem>>
      %dma_start3A_710 = arith.constant 0 : i32
      %dma_start3A_711 = arith.constant 0 : i32
      %dma_start3A_712 = tpu.memref_slice %arg8[%and3A_373, %dma_start3A_710, %dma_start3A_711] : memref<2x8x128xi32, #tpu.memory_space<vmem>> -> memref<1x8x128xi32, #tpu.memory_space<vmem>>
      %dma_start3A_713 = tpu.memref_squeeze %dma_start3A_712 : memref<1x8x128xi32, #tpu.memory_space<vmem>> -> memref<8x128xi32, #tpu.memory_space<vmem>>
      %dma_start3A_714 = arith.constant 0 : i32
      %dma_start3A_715 = tpu.memref_slice %dma_start3A_713[%dma_start3A_706, %dma_start3A_714] : memref<8x128xi32, #tpu.memory_space<vmem>> -> memref<1x128xi32, #tpu.memory_space<vmem>>
      %dma_start3A_716 = tpu.memref_squeeze %dma_start3A_715 : memref<1x128xi32, #tpu.memory_space<vmem>> -> memref<128xi32, #tpu.memory_space<vmem>>
      %dma_start3A_717 = arith.constant 0 : i32
      %dma_start3A_718 = arith.constant 0 : i32
      %dma_start3A_719 = tpu.memref_slice %arg5[%dma_start3A_717, %dma_start3A_718] : memref<10000x32xf32, #tpu.memory_space<hbm>> -> memref<10000x32xf32, #tpu.memory_space<hbm>>
      tpu.enqueue_indirect_dma source(%dma_start3A_719 : memref<10000x32xf32, #tpu.memory_space<hbm>>) target(%dma_start3A_709 : memref<128x32xf32, #tpu.memory_space<vmem>>) offsets(%dma_start3A_716 : memref<128xi32, #tpu.memory_space<vmem>>) semaphore(%arg18 : memref<!tpu.dma_semaphore, #tpu.memory_space<semaphore_mem>>)
      %dma_start3A_720 = arith.constant 4 : i32
      %dma_start3A_721 = arith.constant 512 : i32
      %dma_start3A_722 = arith.constant 0 : i32
      %dma_start3A_723 = tpu.memref_slice %arg12[%dma_start3A_721, %dma_start3A_722] : memref<1024x32xf32, #tpu.memory_space<vmem>> -> memref<128x32xf32, #tpu.memory_space<vmem>>
      %dma_start3A_724 = arith.constant 0 : i32
      %dma_start3A_725 = arith.constant 0 : i32
      %dma_start3A_726 = tpu.memref_slice %arg8[%and3A_373, %dma_start3A_724, %dma_start3A_725] : memref<2x8x128xi32, #tpu.memory_space<vmem>> -> memref<1x8x128xi32, #tpu.memory_space<vmem>>
      %dma_start3A_727 = tpu.memref_squeeze %dma_start3A_726 : memref<1x8x128xi32, #tpu.memory_space<vmem>> -> memref<8x128xi32, #tpu.memory_space<vmem>>
      %dma_start3A_728 = arith.constant 0 : i32
      %dma_start3A_729 = tpu.memref_slice %dma_start3A_727[%dma_start3A_720, %dma_start3A_728] : memref<8x128xi32, #tpu.memory_space<vmem>> -> memref<1x128xi32, #tpu.memory_space<vmem>>
      %dma_start3A_730 = tpu.memref_squeeze %dma_start3A_729 : memref<1x128xi32, #tpu.memory_space<vmem>> -> memref<128xi32, #tpu.memory_space<vmem>>
      %dma_start3A_731 = arith.constant 0 : i32
      %dma_start3A_732 = arith.constant 0 : i32
      %dma_start3A_733 = tpu.memref_slice %arg5[%dma_start3A_731, %dma_start3A_732] : memref<10000x32xf32, #tpu.memory_space<hbm>> -> memref<10000x32xf32, #tpu.memory_space<hbm>>
      tpu.enqueue_indirect_dma source(%dma_start3A_733 : memref<10000x32xf32, #tpu.memory_space<hbm>>) target(%dma_start3A_723 : memref<128x32xf32, #tpu.memory_space<vmem>>) offsets(%dma_start3A_730 : memref<128xi32, #tpu.memory_space<vmem>>) semaphore(%arg18 : memref<!tpu.dma_semaphore, #tpu.memory_space<semaphore_mem>>)
      %dma_start3A_734 = arith.constant 5 : i32
      %dma_start3A_735 = arith.constant 640 : i32
      %dma_start3A_736 = arith.constant 0 : i32
      %dma_start3A_737 = tpu.memref_slice %arg12[%dma_start3A_735, %dma_start3A_736] : memref<1024x32xf32, #tpu.memory_space<vmem>> -> memref<128x32xf32, #tpu.memory_space<vmem>>
      %dma_start3A_738 = arith.constant 0 : i32
      %dma_start3A_739 = arith.constant 0 : i32
      %dma_start3A_740 = tpu.memref_slice %arg8[%and3A_373, %dma_start3A_738, %dma_start3A_739] : memref<2x8x128xi32, #tpu.memory_space<vmem>> -> memref<1x8x128xi32, #tpu.memory_space<vmem>>
      %dma_start3A_741 = tpu.memref_squeeze %dma_start3A_740 : memref<1x8x128xi32, #tpu.memory_space<vmem>> -> memref<8x128xi32, #tpu.memory_space<vmem>>
      %dma_start3A_742 = arith.constant 0 : i32
      %dma_start3A_743 = tpu.memref_slice %dma_start3A_741[%dma_start3A_734, %dma_start3A_742] : memref<8x128xi32, #tpu.memory_space<vmem>> -> memref<1x128xi32, #tpu.memory_space<vmem>>
      %dma_start3A_744 = tpu.memref_squeeze %dma_start3A_743 : memref<1x128xi32, #tpu.memory_space<vmem>> -> memref<128xi32, #tpu.memory_space<vmem>>
      %dma_start3A_745 = arith.constant 0 : i32
      %dma_start3A_746 = arith.constant 0 : i32
      %dma_start3A_747 = tpu.memref_slice %arg5[%dma_start3A_745, %dma_start3A_746] : memref<10000x32xf32, #tpu.memory_space<hbm>> -> memref<10000x32xf32, #tpu.memory_space<hbm>>
      tpu.enqueue_indirect_dma source(%dma_start3A_747 : memref<10000x32xf32, #tpu.memory_space<hbm>>) target(%dma_start3A_737 : memref<128x32xf32, #tpu.memory_space<vmem>>) offsets(%dma_start3A_744 : memref<128xi32, #tpu.memory_space<vmem>>) semaphore(%arg18 : memref<!tpu.dma_semaphore, #tpu.memory_space<semaphore_mem>>)
      %dma_start3A_748 = arith.constant 6 : i32
      %dma_start3A_749 = arith.constant 768 : i32
      %dma_start3A_750 = arith.constant 0 : i32
      %dma_start3A_751 = tpu.memref_slice %arg12[%dma_start3A_749, %dma_start3A_750] : memref<1024x32xf32, #tpu.memory_space<vmem>> -> memref<128x32xf32, #tpu.memory_space<vmem>>
      %dma_start3A_752 = arith.constant 0 : i32
      %dma_start3A_753 = arith.constant 0 : i32
      %dma_start3A_754 = tpu.memref_slice %arg8[%and3A_373, %dma_start3A_752, %dma_start3A_753] : memref<2x8x128xi32, #tpu.memory_space<vmem>> -> memref<1x8x128xi32, #tpu.memory_space<vmem>>
      %dma_start3A_755 = tpu.memref_squeeze %dma_start3A_754 : memref<1x8x128xi32, #tpu.memory_space<vmem>> -> memref<8x128xi32, #tpu.memory_space<vmem>>
      %dma_start3A_756 = arith.constant 0 : i32
      %dma_start3A_757 = tpu.memref_slice %dma_start3A_755[%dma_start3A_748, %dma_start3A_756] : memref<8x128xi32, #tpu.memory_space<vmem>> -> memref<1x128xi32, #tpu.memory_space<vmem>>
      %dma_start3A_758 = tpu.memref_squeeze %dma_start3A_757 : memref<1x128xi32, #tpu.memory_space<vmem>> -> memref<128xi32, #tpu.memory_space<vmem>>
      %dma_start3A_759 = arith.constant 0 : i32
      %dma_start3A_760 = arith.constant 0 : i32
      %dma_start3A_761 = tpu.memref_slice %arg5[%dma_start3A_759, %dma_start3A_760] : memref<10000x32xf32, #tpu.memory_space<hbm>> -> memref<10000x32xf32, #tpu.memory_space<hbm>>
      tpu.enqueue_indirect_dma source(%dma_start3A_761 : memref<10000x32xf32, #tpu.memory_space<hbm>>) target(%dma_start3A_751 : memref<128x32xf32, #tpu.memory_space<vmem>>) offsets(%dma_start3A_758 : memref<128xi32, #tpu.memory_space<vmem>>) semaphore(%arg18 : memref<!tpu.dma_semaphore, #tpu.memory_space<semaphore_mem>>)
      %dma_start3A_762 = arith.constant 7 : i32
      %dma_start3A_763 = arith.constant 896 : i32
      %dma_start3A_764 = arith.constant 0 : i32
      %dma_start3A_765 = tpu.memref_slice %arg12[%dma_start3A_763, %dma_start3A_764] : memref<1024x32xf32, #tpu.memory_space<vmem>> -> memref<128x32xf32, #tpu.memory_space<vmem>>
      %dma_start3A_766 = arith.constant 0 : i32
      %dma_start3A_767 = arith.constant 0 : i32
      %dma_start3A_768 = tpu.memref_slice %arg8[%and3A_373, %dma_start3A_766, %dma_start3A_767] : memref<2x8x128xi32, #tpu.memory_space<vmem>> -> memref<1x8x128xi32, #tpu.memory_space<vmem>>
      %dma_start3A_769 = tpu.memref_squeeze %dma_start3A_768 : memref<1x8x128xi32, #tpu.memory_space<vmem>> -> memref<8x128xi32, #tpu.memory_space<vmem>>
      %dma_start3A_770 = arith.constant 0 : i32
      %dma_start3A_771 = tpu.memref_slice %dma_start3A_769[%dma_start3A_762, %dma_start3A_770] : memref<8x128xi32, #tpu.memory_space<vmem>> -> memref<1x128xi32, #tpu.memory_space<vmem>>
      %dma_start3A_772 = tpu.memref_squeeze %dma_start3A_771 : memref<1x128xi32, #tpu.memory_space<vmem>> -> memref<128xi32, #tpu.memory_space<vmem>>
      %dma_start3A_773 = arith.constant 0 : i32
      %dma_start3A_774 = arith.constant 0 : i32
      %dma_start3A_775 = tpu.memref_slice %arg5[%dma_start3A_773, %dma_start3A_774] : memref<10000x32xf32, #tpu.memory_space<hbm>> -> memref<10000x32xf32, #tpu.memory_space<hbm>>
      tpu.enqueue_indirect_dma source(%dma_start3A_775 : memref<10000x32xf32, #tpu.memory_space<hbm>>) target(%dma_start3A_765 : memref<128x32xf32, #tpu.memory_space<vmem>>) offsets(%dma_start3A_772 : memref<128xi32, #tpu.memory_space<vmem>>) semaphore(%arg18 : memref<!tpu.dma_semaphore, #tpu.memory_space<semaphore_mem>>)
      %add3A_776 = arith.constant 1 : i32
      %add3A_777 = arith.addi %scan3A_372, %add3A_776 : i32
      %lt3A = arith.constant 10 : i32
      %lt3A_778 = arith.cmpi slt, %add3A_777, %lt3A : i32
      %convert_element_type3A = arith.extui %lt3A_778 : i1 to i32
      %cond3A = arith.constant 0 : i32
      %cond3A_779 = arith.cmpi ne, %convert_element_type3A, %cond3A : i32
      scf.if %cond3A_779 {
        %add3A_907 = arith.constant 1 : i32
        %add3A_908 = arith.addi %scan3A_372, %add3A_907 : i32
        %sub3A = arith.constant 1 : i32
        %sub3A_909 = arith.subi %sub3A, %and3A_373 : i32
        %mul3A_910 = arith.constant 8 : i32
        %mul3A_911 = arith.muli %add3A_908, %mul3A_910 : i32
        %add3A_912 = arith.addi %mul3A_31, %mul3A_911 : i32
        %run_scoped3A_913 = arith.constant 0 : i32
        "tpu.region"() ({
          %run_scoped3A_1203 = tpu.sem_alloc : memref<!tpu.dma_semaphore, #tpu.memory_space<semaphore_mem>>
          %dma_start3A_1204 = arith.constant 0 : i32
          %dma_start3A_1205 = arith.constant 0 : i32
          %dma_start3A_1206 = tpu.memref_slice %arg8[%sub3A_909, %dma_start3A_1204, %dma_start3A_1205] : memref<2x8x128xi32, #tpu.memory_space<vmem>> -> memref<1x8x128xi32, #tpu.memory_space<vmem>>
          %dma_start3A_1207 = tpu.memref_squeeze %dma_start3A_1206 : memref<1x8x128xi32, #tpu.memory_space<vmem>> -> memref<8x128xi32, #tpu.memory_space<vmem>>
          %dma_start3A_1208 = arith.constant 0 : i32
          %dma_start3A_1209 = tpu.memref_slice %arg2[%run_scoped3A_913, %add3A_912, %dma_start3A_1208] : memref<2x2536x128xi32, #tpu.memory_space<hbm>> -> memref<1x8x128xi32, #tpu.memory_space<hbm>>
          %dma_start3A_1210 = tpu.memref_squeeze %dma_start3A_1209 : memref<1x8x128xi32, #tpu.memory_space<hbm>> -> memref<8x128xi32, #tpu.memory_space<hbm>>
          %dma_start3A_1211 = arith.constant 0 : i32
          %dma_start3A_1212 = arith.constant 0 : i32
          %dma_start3A_1213 = tpu.memref_slice %arg8[%sub3A_909, %dma_start3A_1211, %dma_start3A_1212] : memref<2x8x128xi32, #tpu.memory_space<vmem>> -> memref<1x8x128xi32, #tpu.memory_space<vmem>>
          %dma_start3A_1214 = tpu.memref_squeeze %dma_start3A_1213 : memref<1x8x128xi32, #tpu.memory_space<vmem>> -> memref<8x128xi32, #tpu.memory_space<vmem>>
          %dma_start3A_1215 = arith.constant 0 : i32
          %dma_start3A_1216 = tpu.memref_slice %arg2[%run_scoped3A_913, %add3A_912, %dma_start3A_1215] : memref<2x2536x128xi32, #tpu.memory_space<hbm>> -> memref<1x8x128xi32, #tpu.memory_space<hbm>>
          %dma_start3A_1217 = tpu.memref_squeeze %dma_start3A_1216 : memref<1x8x128xi32, #tpu.memory_space<hbm>> -> memref<8x128xi32, #tpu.memory_space<hbm>>
          tpu.enqueue_dma source(%dma_start3A_1217 : memref<8x128xi32, #tpu.memory_space<hbm>>) target(%dma_start3A_1214 : memref<8x128xi32, #tpu.memory_space<vmem>>) target_semaphore(%run_scoped3A_1203 : memref<!tpu.dma_semaphore, #tpu.memory_space<semaphore_mem>>)
          %dma_wait3A_1218 = arith.constant 0 : i32
          %dma_wait3A_1219 = arith.constant 0 : i32
          %dma_wait3A_1220 = tpu.memref_slice %arg8[%sub3A_909, %dma_wait3A_1218, %dma_wait3A_1219] : memref<2x8x128xi32, #tpu.memory_space<vmem>> -> memref<1x8x128xi32, #tpu.memory_space<vmem>>
          %dma_wait3A_1221 = tpu.memref_squeeze %dma_wait3A_1220 : memref<1x8x128xi32, #tpu.memory_space<vmem>> -> memref<8x128xi32, #tpu.memory_space<vmem>>
          %dma_wait3A_1222 = arith.constant 0 : i32
          %dma_wait3A_1223 = tpu.memref_slice %arg2[%run_scoped3A_913, %add3A_912, %dma_wait3A_1222] : memref<2x2536x128xi32, #tpu.memory_space<hbm>> -> memref<1x8x128xi32, #tpu.memory_space<hbm>>
          %dma_wait3A_1224 = tpu.memref_squeeze %dma_wait3A_1223 : memref<1x8x128xi32, #tpu.memory_space<hbm>> -> memref<8x128xi32, #tpu.memory_space<hbm>>
          %dma_wait3A_1225 = arith.constant 0 : i32
          %dma_wait3A_1226 = arith.constant 0 : i32
          %dma_wait3A_1227 = tpu.memref_slice %arg8[%sub3A_909, %dma_wait3A_1225, %dma_wait3A_1226] : memref<2x8x128xi32, #tpu.memory_space<vmem>> -> memref<1x8x128xi32, #tpu.memory_space<vmem>>
          %dma_wait3A_1228 = tpu.memref_squeeze %dma_wait3A_1227 : memref<1x8x128xi32, #tpu.memory_space<vmem>> -> memref<8x128xi32, #tpu.memory_space<vmem>>
          %dma_wait3A_1229 = arith.constant 0 : i32
          %dma_wait3A_1230 = tpu.memref_slice %arg2[%run_scoped3A_913, %add3A_912, %dma_wait3A_1229] : memref<2x2536x128xi32, #tpu.memory_space<hbm>> -> memref<1x8x128xi32, #tpu.memory_space<hbm>>
          %dma_wait3A_1231 = tpu.memref_squeeze %dma_wait3A_1230 : memref<1x8x128xi32, #tpu.memory_space<hbm>> -> memref<8x128xi32, #tpu.memory_space<hbm>>
          tpu.wait_dma2 semaphore(%run_scoped3A_1203 : memref<!tpu.dma_semaphore, #tpu.memory_space<semaphore_mem>>) src(%dma_wait3A_1231 : memref<8x128xi32, #tpu.memory_space<hbm>>) dst(%dma_wait3A_1228 : memref<8x128xi32, #tpu.memory_space<vmem>>)
          tpu.yield
        }) : () -> ()
        %run_scoped3A_914 = arith.constant 1 : i32
        "tpu.region"() ({
          %run_scoped3A_1203 = tpu.sem_alloc : memref<!tpu.dma_semaphore, #tpu.memory_space<semaphore_mem>>
          %dma_start3A_1204 = arith.constant 0 : i32
          %dma_start3A_1205 = arith.constant 0 : i32
          %dma_start3A_1206 = tpu.memref_slice %arg9[%sub3A_909, %dma_start3A_1204, %dma_start3A_1205] : memref<2x8x128xi32, #tpu.memory_space<vmem>> -> memref<1x8x128xi32, #tpu.memory_space<vmem>>
          %dma_start3A_1207 = tpu.memref_squeeze %dma_start3A_1206 : memref<1x8x128xi32, #tpu.memory_space<vmem>> -> memref<8x128xi32, #tpu.memory_space<vmem>>
          %dma_start3A_1208 = arith.constant 0 : i32
          %dma_start3A_1209 = tpu.memref_slice %arg2[%run_scoped3A_914, %add3A_912, %dma_start3A_1208] : memref<2x2536x128xi32, #tpu.memory_space<hbm>> -> memref<1x8x128xi32, #tpu.memory_space<hbm>>
          %dma_start3A_1210 = tpu.memref_squeeze %dma_start3A_1209 : memref<1x8x128xi32, #tpu.memory_space<hbm>> -> memref<8x128xi32, #tpu.memory_space<hbm>>
          %dma_start3A_1211 = arith.constant 0 : i32
          %dma_start3A_1212 = arith.constant 0 : i32
          %dma_start3A_1213 = tpu.memref_slice %arg9[%sub3A_909, %dma_start3A_1211, %dma_start3A_1212] : memref<2x8x128xi32, #tpu.memory_space<vmem>> -> memref<1x8x128xi32, #tpu.memory_space<vmem>>
          %dma_start3A_1214 = tpu.memref_squeeze %dma_start3A_1213 : memref<1x8x128xi32, #tpu.memory_space<vmem>> -> memref<8x128xi32, #tpu.memory_space<vmem>>
          %dma_start3A_1215 = arith.constant 0 : i32
          %dma_start3A_1216 = tpu.memref_slice %arg2[%run_scoped3A_914, %add3A_912, %dma_start3A_1215] : memref<2x2536x128xi32, #tpu.memory_space<hbm>> -> memref<1x8x128xi32, #tpu.memory_space<hbm>>
          %dma_start3A_1217 = tpu.memref_squeeze %dma_start3A_1216 : memref<1x8x128xi32, #tpu.memory_space<hbm>> -> memref<8x128xi32, #tpu.memory_space<hbm>>
          tpu.enqueue_dma source(%dma_start3A_1217 : memref<8x128xi32, #tpu.memory_space<hbm>>) target(%dma_start3A_1214 : memref<8x128xi32, #tpu.memory_space<vmem>>) target_semaphore(%run_scoped3A_1203 : memref<!tpu.dma_semaphore, #tpu.memory_space<semaphore_mem>>)
          %dma_wait3A_1218 = arith.constant 0 : i32
          %dma_wait3A_1219 = arith.constant 0 : i32
          %dma_wait3A_1220 = tpu.memref_slice %arg9[%sub3A_909, %dma_wait3A_1218, %dma_wait3A_1219] : memref<2x8x128xi32, #tpu.memory_space<vmem>> -> memref<1x8x128xi32, #tpu.memory_space<vmem>>
          %dma_wait3A_1221 = tpu.memref_squeeze %dma_wait3A_1220 : memref<1x8x128xi32, #tpu.memory_space<vmem>> -> memref<8x128xi32, #tpu.memory_space<vmem>>
          %dma_wait3A_1222 = arith.constant 0 : i32
          %dma_wait3A_1223 = tpu.memref_slice %arg2[%run_scoped3A_914, %add3A_912, %dma_wait3A_1222] : memref<2x2536x128xi32, #tpu.memory_space<hbm>> -> memref<1x8x128xi32, #tpu.memory_space<hbm>>
          %dma_wait3A_1224 = tpu.memref_squeeze %dma_wait3A_1223 : memref<1x8x128xi32, #tpu.memory_space<hbm>> -> memref<8x128xi32, #tpu.memory_space<hbm>>
          %dma_wait3A_1225 = arith.constant 0 : i32
          %dma_wait3A_1226 = arith.constant 0 : i32
          %dma_wait3A_1227 = tpu.memref_slice %arg9[%sub3A_909, %dma_wait3A_1225, %dma_wait3A_1226] : memref<2x8x128xi32, #tpu.memory_space<vmem>> -> memref<1x8x128xi32, #tpu.memory_space<vmem>>
          %dma_wait3A_1228 = tpu.memref_squeeze %dma_wait3A_1227 : memref<1x8x128xi32, #tpu.memory_space<vmem>> -> memref<8x128xi32, #tpu.memory_space<vmem>>
          %dma_wait3A_1229 = arith.constant 0 : i32
          %dma_wait3A_1230 = tpu.memref_slice %arg2[%run_scoped3A_914, %add3A_912, %dma_wait3A_1229] : memref<2x2536x128xi32, #tpu.memory_space<hbm>> -> memref<1x8x128xi32, #tpu.memory_space<hbm>>
          %dma_wait3A_1231 = tpu.memref_squeeze %dma_wait3A_1230 : memref<1x8x128xi32, #tpu.memory_space<hbm>> -> memref<8x128xi32, #tpu.memory_space<hbm>>
          tpu.wait_dma2 semaphore(%run_scoped3A_1203 : memref<!tpu.dma_semaphore, #tpu.memory_space<semaphore_mem>>) src(%dma_wait3A_1231 : memref<8x128xi32, #tpu.memory_space<hbm>>) dst(%dma_wait3A_1228 : memref<8x128xi32, #tpu.memory_space<vmem>>)
          tpu.yield
        }) : () -> ()
        %dma_start3A_915 = arith.constant 0 : i32
        %dma_start3A_916 = arith.constant 0 : i32
        %dma_start3A_917 = arith.constant 0 : i32
        %dma_start3A_918 = tpu.memref_slice %arg10[%sub3A_909, %dma_start3A_916, %dma_start3A_917] : memref<2x1024x9xf32, #tpu.memory_space<vmem>> -> memref<1x1024x9xf32, #tpu.memory_space<vmem>>
        %dma_start3A_919 = tpu.memref_squeeze %dma_start3A_918 : memref<1x1024x9xf32, #tpu.memory_space<vmem>> -> memref<1024x9xf32, #tpu.memory_space<vmem>>
        %dma_start3A_920 = arith.constant 0 : i32
        %dma_start3A_921 = arith.constant 0 : i32
        %dma_start3A_922 = tpu.memref_slice %dma_start3A_919[%dma_start3A_920, %dma_start3A_921] : memref<1024x9xf32, #tpu.memory_space<vmem>> -> memref<128x9xf32, #tpu.memory_space<vmem>>
        %dma_start3A_923 = arith.constant 0 : i32
        %dma_start3A_924 = arith.constant 0 : i32
        %dma_start3A_925 = tpu.memref_slice %arg8[%sub3A_909, %dma_start3A_923, %dma_start3A_924] : memref<2x8x128xi32, #tpu.memory_space<vmem>> -> memref<1x8x128xi32, #tpu.memory_space<vmem>>
        %dma_start3A_926 = tpu.memref_squeeze %dma_start3A_925 : memref<1x8x128xi32, #tpu.memory_space<vmem>> -> memref<8x128xi32, #tpu.memory_space<vmem>>
        %dma_start3A_927 = arith.constant 0 : i32
        %dma_start3A_928 = tpu.memref_slice %dma_start3A_926[%dma_start3A_915, %dma_start3A_927] : memref<8x128xi32, #tpu.memory_space<vmem>> -> memref<1x128xi32, #tpu.memory_space<vmem>>
        %dma_start3A_929 = tpu.memref_squeeze %dma_start3A_928 : memref<1x128xi32, #tpu.memory_space<vmem>> -> memref<128xi32, #tpu.memory_space<vmem>>
        %dma_start3A_930 = arith.constant 0 : i32
        %dma_start3A_931 = arith.constant 0 : i32
        %dma_start3A_932 = tpu.memref_slice %arg3[%dma_start3A_930, %dma_start3A_931] : memref<10000x9xf32, #tpu.memory_space<hbm>> -> memref<10000x9xf32, #tpu.memory_space<hbm>>
        tpu.enqueue_indirect_dma source(%dma_start3A_932 : memref<10000x9xf32, #tpu.memory_space<hbm>>) target(%dma_start3A_922 : memref<128x9xf32, #tpu.memory_space<vmem>>) offsets(%dma_start3A_929 : memref<128xi32, #tpu.memory_space<vmem>>) semaphore(%arg16 : memref<!tpu.dma_semaphore, #tpu.memory_space<semaphore_mem>>)
        %dma_start3A_933 = arith.constant 0 : i32
        %dma_start3A_934 = arith.constant 0 : i32
        %dma_start3A_935 = arith.constant 0 : i32
        %dma_start3A_936 = tpu.memref_slice %arg11[%sub3A_909, %dma_start3A_934, %dma_start3A_935] : memref<2x1024x9xf32, #tpu.memory_space<vmem>> -> memref<1x1024x9xf32, #tpu.memory_space<vmem>>
        %dma_start3A_937 = tpu.memref_squeeze %dma_start3A_936 : memref<1x1024x9xf32, #tpu.memory_space<vmem>> -> memref<1024x9xf32, #tpu.memory_space<vmem>>
        %dma_start3A_938 = arith.constant 0 : i32
        %dma_start3A_939 = arith.constant 0 : i32
        %dma_start3A_940 = tpu.memref_slice %dma_start3A_937[%dma_start3A_938, %dma_start3A_939] : memref<1024x9xf32, #tpu.memory_space<vmem>> -> memref<128x9xf32, #tpu.memory_space<vmem>>
        %dma_start3A_941 = arith.constant 0 : i32
        %dma_start3A_942 = arith.constant 0 : i32
        %dma_start3A_943 = tpu.memref_slice %arg9[%sub3A_909, %dma_start3A_941, %dma_start3A_942] : memref<2x8x128xi32, #tpu.memory_space<vmem>> -> memref<1x8x128xi32, #tpu.memory_space<vmem>>
        %dma_start3A_944 = tpu.memref_squeeze %dma_start3A_943 : memref<1x8x128xi32, #tpu.memory_space<vmem>> -> memref<8x128xi32, #tpu.memory_space<vmem>>
        %dma_start3A_945 = arith.constant 0 : i32
        %dma_start3A_946 = tpu.memref_slice %dma_start3A_944[%dma_start3A_933, %dma_start3A_945] : memref<8x128xi32, #tpu.memory_space<vmem>> -> memref<1x128xi32, #tpu.memory_space<vmem>>
        %dma_start3A_947 = tpu.memref_squeeze %dma_start3A_946 : memref<1x128xi32, #tpu.memory_space<vmem>> -> memref<128xi32, #tpu.memory_space<vmem>>
        %dma_start3A_948 = arith.constant 0 : i32
        %dma_start3A_949 = arith.constant 0 : i32
        %dma_start3A_950 = tpu.memref_slice %arg4[%dma_start3A_948, %dma_start3A_949] : memref<10000x9xf32, #tpu.memory_space<hbm>> -> memref<10000x9xf32, #tpu.memory_space<hbm>>
        tpu.enqueue_indirect_dma source(%dma_start3A_950 : memref<10000x9xf32, #tpu.memory_space<hbm>>) target(%dma_start3A_940 : memref<128x9xf32, #tpu.memory_space<vmem>>) offsets(%dma_start3A_947 : memref<128xi32, #tpu.memory_space<vmem>>) semaphore(%arg16 : memref<!tpu.dma_semaphore, #tpu.memory_space<semaphore_mem>>)
        %dma_start3A_951 = arith.constant 1 : i32
        %dma_start3A_952 = arith.constant 0 : i32
        %dma_start3A_953 = arith.constant 0 : i32
        %dma_start3A_954 = tpu.memref_slice %arg10[%sub3A_909, %dma_start3A_952, %dma_start3A_953] : memref<2x1024x9xf32, #tpu.memory_space<vmem>> -> memref<1x1024x9xf32, #tpu.memory_space<vmem>>
        %dma_start3A_955 = tpu.memref_squeeze %dma_start3A_954 : memref<1x1024x9xf32, #tpu.memory_space<vmem>> -> memref<1024x9xf32, #tpu.memory_space<vmem>>
        %dma_start3A_956 = arith.constant 128 : i32
        %dma_start3A_957 = arith.constant 0 : i32
        %dma_start3A_958 = tpu.memref_slice %dma_start3A_955[%dma_start3A_956, %dma_start3A_957] : memref<1024x9xf32, #tpu.memory_space<vmem>> -> memref<128x9xf32, #tpu.memory_space<vmem>>
        %dma_start3A_959 = arith.constant 0 : i32
        %dma_start3A_960 = arith.constant 0 : i32
        %dma_start3A_961 = tpu.memref_slice %arg8[%sub3A_909, %dma_start3A_959, %dma_start3A_960] : memref<2x8x128xi32, #tpu.memory_space<vmem>> -> memref<1x8x128xi32, #tpu.memory_space<vmem>>
        %dma_start3A_962 = tpu.memref_squeeze %dma_start3A_961 : memref<1x8x128xi32, #tpu.memory_space<vmem>> -> memref<8x128xi32, #tpu.memory_space<vmem>>
        %dma_start3A_963 = arith.constant 0 : i32
        %dma_start3A_964 = tpu.memref_slice %dma_start3A_962[%dma_start3A_951, %dma_start3A_963] : memref<8x128xi32, #tpu.memory_space<vmem>> -> memref<1x128xi32, #tpu.memory_space<vmem>>
        %dma_start3A_965 = tpu.memref_squeeze %dma_start3A_964 : memref<1x128xi32, #tpu.memory_space<vmem>> -> memref<128xi32, #tpu.memory_space<vmem>>
        %dma_start3A_966 = arith.constant 0 : i32
        %dma_start3A_967 = arith.constant 0 : i32
        %dma_start3A_968 = tpu.memref_slice %arg3[%dma_start3A_966, %dma_start3A_967] : memref<10000x9xf32, #tpu.memory_space<hbm>> -> memref<10000x9xf32, #tpu.memory_space<hbm>>
        tpu.enqueue_indirect_dma source(%dma_start3A_968 : memref<10000x9xf32, #tpu.memory_space<hbm>>) target(%dma_start3A_958 : memref<128x9xf32, #tpu.memory_space<vmem>>) offsets(%dma_start3A_965 : memref<128xi32, #tpu.memory_space<vmem>>) semaphore(%arg16 : memref<!tpu.dma_semaphore, #tpu.memory_space<semaphore_mem>>)
        %dma_start3A_969 = arith.constant 1 : i32
        %dma_start3A_970 = arith.constant 0 : i32
        %dma_start3A_971 = arith.constant 0 : i32
        %dma_start3A_972 = tpu.memref_slice %arg11[%sub3A_909, %dma_start3A_970, %dma_start3A_971] : memref<2x1024x9xf32, #tpu.memory_space<vmem>> -> memref<1x1024x9xf32, #tpu.memory_space<vmem>>
        %dma_start3A_973 = tpu.memref_squeeze %dma_start3A_972 : memref<1x1024x9xf32, #tpu.memory_space<vmem>> -> memref<1024x9xf32, #tpu.memory_space<vmem>>
        %dma_start3A_974 = arith.constant 128 : i32
        %dma_start3A_975 = arith.constant 0 : i32
        %dma_start3A_976 = tpu.memref_slice %dma_start3A_973[%dma_start3A_974, %dma_start3A_975] : memref<1024x9xf32, #tpu.memory_space<vmem>> -> memref<128x9xf32, #tpu.memory_space<vmem>>
        %dma_start3A_977 = arith.constant 0 : i32
        %dma_start3A_978 = arith.constant 0 : i32
        %dma_start3A_979 = tpu.memref_slice %arg9[%sub3A_909, %dma_start3A_977, %dma_start3A_978] : memref<2x8x128xi32, #tpu.memory_space<vmem>> -> memref<1x8x128xi32, #tpu.memory_space<vmem>>
        %dma_start3A_980 = tpu.memref_squeeze %dma_start3A_979 : memref<1x8x128xi32, #tpu.memory_space<vmem>> -> memref<8x128xi32, #tpu.memory_space<vmem>>
        %dma_start3A_981 = arith.constant 0 : i32
        %dma_start3A_982 = tpu.memref_slice %dma_start3A_980[%dma_start3A_969, %dma_start3A_981] : memref<8x128xi32, #tpu.memory_space<vmem>> -> memref<1x128xi32, #tpu.memory_space<vmem>>
        %dma_start3A_983 = tpu.memref_squeeze %dma_start3A_982 : memref<1x128xi32, #tpu.memory_space<vmem>> -> memref<128xi32, #tpu.memory_space<vmem>>
        %dma_start3A_984 = arith.constant 0 : i32
        %dma_start3A_985 = arith.constant 0 : i32
        %dma_start3A_986 = tpu.memref_slice %arg4[%dma_start3A_984, %dma_start3A_985] : memref<10000x9xf32, #tpu.memory_space<hbm>> -> memref<10000x9xf32, #tpu.memory_space<hbm>>
        tpu.enqueue_indirect_dma source(%dma_start3A_986 : memref<10000x9xf32, #tpu.memory_space<hbm>>) target(%dma_start3A_976 : memref<128x9xf32, #tpu.memory_space<vmem>>) offsets(%dma_start3A_983 : memref<128xi32, #tpu.memory_space<vmem>>) semaphore(%arg16 : memref<!tpu.dma_semaphore, #tpu.memory_space<semaphore_mem>>)
        %dma_start3A_987 = arith.constant 2 : i32
        %dma_start3A_988 = arith.constant 0 : i32
        %dma_start3A_989 = arith.constant 0 : i32
        %dma_start3A_990 = tpu.memref_slice %arg10[%sub3A_909, %dma_start3A_988, %dma_start3A_989] : memref<2x1024x9xf32, #tpu.memory_space<vmem>> -> memref<1x1024x9xf32, #tpu.memory_space<vmem>>
        %dma_start3A_991 = tpu.memref_squeeze %dma_start3A_990 : memref<1x1024x9xf32, #tpu.memory_space<vmem>> -> memref<1024x9xf32, #tpu.memory_space<vmem>>
        %dma_start3A_992 = arith.constant 256 : i32
        %dma_start3A_993 = arith.constant 0 : i32
        %dma_start3A_994 = tpu.memref_slice %dma_start3A_991[%dma_start3A_992, %dma_start3A_993] : memref<1024x9xf32, #tpu.memory_space<vmem>> -> memref<128x9xf32, #tpu.memory_space<vmem>>
        %dma_start3A_995 = arith.constant 0 : i32
        %dma_start3A_996 = arith.constant 0 : i32
        %dma_start3A_997 = tpu.memref_slice %arg8[%sub3A_909, %dma_start3A_995, %dma_start3A_996] : memref<2x8x128xi32, #tpu.memory_space<vmem>> -> memref<1x8x128xi32, #tpu.memory_space<vmem>>
        %dma_start3A_998 = tpu.memref_squeeze %dma_start3A_997 : memref<1x8x128xi32, #tpu.memory_space<vmem>> -> memref<8x128xi32, #tpu.memory_space<vmem>>
        %dma_start3A_999 = arith.constant 0 : i32
        %dma_start3A_1000 = tpu.memref_slice %dma_start3A_998[%dma_start3A_987, %dma_start3A_999] : memref<8x128xi32, #tpu.memory_space<vmem>> -> memref<1x128xi32, #tpu.memory_space<vmem>>
        %dma_start3A_1001 = tpu.memref_squeeze %dma_start3A_1000 : memref<1x128xi32, #tpu.memory_space<vmem>> -> memref<128xi32, #tpu.memory_space<vmem>>
        %dma_start3A_1002 = arith.constant 0 : i32
        %dma_start3A_1003 = arith.constant 0 : i32
        %dma_start3A_1004 = tpu.memref_slice %arg3[%dma_start3A_1002, %dma_start3A_1003] : memref<10000x9xf32, #tpu.memory_space<hbm>> -> memref<10000x9xf32, #tpu.memory_space<hbm>>
        tpu.enqueue_indirect_dma source(%dma_start3A_1004 : memref<10000x9xf32, #tpu.memory_space<hbm>>) target(%dma_start3A_994 : memref<128x9xf32, #tpu.memory_space<vmem>>) offsets(%dma_start3A_1001 : memref<128xi32, #tpu.memory_space<vmem>>) semaphore(%arg16 : memref<!tpu.dma_semaphore, #tpu.memory_space<semaphore_mem>>)
        %dma_start3A_1005 = arith.constant 2 : i32
        %dma_start3A_1006 = arith.constant 0 : i32
        %dma_start3A_1007 = arith.constant 0 : i32
        %dma_start3A_1008 = tpu.memref_slice %arg11[%sub3A_909, %dma_start3A_1006, %dma_start3A_1007] : memref<2x1024x9xf32, #tpu.memory_space<vmem>> -> memref<1x1024x9xf32, #tpu.memory_space<vmem>>
        %dma_start3A_1009 = tpu.memref_squeeze %dma_start3A_1008 : memref<1x1024x9xf32, #tpu.memory_space<vmem>> -> memref<1024x9xf32, #tpu.memory_space<vmem>>
        %dma_start3A_1010 = arith.constant 256 : i32
        %dma_start3A_1011 = arith.constant 0 : i32
        %dma_start3A_1012 = tpu.memref_slice %dma_start3A_1009[%dma_start3A_1010, %dma_start3A_1011] : memref<1024x9xf32, #tpu.memory_space<vmem>> -> memref<128x9xf32, #tpu.memory_space<vmem>>
        %dma_start3A_1013 = arith.constant 0 : i32
        %dma_start3A_1014 = arith.constant 0 : i32
        %dma_start3A_1015 = tpu.memref_slice %arg9[%sub3A_909, %dma_start3A_1013, %dma_start3A_1014] : memref<2x8x128xi32, #tpu.memory_space<vmem>> -> memref<1x8x128xi32, #tpu.memory_space<vmem>>
        %dma_start3A_1016 = tpu.memref_squeeze %dma_start3A_1015 : memref<1x8x128xi32, #tpu.memory_space<vmem>> -> memref<8x128xi32, #tpu.memory_space<vmem>>
        %dma_start3A_1017 = arith.constant 0 : i32
        %dma_start3A_1018 = tpu.memref_slice %dma_start3A_1016[%dma_start3A_1005, %dma_start3A_1017] : memref<8x128xi32, #tpu.memory_space<vmem>> -> memref<1x128xi32, #tpu.memory_space<vmem>>
        %dma_start3A_1019 = tpu.memref_squeeze %dma_start3A_1018 : memref<1x128xi32, #tpu.memory_space<vmem>> -> memref<128xi32, #tpu.memory_space<vmem>>
        %dma_start3A_1020 = arith.constant 0 : i32
        %dma_start3A_1021 = arith.constant 0 : i32
        %dma_start3A_1022 = tpu.memref_slice %arg4[%dma_start3A_1020, %dma_start3A_1021] : memref<10000x9xf32, #tpu.memory_space<hbm>> -> memref<10000x9xf32, #tpu.memory_space<hbm>>
        tpu.enqueue_indirect_dma source(%dma_start3A_1022 : memref<10000x9xf32, #tpu.memory_space<hbm>>) target(%dma_start3A_1012 : memref<128x9xf32, #tpu.memory_space<vmem>>) offsets(%dma_start3A_1019 : memref<128xi32, #tpu.memory_space<vmem>>) semaphore(%arg16 : memref<!tpu.dma_semaphore, #tpu.memory_space<semaphore_mem>>)
        %dma_start3A_1023 = arith.constant 3 : i32
        %dma_start3A_1024 = arith.constant 0 : i32
        %dma_start3A_1025 = arith.constant 0 : i32
        %dma_start3A_1026 = tpu.memref_slice %arg10[%sub3A_909, %dma_start3A_1024, %dma_start3A_1025] : memref<2x1024x9xf32, #tpu.memory_space<vmem>> -> memref<1x1024x9xf32, #tpu.memory_space<vmem>>
        %dma_start3A_1027 = tpu.memref_squeeze %dma_start3A_1026 : memref<1x1024x9xf32, #tpu.memory_space<vmem>> -> memref<1024x9xf32, #tpu.memory_space<vmem>>
        %dma_start3A_1028 = arith.constant 384 : i32
        %dma_start3A_1029 = arith.constant 0 : i32
        %dma_start3A_1030 = tpu.memref_slice %dma_start3A_1027[%dma_start3A_1028, %dma_start3A_1029] : memref<1024x9xf32, #tpu.memory_space<vmem>> -> memref<128x9xf32, #tpu.memory_space<vmem>>
        %dma_start3A_1031 = arith.constant 0 : i32
        %dma_start3A_1032 = arith.constant 0 : i32
        %dma_start3A_1033 = tpu.memref_slice %arg8[%sub3A_909, %dma_start3A_1031, %dma_start3A_1032] : memref<2x8x128xi32, #tpu.memory_space<vmem>> -> memref<1x8x128xi32, #tpu.memory_space<vmem>>
        %dma_start3A_1034 = tpu.memref_squeeze %dma_start3A_1033 : memref<1x8x128xi32, #tpu.memory_space<vmem>> -> memref<8x128xi32, #tpu.memory_space<vmem>>
        %dma_start3A_1035 = arith.constant 0 : i32
        %dma_start3A_1036 = tpu.memref_slice %dma_start3A_1034[%dma_start3A_1023, %dma_start3A_1035] : memref<8x128xi32, #tpu.memory_space<vmem>> -> memref<1x128xi32, #tpu.memory_space<vmem>>
        %dma_start3A_1037 = tpu.memref_squeeze %dma_start3A_1036 : memref<1x128xi32, #tpu.memory_space<vmem>> -> memref<128xi32, #tpu.memory_space<vmem>>
        %dma_start3A_1038 = arith.constant 0 : i32
        %dma_start3A_1039 = arith.constant 0 : i32
        %dma_start3A_1040 = tpu.memref_slice %arg3[%dma_start3A_1038, %dma_start3A_1039] : memref<10000x9xf32, #tpu.memory_space<hbm>> -> memref<10000x9xf32, #tpu.memory_space<hbm>>
        tpu.enqueue_indirect_dma source(%dma_start3A_1040 : memref<10000x9xf32, #tpu.memory_space<hbm>>) target(%dma_start3A_1030 : memref<128x9xf32, #tpu.memory_space<vmem>>) offsets(%dma_start3A_1037 : memref<128xi32, #tpu.memory_space<vmem>>) semaphore(%arg16 : memref<!tpu.dma_semaphore, #tpu.memory_space<semaphore_mem>>)
        %dma_start3A_1041 = arith.constant 3 : i32
        %dma_start3A_1042 = arith.constant 0 : i32
        %dma_start3A_1043 = arith.constant 0 : i32
        %dma_start3A_1044 = tpu.memref_slice %arg11[%sub3A_909, %dma_start3A_1042, %dma_start3A_1043] : memref<2x1024x9xf32, #tpu.memory_space<vmem>> -> memref<1x1024x9xf32, #tpu.memory_space<vmem>>
        %dma_start3A_1045 = tpu.memref_squeeze %dma_start3A_1044 : memref<1x1024x9xf32, #tpu.memory_space<vmem>> -> memref<1024x9xf32, #tpu.memory_space<vmem>>
        %dma_start3A_1046 = arith.constant 384 : i32
        %dma_start3A_1047 = arith.constant 0 : i32
        %dma_start3A_1048 = tpu.memref_slice %dma_start3A_1045[%dma_start3A_1046, %dma_start3A_1047] : memref<1024x9xf32, #tpu.memory_space<vmem>> -> memref<128x9xf32, #tpu.memory_space<vmem>>
        %dma_start3A_1049 = arith.constant 0 : i32
        %dma_start3A_1050 = arith.constant 0 : i32
        %dma_start3A_1051 = tpu.memref_slice %arg9[%sub3A_909, %dma_start3A_1049, %dma_start3A_1050] : memref<2x8x128xi32, #tpu.memory_space<vmem>> -> memref<1x8x128xi32, #tpu.memory_space<vmem>>
        %dma_start3A_1052 = tpu.memref_squeeze %dma_start3A_1051 : memref<1x8x128xi32, #tpu.memory_space<vmem>> -> memref<8x128xi32, #tpu.memory_space<vmem>>
        %dma_start3A_1053 = arith.constant 0 : i32
        %dma_start3A_1054 = tpu.memref_slice %dma_start3A_1052[%dma_start3A_1041, %dma_start3A_1053] : memref<8x128xi32, #tpu.memory_space<vmem>> -> memref<1x128xi32, #tpu.memory_space<vmem>>
        %dma_start3A_1055 = tpu.memref_squeeze %dma_start3A_1054 : memref<1x128xi32, #tpu.memory_space<vmem>> -> memref<128xi32, #tpu.memory_space<vmem>>
        %dma_start3A_1056 = arith.constant 0 : i32
        %dma_start3A_1057 = arith.constant 0 : i32
        %dma_start3A_1058 = tpu.memref_slice %arg4[%dma_start3A_1056, %dma_start3A_1057] : memref<10000x9xf32, #tpu.memory_space<hbm>> -> memref<10000x9xf32, #tpu.memory_space<hbm>>
        tpu.enqueue_indirect_dma source(%dma_start3A_1058 : memref<10000x9xf32, #tpu.memory_space<hbm>>) target(%dma_start3A_1048 : memref<128x9xf32, #tpu.memory_space<vmem>>) offsets(%dma_start3A_1055 : memref<128xi32, #tpu.memory_space<vmem>>) semaphore(%arg16 : memref<!tpu.dma_semaphore, #tpu.memory_space<semaphore_mem>>)
        %dma_start3A_1059 = arith.constant 4 : i32
        %dma_start3A_1060 = arith.constant 0 : i32
        %dma_start3A_1061 = arith.constant 0 : i32
        %dma_start3A_1062 = tpu.memref_slice %arg10[%sub3A_909, %dma_start3A_1060, %dma_start3A_1061] : memref<2x1024x9xf32, #tpu.memory_space<vmem>> -> memref<1x1024x9xf32, #tpu.memory_space<vmem>>
        %dma_start3A_1063 = tpu.memref_squeeze %dma_start3A_1062 : memref<1x1024x9xf32, #tpu.memory_space<vmem>> -> memref<1024x9xf32, #tpu.memory_space<vmem>>
        %dma_start3A_1064 = arith.constant 512 : i32
        %dma_start3A_1065 = arith.constant 0 : i32
        %dma_start3A_1066 = tpu.memref_slice %dma_start3A_1063[%dma_start3A_1064, %dma_start3A_1065] : memref<1024x9xf32, #tpu.memory_space<vmem>> -> memref<128x9xf32, #tpu.memory_space<vmem>>
        %dma_start3A_1067 = arith.constant 0 : i32
        %dma_start3A_1068 = arith.constant 0 : i32
        %dma_start3A_1069 = tpu.memref_slice %arg8[%sub3A_909, %dma_start3A_1067, %dma_start3A_1068] : memref<2x8x128xi32, #tpu.memory_space<vmem>> -> memref<1x8x128xi32, #tpu.memory_space<vmem>>
        %dma_start3A_1070 = tpu.memref_squeeze %dma_start3A_1069 : memref<1x8x128xi32, #tpu.memory_space<vmem>> -> memref<8x128xi32, #tpu.memory_space<vmem>>
        %dma_start3A_1071 = arith.constant 0 : i32
        %dma_start3A_1072 = tpu.memref_slice %dma_start3A_1070[%dma_start3A_1059, %dma_start3A_1071] : memref<8x128xi32, #tpu.memory_space<vmem>> -> memref<1x128xi32, #tpu.memory_space<vmem>>
        %dma_start3A_1073 = tpu.memref_squeeze %dma_start3A_1072 : memref<1x128xi32, #tpu.memory_space<vmem>> -> memref<128xi32, #tpu.memory_space<vmem>>
        %dma_start3A_1074 = arith.constant 0 : i32
        %dma_start3A_1075 = arith.constant 0 : i32
        %dma_start3A_1076 = tpu.memref_slice %arg3[%dma_start3A_1074, %dma_start3A_1075] : memref<10000x9xf32, #tpu.memory_space<hbm>> -> memref<10000x9xf32, #tpu.memory_space<hbm>>
        tpu.enqueue_indirect_dma source(%dma_start3A_1076 : memref<10000x9xf32, #tpu.memory_space<hbm>>) target(%dma_start3A_1066 : memref<128x9xf32, #tpu.memory_space<vmem>>) offsets(%dma_start3A_1073 : memref<128xi32, #tpu.memory_space<vmem>>) semaphore(%arg16 : memref<!tpu.dma_semaphore, #tpu.memory_space<semaphore_mem>>)
        %dma_start3A_1077 = arith.constant 4 : i32
        %dma_start3A_1078 = arith.constant 0 : i32
        %dma_start3A_1079 = arith.constant 0 : i32
        %dma_start3A_1080 = tpu.memref_slice %arg11[%sub3A_909, %dma_start3A_1078, %dma_start3A_1079] : memref<2x1024x9xf32, #tpu.memory_space<vmem>> -> memref<1x1024x9xf32, #tpu.memory_space<vmem>>
        %dma_start3A_1081 = tpu.memref_squeeze %dma_start3A_1080 : memref<1x1024x9xf32, #tpu.memory_space<vmem>> -> memref<1024x9xf32, #tpu.memory_space<vmem>>
        %dma_start3A_1082 = arith.constant 512 : i32
        %dma_start3A_1083 = arith.constant 0 : i32
        %dma_start3A_1084 = tpu.memref_slice %dma_start3A_1081[%dma_start3A_1082, %dma_start3A_1083] : memref<1024x9xf32, #tpu.memory_space<vmem>> -> memref<128x9xf32, #tpu.memory_space<vmem>>
        %dma_start3A_1085 = arith.constant 0 : i32
        %dma_start3A_1086 = arith.constant 0 : i32
        %dma_start3A_1087 = tpu.memref_slice %arg9[%sub3A_909, %dma_start3A_1085, %dma_start3A_1086] : memref<2x8x128xi32, #tpu.memory_space<vmem>> -> memref<1x8x128xi32, #tpu.memory_space<vmem>>
        %dma_start3A_1088 = tpu.memref_squeeze %dma_start3A_1087 : memref<1x8x128xi32, #tpu.memory_space<vmem>> -> memref<8x128xi32, #tpu.memory_space<vmem>>
        %dma_start3A_1089 = arith.constant 0 : i32
        %dma_start3A_1090 = tpu.memref_slice %dma_start3A_1088[%dma_start3A_1077, %dma_start3A_1089] : memref<8x128xi32, #tpu.memory_space<vmem>> -> memref<1x128xi32, #tpu.memory_space<vmem>>
        %dma_start3A_1091 = tpu.memref_squeeze %dma_start3A_1090 : memref<1x128xi32, #tpu.memory_space<vmem>> -> memref<128xi32, #tpu.memory_space<vmem>>
        %dma_start3A_1092 = arith.constant 0 : i32
        %dma_start3A_1093 = arith.constant 0 : i32
        %dma_start3A_1094 = tpu.memref_slice %arg4[%dma_start3A_1092, %dma_start3A_1093] : memref<10000x9xf32, #tpu.memory_space<hbm>> -> memref<10000x9xf32, #tpu.memory_space<hbm>>
        tpu.enqueue_indirect_dma source(%dma_start3A_1094 : memref<10000x9xf32, #tpu.memory_space<hbm>>) target(%dma_start3A_1084 : memref<128x9xf32, #tpu.memory_space<vmem>>) offsets(%dma_start3A_1091 : memref<128xi32, #tpu.memory_space<vmem>>) semaphore(%arg16 : memref<!tpu.dma_semaphore, #tpu.memory_space<semaphore_mem>>)
        %dma_start3A_1095 = arith.constant 5 : i32
        %dma_start3A_1096 = arith.constant 0 : i32
        %dma_start3A_1097 = arith.constant 0 : i32
        %dma_start3A_1098 = tpu.memref_slice %arg10[%sub3A_909, %dma_start3A_1096, %dma_start3A_1097] : memref<2x1024x9xf32, #tpu.memory_space<vmem>> -> memref<1x1024x9xf32, #tpu.memory_space<vmem>>
        %dma_start3A_1099 = tpu.memref_squeeze %dma_start3A_1098 : memref<1x1024x9xf32, #tpu.memory_space<vmem>> -> memref<1024x9xf32, #tpu.memory_space<vmem>>
        %dma_start3A_1100 = arith.constant 640 : i32
        %dma_start3A_1101 = arith.constant 0 : i32
        %dma_start3A_1102 = tpu.memref_slice %dma_start3A_1099[%dma_start3A_1100, %dma_start3A_1101] : memref<1024x9xf32, #tpu.memory_space<vmem>> -> memref<128x9xf32, #tpu.memory_space<vmem>>
        %dma_start3A_1103 = arith.constant 0 : i32
        %dma_start3A_1104 = arith.constant 0 : i32
        %dma_start3A_1105 = tpu.memref_slice %arg8[%sub3A_909, %dma_start3A_1103, %dma_start3A_1104] : memref<2x8x128xi32, #tpu.memory_space<vmem>> -> memref<1x8x128xi32, #tpu.memory_space<vmem>>
        %dma_start3A_1106 = tpu.memref_squeeze %dma_start3A_1105 : memref<1x8x128xi32, #tpu.memory_space<vmem>> -> memref<8x128xi32, #tpu.memory_space<vmem>>
        %dma_start3A_1107 = arith.constant 0 : i32
        %dma_start3A_1108 = tpu.memref_slice %dma_start3A_1106[%dma_start3A_1095, %dma_start3A_1107] : memref<8x128xi32, #tpu.memory_space<vmem>> -> memref<1x128xi32, #tpu.memory_space<vmem>>
        %dma_start3A_1109 = tpu.memref_squeeze %dma_start3A_1108 : memref<1x128xi32, #tpu.memory_space<vmem>> -> memref<128xi32, #tpu.memory_space<vmem>>
        %dma_start3A_1110 = arith.constant 0 : i32
        %dma_start3A_1111 = arith.constant 0 : i32
        %dma_start3A_1112 = tpu.memref_slice %arg3[%dma_start3A_1110, %dma_start3A_1111] : memref<10000x9xf32, #tpu.memory_space<hbm>> -> memref<10000x9xf32, #tpu.memory_space<hbm>>
        tpu.enqueue_indirect_dma source(%dma_start3A_1112 : memref<10000x9xf32, #tpu.memory_space<hbm>>) target(%dma_start3A_1102 : memref<128x9xf32, #tpu.memory_space<vmem>>) offsets(%dma_start3A_1109 : memref<128xi32, #tpu.memory_space<vmem>>) semaphore(%arg16 : memref<!tpu.dma_semaphore, #tpu.memory_space<semaphore_mem>>)
        %dma_start3A_1113 = arith.constant 5 : i32
        %dma_start3A_1114 = arith.constant 0 : i32
        %dma_start3A_1115 = arith.constant 0 : i32
        %dma_start3A_1116 = tpu.memref_slice %arg11[%sub3A_909, %dma_start3A_1114, %dma_start3A_1115] : memref<2x1024x9xf32, #tpu.memory_space<vmem>> -> memref<1x1024x9xf32, #tpu.memory_space<vmem>>
        %dma_start3A_1117 = tpu.memref_squeeze %dma_start3A_1116 : memref<1x1024x9xf32, #tpu.memory_space<vmem>> -> memref<1024x9xf32, #tpu.memory_space<vmem>>
        %dma_start3A_1118 = arith.constant 640 : i32
        %dma_start3A_1119 = arith.constant 0 : i32
        %dma_start3A_1120 = tpu.memref_slice %dma_start3A_1117[%dma_start3A_1118, %dma_start3A_1119] : memref<1024x9xf32, #tpu.memory_space<vmem>> -> memref<128x9xf32, #tpu.memory_space<vmem>>
        %dma_start3A_1121 = arith.constant 0 : i32
        %dma_start3A_1122 = arith.constant 0 : i32
        %dma_start3A_1123 = tpu.memref_slice %arg9[%sub3A_909, %dma_start3A_1121, %dma_start3A_1122] : memref<2x8x128xi32, #tpu.memory_space<vmem>> -> memref<1x8x128xi32, #tpu.memory_space<vmem>>
        %dma_start3A_1124 = tpu.memref_squeeze %dma_start3A_1123 : memref<1x8x128xi32, #tpu.memory_space<vmem>> -> memref<8x128xi32, #tpu.memory_space<vmem>>
        %dma_start3A_1125 = arith.constant 0 : i32
        %dma_start3A_1126 = tpu.memref_slice %dma_start3A_1124[%dma_start3A_1113, %dma_start3A_1125] : memref<8x128xi32, #tpu.memory_space<vmem>> -> memref<1x128xi32, #tpu.memory_space<vmem>>
        %dma_start3A_1127 = tpu.memref_squeeze %dma_start3A_1126 : memref<1x128xi32, #tpu.memory_space<vmem>> -> memref<128xi32, #tpu.memory_space<vmem>>
        %dma_start3A_1128 = arith.constant 0 : i32
        %dma_start3A_1129 = arith.constant 0 : i32
        %dma_start3A_1130 = tpu.memref_slice %arg4[%dma_start3A_1128, %dma_start3A_1129] : memref<10000x9xf32, #tpu.memory_space<hbm>> -> memref<10000x9xf32, #tpu.memory_space<hbm>>
        tpu.enqueue_indirect_dma source(%dma_start3A_1130 : memref<10000x9xf32, #tpu.memory_space<hbm>>) target(%dma_start3A_1120 : memref<128x9xf32, #tpu.memory_space<vmem>>) offsets(%dma_start3A_1127 : memref<128xi32, #tpu.memory_space<vmem>>) semaphore(%arg16 : memref<!tpu.dma_semaphore, #tpu.memory_space<semaphore_mem>>)
        %dma_start3A_1131 = arith.constant 6 : i32
        %dma_start3A_1132 = arith.constant 0 : i32
        %dma_start3A_1133 = arith.constant 0 : i32
        %dma_start3A_1134 = tpu.memref_slice %arg10[%sub3A_909, %dma_start3A_1132, %dma_start3A_1133] : memref<2x1024x9xf32, #tpu.memory_space<vmem>> -> memref<1x1024x9xf32, #tpu.memory_space<vmem>>
        %dma_start3A_1135 = tpu.memref_squeeze %dma_start3A_1134 : memref<1x1024x9xf32, #tpu.memory_space<vmem>> -> memref<1024x9xf32, #tpu.memory_space<vmem>>
        %dma_start3A_1136 = arith.constant 768 : i32
        %dma_start3A_1137 = arith.constant 0 : i32
        %dma_start3A_1138 = tpu.memref_slice %dma_start3A_1135[%dma_start3A_1136, %dma_start3A_1137] : memref<1024x9xf32, #tpu.memory_space<vmem>> -> memref<128x9xf32, #tpu.memory_space<vmem>>
        %dma_start3A_1139 = arith.constant 0 : i32
        %dma_start3A_1140 = arith.constant 0 : i32
        %dma_start3A_1141 = tpu.memref_slice %arg8[%sub3A_909, %dma_start3A_1139, %dma_start3A_1140] : memref<2x8x128xi32, #tpu.memory_space<vmem>> -> memref<1x8x128xi32, #tpu.memory_space<vmem>>
        %dma_start3A_1142 = tpu.memref_squeeze %dma_start3A_1141 : memref<1x8x128xi32, #tpu.memory_space<vmem>> -> memref<8x128xi32, #tpu.memory_space<vmem>>
        %dma_start3A_1143 = arith.constant 0 : i32
        %dma_start3A_1144 = tpu.memref_slice %dma_start3A_1142[%dma_start3A_1131, %dma_start3A_1143] : memref<8x128xi32, #tpu.memory_space<vmem>> -> memref<1x128xi32, #tpu.memory_space<vmem>>
        %dma_start3A_1145 = tpu.memref_squeeze %dma_start3A_1144 : memref<1x128xi32, #tpu.memory_space<vmem>> -> memref<128xi32, #tpu.memory_space<vmem>>
        %dma_start3A_1146 = arith.constant 0 : i32
        %dma_start3A_1147 = arith.constant 0 : i32
        %dma_start3A_1148 = tpu.memref_slice %arg3[%dma_start3A_1146, %dma_start3A_1147] : memref<10000x9xf32, #tpu.memory_space<hbm>> -> memref<10000x9xf32, #tpu.memory_space<hbm>>
        tpu.enqueue_indirect_dma source(%dma_start3A_1148 : memref<10000x9xf32, #tpu.memory_space<hbm>>) target(%dma_start3A_1138 : memref<128x9xf32, #tpu.memory_space<vmem>>) offsets(%dma_start3A_1145 : memref<128xi32, #tpu.memory_space<vmem>>) semaphore(%arg16 : memref<!tpu.dma_semaphore, #tpu.memory_space<semaphore_mem>>)
        %dma_start3A_1149 = arith.constant 6 : i32
        %dma_start3A_1150 = arith.constant 0 : i32
        %dma_start3A_1151 = arith.constant 0 : i32
        %dma_start3A_1152 = tpu.memref_slice %arg11[%sub3A_909, %dma_start3A_1150, %dma_start3A_1151] : memref<2x1024x9xf32, #tpu.memory_space<vmem>> -> memref<1x1024x9xf32, #tpu.memory_space<vmem>>
        %dma_start3A_1153 = tpu.memref_squeeze %dma_start3A_1152 : memref<1x1024x9xf32, #tpu.memory_space<vmem>> -> memref<1024x9xf32, #tpu.memory_space<vmem>>
        %dma_start3A_1154 = arith.constant 768 : i32
        %dma_start3A_1155 = arith.constant 0 : i32
        %dma_start3A_1156 = tpu.memref_slice %dma_start3A_1153[%dma_start3A_1154, %dma_start3A_1155] : memref<1024x9xf32, #tpu.memory_space<vmem>> -> memref<128x9xf32, #tpu.memory_space<vmem>>
        %dma_start3A_1157 = arith.constant 0 : i32
        %dma_start3A_1158 = arith.constant 0 : i32
        %dma_start3A_1159 = tpu.memref_slice %arg9[%sub3A_909, %dma_start3A_1157, %dma_start3A_1158] : memref<2x8x128xi32, #tpu.memory_space<vmem>> -> memref<1x8x128xi32, #tpu.memory_space<vmem>>
        %dma_start3A_1160 = tpu.memref_squeeze %dma_start3A_1159 : memref<1x8x128xi32, #tpu.memory_space<vmem>> -> memref<8x128xi32, #tpu.memory_space<vmem>>
        %dma_start3A_1161 = arith.constant 0 : i32
        %dma_start3A_1162 = tpu.memref_slice %dma_start3A_1160[%dma_start3A_1149, %dma_start3A_1161] : memref<8x128xi32, #tpu.memory_space<vmem>> -> memref<1x128xi32, #tpu.memory_space<vmem>>
        %dma_start3A_1163 = tpu.memref_squeeze %dma_start3A_1162 : memref<1x128xi32, #tpu.memory_space<vmem>> -> memref<128xi32, #tpu.memory_space<vmem>>
        %dma_start3A_1164 = arith.constant 0 : i32
        %dma_start3A_1165 = arith.constant 0 : i32
        %dma_start3A_1166 = tpu.memref_slice %arg4[%dma_start3A_1164, %dma_start3A_1165] : memref<10000x9xf32, #tpu.memory_space<hbm>> -> memref<10000x9xf32, #tpu.memory_space<hbm>>
        tpu.enqueue_indirect_dma source(%dma_start3A_1166 : memref<10000x9xf32, #tpu.memory_space<hbm>>) target(%dma_start3A_1156 : memref<128x9xf32, #tpu.memory_space<vmem>>) offsets(%dma_start3A_1163 : memref<128xi32, #tpu.memory_space<vmem>>) semaphore(%arg16 : memref<!tpu.dma_semaphore, #tpu.memory_space<semaphore_mem>>)
        %dma_start3A_1167 = arith.constant 7 : i32
        %dma_start3A_1168 = arith.constant 0 : i32
        %dma_start3A_1169 = arith.constant 0 : i32
        %dma_start3A_1170 = tpu.memref_slice %arg10[%sub3A_909, %dma_start3A_1168, %dma_start3A_1169] : memref<2x1024x9xf32, #tpu.memory_space<vmem>> -> memref<1x1024x9xf32, #tpu.memory_space<vmem>>
        %dma_start3A_1171 = tpu.memref_squeeze %dma_start3A_1170 : memref<1x1024x9xf32, #tpu.memory_space<vmem>> -> memref<1024x9xf32, #tpu.memory_space<vmem>>
        %dma_start3A_1172 = arith.constant 896 : i32
        %dma_start3A_1173 = arith.constant 0 : i32
        %dma_start3A_1174 = tpu.memref_slice %dma_start3A_1171[%dma_start3A_1172, %dma_start3A_1173] : memref<1024x9xf32, #tpu.memory_space<vmem>> -> memref<128x9xf32, #tpu.memory_space<vmem>>
        %dma_start3A_1175 = arith.constant 0 : i32
        %dma_start3A_1176 = arith.constant 0 : i32
        %dma_start3A_1177 = tpu.memref_slice %arg8[%sub3A_909, %dma_start3A_1175, %dma_start3A_1176] : memref<2x8x128xi32, #tpu.memory_space<vmem>> -> memref<1x8x128xi32, #tpu.memory_space<vmem>>
        %dma_start3A_1178 = tpu.memref_squeeze %dma_start3A_1177 : memref<1x8x128xi32, #tpu.memory_space<vmem>> -> memref<8x128xi32, #tpu.memory_space<vmem>>
        %dma_start3A_1179 = arith.constant 0 : i32
        %dma_start3A_1180 = tpu.memref_slice %dma_start3A_1178[%dma_start3A_1167, %dma_start3A_1179] : memref<8x128xi32, #tpu.memory_space<vmem>> -> memref<1x128xi32, #tpu.memory_space<vmem>>
        %dma_start3A_1181 = tpu.memref_squeeze %dma_start3A_1180 : memref<1x128xi32, #tpu.memory_space<vmem>> -> memref<128xi32, #tpu.memory_space<vmem>>
        %dma_start3A_1182 = arith.constant 0 : i32
        %dma_start3A_1183 = arith.constant 0 : i32
        %dma_start3A_1184 = tpu.memref_slice %arg3[%dma_start3A_1182, %dma_start3A_1183] : memref<10000x9xf32, #tpu.memory_space<hbm>> -> memref<10000x9xf32, #tpu.memory_space<hbm>>
        tpu.enqueue_indirect_dma source(%dma_start3A_1184 : memref<10000x9xf32, #tpu.memory_space<hbm>>) target(%dma_start3A_1174 : memref<128x9xf32, #tpu.memory_space<vmem>>) offsets(%dma_start3A_1181 : memref<128xi32, #tpu.memory_space<vmem>>) semaphore(%arg16 : memref<!tpu.dma_semaphore, #tpu.memory_space<semaphore_mem>>)
        %dma_start3A_1185 = arith.constant 7 : i32
        %dma_start3A_1186 = arith.constant 0 : i32
        %dma_start3A_1187 = arith.constant 0 : i32
        %dma_start3A_1188 = tpu.memref_slice %arg11[%sub3A_909, %dma_start3A_1186, %dma_start3A_1187] : memref<2x1024x9xf32, #tpu.memory_space<vmem>> -> memref<1x1024x9xf32, #tpu.memory_space<vmem>>
        %dma_start3A_1189 = tpu.memref_squeeze %dma_start3A_1188 : memref<1x1024x9xf32, #tpu.memory_space<vmem>> -> memref<1024x9xf32, #tpu.memory_space<vmem>>
        %dma_start3A_1190 = arith.constant 896 : i32
        %dma_start3A_1191 = arith.constant 0 : i32
        %dma_start3A_1192 = tpu.memref_slice %dma_start3A_1189[%dma_start3A_1190, %dma_start3A_1191] : memref<1024x9xf32, #tpu.memory_space<vmem>> -> memref<128x9xf32, #tpu.memory_space<vmem>>
        %dma_start3A_1193 = arith.constant 0 : i32
        %dma_start3A_1194 = arith.constant 0 : i32
        %dma_start3A_1195 = tpu.memref_slice %arg9[%sub3A_909, %dma_start3A_1193, %dma_start3A_1194] : memref<2x8x128xi32, #tpu.memory_space<vmem>> -> memref<1x8x128xi32, #tpu.memory_space<vmem>>
        %dma_start3A_1196 = tpu.memref_squeeze %dma_start3A_1195 : memref<1x8x128xi32, #tpu.memory_space<vmem>> -> memref<8x128xi32, #tpu.memory_space<vmem>>
        %dma_start3A_1197 = arith.constant 0 : i32
        %dma_start3A_1198 = tpu.memref_slice %dma_start3A_1196[%dma_start3A_1185, %dma_start3A_1197] : memref<8x128xi32, #tpu.memory_space<vmem>> -> memref<1x128xi32, #tpu.memory_space<vmem>>
        %dma_start3A_1199 = tpu.memref_squeeze %dma_start3A_1198 : memref<1x128xi32, #tpu.memory_space<vmem>> -> memref<128xi32, #tpu.memory_space<vmem>>
        %dma_start3A_1200 = arith.constant 0 : i32
        %dma_start3A_1201 = arith.constant 0 : i32
        %dma_start3A_1202 = tpu.memref_slice %arg4[%dma_start3A_1200, %dma_start3A_1201] : memref<10000x9xf32, #tpu.memory_space<hbm>> -> memref<10000x9xf32, #tpu.memory_space<hbm>>
        tpu.enqueue_indirect_dma source(%dma_start3A_1202 : memref<10000x9xf32, #tpu.memory_space<hbm>>) target(%dma_start3A_1192 : memref<128x9xf32, #tpu.memory_space<vmem>>) offsets(%dma_start3A_1199 : memref<128xi32, #tpu.memory_space<vmem>>) semaphore(%arg16 : memref<!tpu.dma_semaphore, #tpu.memory_space<semaphore_mem>>)
      } else {
      }
      %mul3A_780 = arith.constant 128 : i32
      %mul3A_781 = arith.muli %add3A_376, %mul3A_780 : i32
      %parallel_loop3A = arith.constant 0 : i32
      %parallel_loop3A_782 = arith.constant 64 : i32
      %parallel_loop3A_783 = arith.constant 1 : i32
      scf.for %parallel_loop3A_907 = %parallel_loop3A to %parallel_loop3A_782 step %parallel_loop3A_783  : i32 {
        %parallel_loop3A_908 = arith.constant 16 : i32
        %parallel_loop3A_909 = arith.muli %parallel_loop3A_907, %parallel_loop3A_908 : i32
        %parallel_loop3A_910 = tpu.iota {dimensions = array<i32: 0>} : vector<16xi32>
        %parallel_loop3A_911 = vector.broadcast %parallel_loop3A_909 : i32 to vector<16xi32>
        %parallel_loop3A_912 = arith.addi %parallel_loop3A_911, %parallel_loop3A_910 : vector<16xi32>
        %parallel_loop3A_913 = vector.broadcast %mul3A_781 : i32 to vector<16xi32>
        %parallel_loop3A_914 = arith.addi %parallel_loop3A_913, %parallel_loop3A_912 : vector<16xi32>
        %parallel_loop3A_915 = vector.broadcast %min3A_36 : i32 to vector<16xi32>
        %parallel_loop3A_916 = arith.cmpi slt, %parallel_loop3A_914, %parallel_loop3A_915 : vector<16xi32>
        %parallel_loop3A_917 = arith.constant 0.000000e+00 : f32
        %parallel_loop3A_918 = vector.broadcast %parallel_loop3A_917 : f32 to vector<16xf32>
        %parallel_loop3A_919 = arith.constant 0 : i32
        %parallel_loop3A_920 = vector.broadcast %parallel_loop3A_919 : i32 to vector<16xi32>
        %parallel_loop3A_921 = arith.constant 0 : i32
        %parallel_loop3A_922 = arith.constant 0 : i32
        %parallel_loop3A_923 = tpu.memref_slice %arg10[%and3A_373, %parallel_loop3A_921, %parallel_loop3A_922] : memref<2x1024x9xf32, #tpu.memory_space<vmem>> -> memref<1x1024x9xf32, #tpu.memory_space<vmem>>
        %parallel_loop3A_924 = tpu.memref_squeeze %parallel_loop3A_923 : memref<1x1024x9xf32, #tpu.memory_space<vmem>> -> memref<1024x9xf32, #tpu.memory_space<vmem>>
        %parallel_loop3A_925 = tpu.vector_load_idx %parallel_loop3A_924[%parallel_loop3A_912, %parallel_loop3A_920] : memref<1024x9xf32, #tpu.memory_space<vmem>>[vector<16xi32>, vector<16xi32>], vector<16xf32>,
        %parallel_loop3A_926 = arith.constant 0 : i32
        %parallel_loop3A_927 = arith.constant 0 : i32
        %parallel_loop3A_928 = tpu.memref_slice %arg11[%and3A_373, %parallel_loop3A_926, %parallel_loop3A_927] : memref<2x1024x9xf32, #tpu.memory_space<vmem>> -> memref<1x1024x9xf32, #tpu.memory_space<vmem>>
        %parallel_loop3A_929 = tpu.memref_squeeze %parallel_loop3A_928 : memref<1x1024x9xf32, #tpu.memory_space<vmem>> -> memref<1024x9xf32, #tpu.memory_space<vmem>>
        %parallel_loop3A_930 = tpu.vector_load_idx %parallel_loop3A_929[%parallel_loop3A_912, %parallel_loop3A_920] : memref<1024x9xf32, #tpu.memory_space<vmem>>[vector<16xi32>, vector<16xi32>], vector<16xf32>,
        %parallel_loop3A_931 = arith.addf %parallel_loop3A_925, %parallel_loop3A_930 : vector<16xf32>
        %parallel_loop3A_932 = arith.constant 2.000000e-01 : f32
        %parallel_loop3A_933 = vector.broadcast %parallel_loop3A_932 : f32 to vector<16xf32>
        %parallel_loop3A_934 = arith.mulf %parallel_loop3A_933, %parallel_loop3A_931 : vector<16xf32>
        %parallel_loop3A_935 = arith.maximumf %parallel_loop3A_931, %parallel_loop3A_934 : vector<16xf32>
        %parallel_loop3A_936 = arith.mulf %gather3A, %parallel_loop3A_935 : vector<16xf32>
        %parallel_loop3A_937 = arith.addf %parallel_loop3A_918, %parallel_loop3A_936 : vector<16xf32>
        %parallel_loop3A_938 = arith.constant 1 : i32
        %parallel_loop3A_939 = vector.broadcast %parallel_loop3A_938 : i32 to vector<16xi32>
        %parallel_loop3A_940 = arith.constant 0 : i32
        %parallel_loop3A_941 = arith.constant 0 : i32
        %parallel_loop3A_942 = tpu.memref_slice %arg10[%and3A_373, %parallel_loop3A_940, %parallel_loop3A_941] : memref<2x1024x9xf32, #tpu.memory_space<vmem>> -> memref<1x1024x9xf32, #tpu.memory_space<vmem>>
        %parallel_loop3A_943 = tpu.memref_squeeze %parallel_loop3A_942 : memref<1x1024x9xf32, #tpu.memory_space<vmem>> -> memref<1024x9xf32, #tpu.memory_space<vmem>>
        %parallel_loop3A_944 = tpu.vector_load_idx %parallel_loop3A_943[%parallel_loop3A_912, %parallel_loop3A_939] : memref<1024x9xf32, #tpu.memory_space<vmem>>[vector<16xi32>, vector<16xi32>], vector<16xf32>,
        %parallel_loop3A_945 = arith.constant 0 : i32
        %parallel_loop3A_946 = arith.constant 0 : i32
        %parallel_loop3A_947 = tpu.memref_slice %arg11[%and3A_373, %parallel_loop3A_945, %parallel_loop3A_946] : memref<2x1024x9xf32, #tpu.memory_space<vmem>> -> memref<1x1024x9xf32, #tpu.memory_space<vmem>>
        %parallel_loop3A_948 = tpu.memref_squeeze %parallel_loop3A_947 : memref<1x1024x9xf32, #tpu.memory_space<vmem>> -> memref<1024x9xf32, #tpu.memory_space<vmem>>
        %parallel_loop3A_949 = tpu.vector_load_idx %parallel_loop3A_948[%parallel_loop3A_912, %parallel_loop3A_939] : memref<1024x9xf32, #tpu.memory_space<vmem>>[vector<16xi32>, vector<16xi32>], vector<16xf32>,
        %parallel_loop3A_950 = arith.addf %parallel_loop3A_944, %parallel_loop3A_949 : vector<16xf32>
        %parallel_loop3A_951 = arith.constant 2.000000e-01 : f32
        %parallel_loop3A_952 = vector.broadcast %parallel_loop3A_951 : f32 to vector<16xf32>
        %parallel_loop3A_953 = arith.mulf %parallel_loop3A_952, %parallel_loop3A_950 : vector<16xf32>
        %parallel_loop3A_954 = arith.maximumf %parallel_loop3A_950, %parallel_loop3A_953 : vector<16xf32>
        %parallel_loop3A_955 = arith.mulf %gather3A_4, %parallel_loop3A_954 : vector<16xf32>
        %parallel_loop3A_956 = arith.addf %parallel_loop3A_937, %parallel_loop3A_955 : vector<16xf32>
        %parallel_loop3A_957 = arith.constant 2 : i32
        %parallel_loop3A_958 = vector.broadcast %parallel_loop3A_957 : i32 to vector<16xi32>
        %parallel_loop3A_959 = arith.constant 0 : i32
        %parallel_loop3A_960 = arith.constant 0 : i32
        %parallel_loop3A_961 = tpu.memref_slice %arg10[%and3A_373, %parallel_loop3A_959, %parallel_loop3A_960] : memref<2x1024x9xf32, #tpu.memory_space<vmem>> -> memref<1x1024x9xf32, #tpu.memory_space<vmem>>
        %parallel_loop3A_962 = tpu.memref_squeeze %parallel_loop3A_961 : memref<1x1024x9xf32, #tpu.memory_space<vmem>> -> memref<1024x9xf32, #tpu.memory_space<vmem>>
        %parallel_loop3A_963 = tpu.vector_load_idx %parallel_loop3A_962[%parallel_loop3A_912, %parallel_loop3A_958] : memref<1024x9xf32, #tpu.memory_space<vmem>>[vector<16xi32>, vector<16xi32>], vector<16xf32>,
        %parallel_loop3A_964 = arith.constant 0 : i32
        %parallel_loop3A_965 = arith.constant 0 : i32
        %parallel_loop3A_966 = tpu.memref_slice %arg11[%and3A_373, %parallel_loop3A_964, %parallel_loop3A_965] : memref<2x1024x9xf32, #tpu.memory_space<vmem>> -> memref<1x1024x9xf32, #tpu.memory_space<vmem>>
        %parallel_loop3A_967 = tpu.memref_squeeze %parallel_loop3A_966 : memref<1x1024x9xf32, #tpu.memory_space<vmem>> -> memref<1024x9xf32, #tpu.memory_space<vmem>>
        %parallel_loop3A_968 = tpu.vector_load_idx %parallel_loop3A_967[%parallel_loop3A_912, %parallel_loop3A_958] : memref<1024x9xf32, #tpu.memory_space<vmem>>[vector<16xi32>, vector<16xi32>], vector<16xf32>,
        %parallel_loop3A_969 = arith.addf %parallel_loop3A_963, %parallel_loop3A_968 : vector<16xf32>
        %parallel_loop3A_970 = arith.constant 2.000000e-01 : f32
        %parallel_loop3A_971 = vector.broadcast %parallel_loop3A_970 : f32 to vector<16xf32>
        %parallel_loop3A_972 = arith.mulf %parallel_loop3A_971, %parallel_loop3A_969 : vector<16xf32>
        %parallel_loop3A_973 = arith.maximumf %parallel_loop3A_969, %parallel_loop3A_972 : vector<16xf32>
        %parallel_loop3A_974 = arith.mulf %gather3A_7, %parallel_loop3A_973 : vector<16xf32>
        %parallel_loop3A_975 = arith.addf %parallel_loop3A_956, %parallel_loop3A_974 : vector<16xf32>
        %parallel_loop3A_976 = arith.constant 3 : i32
        %parallel_loop3A_977 = vector.broadcast %parallel_loop3A_976 : i32 to vector<16xi32>
        %parallel_loop3A_978 = arith.constant 0 : i32
        %parallel_loop3A_979 = arith.constant 0 : i32
        %parallel_loop3A_980 = tpu.memref_slice %arg10[%and3A_373, %parallel_loop3A_978, %parallel_loop3A_979] : memref<2x1024x9xf32, #tpu.memory_space<vmem>> -> memref<1x1024x9xf32, #tpu.memory_space<vmem>>
        %parallel_loop3A_981 = tpu.memref_squeeze %parallel_loop3A_980 : memref<1x1024x9xf32, #tpu.memory_space<vmem>> -> memref<1024x9xf32, #tpu.memory_space<vmem>>
        %parallel_loop3A_982 = tpu.vector_load_idx %parallel_loop3A_981[%parallel_loop3A_912, %parallel_loop3A_977] : memref<1024x9xf32, #tpu.memory_space<vmem>>[vector<16xi32>, vector<16xi32>], vector<16xf32>,
        %parallel_loop3A_983 = arith.constant 0 : i32
        %parallel_loop3A_984 = arith.constant 0 : i32
        %parallel_loop3A_985 = tpu.memref_slice %arg11[%and3A_373, %parallel_loop3A_983, %parallel_loop3A_984] : memref<2x1024x9xf32, #tpu.memory_space<vmem>> -> memref<1x1024x9xf32, #tpu.memory_space<vmem>>
        %parallel_loop3A_986 = tpu.memref_squeeze %parallel_loop3A_985 : memref<1x1024x9xf32, #tpu.memory_space<vmem>> -> memref<1024x9xf32, #tpu.memory_space<vmem>>
        %parallel_loop3A_987 = tpu.vector_load_idx %parallel_loop3A_986[%parallel_loop3A_912, %parallel_loop3A_977] : memref<1024x9xf32, #tpu.memory_space<vmem>>[vector<16xi32>, vector<16xi32>], vector<16xf32>,
        %parallel_loop3A_988 = arith.addf %parallel_loop3A_982, %parallel_loop3A_987 : vector<16xf32>
        %parallel_loop3A_989 = arith.constant 2.000000e-01 : f32
        %parallel_loop3A_990 = vector.broadcast %parallel_loop3A_989 : f32 to vector<16xf32>
        %parallel_loop3A_991 = arith.mulf %parallel_loop3A_990, %parallel_loop3A_988 : vector<16xf32>
        %parallel_loop3A_992 = arith.maximumf %parallel_loop3A_988, %parallel_loop3A_991 : vector<16xf32>
        %parallel_loop3A_993 = arith.mulf %gather3A_10, %parallel_loop3A_992 : vector<16xf32>
        %parallel_loop3A_994 = arith.addf %parallel_loop3A_975, %parallel_loop3A_993 : vector<16xf32>
        %parallel_loop3A_995 = arith.constant 4 : i32
        %parallel_loop3A_996 = vector.broadcast %parallel_loop3A_995 : i32 to vector<16xi32>
        %parallel_loop3A_997 = arith.constant 0 : i32
        %parallel_loop3A_998 = arith.constant 0 : i32
        %parallel_loop3A_999 = tpu.memref_slice %arg10[%and3A_373, %parallel_loop3A_997, %parallel_loop3A_998] : memref<2x1024x9xf32, #tpu.memory_space<vmem>> -> memref<1x1024x9xf32, #tpu.memory_space<vmem>>
        %parallel_loop3A_1000 = tpu.memref_squeeze %parallel_loop3A_999 : memref<1x1024x9xf32, #tpu.memory_space<vmem>> -> memref<1024x9xf32, #tpu.memory_space<vmem>>
        %parallel_loop3A_1001 = tpu.vector_load_idx %parallel_loop3A_1000[%parallel_loop3A_912, %parallel_loop3A_996] : memref<1024x9xf32, #tpu.memory_space<vmem>>[vector<16xi32>, vector<16xi32>], vector<16xf32>,
        %parallel_loop3A_1002 = arith.constant 0 : i32
        %parallel_loop3A_1003 = arith.constant 0 : i32
        %parallel_loop3A_1004 = tpu.memref_slice %arg11[%and3A_373, %parallel_loop3A_1002, %parallel_loop3A_1003] : memref<2x1024x9xf32, #tpu.memory_space<vmem>> -> memref<1x1024x9xf32, #tpu.memory_space<vmem>>
        %parallel_loop3A_1005 = tpu.memref_squeeze %parallel_loop3A_1004 : memref<1x1024x9xf32, #tpu.memory_space<vmem>> -> memref<1024x9xf32, #tpu.memory_space<vmem>>
        %parallel_loop3A_1006 = tpu.vector_load_idx %parallel_loop3A_1005[%parallel_loop3A_912, %parallel_loop3A_996] : memref<1024x9xf32, #tpu.memory_space<vmem>>[vector<16xi32>, vector<16xi32>], vector<16xf32>,
        %parallel_loop3A_1007 = arith.addf %parallel_loop3A_1001, %parallel_loop3A_1006 : vector<16xf32>
        %parallel_loop3A_1008 = arith.constant 2.000000e-01 : f32
        %parallel_loop3A_1009 = vector.broadcast %parallel_loop3A_1008 : f32 to vector<16xf32>
        %parallel_loop3A_1010 = arith.mulf %parallel_loop3A_1009, %parallel_loop3A_1007 : vector<16xf32>
        %parallel_loop3A_1011 = arith.maximumf %parallel_loop3A_1007, %parallel_loop3A_1010 : vector<16xf32>
        %parallel_loop3A_1012 = arith.mulf %gather3A_13, %parallel_loop3A_1011 : vector<16xf32>
        %parallel_loop3A_1013 = arith.addf %parallel_loop3A_994, %parallel_loop3A_1012 : vector<16xf32>
        %parallel_loop3A_1014 = arith.constant 5 : i32
        %parallel_loop3A_1015 = vector.broadcast %parallel_loop3A_1014 : i32 to vector<16xi32>
        %parallel_loop3A_1016 = arith.constant 0 : i32
        %parallel_loop3A_1017 = arith.constant 0 : i32
        %parallel_loop3A_1018 = tpu.memref_slice %arg10[%and3A_373, %parallel_loop3A_1016, %parallel_loop3A_1017] : memref<2x1024x9xf32, #tpu.memory_space<vmem>> -> memref<1x1024x9xf32, #tpu.memory_space<vmem>>
        %parallel_loop3A_1019 = tpu.memref_squeeze %parallel_loop3A_1018 : memref<1x1024x9xf32, #tpu.memory_space<vmem>> -> memref<1024x9xf32, #tpu.memory_space<vmem>>
        %parallel_loop3A_1020 = tpu.vector_load_idx %parallel_loop3A_1019[%parallel_loop3A_912, %parallel_loop3A_1015] : memref<1024x9xf32, #tpu.memory_space<vmem>>[vector<16xi32>, vector<16xi32>], vector<16xf32>,
        %parallel_loop3A_1021 = arith.constant 0 : i32
        %parallel_loop3A_1022 = arith.constant 0 : i32
        %parallel_loop3A_1023 = tpu.memref_slice %arg11[%and3A_373, %parallel_loop3A_1021, %parallel_loop3A_1022] : memref<2x1024x9xf32, #tpu.memory_space<vmem>> -> memref<1x1024x9xf32, #tpu.memory_space<vmem>>
        %parallel_loop3A_1024 = tpu.memref_squeeze %parallel_loop3A_1023 : memref<1x1024x9xf32, #tpu.memory_space<vmem>> -> memref<1024x9xf32, #tpu.memory_space<vmem>>
        %parallel_loop3A_1025 = tpu.vector_load_idx %parallel_loop3A_1024[%parallel_loop3A_912, %parallel_loop3A_1015] : memref<1024x9xf32, #tpu.memory_space<vmem>>[vector<16xi32>, vector<16xi32>], vector<16xf32>,
        %parallel_loop3A_1026 = arith.addf %parallel_loop3A_1020, %parallel_loop3A_1025 : vector<16xf32>
        %parallel_loop3A_1027 = arith.constant 2.000000e-01 : f32
        %parallel_loop3A_1028 = vector.broadcast %parallel_loop3A_1027 : f32 to vector<16xf32>
        %parallel_loop3A_1029 = arith.mulf %parallel_loop3A_1028, %parallel_loop3A_1026 : vector<16xf32>
        %parallel_loop3A_1030 = arith.maximumf %parallel_loop3A_1026, %parallel_loop3A_1029 : vector<16xf32>
        %parallel_loop3A_1031 = arith.mulf %gather3A_16, %parallel_loop3A_1030 : vector<16xf32>
        %parallel_loop3A_1032 = arith.addf %parallel_loop3A_1013, %parallel_loop3A_1031 : vector<16xf32>
        %parallel_loop3A_1033 = arith.constant 6 : i32
        %parallel_loop3A_1034 = vector.broadcast %parallel_loop3A_1033 : i32 to vector<16xi32>
        %parallel_loop3A_1035 = arith.constant 0 : i32
        %parallel_loop3A_1036 = arith.constant 0 : i32
        %parallel_loop3A_1037 = tpu.memref_slice %arg10[%and3A_373, %parallel_loop3A_1035, %parallel_loop3A_1036] : memref<2x1024x9xf32, #tpu.memory_space<vmem>> -> memref<1x1024x9xf32, #tpu.memory_space<vmem>>
        %parallel_loop3A_1038 = tpu.memref_squeeze %parallel_loop3A_1037 : memref<1x1024x9xf32, #tpu.memory_space<vmem>> -> memref<1024x9xf32, #tpu.memory_space<vmem>>
        %parallel_loop3A_1039 = tpu.vector_load_idx %parallel_loop3A_1038[%parallel_loop3A_912, %parallel_loop3A_1034] : memref<1024x9xf32, #tpu.memory_space<vmem>>[vector<16xi32>, vector<16xi32>], vector<16xf32>,
        %parallel_loop3A_1040 = arith.constant 0 : i32
        %parallel_loop3A_1041 = arith.constant 0 : i32
        %parallel_loop3A_1042 = tpu.memref_slice %arg11[%and3A_373, %parallel_loop3A_1040, %parallel_loop3A_1041] : memref<2x1024x9xf32, #tpu.memory_space<vmem>> -> memref<1x1024x9xf32, #tpu.memory_space<vmem>>
        %parallel_loop3A_1043 = tpu.memref_squeeze %parallel_loop3A_1042 : memref<1x1024x9xf32, #tpu.memory_space<vmem>> -> memref<1024x9xf32, #tpu.memory_space<vmem>>
        %parallel_loop3A_1044 = tpu.vector_load_idx %parallel_loop3A_1043[%parallel_loop3A_912, %parallel_loop3A_1034] : memref<1024x9xf32, #tpu.memory_space<vmem>>[vector<16xi32>, vector<16xi32>], vector<16xf32>,
        %parallel_loop3A_1045 = arith.addf %parallel_loop3A_1039, %parallel_loop3A_1044 : vector<16xf32>
        %parallel_loop3A_1046 = arith.constant 2.000000e-01 : f32
        %parallel_loop3A_1047 = vector.broadcast %parallel_loop3A_1046 : f32 to vector<16xf32>
        %parallel_loop3A_1048 = arith.mulf %parallel_loop3A_1047, %parallel_loop3A_1045 : vector<16xf32>
        %parallel_loop3A_1049 = arith.maximumf %parallel_loop3A_1045, %parallel_loop3A_1048 : vector<16xf32>
        %parallel_loop3A_1050 = arith.mulf %gather3A_19, %parallel_loop3A_1049 : vector<16xf32>
        %parallel_loop3A_1051 = arith.addf %parallel_loop3A_1032, %parallel_loop3A_1050 : vector<16xf32>
        %parallel_loop3A_1052 = arith.constant 7 : i32
        %parallel_loop3A_1053 = vector.broadcast %parallel_loop3A_1052 : i32 to vector<16xi32>
        %parallel_loop3A_1054 = arith.constant 0 : i32
        %parallel_loop3A_1055 = arith.constant 0 : i32
        %parallel_loop3A_1056 = tpu.memref_slice %arg10[%and3A_373, %parallel_loop3A_1054, %parallel_loop3A_1055] : memref<2x1024x9xf32, #tpu.memory_space<vmem>> -> memref<1x1024x9xf32, #tpu.memory_space<vmem>>
        %parallel_loop3A_1057 = tpu.memref_squeeze %parallel_loop3A_1056 : memref<1x1024x9xf32, #tpu.memory_space<vmem>> -> memref<1024x9xf32, #tpu.memory_space<vmem>>
        %parallel_loop3A_1058 = tpu.vector_load_idx %parallel_loop3A_1057[%parallel_loop3A_912, %parallel_loop3A_1053] : memref<1024x9xf32, #tpu.memory_space<vmem>>[vector<16xi32>, vector<16xi32>], vector<16xf32>,
        %parallel_loop3A_1059 = arith.constant 0 : i32
        %parallel_loop3A_1060 = arith.constant 0 : i32
        %parallel_loop3A_1061 = tpu.memref_slice %arg11[%and3A_373, %parallel_loop3A_1059, %parallel_loop3A_1060] : memref<2x1024x9xf32, #tpu.memory_space<vmem>> -> memref<1x1024x9xf32, #tpu.memory_space<vmem>>
        %parallel_loop3A_1062 = tpu.memref_squeeze %parallel_loop3A_1061 : memref<1x1024x9xf32, #tpu.memory_space<vmem>> -> memref<1024x9xf32, #tpu.memory_space<vmem>>
        %parallel_loop3A_1063 = tpu.vector_load_idx %parallel_loop3A_1062[%parallel_loop3A_912, %parallel_loop3A_1053] : memref<1024x9xf32, #tpu.memory_space<vmem>>[vector<16xi32>, vector<16xi32>], vector<16xf32>,
        %parallel_loop3A_1064 = arith.addf %parallel_loop3A_1058, %parallel_loop3A_1063 : vector<16xf32>
        %parallel_loop3A_1065 = arith.constant 2.000000e-01 : f32
        %parallel_loop3A_1066 = vector.broadcast %parallel_loop3A_1065 : f32 to vector<16xf32>
        %parallel_loop3A_1067 = arith.mulf %parallel_loop3A_1066, %parallel_loop3A_1064 : vector<16xf32>
        %parallel_loop3A_1068 = arith.maximumf %parallel_loop3A_1064, %parallel_loop3A_1067 : vector<16xf32>
        %parallel_loop3A_1069 = arith.mulf %gather3A_22, %parallel_loop3A_1068 : vector<16xf32>
        %parallel_loop3A_1070 = arith.addf %parallel_loop3A_1051, %parallel_loop3A_1069 : vector<16xf32>
        %parallel_loop3A_1071 = math.exp %parallel_loop3A_1070 : vector<16xf32>
        %parallel_loop3A_1072 = arith.constant 0.000000e+00 : f32
        %parallel_loop3A_1073 = vector.broadcast %parallel_loop3A_1072 : f32 to vector<16xf32>
        %parallel_loop3A_1074 = arith.select %parallel_loop3A_916, %parallel_loop3A_1071, %parallel_loop3A_1073 : vector<16xi1>, vector<16xf32>
        %parallel_loop3A_1075 = arith.constant 16 : i32
        %parallel_loop3A_1076 = arith.muli %parallel_loop3A_907, %parallel_loop3A_1075 : i32
        %parallel_loop3A_1077 = arith.index_cast %parallel_loop3A_1076 : i32 to index
        %parallel_loop3A_1078 = tpu.vector_load %arg13[%parallel_loop3A_1077] {strides = array<i32>} : memref<1024xf32, #tpu.memory_space<vmem>>, vector<16xf32>,
        tpu.vector_store %arg13[%parallel_loop3A_1077], %parallel_loop3A_1074 {strides = array<i32>} : memref<1024xf32, #tpu.memory_space<vmem>>, vector<16xf32>,
      } {sc.loop_unroll_factor = 8 : i64, sc.parallel_access}
      %dma_wait3A_784 = arith.constant 0 : i32
      %dma_wait3A_785 = arith.constant 0 : i32
      %dma_wait3A_786 = arith.constant 0 : i32
      %dma_wait3A_787 = tpu.memref_slice %arg12[%dma_wait3A_785, %dma_wait3A_786] : memref<1024x32xf32, #tpu.memory_space<vmem>> -> memref<128x32xf32, #tpu.memory_space<vmem>>
      %dma_wait3A_788 = arith.constant 0 : i32
      %dma_wait3A_789 = arith.constant 0 : i32
      %dma_wait3A_790 = tpu.memref_slice %arg8[%and3A_373, %dma_wait3A_788, %dma_wait3A_789] : memref<2x8x128xi32, #tpu.memory_space<vmem>> -> memref<1x8x128xi32, #tpu.memory_space<vmem>>
      %dma_wait3A_791 = tpu.memref_squeeze %dma_wait3A_790 : memref<1x8x128xi32, #tpu.memory_space<vmem>> -> memref<8x128xi32, #tpu.memory_space<vmem>>
      %dma_wait3A_792 = arith.constant 0 : i32
      %dma_wait3A_793 = tpu.memref_slice %dma_wait3A_791[%dma_wait3A_784, %dma_wait3A_792] : memref<8x128xi32, #tpu.memory_space<vmem>> -> memref<1x128xi32, #tpu.memory_space<vmem>>
      %dma_wait3A_794 = tpu.memref_squeeze %dma_wait3A_793 : memref<1x128xi32, #tpu.memory_space<vmem>> -> memref<128xi32, #tpu.memory_space<vmem>>
      %dma_wait3A_795 = arith.constant 0 : i32
      %dma_wait3A_796 = arith.constant 0 : i32
      %dma_wait3A_797 = tpu.memref_slice %arg5[%dma_wait3A_795, %dma_wait3A_796] : memref<10000x32xf32, #tpu.memory_space<hbm>> -> memref<10000x32xf32, #tpu.memory_space<hbm>>
      tpu.wait_indirect_dma semaphore(%arg18 : memref<!tpu.dma_semaphore, #tpu.memory_space<semaphore_mem>>) src(%dma_wait3A_797 : memref<10000x32xf32, #tpu.memory_space<hbm>>) dst(%dma_wait3A_787 : memref<128x32xf32, #tpu.memory_space<vmem>>)
      %dma_wait3A_798 = arith.constant 1 : i32
      %dma_wait3A_799 = arith.constant 128 : i32
      %dma_wait3A_800 = arith.constant 0 : i32
      %dma_wait3A_801 = tpu.memref_slice %arg12[%dma_wait3A_799, %dma_wait3A_800] : memref<1024x32xf32, #tpu.memory_space<vmem>> -> memref<128x32xf32, #tpu.memory_space<vmem>>
      %dma_wait3A_802 = arith.constant 0 : i32
      %dma_wait3A_803 = arith.constant 0 : i32
      %dma_wait3A_804 = tpu.memref_slice %arg8[%and3A_373, %dma_wait3A_802, %dma_wait3A_803] : memref<2x8x128xi32, #tpu.memory_space<vmem>> -> memref<1x8x128xi32, #tpu.memory_space<vmem>>
      %dma_wait3A_805 = tpu.memref_squeeze %dma_wait3A_804 : memref<1x8x128xi32, #tpu.memory_space<vmem>> -> memref<8x128xi32, #tpu.memory_space<vmem>>
      %dma_wait3A_806 = arith.constant 0 : i32
      %dma_wait3A_807 = tpu.memref_slice %dma_wait3A_805[%dma_wait3A_798, %dma_wait3A_806] : memref<8x128xi32, #tpu.memory_space<vmem>> -> memref<1x128xi32, #tpu.memory_space<vmem>>
      %dma_wait3A_808 = tpu.memref_squeeze %dma_wait3A_807 : memref<1x128xi32, #tpu.memory_space<vmem>> -> memref<128xi32, #tpu.memory_space<vmem>>
      %dma_wait3A_809 = arith.constant 0 : i32
      %dma_wait3A_810 = arith.constant 0 : i32
      %dma_wait3A_811 = tpu.memref_slice %arg5[%dma_wait3A_809, %dma_wait3A_810] : memref<10000x32xf32, #tpu.memory_space<hbm>> -> memref<10000x32xf32, #tpu.memory_space<hbm>>
      tpu.wait_indirect_dma semaphore(%arg18 : memref<!tpu.dma_semaphore, #tpu.memory_space<semaphore_mem>>) src(%dma_wait3A_811 : memref<10000x32xf32, #tpu.memory_space<hbm>>) dst(%dma_wait3A_801 : memref<128x32xf32, #tpu.memory_space<vmem>>)
      %dma_wait3A_812 = arith.constant 2 : i32
      %dma_wait3A_813 = arith.constant 256 : i32
      %dma_wait3A_814 = arith.constant 0 : i32
      %dma_wait3A_815 = tpu.memref_slice %arg12[%dma_wait3A_813, %dma_wait3A_814] : memref<1024x32xf32, #tpu.memory_space<vmem>> -> memref<128x32xf32, #tpu.memory_space<vmem>>
      %dma_wait3A_816 = arith.constant 0 : i32
      %dma_wait3A_817 = arith.constant 0 : i32
      %dma_wait3A_818 = tpu.memref_slice %arg8[%and3A_373, %dma_wait3A_816, %dma_wait3A_817] : memref<2x8x128xi32, #tpu.memory_space<vmem>> -> memref<1x8x128xi32, #tpu.memory_space<vmem>>
      %dma_wait3A_819 = tpu.memref_squeeze %dma_wait3A_818 : memref<1x8x128xi32, #tpu.memory_space<vmem>> -> memref<8x128xi32, #tpu.memory_space<vmem>>
      %dma_wait3A_820 = arith.constant 0 : i32
      %dma_wait3A_821 = tpu.memref_slice %dma_wait3A_819[%dma_wait3A_812, %dma_wait3A_820] : memref<8x128xi32, #tpu.memory_space<vmem>> -> memref<1x128xi32, #tpu.memory_space<vmem>>
      %dma_wait3A_822 = tpu.memref_squeeze %dma_wait3A_821 : memref<1x128xi32, #tpu.memory_space<vmem>> -> memref<128xi32, #tpu.memory_space<vmem>>
      %dma_wait3A_823 = arith.constant 0 : i32
      %dma_wait3A_824 = arith.constant 0 : i32
      %dma_wait3A_825 = tpu.memref_slice %arg5[%dma_wait3A_823, %dma_wait3A_824] : memref<10000x32xf32, #tpu.memory_space<hbm>> -> memref<10000x32xf32, #tpu.memory_space<hbm>>
      tpu.wait_indirect_dma semaphore(%arg18 : memref<!tpu.dma_semaphore, #tpu.memory_space<semaphore_mem>>) src(%dma_wait3A_825 : memref<10000x32xf32, #tpu.memory_space<hbm>>) dst(%dma_wait3A_815 : memref<128x32xf32, #tpu.memory_space<vmem>>)
      %dma_wait3A_826 = arith.constant 3 : i32
      %dma_wait3A_827 = arith.constant 384 : i32
      %dma_wait3A_828 = arith.constant 0 : i32
      %dma_wait3A_829 = tpu.memref_slice %arg12[%dma_wait3A_827, %dma_wait3A_828] : memref<1024x32xf32, #tpu.memory_space<vmem>> -> memref<128x32xf32, #tpu.memory_space<vmem>>
      %dma_wait3A_830 = arith.constant 0 : i32
      %dma_wait3A_831 = arith.constant 0 : i32
      %dma_wait3A_832 = tpu.memref_slice %arg8[%and3A_373, %dma_wait3A_830, %dma_wait3A_831] : memref<2x8x128xi32, #tpu.memory_space<vmem>> -> memref<1x8x128xi32, #tpu.memory_space<vmem>>
      %dma_wait3A_833 = tpu.memref_squeeze %dma_wait3A_832 : memref<1x8x128xi32, #tpu.memory_space<vmem>> -> memref<8x128xi32, #tpu.memory_space<vmem>>
      %dma_wait3A_834 = arith.constant 0 : i32
      %dma_wait3A_835 = tpu.memref_slice %dma_wait3A_833[%dma_wait3A_826, %dma_wait3A_834] : memref<8x128xi32, #tpu.memory_space<vmem>> -> memref<1x128xi32, #tpu.memory_space<vmem>>
      %dma_wait3A_836 = tpu.memref_squeeze %dma_wait3A_835 : memref<1x128xi32, #tpu.memory_space<vmem>> -> memref<128xi32, #tpu.memory_space<vmem>>
      %dma_wait3A_837 = arith.constant 0 : i32
      %dma_wait3A_838 = arith.constant 0 : i32
      %dma_wait3A_839 = tpu.memref_slice %arg5[%dma_wait3A_837, %dma_wait3A_838] : memref<10000x32xf32, #tpu.memory_space<hbm>> -> memref<10000x32xf32, #tpu.memory_space<hbm>>
      tpu.wait_indirect_dma semaphore(%arg18 : memref<!tpu.dma_semaphore, #tpu.memory_space<semaphore_mem>>) src(%dma_wait3A_839 : memref<10000x32xf32, #tpu.memory_space<hbm>>) dst(%dma_wait3A_829 : memref<128x32xf32, #tpu.memory_space<vmem>>)
      %dma_wait3A_840 = arith.constant 4 : i32
      %dma_wait3A_841 = arith.constant 512 : i32
      %dma_wait3A_842 = arith.constant 0 : i32
      %dma_wait3A_843 = tpu.memref_slice %arg12[%dma_wait3A_841, %dma_wait3A_842] : memref<1024x32xf32, #tpu.memory_space<vmem>> -> memref<128x32xf32, #tpu.memory_space<vmem>>
      %dma_wait3A_844 = arith.constant 0 : i32
      %dma_wait3A_845 = arith.constant 0 : i32
      %dma_wait3A_846 = tpu.memref_slice %arg8[%and3A_373, %dma_wait3A_844, %dma_wait3A_845] : memref<2x8x128xi32, #tpu.memory_space<vmem>> -> memref<1x8x128xi32, #tpu.memory_space<vmem>>
      %dma_wait3A_847 = tpu.memref_squeeze %dma_wait3A_846 : memref<1x8x128xi32, #tpu.memory_space<vmem>> -> memref<8x128xi32, #tpu.memory_space<vmem>>
      %dma_wait3A_848 = arith.constant 0 : i32
      %dma_wait3A_849 = tpu.memref_slice %dma_wait3A_847[%dma_wait3A_840, %dma_wait3A_848] : memref<8x128xi32, #tpu.memory_space<vmem>> -> memref<1x128xi32, #tpu.memory_space<vmem>>
      %dma_wait3A_850 = tpu.memref_squeeze %dma_wait3A_849 : memref<1x128xi32, #tpu.memory_space<vmem>> -> memref<128xi32, #tpu.memory_space<vmem>>
      %dma_wait3A_851 = arith.constant 0 : i32
      %dma_wait3A_852 = arith.constant 0 : i32
      %dma_wait3A_853 = tpu.memref_slice %arg5[%dma_wait3A_851, %dma_wait3A_852] : memref<10000x32xf32, #tpu.memory_space<hbm>> -> memref<10000x32xf32, #tpu.memory_space<hbm>>
      tpu.wait_indirect_dma semaphore(%arg18 : memref<!tpu.dma_semaphore, #tpu.memory_space<semaphore_mem>>) src(%dma_wait3A_853 : memref<10000x32xf32, #tpu.memory_space<hbm>>) dst(%dma_wait3A_843 : memref<128x32xf32, #tpu.memory_space<vmem>>)
      %dma_wait3A_854 = arith.constant 5 : i32
      %dma_wait3A_855 = arith.constant 640 : i32
      %dma_wait3A_856 = arith.constant 0 : i32
      %dma_wait3A_857 = tpu.memref_slice %arg12[%dma_wait3A_855, %dma_wait3A_856] : memref<1024x32xf32, #tpu.memory_space<vmem>> -> memref<128x32xf32, #tpu.memory_space<vmem>>
      %dma_wait3A_858 = arith.constant 0 : i32
      %dma_wait3A_859 = arith.constant 0 : i32
      %dma_wait3A_860 = tpu.memref_slice %arg8[%and3A_373, %dma_wait3A_858, %dma_wait3A_859] : memref<2x8x128xi32, #tpu.memory_space<vmem>> -> memref<1x8x128xi32, #tpu.memory_space<vmem>>
      %dma_wait3A_861 = tpu.memref_squeeze %dma_wait3A_860 : memref<1x8x128xi32, #tpu.memory_space<vmem>> -> memref<8x128xi32, #tpu.memory_space<vmem>>
      %dma_wait3A_862 = arith.constant 0 : i32
      %dma_wait3A_863 = tpu.memref_slice %dma_wait3A_861[%dma_wait3A_854, %dma_wait3A_862] : memref<8x128xi32, #tpu.memory_space<vmem>> -> memref<1x128xi32, #tpu.memory_space<vmem>>
      %dma_wait3A_864 = tpu.memref_squeeze %dma_wait3A_863 : memref<1x128xi32, #tpu.memory_space<vmem>> -> memref<128xi32, #tpu.memory_space<vmem>>
      %dma_wait3A_865 = arith.constant 0 : i32
      %dma_wait3A_866 = arith.constant 0 : i32
      %dma_wait3A_867 = tpu.memref_slice %arg5[%dma_wait3A_865, %dma_wait3A_866] : memref<10000x32xf32, #tpu.memory_space<hbm>> -> memref<10000x32xf32, #tpu.memory_space<hbm>>
      tpu.wait_indirect_dma semaphore(%arg18 : memref<!tpu.dma_semaphore, #tpu.memory_space<semaphore_mem>>) src(%dma_wait3A_867 : memref<10000x32xf32, #tpu.memory_space<hbm>>) dst(%dma_wait3A_857 : memref<128x32xf32, #tpu.memory_space<vmem>>)
      %dma_wait3A_868 = arith.constant 6 : i32
      %dma_wait3A_869 = arith.constant 768 : i32
      %dma_wait3A_870 = arith.constant 0 : i32
      %dma_wait3A_871 = tpu.memref_slice %arg12[%dma_wait3A_869, %dma_wait3A_870] : memref<1024x32xf32, #tpu.memory_space<vmem>> -> memref<128x32xf32, #tpu.memory_space<vmem>>
      %dma_wait3A_872 = arith.constant 0 : i32
      %dma_wait3A_873 = arith.constant 0 : i32
      %dma_wait3A_874 = tpu.memref_slice %arg8[%and3A_373, %dma_wait3A_872, %dma_wait3A_873] : memref<2x8x128xi32, #tpu.memory_space<vmem>> -> memref<1x8x128xi32, #tpu.memory_space<vmem>>
      %dma_wait3A_875 = tpu.memref_squeeze %dma_wait3A_874 : memref<1x8x128xi32, #tpu.memory_space<vmem>> -> memref<8x128xi32, #tpu.memory_space<vmem>>
      %dma_wait3A_876 = arith.constant 0 : i32
      %dma_wait3A_877 = tpu.memref_slice %dma_wait3A_875[%dma_wait3A_868, %dma_wait3A_876] : memref<8x128xi32, #tpu.memory_space<vmem>> -> memref<1x128xi32, #tpu.memory_space<vmem>>
      %dma_wait3A_878 = tpu.memref_squeeze %dma_wait3A_877 : memref<1x128xi32, #tpu.memory_space<vmem>> -> memref<128xi32, #tpu.memory_space<vmem>>
      %dma_wait3A_879 = arith.constant 0 : i32
      %dma_wait3A_880 = arith.constant 0 : i32
      %dma_wait3A_881 = tpu.memref_slice %arg5[%dma_wait3A_879, %dma_wait3A_880] : memref<10000x32xf32, #tpu.memory_space<hbm>> -> memref<10000x32xf32, #tpu.memory_space<hbm>>
      tpu.wait_indirect_dma semaphore(%arg18 : memref<!tpu.dma_semaphore, #tpu.memory_space<semaphore_mem>>) src(%dma_wait3A_881 : memref<10000x32xf32, #tpu.memory_space<hbm>>) dst(%dma_wait3A_871 : memref<128x32xf32, #tpu.memory_space<vmem>>)
      %dma_wait3A_882 = arith.constant 7 : i32
      %dma_wait3A_883 = arith.constant 896 : i32
      %dma_wait3A_884 = arith.constant 0 : i32
      %dma_wait3A_885 = tpu.memref_slice %arg12[%dma_wait3A_883, %dma_wait3A_884] : memref<1024x32xf32, #tpu.memory_space<vmem>> -> memref<128x32xf32, #tpu.memory_space<vmem>>
      %dma_wait3A_886 = arith.constant 0 : i32
      %dma_wait3A_887 = arith.constant 0 : i32
      %dma_wait3A_888 = tpu.memref_slice %arg8[%and3A_373, %dma_wait3A_886, %dma_wait3A_887] : memref<2x8x128xi32, #tpu.memory_space<vmem>> -> memref<1x8x128xi32, #tpu.memory_space<vmem>>
      %dma_wait3A_889 = tpu.memref_squeeze %dma_wait3A_888 : memref<1x8x128xi32, #tpu.memory_space<vmem>> -> memref<8x128xi32, #tpu.memory_space<vmem>>
      %dma_wait3A_890 = arith.constant 0 : i32
      %dma_wait3A_891 = tpu.memref_slice %dma_wait3A_889[%dma_wait3A_882, %dma_wait3A_890] : memref<8x128xi32, #tpu.memory_space<vmem>> -> memref<1x128xi32, #tpu.memory_space<vmem>>
      %dma_wait3A_892 = tpu.memref_squeeze %dma_wait3A_891 : memref<1x128xi32, #tpu.memory_space<vmem>> -> memref<128xi32, #tpu.memory_space<vmem>>
      %dma_wait3A_893 = arith.constant 0 : i32
      %dma_wait3A_894 = arith.constant 0 : i32
      %dma_wait3A_895 = tpu.memref_slice %arg5[%dma_wait3A_893, %dma_wait3A_894] : memref<10000x32xf32, #tpu.memory_space<hbm>> -> memref<10000x32xf32, #tpu.memory_space<hbm>>
      tpu.wait_indirect_dma semaphore(%arg18 : memref<!tpu.dma_semaphore, #tpu.memory_space<semaphore_mem>>) src(%dma_wait3A_895 : memref<10000x32xf32, #tpu.memory_space<hbm>>) dst(%dma_wait3A_885 : memref<128x32xf32, #tpu.memory_space<vmem>>)
      %parallel_loop3A_896 = arith.constant 0 : i32
      %parallel_loop3A_897 = arith.constant 1024 : i32
      %parallel_loop3A_898 = arith.constant 1 : i32
      scf.for %parallel_loop3A_907 = %parallel_loop3A_896 to %parallel_loop3A_897 step %parallel_loop3A_898  : i32 {
        %parallel_loop3A_908 = arith.constant 0 : i32
        %parallel_loop3A_909 = vector.broadcast %parallel_loop3A_908 : i32 to vector<16xi32>
        %parallel_loop3A_910 = vector.broadcast %parallel_loop3A_907 : i32 to vector<16xi32>
        %parallel_loop3A_911 = arith.addi %parallel_loop3A_909, %parallel_loop3A_910 : vector<16xi32>
        %parallel_loop3A_912 = tpu.vector_load_idx %arg13[%parallel_loop3A_911] : memref<1024xf32, #tpu.memory_space<vmem>>[vector<16xi32>], vector<16xf32>,
        %parallel_loop3A_913 = arith.index_cast %parallel_loop3A_907 : i32 to index
        %parallel_loop3A_914 = arith.constant 0 : index
        %parallel_loop3A_915 = tpu.vector_load %arg12[%parallel_loop3A_913, %parallel_loop3A_914] {strides = array<i32>} : memref<1024x32xf32, #tpu.memory_space<vmem>>, vector<16xf32>,
        %parallel_loop3A_916 = arith.index_cast %parallel_loop3A_907 : i32 to index
        %parallel_loop3A_917 = arith.constant 16 : index
        %parallel_loop3A_918 = tpu.vector_load %arg12[%parallel_loop3A_916, %parallel_loop3A_917] {strides = array<i32>} : memref<1024x32xf32, #tpu.memory_space<vmem>>, vector<16xf32>,
        %parallel_loop3A_919 = arith.mulf %parallel_loop3A_912, %parallel_loop3A_915 : vector<16xf32>
        %parallel_loop3A_920 = arith.index_cast %parallel_loop3A_907 : i32 to index
        %parallel_loop3A_921 = arith.constant 0 : index
        %parallel_loop3A_922 = tpu.vector_load %arg12[%parallel_loop3A_920, %parallel_loop3A_921] {strides = array<i32>} : memref<1024x32xf32, #tpu.memory_space<vmem>>, vector<16xf32>,
        tpu.vector_store %arg12[%parallel_loop3A_920, %parallel_loop3A_921], %parallel_loop3A_919 {strides = array<i32>} : memref<1024x32xf32, #tpu.memory_space<vmem>>, vector<16xf32>,
        %parallel_loop3A_923 = arith.mulf %parallel_loop3A_912, %parallel_loop3A_918 : vector<16xf32>
        %parallel_loop3A_924 = arith.index_cast %parallel_loop3A_907 : i32 to index
        %parallel_loop3A_925 = arith.constant 16 : index
        %parallel_loop3A_926 = tpu.vector_load %arg12[%parallel_loop3A_924, %parallel_loop3A_925] {strides = array<i32>} : memref<1024x32xf32, #tpu.memory_space<vmem>>, vector<16xf32>,
        tpu.vector_store %arg12[%parallel_loop3A_924, %parallel_loop3A_925], %parallel_loop3A_923 {strides = array<i32>} : memref<1024x32xf32, #tpu.memory_space<vmem>>, vector<16xf32>,
      } {sc.loop_unroll_factor = 8 : i64, sc.parallel_access}
      %run_scoped3A_899 = arith.constant 0 : i32
      "tpu.region"() ({
        %run_scoped3A_907 = tpu.sem_alloc : memref<!tpu.dma_semaphore, #tpu.memory_space<semaphore_mem>>
        %dma_start3A_908 = arith.constant 0 : i32
        %dma_start3A_909 = arith.constant 0 : i32
        %dma_start3A_910 = tpu.memref_slice %arg12[%dma_start3A_908, %dma_start3A_909] : memref<1024x32xf32, #tpu.memory_space<vmem>> -> memref<128x32xf32, #tpu.memory_space<vmem>>
        %dma_start3A_911 = arith.constant 0 : i32
        %dma_start3A_912 = arith.constant 0 : i32
        %dma_start3A_913 = tpu.memref_slice %arg9[%and3A_373, %dma_start3A_911, %dma_start3A_912] : memref<2x8x128xi32, #tpu.memory_space<vmem>> -> memref<1x8x128xi32, #tpu.memory_space<vmem>>
        %dma_start3A_914 = tpu.memref_squeeze %dma_start3A_913 : memref<1x8x128xi32, #tpu.memory_space<vmem>> -> memref<8x128xi32, #tpu.memory_space<vmem>>
        %dma_start3A_915 = arith.constant 0 : i32
        %dma_start3A_916 = tpu.memref_slice %dma_start3A_914[%run_scoped3A_899, %dma_start3A_915] : memref<8x128xi32, #tpu.memory_space<vmem>> -> memref<1x128xi32, #tpu.memory_space<vmem>>
        %dma_start3A_917 = tpu.memref_squeeze %dma_start3A_916 : memref<1x128xi32, #tpu.memory_space<vmem>> -> memref<128xi32, #tpu.memory_space<vmem>>
        %dma_start3A_918 = arith.constant 0 : i32
        %dma_start3A_919 = arith.constant 0 : i32
        %dma_start3A_920 = tpu.memref_slice %arg15[%dma_start3A_918, %dma_start3A_919] : memref<10000x32xf32, #tpu.memory_space<vmem_shared>> -> memref<10000x32xf32, #tpu.memory_space<vmem_shared>>
        tpu.enqueue_indirect_dma source(%dma_start3A_910 : memref<128x32xf32, #tpu.memory_space<vmem>>) target(%dma_start3A_920 : memref<10000x32xf32, #tpu.memory_space<vmem_shared>>) offsets(%dma_start3A_917 : memref<128xi32, #tpu.memory_space<vmem>>) semaphore(%run_scoped3A_907 : memref<!tpu.dma_semaphore, #tpu.memory_space<semaphore_mem>>) {add = true}
        %dma_wait3A_921 = arith.constant 0 : i32
        %dma_wait3A_922 = arith.constant 0 : i32
        %dma_wait3A_923 = tpu.memref_slice %arg12[%dma_wait3A_921, %dma_wait3A_922] : memref<1024x32xf32, #tpu.memory_space<vmem>> -> memref<128x32xf32, #tpu.memory_space<vmem>>
        %dma_wait3A_924 = arith.constant 0 : i32
        %dma_wait3A_925 = arith.constant 0 : i32
        %dma_wait3A_926 = tpu.memref_slice %arg9[%and3A_373, %dma_wait3A_924, %dma_wait3A_925] : memref<2x8x128xi32, #tpu.memory_space<vmem>> -> memref<1x8x128xi32, #tpu.memory_space<vmem>>
        %dma_wait3A_927 = tpu.memref_squeeze %dma_wait3A_926 : memref<1x8x128xi32, #tpu.memory_space<vmem>> -> memref<8x128xi32, #tpu.memory_space<vmem>>
        %dma_wait3A_928 = arith.constant 0 : i32
        %dma_wait3A_929 = tpu.memref_slice %dma_wait3A_927[%run_scoped3A_899, %dma_wait3A_928] : memref<8x128xi32, #tpu.memory_space<vmem>> -> memref<1x128xi32, #tpu.memory_space<vmem>>
        %dma_wait3A_930 = tpu.memref_squeeze %dma_wait3A_929 : memref<1x128xi32, #tpu.memory_space<vmem>> -> memref<128xi32, #tpu.memory_space<vmem>>
        %dma_wait3A_931 = arith.constant 0 : i32
        %dma_wait3A_932 = arith.constant 0 : i32
        %dma_wait3A_933 = tpu.memref_slice %arg15[%dma_wait3A_931, %dma_wait3A_932] : memref<10000x32xf32, #tpu.memory_space<vmem_shared>> -> memref<10000x32xf32, #tpu.memory_space<vmem_shared>>
        tpu.wait_indirect_dma semaphore(%run_scoped3A_907 : memref<!tpu.dma_semaphore, #tpu.memory_space<semaphore_mem>>) src(%dma_wait3A_923 : memref<128x32xf32, #tpu.memory_space<vmem>>) dst(%dma_wait3A_933 : memref<10000x32xf32, #tpu.memory_space<vmem_shared>>)
        tpu.yield
      }) : () -> ()
      %run_scoped3A_900 = arith.constant 1 : i32
      "tpu.region"() ({
        %run_scoped3A_907 = tpu.sem_alloc : memref<!tpu.dma_semaphore, #tpu.memory_space<semaphore_mem>>
        %dma_start3A_908 = arith.constant 128 : i32
        %dma_start3A_909 = arith.constant 0 : i32
        %dma_start3A_910 = tpu.memref_slice %arg12[%dma_start3A_908, %dma_start3A_909] : memref<1024x32xf32, #tpu.memory_space<vmem>> -> memref<128x32xf32, #tpu.memory_space<vmem>>
        %dma_start3A_911 = arith.constant 0 : i32
        %dma_start3A_912 = arith.constant 0 : i32
        %dma_start3A_913 = tpu.memref_slice %arg9[%and3A_373, %dma_start3A_911, %dma_start3A_912] : memref<2x8x128xi32, #tpu.memory_space<vmem>> -> memref<1x8x128xi32, #tpu.memory_space<vmem>>
        %dma_start3A_914 = tpu.memref_squeeze %dma_start3A_913 : memref<1x8x128xi32, #tpu.memory_space<vmem>> -> memref<8x128xi32, #tpu.memory_space<vmem>>
        %dma_start3A_915 = arith.constant 0 : i32
        %dma_start3A_916 = tpu.memref_slice %dma_start3A_914[%run_scoped3A_900, %dma_start3A_915] : memref<8x128xi32, #tpu.memory_space<vmem>> -> memref<1x128xi32, #tpu.memory_space<vmem>>
        %dma_start3A_917 = tpu.memref_squeeze %dma_start3A_916 : memref<1x128xi32, #tpu.memory_space<vmem>> -> memref<128xi32, #tpu.memory_space<vmem>>
        %dma_start3A_918 = arith.constant 0 : i32
        %dma_start3A_919 = arith.constant 0 : i32
        %dma_start3A_920 = tpu.memref_slice %arg15[%dma_start3A_918, %dma_start3A_919] : memref<10000x32xf32, #tpu.memory_space<vmem_shared>> -> memref<10000x32xf32, #tpu.memory_space<vmem_shared>>
        tpu.enqueue_indirect_dma source(%dma_start3A_910 : memref<128x32xf32, #tpu.memory_space<vmem>>) target(%dma_start3A_920 : memref<10000x32xf32, #tpu.memory_space<vmem_shared>>) offsets(%dma_start3A_917 : memref<128xi32, #tpu.memory_space<vmem>>) semaphore(%run_scoped3A_907 : memref<!tpu.dma_semaphore, #tpu.memory_space<semaphore_mem>>) {add = true}
        %dma_wait3A_921 = arith.constant 128 : i32
        %dma_wait3A_922 = arith.constant 0 : i32
        %dma_wait3A_923 = tpu.memref_slice %arg12[%dma_wait3A_921, %dma_wait3A_922] : memref<1024x32xf32, #tpu.memory_space<vmem>> -> memref<128x32xf32, #tpu.memory_space<vmem>>
        %dma_wait3A_924 = arith.constant 0 : i32
        %dma_wait3A_925 = arith.constant 0 : i32
        %dma_wait3A_926 = tpu.memref_slice %arg9[%and3A_373, %dma_wait3A_924, %dma_wait3A_925] : memref<2x8x128xi32, #tpu.memory_space<vmem>> -> memref<1x8x128xi32, #tpu.memory_space<vmem>>
        %dma_wait3A_927 = tpu.memref_squeeze %dma_wait3A_926 : memref<1x8x128xi32, #tpu.memory_space<vmem>> -> memref<8x128xi32, #tpu.memory_space<vmem>>
        %dma_wait3A_928 = arith.constant 0 : i32
        %dma_wait3A_929 = tpu.memref_slice %dma_wait3A_927[%run_scoped3A_900, %dma_wait3A_928] : memref<8x128xi32, #tpu.memory_space<vmem>> -> memref<1x128xi32, #tpu.memory_space<vmem>>
        %dma_wait3A_930 = tpu.memref_squeeze %dma_wait3A_929 : memref<1x128xi32, #tpu.memory_space<vmem>> -> memref<128xi32, #tpu.memory_space<vmem>>
        %dma_wait3A_931 = arith.constant 0 : i32
        %dma_wait3A_932 = arith.constant 0 : i32
        %dma_wait3A_933 = tpu.memref_slice %arg15[%dma_wait3A_931, %dma_wait3A_932] : memref<10000x32xf32, #tpu.memory_space<vmem_shared>> -> memref<10000x32xf32, #tpu.memory_space<vmem_shared>>
        tpu.wait_indirect_dma semaphore(%run_scoped3A_907 : memref<!tpu.dma_semaphore, #tpu.memory_space<semaphore_mem>>) src(%dma_wait3A_923 : memref<128x32xf32, #tpu.memory_space<vmem>>) dst(%dma_wait3A_933 : memref<10000x32xf32, #tpu.memory_space<vmem_shared>>)
        tpu.yield
      }) : () -> ()
      %run_scoped3A_901 = arith.constant 2 : i32
      "tpu.region"() ({
        %run_scoped3A_907 = tpu.sem_alloc : memref<!tpu.dma_semaphore, #tpu.memory_space<semaphore_mem>>
        %dma_start3A_908 = arith.constant 256 : i32
        %dma_start3A_909 = arith.constant 0 : i32
        %dma_start3A_910 = tpu.memref_slice %arg12[%dma_start3A_908, %dma_start3A_909] : memref<1024x32xf32, #tpu.memory_space<vmem>> -> memref<128x32xf32, #tpu.memory_space<vmem>>
        %dma_start3A_911 = arith.constant 0 : i32
        %dma_start3A_912 = arith.constant 0 : i32
        %dma_start3A_913 = tpu.memref_slice %arg9[%and3A_373, %dma_start3A_911, %dma_start3A_912] : memref<2x8x128xi32, #tpu.memory_space<vmem>> -> memref<1x8x128xi32, #tpu.memory_space<vmem>>
        %dma_start3A_914 = tpu.memref_squeeze %dma_start3A_913 : memref<1x8x128xi32, #tpu.memory_space<vmem>> -> memref<8x128xi32, #tpu.memory_space<vmem>>
        %dma_start3A_915 = arith.constant 0 : i32
        %dma_start3A_916 = tpu.memref_slice %dma_start3A_914[%run_scoped3A_901, %dma_start3A_915] : memref<8x128xi32, #tpu.memory_space<vmem>> -> memref<1x128xi32, #tpu.memory_space<vmem>>
        %dma_start3A_917 = tpu.memref_squeeze %dma_start3A_916 : memref<1x128xi32, #tpu.memory_space<vmem>> -> memref<128xi32, #tpu.memory_space<vmem>>
        %dma_start3A_918 = arith.constant 0 : i32
        %dma_start3A_919 = arith.constant 0 : i32
        %dma_start3A_920 = tpu.memref_slice %arg15[%dma_start3A_918, %dma_start3A_919] : memref<10000x32xf32, #tpu.memory_space<vmem_shared>> -> memref<10000x32xf32, #tpu.memory_space<vmem_shared>>
        tpu.enqueue_indirect_dma source(%dma_start3A_910 : memref<128x32xf32, #tpu.memory_space<vmem>>) target(%dma_start3A_920 : memref<10000x32xf32, #tpu.memory_space<vmem_shared>>) offsets(%dma_start3A_917 : memref<128xi32, #tpu.memory_space<vmem>>) semaphore(%run_scoped3A_907 : memref<!tpu.dma_semaphore, #tpu.memory_space<semaphore_mem>>) {add = true}
        %dma_wait3A_921 = arith.constant 256 : i32
        %dma_wait3A_922 = arith.constant 0 : i32
        %dma_wait3A_923 = tpu.memref_slice %arg12[%dma_wait3A_921, %dma_wait3A_922] : memref<1024x32xf32, #tpu.memory_space<vmem>> -> memref<128x32xf32, #tpu.memory_space<vmem>>
        %dma_wait3A_924 = arith.constant 0 : i32
        %dma_wait3A_925 = arith.constant 0 : i32
        %dma_wait3A_926 = tpu.memref_slice %arg9[%and3A_373, %dma_wait3A_924, %dma_wait3A_925] : memref<2x8x128xi32, #tpu.memory_space<vmem>> -> memref<1x8x128xi32, #tpu.memory_space<vmem>>
        %dma_wait3A_927 = tpu.memref_squeeze %dma_wait3A_926 : memref<1x8x128xi32, #tpu.memory_space<vmem>> -> memref<8x128xi32, #tpu.memory_space<vmem>>
        %dma_wait3A_928 = arith.constant 0 : i32
        %dma_wait3A_929 = tpu.memref_slice %dma_wait3A_927[%run_scoped3A_901, %dma_wait3A_928] : memref<8x128xi32, #tpu.memory_space<vmem>> -> memref<1x128xi32, #tpu.memory_space<vmem>>
        %dma_wait3A_930 = tpu.memref_squeeze %dma_wait3A_929 : memref<1x128xi32, #tpu.memory_space<vmem>> -> memref<128xi32, #tpu.memory_space<vmem>>
        %dma_wait3A_931 = arith.constant 0 : i32
        %dma_wait3A_932 = arith.constant 0 : i32
        %dma_wait3A_933 = tpu.memref_slice %arg15[%dma_wait3A_931, %dma_wait3A_932] : memref<10000x32xf32, #tpu.memory_space<vmem_shared>> -> memref<10000x32xf32, #tpu.memory_space<vmem_shared>>
        tpu.wait_indirect_dma semaphore(%run_scoped3A_907 : memref<!tpu.dma_semaphore, #tpu.memory_space<semaphore_mem>>) src(%dma_wait3A_923 : memref<128x32xf32, #tpu.memory_space<vmem>>) dst(%dma_wait3A_933 : memref<10000x32xf32, #tpu.memory_space<vmem_shared>>)
        tpu.yield
      }) : () -> ()
      %run_scoped3A_902 = arith.constant 3 : i32
      "tpu.region"() ({
        %run_scoped3A_907 = tpu.sem_alloc : memref<!tpu.dma_semaphore, #tpu.memory_space<semaphore_mem>>
        %dma_start3A_908 = arith.constant 384 : i32
        %dma_start3A_909 = arith.constant 0 : i32
        %dma_start3A_910 = tpu.memref_slice %arg12[%dma_start3A_908, %dma_start3A_909] : memref<1024x32xf32, #tpu.memory_space<vmem>> -> memref<128x32xf32, #tpu.memory_space<vmem>>
        %dma_start3A_911 = arith.constant 0 : i32
        %dma_start3A_912 = arith.constant 0 : i32
        %dma_start3A_913 = tpu.memref_slice %arg9[%and3A_373, %dma_start3A_911, %dma_start3A_912] : memref<2x8x128xi32, #tpu.memory_space<vmem>> -> memref<1x8x128xi32, #tpu.memory_space<vmem>>
        %dma_start3A_914 = tpu.memref_squeeze %dma_start3A_913 : memref<1x8x128xi32, #tpu.memory_space<vmem>> -> memref<8x128xi32, #tpu.memory_space<vmem>>
        %dma_start3A_915 = arith.constant 0 : i32
        %dma_start3A_916 = tpu.memref_slice %dma_start3A_914[%run_scoped3A_902, %dma_start3A_915] : memref<8x128xi32, #tpu.memory_space<vmem>> -> memref<1x128xi32, #tpu.memory_space<vmem>>
        %dma_start3A_917 = tpu.memref_squeeze %dma_start3A_916 : memref<1x128xi32, #tpu.memory_space<vmem>> -> memref<128xi32, #tpu.memory_space<vmem>>
        %dma_start3A_918 = arith.constant 0 : i32
        %dma_start3A_919 = arith.constant 0 : i32
        %dma_start3A_920 = tpu.memref_slice %arg15[%dma_start3A_918, %dma_start3A_919] : memref<10000x32xf32, #tpu.memory_space<vmem_shared>> -> memref<10000x32xf32, #tpu.memory_space<vmem_shared>>
        tpu.enqueue_indirect_dma source(%dma_start3A_910 : memref<128x32xf32, #tpu.memory_space<vmem>>) target(%dma_start3A_920 : memref<10000x32xf32, #tpu.memory_space<vmem_shared>>) offsets(%dma_start3A_917 : memref<128xi32, #tpu.memory_space<vmem>>) semaphore(%run_scoped3A_907 : memref<!tpu.dma_semaphore, #tpu.memory_space<semaphore_mem>>) {add = true}
        %dma_wait3A_921 = arith.constant 384 : i32
        %dma_wait3A_922 = arith.constant 0 : i32
        %dma_wait3A_923 = tpu.memref_slice %arg12[%dma_wait3A_921, %dma_wait3A_922] : memref<1024x32xf32, #tpu.memory_space<vmem>> -> memref<128x32xf32, #tpu.memory_space<vmem>>
        %dma_wait3A_924 = arith.constant 0 : i32
        %dma_wait3A_925 = arith.constant 0 : i32
        %dma_wait3A_926 = tpu.memref_slice %arg9[%and3A_373, %dma_wait3A_924, %dma_wait3A_925] : memref<2x8x128xi32, #tpu.memory_space<vmem>> -> memref<1x8x128xi32, #tpu.memory_space<vmem>>
        %dma_wait3A_927 = tpu.memref_squeeze %dma_wait3A_926 : memref<1x8x128xi32, #tpu.memory_space<vmem>> -> memref<8x128xi32, #tpu.memory_space<vmem>>
        %dma_wait3A_928 = arith.constant 0 : i32
        %dma_wait3A_929 = tpu.memref_slice %dma_wait3A_927[%run_scoped3A_902, %dma_wait3A_928] : memref<8x128xi32, #tpu.memory_space<vmem>> -> memref<1x128xi32, #tpu.memory_space<vmem>>
        %dma_wait3A_930 = tpu.memref_squeeze %dma_wait3A_929 : memref<1x128xi32, #tpu.memory_space<vmem>> -> memref<128xi32, #tpu.memory_space<vmem>>
        %dma_wait3A_931 = arith.constant 0 : i32
        %dma_wait3A_932 = arith.constant 0 : i32
        %dma_wait3A_933 = tpu.memref_slice %arg15[%dma_wait3A_931, %dma_wait3A_932] : memref<10000x32xf32, #tpu.memory_space<vmem_shared>> -> memref<10000x32xf32, #tpu.memory_space<vmem_shared>>
        tpu.wait_indirect_dma semaphore(%run_scoped3A_907 : memref<!tpu.dma_semaphore, #tpu.memory_space<semaphore_mem>>) src(%dma_wait3A_923 : memref<128x32xf32, #tpu.memory_space<vmem>>) dst(%dma_wait3A_933 : memref<10000x32xf32, #tpu.memory_space<vmem_shared>>)
        tpu.yield
      }) : () -> ()
      %run_scoped3A_903 = arith.constant 4 : i32
      "tpu.region"() ({
        %run_scoped3A_907 = tpu.sem_alloc : memref<!tpu.dma_semaphore, #tpu.memory_space<semaphore_mem>>
        %dma_start3A_908 = arith.constant 512 : i32
        %dma_start3A_909 = arith.constant 0 : i32
        %dma_start3A_910 = tpu.memref_slice %arg12[%dma_start3A_908, %dma_start3A_909] : memref<1024x32xf32, #tpu.memory_space<vmem>> -> memref<128x32xf32, #tpu.memory_space<vmem>>
        %dma_start3A_911 = arith.constant 0 : i32
        %dma_start3A_912 = arith.constant 0 : i32
        %dma_start3A_913 = tpu.memref_slice %arg9[%and3A_373, %dma_start3A_911, %dma_start3A_912] : memref<2x8x128xi32, #tpu.memory_space<vmem>> -> memref<1x8x128xi32, #tpu.memory_space<vmem>>
        %dma_start3A_914 = tpu.memref_squeeze %dma_start3A_913 : memref<1x8x128xi32, #tpu.memory_space<vmem>> -> memref<8x128xi32, #tpu.memory_space<vmem>>
        %dma_start3A_915 = arith.constant 0 : i32
        %dma_start3A_916 = tpu.memref_slice %dma_start3A_914[%run_scoped3A_903, %dma_start3A_915] : memref<8x128xi32, #tpu.memory_space<vmem>> -> memref<1x128xi32, #tpu.memory_space<vmem>>
        %dma_start3A_917 = tpu.memref_squeeze %dma_start3A_916 : memref<1x128xi32, #tpu.memory_space<vmem>> -> memref<128xi32, #tpu.memory_space<vmem>>
        %dma_start3A_918 = arith.constant 0 : i32
        %dma_start3A_919 = arith.constant 0 : i32
        %dma_start3A_920 = tpu.memref_slice %arg15[%dma_start3A_918, %dma_start3A_919] : memref<10000x32xf32, #tpu.memory_space<vmem_shared>> -> memref<10000x32xf32, #tpu.memory_space<vmem_shared>>
        tpu.enqueue_indirect_dma source(%dma_start3A_910 : memref<128x32xf32, #tpu.memory_space<vmem>>) target(%dma_start3A_920 : memref<10000x32xf32, #tpu.memory_space<vmem_shared>>) offsets(%dma_start3A_917 : memref<128xi32, #tpu.memory_space<vmem>>) semaphore(%run_scoped3A_907 : memref<!tpu.dma_semaphore, #tpu.memory_space<semaphore_mem>>) {add = true}
        %dma_wait3A_921 = arith.constant 512 : i32
        %dma_wait3A_922 = arith.constant 0 : i32
        %dma_wait3A_923 = tpu.memref_slice %arg12[%dma_wait3A_921, %dma_wait3A_922] : memref<1024x32xf32, #tpu.memory_space<vmem>> -> memref<128x32xf32, #tpu.memory_space<vmem>>
        %dma_wait3A_924 = arith.constant 0 : i32
        %dma_wait3A_925 = arith.constant 0 : i32
        %dma_wait3A_926 = tpu.memref_slice %arg9[%and3A_373, %dma_wait3A_924, %dma_wait3A_925] : memref<2x8x128xi32, #tpu.memory_space<vmem>> -> memref<1x8x128xi32, #tpu.memory_space<vmem>>
        %dma_wait3A_927 = tpu.memref_squeeze %dma_wait3A_926 : memref<1x8x128xi32, #tpu.memory_space<vmem>> -> memref<8x128xi32, #tpu.memory_space<vmem>>
        %dma_wait3A_928 = arith.constant 0 : i32
        %dma_wait3A_929 = tpu.memref_slice %dma_wait3A_927[%run_scoped3A_903, %dma_wait3A_928] : memref<8x128xi32, #tpu.memory_space<vmem>> -> memref<1x128xi32, #tpu.memory_space<vmem>>
        %dma_wait3A_930 = tpu.memref_squeeze %dma_wait3A_929 : memref<1x128xi32, #tpu.memory_space<vmem>> -> memref<128xi32, #tpu.memory_space<vmem>>
        %dma_wait3A_931 = arith.constant 0 : i32
        %dma_wait3A_932 = arith.constant 0 : i32
        %dma_wait3A_933 = tpu.memref_slice %arg15[%dma_wait3A_931, %dma_wait3A_932] : memref<10000x32xf32, #tpu.memory_space<vmem_shared>> -> memref<10000x32xf32, #tpu.memory_space<vmem_shared>>
        tpu.wait_indirect_dma semaphore(%run_scoped3A_907 : memref<!tpu.dma_semaphore, #tpu.memory_space<semaphore_mem>>) src(%dma_wait3A_923 : memref<128x32xf32, #tpu.memory_space<vmem>>) dst(%dma_wait3A_933 : memref<10000x32xf32, #tpu.memory_space<vmem_shared>>)
        tpu.yield
      }) : () -> ()
      %run_scoped3A_904 = arith.constant 5 : i32
      "tpu.region"() ({
        %run_scoped3A_907 = tpu.sem_alloc : memref<!tpu.dma_semaphore, #tpu.memory_space<semaphore_mem>>
        %dma_start3A_908 = arith.constant 640 : i32
        %dma_start3A_909 = arith.constant 0 : i32
        %dma_start3A_910 = tpu.memref_slice %arg12[%dma_start3A_908, %dma_start3A_909] : memref<1024x32xf32, #tpu.memory_space<vmem>> -> memref<128x32xf32, #tpu.memory_space<vmem>>
        %dma_start3A_911 = arith.constant 0 : i32
        %dma_start3A_912 = arith.constant 0 : i32
        %dma_start3A_913 = tpu.memref_slice %arg9[%and3A_373, %dma_start3A_911, %dma_start3A_912] : memref<2x8x128xi32, #tpu.memory_space<vmem>> -> memref<1x8x128xi32, #tpu.memory_space<vmem>>
        %dma_start3A_914 = tpu.memref_squeeze %dma_start3A_913 : memref<1x8x128xi32, #tpu.memory_space<vmem>> -> memref<8x128xi32, #tpu.memory_space<vmem>>
        %dma_start3A_915 = arith.constant 0 : i32
        %dma_start3A_916 = tpu.memref_slice %dma_start3A_914[%run_scoped3A_904, %dma_start3A_915] : memref<8x128xi32, #tpu.memory_space<vmem>> -> memref<1x128xi32, #tpu.memory_space<vmem>>
        %dma_start3A_917 = tpu.memref_squeeze %dma_start3A_916 : memref<1x128xi32, #tpu.memory_space<vmem>> -> memref<128xi32, #tpu.memory_space<vmem>>
        %dma_start3A_918 = arith.constant 0 : i32
        %dma_start3A_919 = arith.constant 0 : i32
        %dma_start3A_920 = tpu.memref_slice %arg15[%dma_start3A_918, %dma_start3A_919] : memref<10000x32xf32, #tpu.memory_space<vmem_shared>> -> memref<10000x32xf32, #tpu.memory_space<vmem_shared>>
        tpu.enqueue_indirect_dma source(%dma_start3A_910 : memref<128x32xf32, #tpu.memory_space<vmem>>) target(%dma_start3A_920 : memref<10000x32xf32, #tpu.memory_space<vmem_shared>>) offsets(%dma_start3A_917 : memref<128xi32, #tpu.memory_space<vmem>>) semaphore(%run_scoped3A_907 : memref<!tpu.dma_semaphore, #tpu.memory_space<semaphore_mem>>) {add = true}
        %dma_wait3A_921 = arith.constant 640 : i32
        %dma_wait3A_922 = arith.constant 0 : i32
        %dma_wait3A_923 = tpu.memref_slice %arg12[%dma_wait3A_921, %dma_wait3A_922] : memref<1024x32xf32, #tpu.memory_space<vmem>> -> memref<128x32xf32, #tpu.memory_space<vmem>>
        %dma_wait3A_924 = arith.constant 0 : i32
        %dma_wait3A_925 = arith.constant 0 : i32
        %dma_wait3A_926 = tpu.memref_slice %arg9[%and3A_373, %dma_wait3A_924, %dma_wait3A_925] : memref<2x8x128xi32, #tpu.memory_space<vmem>> -> memref<1x8x128xi32, #tpu.memory_space<vmem>>
        %dma_wait3A_927 = tpu.memref_squeeze %dma_wait3A_926 : memref<1x8x128xi32, #tpu.memory_space<vmem>> -> memref<8x128xi32, #tpu.memory_space<vmem>>
        %dma_wait3A_928 = arith.constant 0 : i32
        %dma_wait3A_929 = tpu.memref_slice %dma_wait3A_927[%run_scoped3A_904, %dma_wait3A_928] : memref<8x128xi32, #tpu.memory_space<vmem>> -> memref<1x128xi32, #tpu.memory_space<vmem>>
        %dma_wait3A_930 = tpu.memref_squeeze %dma_wait3A_929 : memref<1x128xi32, #tpu.memory_space<vmem>> -> memref<128xi32, #tpu.memory_space<vmem>>
        %dma_wait3A_931 = arith.constant 0 : i32
        %dma_wait3A_932 = arith.constant 0 : i32
        %dma_wait3A_933 = tpu.memref_slice %arg15[%dma_wait3A_931, %dma_wait3A_932] : memref<10000x32xf32, #tpu.memory_space<vmem_shared>> -> memref<10000x32xf32, #tpu.memory_space<vmem_shared>>
        tpu.wait_indirect_dma semaphore(%run_scoped3A_907 : memref<!tpu.dma_semaphore, #tpu.memory_space<semaphore_mem>>) src(%dma_wait3A_923 : memref<128x32xf32, #tpu.memory_space<vmem>>) dst(%dma_wait3A_933 : memref<10000x32xf32, #tpu.memory_space<vmem_shared>>)
        tpu.yield
      }) : () -> ()
      %run_scoped3A_905 = arith.constant 6 : i32
      "tpu.region"() ({
        %run_scoped3A_907 = tpu.sem_alloc : memref<!tpu.dma_semaphore, #tpu.memory_space<semaphore_mem>>
        %dma_start3A_908 = arith.constant 768 : i32
        %dma_start3A_909 = arith.constant 0 : i32
        %dma_start3A_910 = tpu.memref_slice %arg12[%dma_start3A_908, %dma_start3A_909] : memref<1024x32xf32, #tpu.memory_space<vmem>> -> memref<128x32xf32, #tpu.memory_space<vmem>>
        %dma_start3A_911 = arith.constant 0 : i32
        %dma_start3A_912 = arith.constant 0 : i32
        %dma_start3A_913 = tpu.memref_slice %arg9[%and3A_373, %dma_start3A_911, %dma_start3A_912] : memref<2x8x128xi32, #tpu.memory_space<vmem>> -> memref<1x8x128xi32, #tpu.memory_space<vmem>>
        %dma_start3A_914 = tpu.memref_squeeze %dma_start3A_913 : memref<1x8x128xi32, #tpu.memory_space<vmem>> -> memref<8x128xi32, #tpu.memory_space<vmem>>
        %dma_start3A_915 = arith.constant 0 : i32
        %dma_start3A_916 = tpu.memref_slice %dma_start3A_914[%run_scoped3A_905, %dma_start3A_915] : memref<8x128xi32, #tpu.memory_space<vmem>> -> memref<1x128xi32, #tpu.memory_space<vmem>>
        %dma_start3A_917 = tpu.memref_squeeze %dma_start3A_916 : memref<1x128xi32, #tpu.memory_space<vmem>> -> memref<128xi32, #tpu.memory_space<vmem>>
        %dma_start3A_918 = arith.constant 0 : i32
        %dma_start3A_919 = arith.constant 0 : i32
        %dma_start3A_920 = tpu.memref_slice %arg15[%dma_start3A_918, %dma_start3A_919] : memref<10000x32xf32, #tpu.memory_space<vmem_shared>> -> memref<10000x32xf32, #tpu.memory_space<vmem_shared>>
        tpu.enqueue_indirect_dma source(%dma_start3A_910 : memref<128x32xf32, #tpu.memory_space<vmem>>) target(%dma_start3A_920 : memref<10000x32xf32, #tpu.memory_space<vmem_shared>>) offsets(%dma_start3A_917 : memref<128xi32, #tpu.memory_space<vmem>>) semaphore(%run_scoped3A_907 : memref<!tpu.dma_semaphore, #tpu.memory_space<semaphore_mem>>) {add = true}
        %dma_wait3A_921 = arith.constant 768 : i32
        %dma_wait3A_922 = arith.constant 0 : i32
        %dma_wait3A_923 = tpu.memref_slice %arg12[%dma_wait3A_921, %dma_wait3A_922] : memref<1024x32xf32, #tpu.memory_space<vmem>> -> memref<128x32xf32, #tpu.memory_space<vmem>>
        %dma_wait3A_924 = arith.constant 0 : i32
        %dma_wait3A_925 = arith.constant 0 : i32
        %dma_wait3A_926 = tpu.memref_slice %arg9[%and3A_373, %dma_wait3A_924, %dma_wait3A_925] : memref<2x8x128xi32, #tpu.memory_space<vmem>> -> memref<1x8x128xi32, #tpu.memory_space<vmem>>
        %dma_wait3A_927 = tpu.memref_squeeze %dma_wait3A_926 : memref<1x8x128xi32, #tpu.memory_space<vmem>> -> memref<8x128xi32, #tpu.memory_space<vmem>>
        %dma_wait3A_928 = arith.constant 0 : i32
        %dma_wait3A_929 = tpu.memref_slice %dma_wait3A_927[%run_scoped3A_905, %dma_wait3A_928] : memref<8x128xi32, #tpu.memory_space<vmem>> -> memref<1x128xi32, #tpu.memory_space<vmem>>
        %dma_wait3A_930 = tpu.memref_squeeze %dma_wait3A_929 : memref<1x128xi32, #tpu.memory_space<vmem>> -> memref<128xi32, #tpu.memory_space<vmem>>
        %dma_wait3A_931 = arith.constant 0 : i32
        %dma_wait3A_932 = arith.constant 0 : i32
        %dma_wait3A_933 = tpu.memref_slice %arg15[%dma_wait3A_931, %dma_wait3A_932] : memref<10000x32xf32, #tpu.memory_space<vmem_shared>> -> memref<10000x32xf32, #tpu.memory_space<vmem_shared>>
        tpu.wait_indirect_dma semaphore(%run_scoped3A_907 : memref<!tpu.dma_semaphore, #tpu.memory_space<semaphore_mem>>) src(%dma_wait3A_923 : memref<128x32xf32, #tpu.memory_space<vmem>>) dst(%dma_wait3A_933 : memref<10000x32xf32, #tpu.memory_space<vmem_shared>>)
        tpu.yield
      }) : () -> ()
      %run_scoped3A_906 = arith.constant 7 : i32
      "tpu.region"() ({
        %run_scoped3A_907 = tpu.sem_alloc : memref<!tpu.dma_semaphore, #tpu.memory_space<semaphore_mem>>
        %dma_start3A_908 = arith.constant 896 : i32
        %dma_start3A_909 = arith.constant 0 : i32
        %dma_start3A_910 = tpu.memref_slice %arg12[%dma_start3A_908, %dma_start3A_909] : memref<1024x32xf32, #tpu.memory_space<vmem>> -> memref<128x32xf32, #tpu.memory_space<vmem>>
        %dma_start3A_911 = arith.constant 0 : i32
        %dma_start3A_912 = arith.constant 0 : i32
        %dma_start3A_913 = tpu.memref_slice %arg9[%and3A_373, %dma_start3A_911, %dma_start3A_912] : memref<2x8x128xi32, #tpu.memory_space<vmem>> -> memref<1x8x128xi32, #tpu.memory_space<vmem>>
        %dma_start3A_914 = tpu.memref_squeeze %dma_start3A_913 : memref<1x8x128xi32, #tpu.memory_space<vmem>> -> memref<8x128xi32, #tpu.memory_space<vmem>>
        %dma_start3A_915 = arith.constant 0 : i32
        %dma_start3A_916 = tpu.memref_slice %dma_start3A_914[%run_scoped3A_906, %dma_start3A_915] : memref<8x128xi32, #tpu.memory_space<vmem>> -> memref<1x128xi32, #tpu.memory_space<vmem>>
        %dma_start3A_917 = tpu.memref_squeeze %dma_start3A_916 : memref<1x128xi32, #tpu.memory_space<vmem>> -> memref<128xi32, #tpu.memory_space<vmem>>
        %dma_start3A_918 = arith.constant 0 : i32
        %dma_start3A_919 = arith.constant 0 : i32
        %dma_start3A_920 = tpu.memref_slice %arg15[%dma_start3A_918, %dma_start3A_919] : memref<10000x32xf32, #tpu.memory_space<vmem_shared>> -> memref<10000x32xf32, #tpu.memory_space<vmem_shared>>
        tpu.enqueue_indirect_dma source(%dma_start3A_910 : memref<128x32xf32, #tpu.memory_space<vmem>>) target(%dma_start3A_920 : memref<10000x32xf32, #tpu.memory_space<vmem_shared>>) offsets(%dma_start3A_917 : memref<128xi32, #tpu.memory_space<vmem>>) semaphore(%run_scoped3A_907 : memref<!tpu.dma_semaphore, #tpu.memory_space<semaphore_mem>>) {add = true}
        %dma_wait3A_921 = arith.constant 896 : i32
        %dma_wait3A_922 = arith.constant 0 : i32
        %dma_wait3A_923 = tpu.memref_slice %arg12[%dma_wait3A_921, %dma_wait3A_922] : memref<1024x32xf32, #tpu.memory_space<vmem>> -> memref<128x32xf32, #tpu.memory_space<vmem>>
        %dma_wait3A_924 = arith.constant 0 : i32
        %dma_wait3A_925 = arith.constant 0 : i32
        %dma_wait3A_926 = tpu.memref_slice %arg9[%and3A_373, %dma_wait3A_924, %dma_wait3A_925] : memref<2x8x128xi32, #tpu.memory_space<vmem>> -> memref<1x8x128xi32, #tpu.memory_space<vmem>>
        %dma_wait3A_927 = tpu.memref_squeeze %dma_wait3A_926 : memref<1x8x128xi32, #tpu.memory_space<vmem>> -> memref<8x128xi32, #tpu.memory_space<vmem>>
        %dma_wait3A_928 = arith.constant 0 : i32
        %dma_wait3A_929 = tpu.memref_slice %dma_wait3A_927[%run_scoped3A_906, %dma_wait3A_928] : memref<8x128xi32, #tpu.memory_space<vmem>> -> memref<1x128xi32, #tpu.memory_space<vmem>>
        %dma_wait3A_930 = tpu.memref_squeeze %dma_wait3A_929 : memref<1x128xi32, #tpu.memory_space<vmem>> -> memref<128xi32, #tpu.memory_space<vmem>>
        %dma_wait3A_931 = arith.constant 0 : i32
        %dma_wait3A_932 = arith.constant 0 : i32
        %dma_wait3A_933 = tpu.memref_slice %arg15[%dma_wait3A_931, %dma_wait3A_932] : memref<10000x32xf32, #tpu.memory_space<vmem_shared>> -> memref<10000x32xf32, #tpu.memory_space<vmem_shared>>
        tpu.wait_indirect_dma semaphore(%run_scoped3A_907 : memref<!tpu.dma_semaphore, #tpu.memory_space<semaphore_mem>>) src(%dma_wait3A_923 : memref<128x32xf32, #tpu.memory_space<vmem>>) dst(%dma_wait3A_933 : memref<10000x32xf32, #tpu.memory_space<vmem_shared>>)
        tpu.yield
      }) : () -> ()
    }
    %scan3A_366 = arith.constant 10 : i32
    %barrier3A_367 = arith.constant 0 : index
    tpu.barrier barrier_id(%barrier3A_367)
    %mul3A_368 = arith.constant 625 : i32
    %mul3A_369 = arith.muli %arg1, %mul3A_368 : i32
    %mul3A_370 = arith.constant 625 : i32
    %mul3A_371 = arith.muli %arg1, %mul3A_370 : i32
    "tpu.region"() ({
      %run_scoped3A_372 = tpu.sem_alloc : memref<!tpu.dma_semaphore, #tpu.memory_space<semaphore_mem>>
      %dma_start3A_373 = arith.constant 0 : i32
      %dma_start3A_374 = tpu.memref_slice %arg7[%arg0, %mul3A_371, %dma_start3A_373] : memref<2x10000x32xf32, #tpu.memory_space<hbm>> -> memref<1x625x32xf32, #tpu.memory_space<hbm>>
      %dma_start3A_375 = tpu.memref_squeeze %dma_start3A_374 : memref<1x625x32xf32, #tpu.memory_space<hbm>> -> memref<625x32xf32, #tpu.memory_space<hbm>>
      %dma_start3A_376 = arith.constant 0 : i32
      %dma_start3A_377 = tpu.memref_slice %arg15[%mul3A_369, %dma_start3A_376] : memref<10000x32xf32, #tpu.memory_space<vmem_shared>> -> memref<625x32xf32, #tpu.memory_space<vmem_shared>>
      tpu.enqueue_dma source(%dma_start3A_377 : memref<625x32xf32, #tpu.memory_space<vmem_shared>>) target(%dma_start3A_375 : memref<625x32xf32, #tpu.memory_space<hbm>>) target_semaphore(%run_scoped3A_372 : memref<!tpu.dma_semaphore, #tpu.memory_space<semaphore_mem>>)
      %dma_wait3A = arith.constant 0 : i32
      %dma_wait3A_378 = tpu.memref_slice %arg7[%arg0, %mul3A_371, %dma_wait3A] : memref<2x10000x32xf32, #tpu.memory_space<hbm>> -> memref<1x625x32xf32, #tpu.memory_space<hbm>>
      %dma_wait3A_379 = tpu.memref_squeeze %dma_wait3A_378 : memref<1x625x32xf32, #tpu.memory_space<hbm>> -> memref<625x32xf32, #tpu.memory_space<hbm>>
      %dma_wait3A_380 = arith.constant 0 : i32
      %dma_wait3A_381 = tpu.memref_slice %arg15[%mul3A_369, %dma_wait3A_380] : memref<10000x32xf32, #tpu.memory_space<vmem_shared>> -> memref<625x32xf32, #tpu.memory_space<vmem_shared>>
      tpu.wait_dma2 semaphore(%run_scoped3A_372 : memref<!tpu.dma_semaphore, #tpu.memory_space<semaphore_mem>>) src(%dma_wait3A_381 : memref<625x32xf32, #tpu.memory_space<vmem_shared>>) dst(%dma_wait3A_379 : memref<625x32xf32, #tpu.memory_space<hbm>>)
      tpu.yield
    }) : () -> ()
    return
  }
}

module attributes {stable_mosaic.version = 14 : i64} {
  func.func @_dense_body(%arg0: i32, %arg1: memref<1000x128xf32, #tpu.memory_space<vmem>>, %arg2: memref<32x128xf32, #tpu.memory_space<vmem>>, %arg3: memref<1000x32xf32, #tpu.memory_space<vmem>>, %arg4: memref<128x8xf32, #tpu.memory_space<vmem>>, %arg5: memref<1x8xf32, #tpu.memory_space<vmem>>, %arg6: memref<128x8xf32, #tpu.memory_space<vmem>>, %arg7: memref<1x8xf32, #tpu.memory_space<vmem>>, %arg8: memref<1000x32xf32, #tpu.memory_space<vmem>>, %arg9: memref<1000x32xf32, #tpu.memory_space<vmem>>, %arg10: memref<1000x9xf32, #tpu.memory_space<vmem>>, %arg11: memref<1000x9xf32, #tpu.memory_space<vmem>>, %arg12: memref<1000x32xf32, #tpu.memory_space<vmem>>, %arg13: memref<1x1xf32, #tpu.memory_space<smem>>) attributes {dimension_semantics = [#tpu.dimension_semantics<arbitrary>], iteration_bounds = array<i64: 10>, scalar_prefetch = 0 : i64, scratch_operands = 0 : i64, tpu.core_type = #tpu.core_type<tc>, window_params = [{transform_indices = @transform_0, window_bounds = array<i64: 1000, 128>}, {pipeline_mode = #tpu.pipeline_mode<synchronous>, transform_indices = @transform_1, window_bounds = array<i64: 32, 128>}, {transform_indices = @transform_2, window_bounds = array<i64: 1000, 32>}, {pipeline_mode = #tpu.pipeline_mode<synchronous>, transform_indices = @transform_3, window_bounds = array<i64: 128, 8>}, {pipeline_mode = #tpu.pipeline_mode<synchronous>, transform_indices = @transform_4, window_bounds = array<i64: 1, 8>}, {pipeline_mode = #tpu.pipeline_mode<synchronous>, transform_indices = @transform_5, window_bounds = array<i64: 128, 8>}, {pipeline_mode = #tpu.pipeline_mode<synchronous>, transform_indices = @transform_6, window_bounds = array<i64: 1, 8>}, {transform_indices = @transform_7, window_bounds = array<i64: 1000, 32>}, {transform_indices = @transform_8, window_bounds = array<i64: 1000, 32>}, {transform_indices = @transform_9, window_bounds = array<i64: 1000, 9>}, {transform_indices = @transform_10, window_bounds = array<i64: 1000, 9>}, {transform_indices = @transform_11, window_bounds = array<i64: 1000, 32>}, {transform_indices = @transform_12, window_bounds = array<i64: 1, 1>}]} {
    %get3A = arith.constant 0 : index
    %get3A_0 = arith.constant 0 : index
    %get3A_1 = vector.load %arg1[%get3A, %get3A_0] : memref<1000x128xf32, #tpu.memory_space<vmem>>, vector<1000x128xf32>
    %broadcast_in_dim3A = arith.constant 0.000000e+00 : f32
    %broadcast_in_dim3A_2 = vector.broadcast %broadcast_in_dim3A : f32 to vector<1000x1xf32>
    %get3A_3 = arith.constant 0 : index
    %get3A_4 = arith.constant 0 : index
    %get3A_5 = vector.load %arg4[%get3A_3, %get3A_4] : memref<128x8xf32, #tpu.memory_space<vmem>>, vector<128x8xf32>
    %dot_general3A = arith.constant dense<0.000000e+00> : vector<1000x8xf32>
    %dot_general3A_6 = tpu.matmul %get3A_1, %get3A_5, %dot_general3A {dimension_numbers = #tpu.dot_dimension_numbers<[1], [0], [0], [1], [0, 0, 1, 1], [], []>, transpose_lhs_hint = false} : vector<1000x128xf32>, vector<128x8xf32>, vector<1000x8xf32> -> vector<1000x8xf32>
    %get3A_7 = arith.constant 0 : index
    %get3A_8 = arith.constant 0 : index
    %get3A_9 = vector.load %arg5[%get3A_7, %get3A_8] : memref<1x8xf32, #tpu.memory_space<vmem>>, vector<1x8xf32>
    %add3A = vector.broadcast %get3A_9 : vector<1x8xf32> to vector<1000x8xf32>
    %add3A_10 = arith.addf %dot_general3A_6, %add3A : vector<1000x8xf32>
    %concatenate3A = tpu.concatenate %add3A_10, %broadcast_in_dim3A_2 in 1 : vector<1000x8xf32>, vector<1000x1xf32> -> vector<1000x9xf32>
    %swap3A = arith.constant 0 : index
    %swap3A_11 = arith.constant 0 : index
    %swap3A_12 = vector.load %arg10[%swap3A, %swap3A_11] : memref<1000x9xf32, #tpu.memory_space<vmem>>, vector<1000x9xf32>
    tpu.vector_store %arg10[%swap3A, %swap3A_11], %concatenate3A {strides = array<i32>} : memref<1000x9xf32, #tpu.memory_space<vmem>>, vector<1000x9xf32>,
    %get3A_13 = arith.constant 0 : index
    %get3A_14 = arith.constant 0 : index
    %get3A_15 = vector.load %arg6[%get3A_13, %get3A_14] : memref<128x8xf32, #tpu.memory_space<vmem>>, vector<128x8xf32>
    %dot_general3A_16 = arith.constant dense<0.000000e+00> : vector<1000x8xf32>
    %dot_general3A_17 = tpu.matmul %get3A_1, %get3A_15, %dot_general3A_16 {dimension_numbers = #tpu.dot_dimension_numbers<[1], [0], [0], [1], [0, 0, 1, 1], [], []>, transpose_lhs_hint = false} : vector<1000x128xf32>, vector<128x8xf32>, vector<1000x8xf32> -> vector<1000x8xf32>
    %get3A_18 = arith.constant 0 : index
    %get3A_19 = arith.constant 0 : index
    %get3A_20 = vector.load %arg7[%get3A_18, %get3A_19] : memref<1x8xf32, #tpu.memory_space<vmem>>, vector<1x8xf32>
    %add3A_21 = vector.broadcast %get3A_20 : vector<1x8xf32> to vector<1000x8xf32>
    %add3A_22 = arith.addf %dot_general3A_17, %add3A_21 : vector<1000x8xf32>
    %concatenate3A_23 = tpu.concatenate %add3A_22, %broadcast_in_dim3A_2 in 1 : vector<1000x8xf32>, vector<1000x1xf32> -> vector<1000x9xf32>
    %swap3A_24 = arith.constant 0 : index
    %swap3A_25 = arith.constant 0 : index
    %swap3A_26 = vector.load %arg11[%swap3A_24, %swap3A_25] : memref<1000x9xf32, #tpu.memory_space<vmem>>, vector<1000x9xf32>
    tpu.vector_store %arg11[%swap3A_24, %swap3A_25], %concatenate3A_23 {strides = array<i32>} : memref<1000x9xf32, #tpu.memory_space<vmem>>, vector<1000x9xf32>,
    %get3A_27 = arith.constant 0 : index
    %get3A_28 = arith.constant 0 : index
    %get3A_29 = vector.load %arg3[%get3A_27, %get3A_28] : memref<1000x32xf32, #tpu.memory_space<vmem>>, vector<1000x32xf32>
    %reduce_max3A = arith.constant dense<0xFF800000> : vector<1000xf32>
    %reduce_max3A_30 = vector.multi_reduction <maximumf>, %get3A_29, %reduce_max3A [1] : vector<1000x32xf32> to vector<1000xf32>
    %broadcast_in_dim3A_31 = vector.shape_cast %reduce_max3A_30 : vector<1000xf32> to vector<1000x1xf32>
    %sub3A = vector.broadcast %broadcast_in_dim3A_31 : vector<1000x1xf32> to vector<1000x32xf32>
    %sub3A_32 = arith.subf %get3A_29, %sub3A : vector<1000x32xf32>
    %exp3A = math.exp %sub3A_32 : vector<1000x32xf32>
    %reduce_sum3A = arith.constant dense<0.000000e+00> : vector<1000xf32>
    %reduce_sum3A_33 = vector.multi_reduction <add>, %exp3A, %reduce_sum3A [1] : vector<1000x32xf32> to vector<1000xf32>
    %broadcast_in_dim3A_34 = vector.shape_cast %reduce_sum3A_33 : vector<1000xf32> to vector<1000x1xf32>
    %div3A = vector.broadcast %broadcast_in_dim3A_34 : vector<1000x1xf32> to vector<1000x32xf32>
    %div3A_35 = arith.divf %exp3A, %div3A : vector<1000x32xf32>
    %swap3A_36 = arith.constant 0 : index
    %swap3A_37 = arith.constant 0 : index
    %swap3A_38 = vector.load %arg8[%swap3A_36, %swap3A_37] : memref<1000x32xf32, #tpu.memory_space<vmem>>, vector<1000x32xf32>
    tpu.vector_store %arg8[%swap3A_36, %swap3A_37], %div3A_35 {strides = array<i32>} : memref<1000x32xf32, #tpu.memory_space<vmem>>, vector<1000x32xf32>,
    %add3A_39 = arith.constant 9.99999993E-9 : f32
    %add3A_40 = vector.broadcast %add3A_39 : f32 to vector<1000x32xf32>
    %add3A_41 = arith.addf %div3A_35, %add3A_40 : vector<1000x32xf32>
    %log3A = math.log %add3A_41 : vector<1000x32xf32>
    %swap3A_42 = arith.constant 0 : index
    %swap3A_43 = arith.constant 0 : index
    %swap3A_44 = vector.load %arg9[%swap3A_42, %swap3A_43] : memref<1000x32xf32, #tpu.memory_space<vmem>>, vector<1000x32xf32>
    tpu.vector_store %arg9[%swap3A_42, %swap3A_43], %log3A {strides = array<i32>} : memref<1000x32xf32, #tpu.memory_space<vmem>>, vector<1000x32xf32>,
    %mul3A = arith.mulf %get3A_1, %get3A_1 : vector<1000x128xf32>
    %reduce_sum3A_45 = arith.constant dense<0.000000e+00> : vector<1000xf32>
    %reduce_sum3A_46 = vector.multi_reduction <add>, %mul3A, %reduce_sum3A_45 [1] : vector<1000x128xf32> to vector<1000xf32>
    %broadcast_in_dim3A_47 = vector.shape_cast %reduce_sum3A_46 : vector<1000xf32> to vector<1000x1xf32>
    %sqrt3A = math.sqrt %broadcast_in_dim3A_47 : vector<1000x1xf32>
    %max3A = arith.constant 9.99999996E-13 : f32
    %max3A_48 = vector.broadcast %max3A : f32 to vector<1000x1xf32>
    %max3A_49 = arith.maximumf %sqrt3A, %max3A_48 : vector<1000x1xf32>
    %div3A_50 = vector.broadcast %max3A_49 : vector<1000x1xf32> to vector<1000x128xf32>
    %div3A_51 = arith.divf %get3A_1, %div3A_50 : vector<1000x128xf32>
    %get3A_52 = arith.constant 0 : index
    %get3A_53 = arith.constant 0 : index
    %get3A_54 = vector.load %arg2[%get3A_52, %get3A_53] : memref<32x128xf32, #tpu.memory_space<vmem>>, vector<32x128xf32>
    %mul3A_55 = arith.mulf %get3A_54, %get3A_54 : vector<32x128xf32>
    %reduce_sum3A_56 = arith.constant dense<0.000000e+00> : vector<32xf32>
    %reduce_sum3A_57 = vector.multi_reduction <add>, %mul3A_55, %reduce_sum3A_56 [1] : vector<32x128xf32> to vector<32xf32>
    %broadcast_in_dim3A_58 = vector.shape_cast %reduce_sum3A_57 : vector<32xf32> to vector<32x1xf32>
    %sqrt3A_59 = math.sqrt %broadcast_in_dim3A_58 : vector<32x1xf32>
    %max3A_60 = arith.constant 9.99999996E-13 : f32
    %max3A_61 = vector.broadcast %max3A_60 : f32 to vector<32x1xf32>
    %max3A_62 = arith.maximumf %sqrt3A_59, %max3A_61 : vector<32x1xf32>
    %div3A_63 = vector.broadcast %max3A_62 : vector<32x1xf32> to vector<32x128xf32>
    %div3A_64 = arith.divf %get3A_54, %div3A_63 : vector<32x128xf32>
    %dot_general3A_65 = arith.constant dense<0.000000e+00> : vector<1000x32xf32>
    %dot_general3A_66 = tpu.matmul %div3A_51, %div3A_64, %dot_general3A_65 {dimension_numbers = #tpu.dot_dimension_numbers<[1], [1], [0], [0], [0, 0, 1, 0], [], []>, transpose_lhs_hint = false} : vector<1000x128xf32>, vector<32x128xf32>, vector<1000x32xf32> -> vector<1000x32xf32>
    %swap3A_67 = arith.constant 0 : index
    %swap3A_68 = arith.constant 0 : index
    %swap3A_69 = vector.load %arg12[%swap3A_67, %swap3A_68] : memref<1000x32xf32, #tpu.memory_space<vmem>>, vector<1000x32xf32>
    tpu.vector_store %arg12[%swap3A_67, %swap3A_68], %dot_general3A_66 {strides = array<i32>} : memref<1000x32xf32, #tpu.memory_space<vmem>>, vector<1000x32xf32>,
    %eq3A = arith.constant 0 : i32
    %eq3A_70 = arith.cmpi eq, %arg0, %eq3A : i32
    %convert_element_type3A = arith.extui %eq3A_70 : i1 to i32
    %cond3A = arith.constant 0 : i32
    %cond3A_71 = arith.cmpi ne, %convert_element_type3A, %cond3A : i32
    scf.if %cond3A_71 {
      %swap3A_87 = arith.constant 0.000000e+00 : f32
      %swap3A_88 = arith.constant 0 : index
      %swap3A_89 = arith.constant 0 : index
      %swap3A_90 = memref.load %arg13[%swap3A_88, %swap3A_89] : memref<1x1xf32, #tpu.memory_space<smem>>
      memref.store %swap3A_87, %arg13[%swap3A_88, %swap3A_89] : memref<1x1xf32, #tpu.memory_space<smem>>
    } else {
    }
    %get3A_72 = arith.constant 0 : index
    %get3A_73 = arith.constant 0 : index
    %get3A_74 = memref.load %arg13[%get3A_72, %get3A_73] : memref<1x1xf32, #tpu.memory_space<smem>>
    %mul3A_75 = arith.mulf %div3A_35, %dot_general3A_66 : vector<1000x32xf32>
    %reduce_sum3A_76 = vector.shape_cast %mul3A_75 : vector<1000x32xf32> to vector<1x1000x32xf32>
    %reduce_sum3A_77 = arith.constant dense<0.000000e+00> : vector<1xf32>
    %reduce_sum3A_78 = vector.multi_reduction <add>, %reduce_sum3A_76, %reduce_sum3A_77 [1, 2] : vector<1x1000x32xf32> to vector<1xf32>
    %reduce_sum3A_79 = vector.shape_cast %reduce_sum3A_78 : vector<1xf32> to vector<1x1x1xf32>
    %reduce_sum3A_80 = vector.extract %reduce_sum3A_79[0, 0, 0] : f32 from vector<1x1x1xf32>
    %mul3A_81 = arith.constant 1.000000e+01 : f32
    %mul3A_82 = arith.mulf %reduce_sum3A_80, %mul3A_81 : f32
    %add3A_83 = arith.addf %get3A_74, %mul3A_82 : f32
    %swap3A_84 = arith.constant 0 : index
    %swap3A_85 = arith.constant 0 : index
    %swap3A_86 = memref.load %arg13[%swap3A_84, %swap3A_85] : memref<1x1xf32, #tpu.memory_space<smem>>
    memref.store %add3A_83, %arg13[%swap3A_84, %swap3A_85] : memref<1x1xf32, #tpu.memory_space<smem>>
    return
  }
  func.func @transform_0(%arg0: i32) -> (i32, i32) {
    %c0_i32 = arith.constant 0 : i32
    %c0_i32_0 = arith.constant 0 : i32
    return %arg0, %c0_i32 : i32, i32
  }
  func.func @transform_1(%arg0: i32) -> (i32, i32) {
    %c0_i32 = arith.constant 0 : i32
    %c0_i32_0 = arith.constant 0 : i32
    %c0_i32_1 = arith.constant 0 : i32
    return %c0_i32, %c0_i32_0 : i32, i32
  }
  func.func @transform_2(%arg0: i32) -> (i32, i32) {
    %c0_i32 = arith.constant 0 : i32
    %c0_i32_0 = arith.constant 0 : i32
    return %arg0, %c0_i32 : i32, i32
  }
  func.func @transform_3(%arg0: i32) -> (i32, i32) {
    %c0_i32 = arith.constant 0 : i32
    %c0_i32_0 = arith.constant 0 : i32
    %c0_i32_1 = arith.constant 0 : i32
    return %c0_i32, %c0_i32_0 : i32, i32
  }
  func.func @transform_4(%arg0: i32) -> (i32, i32) {
    %c0_i32 = arith.constant 0 : i32
    %c0_i32_0 = arith.constant 0 : i32
    %c0_i32_1 = arith.constant 0 : i32
    return %c0_i32, %c0_i32_0 : i32, i32
  }
  func.func @transform_5(%arg0: i32) -> (i32, i32) {
    %c0_i32 = arith.constant 0 : i32
    %c0_i32_0 = arith.constant 0 : i32
    %c0_i32_1 = arith.constant 0 : i32
    return %c0_i32, %c0_i32_0 : i32, i32
  }
  func.func @transform_6(%arg0: i32) -> (i32, i32) {
    %c0_i32 = arith.constant 0 : i32
    %c0_i32_0 = arith.constant 0 : i32
    %c0_i32_1 = arith.constant 0 : i32
    return %c0_i32, %c0_i32_0 : i32, i32
  }
  func.func @transform_7(%arg0: i32) -> (i32, i32) {
    %c0_i32 = arith.constant 0 : i32
    %c0_i32_0 = arith.constant 0 : i32
    return %arg0, %c0_i32 : i32, i32
  }
  func.func @transform_8(%arg0: i32) -> (i32, i32) {
    %c0_i32 = arith.constant 0 : i32
    %c0_i32_0 = arith.constant 0 : i32
    return %arg0, %c0_i32 : i32, i32
  }
  func.func @transform_9(%arg0: i32) -> (i32, i32) {
    %c0_i32 = arith.constant 0 : i32
    %c0_i32_0 = arith.constant 0 : i32
    return %arg0, %c0_i32 : i32, i32
  }
  func.func @transform_10(%arg0: i32) -> (i32, i32) {
    %c0_i32 = arith.constant 0 : i32
    %c0_i32_0 = arith.constant 0 : i32
    return %arg0, %c0_i32 : i32, i32
  }
  func.func @transform_11(%arg0: i32) -> (i32, i32) {
    %c0_i32 = arith.constant 0 : i32
    %c0_i32_0 = arith.constant 0 : i32
    return %arg0, %c0_i32 : i32, i32
  }
  func.func @transform_12(%arg0: i32) -> (i32, i32) {
    %c0_i32 = arith.constant 0 : i32
    %c0_i32_0 = arith.constant 0 : i32
    %c0_i32_1 = arith.constant 0 : i32
    return %c0_i32, %c0_i32_0 : i32, i32
  }
}

module attributes {stable_mosaic.version = 14 : i64} {
  func.func @_final_body(%arg0: i32, %arg1: memref<1000x32xf32, #tpu.memory_space<vmem>>, %arg2: memref<2x1000x32xf32, #tpu.memory_space<vmem>>, %arg3: memref<1x1xf32, #tpu.memory_space<smem>>) attributes {dimension_semantics = [#tpu.dimension_semantics<arbitrary>], iteration_bounds = array<i64: 10>, scalar_prefetch = 0 : i64, scratch_operands = 0 : i64, tpu.core_type = #tpu.core_type<tc>, window_params = [{transform_indices = @transform_0, window_bounds = array<i64: 1000, 32>}, {transform_indices = @transform_1, window_bounds = array<i64: 2, 1000, 32>}, {transform_indices = @transform_2, window_bounds = array<i64: 1, 1>}]} {
    %get3A = arith.constant 0 : index
    %get3A_0 = arith.constant 0 : index
    %get3A_1 = arith.constant 0 : index
    %get3A_2 = vector.load %arg2[%get3A, %get3A_0, %get3A_1] : memref<2x1000x32xf32, #tpu.memory_space<vmem>>, vector<1x1000x32xf32>
    %get3A_3 = vector.shape_cast %get3A_2 : vector<1x1000x32xf32> to vector<1000x32xf32>
    %get3A_4 = arith.constant 1 : index
    %get3A_5 = arith.constant 0 : index
    %get3A_6 = arith.constant 0 : index
    %get3A_7 = vector.load %arg2[%get3A_4, %get3A_5, %get3A_6] : memref<2x1000x32xf32, #tpu.memory_space<vmem>>, vector<1x1000x32xf32>
    %get3A_8 = vector.shape_cast %get3A_7 : vector<1x1000x32xf32> to vector<1000x32xf32>
    %add3A = arith.addf %get3A_3, %get3A_8 : vector<1000x32xf32>
    %reduce_sum3A = arith.constant dense<0.000000e+00> : vector<1000xf32>
    %reduce_sum3A_9 = vector.multi_reduction <add>, %add3A, %reduce_sum3A [1] : vector<1000x32xf32> to vector<1000xf32>
    %broadcast_in_dim3A = vector.shape_cast %reduce_sum3A_9 : vector<1000xf32> to vector<1000x1xf32>
    %add3A_10 = arith.constant 1.000000e-16 : f32
    %add3A_11 = vector.broadcast %add3A_10 : f32 to vector<1000x1xf32>
    %add3A_12 = arith.addf %broadcast_in_dim3A, %add3A_11 : vector<1000x1xf32>
    %get3A_13 = arith.constant 0 : index
    %get3A_14 = arith.constant 0 : index
    %get3A_15 = vector.load %arg1[%get3A_13, %get3A_14] : memref<1000x32xf32, #tpu.memory_space<vmem>>, vector<1000x32xf32>
    %mul3A = arith.mulf %get3A_15, %add3A : vector<1000x32xf32>
    %div3A = vector.broadcast %add3A_12 : vector<1000x1xf32> to vector<1000x32xf32>
    %div3A_16 = arith.divf %mul3A, %div3A : vector<1000x32xf32>
    %reduce_sum3A_17 = vector.shape_cast %div3A_16 : vector<1000x32xf32> to vector<1x1000x32xf32>
    %reduce_sum3A_18 = arith.constant dense<0.000000e+00> : vector<1xf32>
    %reduce_sum3A_19 = vector.multi_reduction <add>, %reduce_sum3A_17, %reduce_sum3A_18 [1, 2] : vector<1x1000x32xf32> to vector<1xf32>
    %reduce_sum3A_20 = vector.shape_cast %reduce_sum3A_19 : vector<1xf32> to vector<1x1x1xf32>
    %reduce_sum3A_21 = vector.extract %reduce_sum3A_20[0, 0, 0] : f32 from vector<1x1x1xf32>
    %eq3A = arith.constant 0 : i32
    %eq3A_22 = arith.cmpi eq, %arg0, %eq3A : i32
    %convert_element_type3A = arith.extui %eq3A_22 : i1 to i32
    %cond3A = arith.constant 0 : i32
    %cond3A_23 = arith.cmpi ne, %convert_element_type3A, %cond3A : i32
    scf.if %cond3A_23 {
      %swap3A_30 = arith.constant 0.000000e+00 : f32
      %swap3A_31 = arith.constant 0 : index
      %swap3A_32 = arith.constant 0 : index
      %swap3A_33 = memref.load %arg3[%swap3A_31, %swap3A_32] : memref<1x1xf32, #tpu.memory_space<smem>>
      memref.store %swap3A_30, %arg3[%swap3A_31, %swap3A_32] : memref<1x1xf32, #tpu.memory_space<smem>>
    } else {
    }
    %get3A_24 = arith.constant 0 : index
    %get3A_25 = arith.constant 0 : index
    %get3A_26 = memref.load %arg3[%get3A_24, %get3A_25] : memref<1x1xf32, #tpu.memory_space<smem>>
    %add3A_27 = arith.addf %get3A_26, %reduce_sum3A_21 : f32
    %swap3A = arith.constant 0 : index
    %swap3A_28 = arith.constant 0 : index
    %swap3A_29 = memref.load %arg3[%swap3A, %swap3A_28] : memref<1x1xf32, #tpu.memory_space<smem>>
    memref.store %add3A_27, %arg3[%swap3A, %swap3A_28] : memref<1x1xf32, #tpu.memory_space<smem>>
    return
  }
  func.func @transform_0(%arg0: i32) -> (i32, i32) {
    %c0_i32 = arith.constant 0 : i32
    %c0_i32_0 = arith.constant 0 : i32
    return %arg0, %c0_i32 : i32, i32
  }
  func.func @transform_1(%arg0: i32) -> (i32, i32, i32) {
    %c0_i32 = arith.constant 0 : i32
    %c0_i32_0 = arith.constant 0 : i32
    %c0_i32_1 = arith.constant 0 : i32
    return %c0_i32, %arg0, %c0_i32_0 : i32, i32, i32
  }
  func.func @transform_2(%arg0: i32) -> (i32, i32) {
    %c0_i32 = arith.constant 0 : i32
    %c0_i32_0 = arith.constant 0 : i32
    %c0_i32_1 = arith.constant 0 : i32
    return %c0_i32, %c0_i32_0 : i32, i32
  }
}

</mosaic_0001>

<sc_bundles>
// kernel: kernel.6.cloned.1.call-start
scs
__scs_entry_jumppad:
0x0: {  	(pc) =	sbr.rel $0x88, $3  }
0x1: {  	(tag) =	ssettag $0x0;
	lr =	simm.s32 $0x1  }
0x2: {  	[smem:$0x3F97] =	sst lr;
	_ =	strace $0xD0000000  }
0x3: {  	_ = 	snop  }
0x4: {  	_ = 	snop  }
0x5: {  	_ = 	snop  }
0x6: {  	_ = 	snop  }
0x7: {  	_ = 	snop  }
__scs_overlays_trampoline_lowered:
0x8: {  	[smem:$0x3FA6] =	sst s0  }
0x9: {  	[smem:$0x3FA7] =	sst s1  }
0xa: {  	[smem:$0x3FA8] =	sst s2  }
0xb: {  	[smem:$0x3FA9] =	sst s3  }
0xc: {  	[smem:$0x3FAA] =	sst s4  }
0xd: {  	[smem:$0x3FAB] =	sst s5  }
0xe: {  	[smem:$0x3FAC] =	sst s6  }
0xf: {  	[smem:$0x3FAD] =	sst s7  }
0x10: {  	[smem:$0x3FAE] =	sst s8  }
0x11: {  	[smem:$0x3FAF] =	sst s9;
	s0 =	simm.s32 @!p0 $0x0  }
0x12: {  	s1 =	sld [smem:$0x3F95];
	s0 =	simm.s32 @p0 $0x1  }
0x13: {  	[smem:$0x3FB0] =	sst s0;
	s0 =	simm.s32 @!p1 $0x0  }
0x14: {  	s2 =	sld [smem:$0x3F94];
	s0 =	simm.s32 @p1 $0x1  }
0x15: {  	[smem:$0x3FB1] =	sst s0;
	s0 =	simm.s32 @!p2 $0x0  }
0x16: {  	s3 =	sld [smem:$0x3FDB];
	s0 =	simm.s32 @p2 $0x1  }
0x17: {  	s4 =	simm.s32 $0x1BF5;
	[smem:$0x3FB3] =	sst s0  }
0x18: {  	s0 =	sld [smem:$0x3F96];
	_ =	swait.ge [sflag:s4], $0x0  }
0x19: {  	s7 =	sld [smem:$0x3F97]  }
0x1a: {  	s8 =	sadd.s32 $0xFFFFE003, lr  }
0x1b: {  	s9 =	sadd.s32 $0xFFFFFEF7, lr;
	s5 =	simm.s32 $0xFFFFFFFF;
	p2 =	slt.u32 s8, $0xFFFFF086  }
0x1c: {  	p1 =	slt.u32 s9, $0xF7A;
	s5 =	simm.s32 @!p2 $0x0  }
0x1d: {  	s5 =	simm.s32 @p1 $0x1;
	p0 =	seq.s32 s7, s2  }
0x1e: {  	s7 =	smul.u32 @!p0 $0xF7A, s2;
	p2 =	seq.s32 @!p0 s5, $0x0  }
0x1f: {  	s9 =	smul.u32 $0xF7A, s1;
	s8 =	simm.s32 @!p0 $0x1BF5;
	p2 =	por !p2, p0  }
0x20: {  	[sflag:s8] =	ssyncset.s32 @!p0 $0xFFFFF086;
	s6 =	sadd.s32 @!p0 s3, s7;
	s7 =	simm.s32 @!p0 $0x108  }
0x21: {  	s3 =	sadd.s32 s3, s9;
	s6 =	sadd.s32 @!p0 $0x88, s6;
	s7 =	simm.s32 @p2 $0x1082  }
0x22: {  	[simem:s7], [sflag:s8] =	dma.local @!p0 [hbm:s6], $0xF7A  }
0x23: {  	s9 =	sor.u32 $0xD0000000, s2;
	s6 =	simm.s32 $0x108;
	_ =	swait.ge @!p0 [sflag:s8], $0x0  }
0x24: {  	s3 =	sadd.s32 $0x88, s3;
	s6 =	simm.s32 @!p1 $0x1082;
	[sflag:s4] =	ssyncset.s32 $0xFFFFF086  }
0x25: {  	[simem:s6], [sflag:s4] =	dma.local [hbm:s3], $0xF7A  }
0x26: {  	[smem:$0x3F97] =	sst s1;
	(tag) =	ssettag s2;
	_ =	strace s9  }
0x27: {  	s1 =	sld [smem:$0x3FA7]  }
0x28: {  	s2 =	sld [smem:$0x3FA8]  }
0x29: {  	s4 =	sld [smem:$0x3FAA]  }
0x2a: {  	p0 =	seq.s32 s5, $0x0;
	s5 =	sld [smem:$0x3FAB]  }
0x2b: {  	s6 =	sld [smem:$0x3FAC]  }
0x2c: {  	s7 =	sld [smem:$0x3FAD]  }
0x2d: {  	s3 =	simm.s32 $0x108;
	s8 =	sld [smem:$0x3FAE]  }
0x2e: {  	s3 =	simm.s32 @!p0 $0x1082;
	s9 =	sld [smem:$0x3FAF]  }
0x2f: {  	lr =	sadd.s32 s0, s3;
	s0 =	sld [smem:$0x3FA6]  }
0x30: {  	s3 =	sld [smem:$0x3FA9]  }
0x31: {  	[smem:$0x3FB2] =	sst s10  }
0x32: {  	s10 =	sld [smem:$0x3FB0];
	_ =	sdelay $0x3  }
0x33: {  	p0 =	seq.s32 s10, $0x1;
	s10 =	sld [smem:$0x3FB2];
	_ =	sdelay $0x3  }
0x34: {  	[smem:$0x3FB2] =	sst s10  }
0x35: {  	s10 =	sld [smem:$0x3FB1];
	_ =	sdelay $0x3  }
0x36: {  	p1 =	seq.s32 s10, $0x1;
	s10 =	sld [smem:$0x3FB2];
	_ =	sdelay $0x3  }
0x37: {  	[smem:$0x3FB2] =	sst s10  }
0x38: {  	s10 =	sld [smem:$0x3FB3]  }
0x39: {  	_ = 	snop;
	(pc) =	sbr.ind lr, $3  }
0x3a: {  	_ = 	snop  }
0x3b: {  	_ = 	snop  }
0x3c: {  	p2 =	seq.s32 s10, $0x1;
	s10 =	sld [smem:$0x3FB2]  }
0x3d: {  	_ =	shalt  }
0x3e: {  	_ =	shalt  }
0x3f: {  	_ =	shalt  }
0x40: {  	_ =	shalt  }
0x41: {  	_ =	shalt  }
0x42: {  	_ =	shalt  }
0x43: {  	_ =	shalt  }
0x44: {  	_ =	shalt  }
0x45: {  	_ =	shalt  }
0x46: {  	_ =	shalt  }
0x47: {  	_ =	shalt  }
0x48: {  	_ =	shalt  }
0x49: {  	_ =	shalt  }
0x4a: {  	_ =	shalt  }
0x4b: {  	_ =	shalt  }
0x4c: {  	_ =	shalt  }
0x4d: {  	_ =	shalt  }
0x4e: {  	_ =	shalt  }
0x4f: {  	_ =	shalt  }
0x50: {  	_ =	shalt  }
0x51: {  	_ =	shalt  }
0x52: {  	_ =	shalt  }
0x53: {  	_ =	shalt  }
0x54: {  	_ =	shalt  }
0x55: {  	_ =	shalt  }
0x56: {  	_ =	shalt  }
0x57: {  	_ =	shalt  }
0x58: {  	_ =	shalt  }
0x59: {  	_ =	shalt  }
0x5a: {  	_ =	shalt  }
0x5b: {  	_ =	shalt  }
0x5c: {  	_ =	shalt  }
0x5d: {  	_ =	shalt  }
0x5e: {  	_ =	shalt  }
0x5f: {  	_ =	shalt  }
0x60: {  	_ =	shalt  }
0x61: {  	_ =	shalt  }
0x62: {  	_ =	shalt  }
0x63: {  	_ =	shalt  }
0x64: {  	_ =	shalt  }
0x65: {  	_ =	shalt  }
0x66: {  	_ =	shalt  }
0x67: {  	_ =	shalt  }
0x68: {  	_ =	shalt  }
0x69: {  	_ =	shalt  }
0x6a: {  	_ =	shalt  }
0x6b: {  	_ =	shalt  }
0x6c: {  	_ =	shalt  }
0x6d: {  	_ =	shalt  }
0x6e: {  	_ =	shalt  }
0x6f: {  	_ =	shalt  }
0x70: {  	_ =	shalt  }
0x71: {  	_ =	shalt  }
0x72: {  	_ =	shalt  }
0x73: {  	_ =	shalt  }
0x74: {  	_ =	shalt  }
0x75: {  	_ =	shalt  }
0x76: {  	_ =	shalt  }
0x77: {  	_ =	shalt  }
0x78: {  	_ =	shalt  }
0x79: {  	_ =	shalt  }
0x7a: {  	_ =	shalt  }
0x7b: {  	_ =	shalt  }
0x7c: {  	_ =	shalt  }
0x7d: {  	_ =	shalt  }
0x7e: {  	_ =	shalt  }
0x7f: {  	_ =	shalt  }
0x80: {  	_ =	shalt  }
0x81: {  	_ =	shalt  }
0x82: {  	_ =	shalt  }
0x83: {  	_ =	shalt  }
0x84: {  	_ =	shalt  }
0x85: {  	_ =	shalt  }
0x86: {  	_ =	shalt  }
0x87: {  	_ =	shalt  }
.Lfunc_end0:
.L_simem_size_0:
called_computation_lowered:
.L_overlay_start_0:
0x88: {  	s2 =	sld [smem:$0x3FD9]  }
0x89: {  	s3 =	sld [smem:$0x3FFE];
	_ =	sdelay $0x1  }
0x8a: {  	s1 =	srdreg.scid  }
0x8b: {  	s0 =	sand.u32 $0x1, s1  }
0x8c: {  	s14 =	sshll.u32 s0, $0xA;
	s2 =	sadd.s32 s3, s2  }
0x8d: {  	s2 =	sadd.s32 s2, s14  }
0x8e: {  	[smem:$0x3FBE] =	sst s2  }
0x8f: {  	_ = 	snop  }
0x90: {  	s2 =	sld [smem:$0x3FD0];
	_ =	sdelay $0x2  }
0x91: {  	s15 =	simm.s32 $0xA;
	s4 =	simm.s32 $0x10  }
0x92: {  	[smem:s4], [sflag:s15] =	dma.local [hbm:s2], $0x1  }
0x93: {  	_ =	swait.eq [sflag:s15], $0x1  }
0x94: {  	[sflag:s15] =	ssyncset.done $0x0  }
0x95: {  	[sflag:s15] =	ssyncadd.s32 $0xFFFFFFFF  }
0x96: {  	s16 =	sld [smem:$0x12];
	(tm) =	ssettm $0x1  }
0x97: {  	s17 =	sld [smem:$0x3FFB];
	_ =	sdelay $0x3  }
0x98: {  	_ =	strace s17  }
0x99: {  	s3 =	sld [smem:$0x3FFC];
	_ =	sdelay $0x3  }
0x9a: {  	_ =	strace s3  }
0x9b: {  	s3 =	sld [smem:$0x3FFD];
	_ =	sdelay $0x3  }
0x9c: {  	_ =	strace s3  }
0x9d: {  	_ =	strace $0x8FFFFFFF  }
0x9e: {  	s18 =	sld [smem:$0x3FDB];
	_ =	sdelay $0x1  }
0x9f: {  	s19 =	simm.s32 $_scs_section_size  }
0xa0: {  	s5 =	simm.s32 $_size__tile_overlayer_lowered;
	s6 =	simm.s32 $_tile_overlayer_lowered  }
0xa1: {  	s22 =	simm.s32 $0x1BFF;
	s21 =	sshll.u32 s6, $0x1;
	s3 =	sadd.s32 s19, s18  }
0xa2: {  	s7 =	simm.s32 $0x0;
	s20 =	sshll.u32 s5, $0x1;
	s5 =	sadd.s32 s21, s3  }
0xa3: {  	[timem:s7], [sflag:s22] =	dma.local [hbm:s5], s20  }
0xa4: {  	_ =	swait.ge [sflag:s22], s20  }
0xa5: {  	s4 =	ssub.s32 $0x0, s20;
	[sflag:s22] =	ssyncset.done $0x0  }
0xa6: {  	[sflag:s22] =	ssyncadd.s32 s4;
	_ =	sdelay $0x1  }
0xa7: {  	s23 =	simm.s32 $0x1B8B  }
0xa8: {  	_ =	swait.ge [sflag:s23], $0x1  }
0xa9: {  	[sflag:s23] =	ssyncset.done $0x0  }
0xaa: {  	s25 =	simm.s32 $0x1B8E;
	s24 =	sld [smem:$0x3FFE];
	[sflag:s23] =	ssyncadd.s32 $0xFFFFFFFF  }
0xab: {  	s26 =	simm.s32 $execute0_lowered;
	[smem:$0x3FD2] =	sst s25  }
0xac: {  	s5 =	sshll.u32 s26, $0x1;
	_ =	strace $0x80000046;
	[dreg:$0x1] =	wrdreg $0xFFFFFFFF  }
0xad: {  	s28 =	simm.s32 $_size_execute0_lowered;
	s3 =	sadd.s32 s3, s5;
	[dreg:$0x0] =	wrdreg $0x0  }
0xae: {  	s5 =	sshll.u32 s28, $0x1;
	[dreg:$0x2] =	wrdreg s3  }
0xaf: {  	[dreg:$0x3] =	wrdreg s5  }
0xb0: {  	[dreg:$0x4] =	wrdreg $0xC0  }
0xb1: {  	_ =	task [dreg:s7], $0x5FFFF  }
0xb2: {  	[dreg:$0x1] =	wrdreg $0xFFFFFFFF  }
0xb3: {  	[dreg:$0x0] =	wrdreg $0x60  }
0xb4: {  	[dreg:$0x2] =	wrdreg s16  }
0xb5: {  	[dreg:$0x3] =	wrdreg s24  }
0xb6: {  	[dreg:$0x4] =	wrdreg $0x9  }
0xb7: {  	_ =	task.clear_ibuf [dreg:s7], $0x5FFFF;
	_ =	strace $0x90000046  }
0xb8: {  	s29 =	simm.s32 $0x9;
	_ =	strace $0x80000048  }
0xb9: {  	_ =	swait.ge [sflag:s29], $0x1  }
0xba: {  	[sflag:s29] =	ssyncadd.s32 $0xFFFFFFFF  }
0xbb: {  	_ =	strace $0x90000048  }
0xbc: {  	_ =	sfence  }
0xbd: {  	s30 =	sld [smem:$0x0];
	_ =	sdelay $0x2  }
0xbe: {  	s31 =	sshll.u32 s1, $0xD;
	s1 =	sshrl.u32 s1, $0x2  }
0xbf: {  	s3 =	sand.u32 $0x4000, s31;
	s1 =	sadd.s32 s1, s30  }
0xc0: {  	s0 =	sor.u32 s3, s0;
	s1 =	sshll.u32 s1, $0x11  }
0xc1: {  	s0 =	sor.u32 s1, s0  }
0xc2: {  	s0 =	sadd.s32 $0x8F2B, s0  }
0xc3: {  	[sflag:s0] =	ssyncadd.remote.s32 $0x1  }
0xc4: {  	_ =	sfence.sel $0xFFFF  }
0xc5: {  	[dreg:$0x0] =	wrdreg $0xFFFFFFFF;
	(pc) =	sbr.abs _section_cstart, $3  }
0xc6: {  	[dreg:$0x1] =	wrdreg $0xFFFFFFFF  }
0xc7: {  	_ =	task.clear_ibuf [dreg:s7], $0x2FFFF;
	_ =	strace $0x9FFFFFFF  }
0xc8: {  	(tm) =	ssettm $0x7FFFFFFF  }
0xc9: {  	_ =	shalt  }
tec
execute0_lowered:
.L_overlay_start_1:
0x0: {  	(tag) =	ssettag $0x1  }
0x1: {  	s1 =	srdreg.scid;
	s0 =	stileid.u32  }
0x2: {  	s3 =	rddreg [dreg:$0x0];
	s12 =	sand.u32 $0x1, s1;
	s29 =	sshll.u32 s0, $0x1  }
0x3: {  	s13 =	rddreg [dreg:$0x1];
	s14 =	sor.u32 s12, s29  }
0x4: {  	s2 =	simm.s32 $0x0;
	s1 =	rddreg [dreg:$0x2];
	s4 =	smul.u32 $0x30, s14  }
0x5: {  	[smem:$0x7FF] =	sst s2  }
0x6: {  	_ =	strace $0x80000047;
	s4 =	sadd.s32 s3, s4;
	s3 =	simm.s32 $0x2  }
0x7: {  	[tilespmem:s2], [sflag:$0x2] =	stream.linear.gather [hbm4b:s4+s2], $0x180, $0x38;
	[tilespmem:$0x3180] =	vst v63  }
0x8: {  	_ =	swait.ge [sflag:s3], $0x180  }
0x9: {  	s6 =	simm.s32 $0x80;
	[sflag:s3] =	ssyncset.done $0x0  }
0xa: {  	s7 =	simm.s32 $0x180;
	s5 =	sadd.s32 $0x187E00, s13;
	[sflag:s3] =	ssyncadd.s32 $0xFFFFFE80  }
0xb: {  	[tilespmem:s7], [sflag:$0x1] =	stream.indirect.gather [hbm4b:s5+s6], $0x20, s2, s6, $0xb8;
	[tilespmem:$0x3180] =	vst v63  }
0xc: {  	s8 =	simm.s32 $0x1180  }
0xd: {  	[tilespmem:s8], [sflag:$0x1] =	stream.indirect.gather [hbm4b:s5+s6], $0x20, s6, s6, $0xb8;
	[tilespmem:$0x3180] =	vst v63  }
0xe: {  	s9 =	simm.s32 $0x100;
	s10 =	simm.s32 $0x2180;
	s11 =	simm.s32 $0x1  }
0xf: {  	[tilespmem:s10], [sflag:$0x1] =	stream.indirect.gather [hbm4b:s5+s6], $0x20, s9, s6, $0xb8;
	[tilespmem:$0x3180] =	vst v63  }
0x10: {  	_ =	swait.ge [sflag:s11], $0x1000  }
0x11: {  	[sflag:s11] =	ssyncset.done $0x0  }
0x12: {  	s12 =	ssub.s32 $0x2, s12;
	[sflag:s11] =	ssyncadd.s32 $0xFFFFF000  }
0x13: {  	s15 =	sshrl.u32 s12, $0x1;
	_ =	swait.ge [sflag:s11], $0x1000  }
0x14: {  	s30 =	ssub.s32 s12, s15;
	[sflag:s11] =	ssyncset.done $0x0  }
0x15: {  	s14 =	smul.u32 $0x600, s14;
	s31 =	smax.u32 s30, $0x1;
	[sflag:s11] =	ssyncadd.s32 $0xFFFFF000  }
0x16: {  	p0 =	sne.s32 s31, $0x1;
	_ =	swait.ge [sflag:s11], $0x1000  }
.Ltmp0:
0x17: {  	s13 =	sadd.s32 s14, s13;
	[sflag:s11] =	ssyncset.done $0x0;
	(pc) =	sbr.rel @!p0 .LBB2_2-.Ltmp0, $4  }
0x18: {  	s12 =	sadd.s32 $0x1400, s13;
	[sflag:s11] =	ssyncadd.s32 $0xFFFFF000  }
0x19: {  	[hbm4b:s12+s2] =	stream.linear.scatter [tilespmem:s7], [sflag:$0x2], $0x3000, $0x38;
	[tilespmem:$0x3180] =	vst v63  }
0x1a: {  	_ =	swait.ge [sflag:s3], $0x3000  }
0x1b: {  	s13 =	sadd.s32 $0xFFFFFFFF, s31;
	[sflag:s3] =	ssyncset.done $0x0  }
.LBB2_1:
0x1c: {  	p0 =	sne.s32 s13, $0x1;
	s13 =	sadd.s32 $0xFFFFFFFF, s13;
	[sflag:s3] =	ssyncadd.s32 $0xFFFFD000  }
0x1d: {  	[tilespmem:s2], [sflag:$0x2] =	stream.linear.gather [hbm4b:s4+s2], $0x180, $0x38;
	[tilespmem:$0x3180] =	vst v63  }
0x1e: {  	_ =	swait.ge [sflag:s3], $0x180  }
0x1f: {  	[sflag:s3] =	ssyncset.done $0x0  }
0x20: {  	[sflag:s3] =	ssyncadd.s32 $0xFFFFFE80  }
0x21: {  	[tilespmem:s7], [sflag:$0x1] =	stream.indirect.gather [hbm4b:s5+s6], $0x20, s2, s6, $0xb8;
	[tilespmem:$0x3180] =	vst v63  }
0x22: {  	_ = 	snop  }
0x23: {  	[tilespmem:s8], [sflag:$0x1] =	stream.indirect.gather [hbm4b:s5+s6], $0x20, s6, s6, $0xb8;
	[tilespmem:$0x3180] =	vst v63  }
0x24: {  	_ = 	snop  }
0x25: {  	[tilespmem:s10], [sflag:$0x1] =	stream.indirect.gather [hbm4b:s5+s6], $0x20, s9, s6, $0xb8;
	[tilespmem:$0x3180] =	vst v63  }
0x26: {  	_ =	swait.ge [sflag:s11], $0x1000  }
0x27: {  	[sflag:s11] =	ssyncset.done $0x0  }
0x28: {  	[sflag:s11] =	ssyncadd.s32 $0xFFFFF000  }
0x29: {  	_ =	swait.ge [sflag:s11], $0x1000  }
0x2a: {  	[sflag:s11] =	ssyncset.done $0x0  }
0x2b: {  	[sflag:s11] =	ssyncadd.s32 $0xFFFFF000  }
0x2c: {  	_ =	swait.ge [sflag:s11], $0x1000  }
.Ltmp1:
0x2d: {  	[sflag:s11] =	ssyncset.done $0x0;
	(pc) =	sbr.rel @p0 .LBB2_1-.Ltmp1, $4  }
0x2e: {  	[sflag:s11] =	ssyncadd.s32 $0xFFFFF000  }
0x2f: {  	[hbm4b:s12+s2] =	stream.linear.scatter [tilespmem:s7], [sflag:$0x2], $0x3000, $0x38;
	[tilespmem:$0x3180] =	vst v63  }
0x30: {  	_ =	swait.ge [sflag:s3], $0x3000  }
0x31: {  	[sflag:s3] =	ssyncset.done $0x0  }
.LBB2_2:
0x32: {  	[sflag:s3] =	ssyncadd.s32 $0xFFFFD000  }
0x33: {  	_ =	sfence.sel $0x180000  }
0x34: {  	[bflag:$0x0] =	sbarrier.arrive $0xFFFF  }
0x35: {  	p0 =	sne.s32 s0, $0x0;
	_ =	strace $0x90000047  }
0x36: {  	s0 =	sadd.s32 @!p0 $0x100000, s1;
	[bflag:$0x2] =	sbarrier.arrive $0xFFFF  }
0x37: {  	[sflag:s0] =	ssyncadd.tile.s32 @!p0 $0x1;
	_ =	shalt  }
.Lfunc_end2:
_tile_overlayer_lowered:
.L_overlay_start_2:
0x38: {  	(tag) =	ssettag $0x2  }
0x39: {  	s0 =	rddreg [dreg:$0x0];
	s2 =	stileid.u32  }
0x3a: {  	s1 =	rddreg [dreg:$0x1];
	p0 =	sne.s32 s2, $0x0  }
0x3b: {  	s3 =	rddreg [dreg:$0x2];
	[bflag:$0x3] =	sbarrier.arrive $0xFFFF;
	s2 =	simm.s32 @!p0 $0x1C02  }
0x3c: {  	[timem:s3], [sflag:s2] =	dma.local @!p0 [hbm:s0], s1  }
0x3d: {  	s0 =	simm.s32 @!p0 $0x2  }
0x3e: {  	_ =	swait.ge @!p0 [sflag:s0], s1  }
0x3f: {  	s1 =	ssub.s32 @!p0 $0x0, s1;
	[sflag:s0] =	ssyncset.done @!p0 $0x0  }
0x40: {  	[sflag:s0] =	ssyncadd.s32 @!p0 s1  }
0x41: {  	[bflag:$0x3] =	sbarrier.arrive $0xFFFF  }
0x42: {  	_ =	shalt  }

// kernel: kernel.9.cloned.1.call-start
scs
__scs_entry_jumppad:
0x0: {  	(pc) =	sbr.rel $0x88, $3  }
0x1: {  	(tag) =	ssettag $0x0;
	lr =	simm.s32 $0x1  }
0x2: {  	[smem:$0x3F97] =	sst lr;
	_ =	strace $0xD0000000  }
0x3: {  	_ = 	snop  }
0x4: {  	_ = 	snop  }
0x5: {  	_ = 	snop  }
0x6: {  	_ = 	snop  }
0x7: {  	_ = 	snop  }
__scs_overlays_trampoline_lowered:
0x8: {  	[smem:$0x3FA6] =	sst s0  }
0x9: {  	[smem:$0x3FA7] =	sst s1  }
0xa: {  	[smem:$0x3FA8] =	sst s2  }
0xb: {  	[smem:$0x3FA9] =	sst s3  }
0xc: {  	[smem:$0x3FAA] =	sst s4  }
0xd: {  	[smem:$0x3FAB] =	sst s5  }
0xe: {  	[smem:$0x3FAC] =	sst s6  }
0xf: {  	[smem:$0x3FAD] =	sst s7  }
0x10: {  	[smem:$0x3FAE] =	sst s8  }
0x11: {  	[smem:$0x3FAF] =	sst s9;
	s0 =	simm.s32 @!p0 $0x0  }
0x12: {  	s1 =	sld [smem:$0x3F95];
	s0 =	simm.s32 @p0 $0x1  }
0x13: {  	[smem:$0x3FB0] =	sst s0;
	s0 =	simm.s32 @!p1 $0x0  }
0x14: {  	s2 =	sld [smem:$0x3F94];
	s0 =	simm.s32 @p1 $0x1  }
0x15: {  	[smem:$0x3FB1] =	sst s0;
	s0 =	simm.s32 @!p2 $0x0  }
0x16: {  	s3 =	sld [smem:$0x3FDB];
	s0 =	simm.s32 @p2 $0x1  }
0x17: {  	s4 =	simm.s32 $0x1BF5;
	[smem:$0x3FB3] =	sst s0  }
0x18: {  	s0 =	sld [smem:$0x3F96];
	_ =	swait.ge [sflag:s4], $0x0  }
0x19: {  	s7 =	sld [smem:$0x3F97]  }
0x1a: {  	s8 =	sadd.s32 $0xFFFFE003, lr  }
0x1b: {  	s9 =	sadd.s32 $0xFFFFFEF7, lr;
	s5 =	simm.s32 $0xFFFFFFFF;
	p2 =	slt.u32 s8, $0xFFFFF086  }
0x1c: {  	p1 =	slt.u32 s9, $0xF7A;
	s5 =	simm.s32 @!p2 $0x0  }
0x1d: {  	s5 =	simm.s32 @p1 $0x1;
	p0 =	seq.s32 s7, s2  }
0x1e: {  	s7 =	smul.u32 @!p0 $0xF7A, s2;
	p2 =	seq.s32 @!p0 s5, $0x0  }
0x1f: {  	s9 =	smul.u32 $0xF7A, s1;
	s8 =	simm.s32 @!p0 $0x1BF5;
	p2 =	por !p2, p0  }
0x20: {  	[sflag:s8] =	ssyncset.s32 @!p0 $0xFFFFF086;
	s6 =	sadd.s32 @!p0 s3, s7;
	s7 =	simm.s32 @!p0 $0x108  }
0x21: {  	s3 =	sadd.s32 s3, s9;
	s6 =	sadd.s32 @!p0 $0x88, s6;
	s7 =	simm.s32 @p2 $0x1082  }
0x22: {  	[simem:s7], [sflag:s8] =	dma.local @!p0 [hbm:s6], $0xF7A  }
0x23: {  	s9 =	sor.u32 $0xD0000000, s2;
	s6 =	simm.s32 $0x108;
	_ =	swait.ge @!p0 [sflag:s8], $0x0  }
0x24: {  	s3 =	sadd.s32 $0x88, s3;
	s6 =	simm.s32 @!p1 $0x1082;
	[sflag:s4] =	ssyncset.s32 $0xFFFFF086  }
0x25: {  	[simem:s6], [sflag:s4] =	dma.local [hbm:s3], $0xF7A  }
0x26: {  	[smem:$0x3F97] =	sst s1;
	(tag) =	ssettag s2;
	_ =	strace s9  }
0x27: {  	s1 =	sld [smem:$0x3FA7]  }
0x28: {  	s2 =	sld [smem:$0x3FA8]  }
0x29: {  	s4 =	sld [smem:$0x3FAA]  }
0x2a: {  	p0 =	seq.s32 s5, $0x0;
	s5 =	sld [smem:$0x3FAB]  }
0x2b: {  	s6 =	sld [smem:$0x3FAC]  }
0x2c: {  	s7 =	sld [smem:$0x3FAD]  }
0x2d: {  	s3 =	simm.s32 $0x108;
	s8 =	sld [smem:$0x3FAE]  }
0x2e: {  	s3 =	simm.s32 @!p0 $0x1082;
	s9 =	sld [smem:$0x3FAF]  }
0x2f: {  	lr =	sadd.s32 s0, s3;
	s0 =	sld [smem:$0x3FA6]  }
0x30: {  	s3 =	sld [smem:$0x3FA9]  }
0x31: {  	[smem:$0x3FB2] =	sst s10  }
0x32: {  	s10 =	sld [smem:$0x3FB0];
	_ =	sdelay $0x3  }
0x33: {  	p0 =	seq.s32 s10, $0x1;
	s10 =	sld [smem:$0x3FB2];
	_ =	sdelay $0x3  }
0x34: {  	[smem:$0x3FB2] =	sst s10  }
0x35: {  	s10 =	sld [smem:$0x3FB1];
	_ =	sdelay $0x3  }
0x36: {  	p1 =	seq.s32 s10, $0x1;
	s10 =	sld [smem:$0x3FB2];
	_ =	sdelay $0x3  }
0x37: {  	[smem:$0x3FB2] =	sst s10  }
0x38: {  	s10 =	sld [smem:$0x3FB3]  }
0x39: {  	_ = 	snop;
	(pc) =	sbr.ind lr, $3  }
0x3a: {  	_ = 	snop  }
0x3b: {  	_ = 	snop  }
0x3c: {  	p2 =	seq.s32 s10, $0x1;
	s10 =	sld [smem:$0x3FB2]  }
0x3d: {  	_ =	shalt  }
0x3e: {  	_ =	shalt  }
0x3f: {  	_ =	shalt  }
0x40: {  	_ =	shalt  }
0x41: {  	_ =	shalt  }
0x42: {  	_ =	shalt  }
0x43: {  	_ =	shalt  }
0x44: {  	_ =	shalt  }
0x45: {  	_ =	shalt  }
0x46: {  	_ =	shalt  }
0x47: {  	_ =	shalt  }
0x48: {  	_ =	shalt  }
0x49: {  	_ =	shalt  }
0x4a: {  	_ =	shalt  }
0x4b: {  	_ =	shalt  }
0x4c: {  	_ =	shalt  }
0x4d: {  	_ =	shalt  }
0x4e: {  	_ =	shalt  }
0x4f: {  	_ =	shalt  }
0x50: {  	_ =	shalt  }
0x51: {  	_ =	shalt  }
0x52: {  	_ =	shalt  }
0x53: {  	_ =	shalt  }
0x54: {  	_ =	shalt  }
0x55: {  	_ =	shalt  }
0x56: {  	_ =	shalt  }
0x57: {  	_ =	shalt  }
0x58: {  	_ =	shalt  }
0x59: {  	_ =	shalt  }
0x5a: {  	_ =	shalt  }
0x5b: {  	_ =	shalt  }
0x5c: {  	_ =	shalt  }
0x5d: {  	_ =	shalt  }
0x5e: {  	_ =	shalt  }
0x5f: {  	_ =	shalt  }
0x60: {  	_ =	shalt  }
0x61: {  	_ =	shalt  }
0x62: {  	_ =	shalt  }
0x63: {  	_ =	shalt  }
0x64: {  	_ =	shalt  }
0x65: {  	_ =	shalt  }
0x66: {  	_ =	shalt  }
0x67: {  	_ =	shalt  }
0x68: {  	_ =	shalt  }
0x69: {  	_ =	shalt  }
0x6a: {  	_ =	shalt  }
0x6b: {  	_ =	shalt  }
0x6c: {  	_ =	shalt  }
0x6d: {  	_ =	shalt  }
0x6e: {  	_ =	shalt  }
0x6f: {  	_ =	shalt  }
0x70: {  	_ =	shalt  }
0x71: {  	_ =	shalt  }
0x72: {  	_ =	shalt  }
0x73: {  	_ =	shalt  }
0x74: {  	_ =	shalt  }
0x75: {  	_ =	shalt  }
0x76: {  	_ =	shalt  }
0x77: {  	_ =	shalt  }
0x78: {  	_ =	shalt  }
0x79: {  	_ =	shalt  }
0x7a: {  	_ =	shalt  }
0x7b: {  	_ =	shalt  }
0x7c: {  	_ =	shalt  }
0x7d: {  	_ =	shalt  }
0x7e: {  	_ =	shalt  }
0x7f: {  	_ =	shalt  }
0x80: {  	_ =	shalt  }
0x81: {  	_ =	shalt  }
0x82: {  	_ =	shalt  }
0x83: {  	_ =	shalt  }
0x84: {  	_ =	shalt  }
0x85: {  	_ =	shalt  }
0x86: {  	_ =	shalt  }
0x87: {  	_ =	shalt  }
.Lfunc_end0:
.L_simem_size_0:
called_computation.1_lowered:
.L_overlay_start_0:
0x88: {  	s2 =	sld [smem:$0x3FD9]  }
0x89: {  	s3 =	sld [smem:$0x3FFE];
	_ =	sdelay $0x1  }
0x8a: {  	s1 =	srdreg.scid  }
0x8b: {  	s0 =	sand.u32 $0x1, s1  }
0x8c: {  	s17 =	sshll.u32 s0, $0xA;
	s2 =	sadd.s32 s3, s2  }
0x8d: {  	s2 =	sadd.s32 s2, s17  }
0x8e: {  	[smem:$0x3FBE] =	sst s2  }
0x8f: {  	_ = 	snop  }
0x90: {  	s2 =	sld [smem:$0x3FC0];
	(tm) =	ssettm $0x1  }
0x91: {  	s18 =	sld [smem:$0x3FFB];
	_ =	sdelay $0x3  }
0x92: {  	_ =	strace s18  }
0x93: {  	s3 =	sld [smem:$0x3FFC];
	_ =	sdelay $0x3  }
0x94: {  	_ =	strace s3  }
0x95: {  	s3 =	sld [smem:$0x3FFD];
	_ =	sdelay $0x3  }
0x96: {  	_ =	strace s3  }
0x97: {  	_ =	strace $0x8FFFFFFF  }
0x98: {  	s19 =	sld [smem:$0x3FDB];
	_ =	sdelay $0x1  }
0x99: {  	s4 =	simm.s32 $_scs_section_size  }
0x9a: {  	s5 =	simm.s32 $_size__tile_overlayer_lowered;
	s6 =	simm.s32 $_tile_overlayer_lowered  }
0x9b: {  	s22 =	simm.s32 $0x1BFF;
	s21 =	sshll.u32 s6, $0x1;
	s3 =	sadd.s32 s4, s19  }
0x9c: {  	s7 =	simm.s32 $0x0;
	s20 =	sshll.u32 s5, $0x1;
	s5 =	sadd.s32 s21, s3  }
0x9d: {  	[timem:s7], [sflag:s22] =	dma.local [hbm:s5], s20  }
0x9e: {  	_ =	swait.ge [sflag:s22], s20  }
0x9f: {  	s4 =	ssub.s32 $0x0, s20;
	[sflag:s22] =	ssyncset.done $0x0  }
0xa0: {  	[sflag:s22] =	ssyncadd.s32 s4;
	_ =	sdelay $0x1  }
0xa1: {  	s23 =	simm.s32 $0x1B8B  }
0xa2: {  	_ =	swait.ge [sflag:s23], $0x1  }
0xa3: {  	[sflag:s23] =	ssyncset.done $0x0  }
0xa4: {  	s25 =	simm.s32 $0x1B8E;
	s24 =	sld [smem:$0x3FFE];
	[sflag:s23] =	ssyncadd.s32 $0xFFFFFFFF  }
0xa5: {  	s26 =	simm.s32 $execute0_lowered;
	[smem:$0x3FD2] =	sst s25  }
0xa6: {  	s5 =	sshll.u32 s26, $0x1;
	_ =	strace $0x80000049;
	[dreg:$0x1] =	wrdreg $0xFFFFFFFF  }
0xa7: {  	s28 =	simm.s32 $_size_execute0_lowered;
	s3 =	sadd.s32 s3, s5;
	[dreg:$0x0] =	wrdreg $0x0  }
0xa8: {  	s5 =	sshll.u32 s28, $0x1;
	[dreg:$0x2] =	wrdreg s3  }
0xa9: {  	[dreg:$0x3] =	wrdreg s5  }
0xaa: {  	[dreg:$0x4] =	wrdreg $0xC0  }
0xab: {  	_ =	task [dreg:s7], $0x5FFFF  }
0xac: {  	[dreg:$0x1] =	wrdreg $0xFFFFFFFF  }
0xad: {  	[dreg:$0x0] =	wrdreg $0x60  }
0xae: {  	[dreg:$0x2] =	wrdreg s24  }
0xaf: {  	[dreg:$0x3] =	wrdreg s2  }
0xb0: {  	[dreg:$0x4] =	wrdreg $0x194080  }
0xb1: {  	[dreg:$0x5] =	wrdreg $0x9  }
0xb2: {  	_ =	task.clear_ibuf [dreg:s7], $0x6FFFF;
	_ =	strace $0x90000049  }
0xb3: {  	s29 =	simm.s32 $0x9;
	_ =	strace $0x8000004B  }
0xb4: {  	_ =	swait.ge [sflag:s29], $0x1  }
0xb5: {  	[sflag:s29] =	ssyncadd.s32 $0xFFFFFFFF  }
0xb6: {  	_ =	strace $0x9000004B  }
0xb7: {  	_ =	sfence  }
0xb8: {  	s30 =	sld [smem:$0x0];
	_ =	sdelay $0x2  }
0xb9: {  	s31 =	sshll.u32 s1, $0xD;
	s1 =	sshrl.u32 s1, $0x2  }
0xba: {  	s3 =	sand.u32 $0x4000, s31;
	s1 =	sadd.s32 s1, s30  }
0xbb: {  	s0 =	sor.u32 s3, s0;
	s1 =	sshll.u32 s1, $0x11  }
0xbc: {  	s0 =	sor.u32 s1, s0  }
0xbd: {  	s0 =	sadd.s32 $0x8F2B, s0  }
0xbe: {  	[sflag:s0] =	ssyncadd.remote.s32 $0x1  }
0xbf: {  	_ =	sfence.sel $0xFFFF  }
0xc0: {  	[dreg:$0x0] =	wrdreg $0xFFFFFFFF;
	(pc) =	sbr.abs _section_cstart, $3  }
0xc1: {  	[dreg:$0x1] =	wrdreg $0xFFFFFFFF  }
0xc2: {  	_ =	task.clear_ibuf [dreg:s7], $0x2FFFF;
	_ =	strace $0x9FFFFFFF  }
0xc3: {  	(tm) =	ssettm $0x7FFFFFFF  }
tec
execute0_lowered:
.L_overlay_start_1:
0x0: {  	(tag) =	ssettag $0x1  }
0x1: {  	s0 =	rddreg [dreg:$0x0]  }
0x2: {  	s3 =	rddreg [dreg:$0x2]  }
0x3: {  	s4 =	simm.s32 $0x0;
	s1 =	srdreg.scid;
	s7 =	stileid.u32  }
0x4: {  	s16 =	simm.s32 $0x3;
	s17 =	simm.s32 $0x11000;
	s19 =	simm.s32 $0x80  }
0x5: {  	s28 =	simm.s32 $0x15000;
	s29 =	simm.s32 $0x16000;
	s30 =	simm.s32 $0x17000  }
0x6: {  	s31 =	simm.s32 $0x18000;
	[smem:$0x7FF] =	sst s4;
	s1 =	sand.u32 $0x1, s1  }
0x7: {  	s2 =	smul.u32 $0x4E20, s7;
	s5 =	sadd.s32 $0xD400, s0;
	s6 =	sadd.s32 $0x26200, s0  }
0x8: {  	s9 =	sshll.u32 s7, $0x1;
	s7 =	sadd.s32 $0x21200, s0;
	s8 =	smul.u32 $0x4E200, s1  }
0x9: {  	_ =	strace $0x8000004A;
	s9 =	sor.u32 s1, s9;
	s1 =	ssub.s32 $0x2, s1  }
0xa: {  	s23 =	sshrl.u32 s1, $0x1;
	s13 =	sadd.s32 s2, s3;
	s8 =	sadd.s32 s2, s8  }
0xb: {  	s1 =	ssub.s32 s1, s23;
	s23 =	simm.s32 $0x1;
	[dreg:$0x4] =	wrdreg s13  }
0xc: {  	s10 =	sshrl.u32 s8, $0x3;
	s8 =	smul.u32 $0x2780, s9;
	s9 =	sadd.s32 $0x1400, s0  }
0xd: {  	s26 =	smax.u32 s1, $0x1;
	s1 =	simm.s32 $0x19000;
	s0 =	sadd.s32 s10, s0  }
0xe: {  	[dreg:$0x8] =	wrdreg s26;
	s26 =	simm.s32 $0x14000;
	s11 =	smin.u32 s8, $0x4BA80  }
0xf: {  	v0 =	vimm.s32 $0x0;
	vm0 =	vcmask $0x300;
	s12 =	sshrl.u32 s8, $0x3;
	s0 =	sadd.s32 $0x2B200, s0;
	s24 =	sadd.s32 $0x2780, s11  }
0x10: {  	v25 =	vsel vm0, $0x3, v0;
	s25 =	sadd.s32 s5, s12;
	[dreg:$0x7] =	wrdreg s0;
	s0 =	simm.s32 $0x2  }
0x11: {  	[tilespmem:$0x1FFE0] =	vst v25;
	[dreg:$0x5] =	wrdreg s25;
	s10 =	sadd.s32 $0x9E80, s25;
	v27 =	vmov s24;
	s24 =	simm.s32 $0x12000  }
0x12: {  	v1 =	vimm.f32 $0.0e+00;
	v28 =	vlaneseq.u32;
	s25 =	simm.s32 $0x13000;
	[dreg:$0x6] =	wrdreg s10;
	s10 =	simm.s32 $0x0;
	[tilespmem:$0x1FFF0] =	vst v27  }
.LBB2_1:
0x13: {  	[dreg:$0x9] =	wrdreg s10  }
0x14: {  	s2 =	rddreg [dreg:$0x1];
	s22 =	simm.s32 $0x19400;
	v0 =	vimm.s32 $0x1  }
0x15: {  	[tilespmem:s22], [sflag:$0x3] =	stream.linear.gather [hbm4b:s2+s4], $0x8, $0x38;
	[tilespmem:$0x1E228] =	vst v63  }
0x16: {  	_ =	swait.ge [sflag:s16], $0x8  }
0x17: {  	[sflag:s16] =	ssyncset.done $0x0  }
0x18: {  	[sflag:s16] =	ssyncadd.s32 $0xFFFFFFF8  }
0x19: {  	v58 =	vld.idx.msk [tilespmem:v0+s22+$0x0], $0xffff;
	v0 =	vimm.s32 $0x2;
	_ =	sdelay $0x4  }
0x1a: {  	v55 =	vld.idx.msk [tilespmem:v0+s22+$0x0], $0xffff;
	v0 =	vimm.s32 $0x3;
	_ =	sdelay $0x4  }
0x1b: {  	v60 =	vld.idx.msk [tilespmem:v0+s22+$0x0], $0xffff;
	v0 =	vimm.s32 $0x4;
	_ =	sdelay $0x4  }
0x1c: {  	v30 =	vld.idx.msk [tilespmem:v0+s22+$0x0], $0xffff;
	v0 =	vimm.s32 $0x5;
	_ =	sdelay $0x4  }
0x1d: {  	v43 =	vld.idx.msk [tilespmem:v0+s22+$0x0], $0xffff;
	v0 =	vimm.s32 $0x6;
	_ =	sdelay $0x4  }
0x1e: {  	v44 =	vld.idx.msk [tilespmem:v0+s22+$0x0], $0xffff;
	v0 =	vimm.s32 $0x7;
	_ =	sdelay $0x3  }
0x1f: {  	v29 =	vld.msk [tilespmem:s22+$0x0], $0xffff  }
0x20: {  	s11 =	simm.s32 $0x0;
	s2 =	simm.s32 $0x80;
	v45 =	vld.idx.msk [tilespmem:v0+s22+$0x0], $0xffff  }
.LBB2_2:
0x21: {  	p0 =	sne.s32 s2, $0x13800;
	[tilespmem:s11+$0x11000] =	vst v1;
	s12 =	smov.u32 s2;
	s2 =	sadd.s32 $0x80, s2  }
.Ltmp0:
0x22: {  	[tilespmem:s11+$0x11010] =	vst v1;
	(pc) =	sbr.rel @p0 .LBB2_2-.Ltmp0, $2  }
0x23: {  	_ =	sdelay $0x2  }
0x24: {  	s11 =	sshra.s32 s12, $0x2  }
0x25: {  	[tilespmem:s11+$0x11000] =	vst v1  }
0x26: {  	[tilespmem:s11+$0x11010] =	vst v1  }
0x27: {  	[spmem:s13] =	stream.linear.scatter [tilespmem:s17], [sflag:$0x3], $0x4E20, $0x38;
	[tilespmem:$0x1E228] =	vst v63  }
0x28: {  	_ =	swait.ge [sflag:s16], $0x4E20  }
0x29: {  	[sflag:s16] =	ssyncset.done $0x0  }
0x2a: {  	[sflag:s16] =	ssyncadd.s32 $0xFFFFB1E0  }
0x2b: {  	[bflag:$0x0] =	sbarrier.arrive $0xFFFF  }
0x2c: {  	s11 =	simm.s32 $0x0;
	s2 =	rddreg [dreg:$0x5]  }
0x2d: {  	[tilespmem:s11], [sflag:$0x3] =	stream.linear.gather [hbm4b:s2+s11], $0x400, $0x38;
	[tilespmem:$0x1E228] =	vst v63  }
0x2e: {  	_ =	swait.ge [sflag:s16], $0x400  }
0x2f: {  	[sflag:s16] =	ssyncset.done $0x0  }
0x30: {  	s10 =	simm.s32 $0x800;
	s14 =	rddreg [dreg:$0x6];
	[sflag:s16] =	ssyncadd.s32 $0xFFFFFC00  }
0x31: {  	[tilespmem:s10], [sflag:$0x3] =	stream.linear.gather [hbm4b:s14+s11], $0x400, $0x38;
	[tilespmem:$0x1E228] =	vst v63  }
0x32: {  	_ =	swait.ge [sflag:s16], $0x400  }
0x33: {  	[sflag:s16] =	ssyncset.done $0x0  }
0x34: {  	s15 =	simm.s32 $0x1000;
	[sflag:s16] =	ssyncadd.s32 $0xFFFFFC00  }
0x35: {  	[tilespmem:s15], [sflag:$0x1] =	stream.indirect.gather [hbm4b:s6+s19], $0x9, s11, s19, $0xb8;
	[tilespmem:$0x1E228] =	vst v63  }
0x36: {  	s18 =	simm.s32 $0x9000  }
0x37: {  	[tilespmem:s18], [sflag:$0x1] =	stream.indirect.gather [hbm4b:s7+s19], $0x9, s10, s19, $0xb8;
	[tilespmem:$0x1E228] =	vst v63  }
0x38: {  	s20 =	simm.s32 $0x1800  }
0x39: {  	[tilespmem:s20], [sflag:$0x1] =	stream.indirect.gather [hbm4b:s6+s19], $0x9, s19, s19, $0xb8;
	[tilespmem:$0x1E228] =	vst v63  }
0x3a: {  	s21 =	simm.s32 $0x880;
	s22 =	simm.s32 $0x9800  }
0x3b: {  	[tilespmem:s22], [sflag:$0x1] =	stream.indirect.gather [hbm4b:s7+s19], $0x9, s21, s19, $0xb8;
	[tilespmem:$0x1E228] =	vst v63  }
0x3c: {  	s12 =	simm.s32 $0x100;
	s13 =	simm.s32 $0x2000  }
0x3d: {  	[tilespmem:s13], [sflag:$0x1] =	stream.indirect.gather [hbm4b:s6+s19], $0x9, s12, s19, $0xb8;
	[tilespmem:$0x1E228] =	vst v63  }
0x3e: {  	s14 =	simm.s32 $0x900;
	s15 =	simm.s32 $0xA000  }
0x3f: {  	[tilespmem:s15], [sflag:$0x1] =	stream.indirect.gather [hbm4b:s7+s19], $0x9, s14, s19, $0xb8;
	[tilespmem:$0x1E228] =	vst v63  }
0x40: {  	s18 =	simm.s32 $0x180;
	s20 =	simm.s32 $0x2800  }
0x41: {  	[tilespmem:s20], [sflag:$0x1] =	stream.indirect.gather [hbm4b:s6+s19], $0x9, s18, s19, $0xb8;
	[tilespmem:$0x1E228] =	vst v63  }
0x42: {  	s21 =	simm.s32 $0x980;
	s22 =	simm.s32 $0xA800  }
0x43: {  	[tilespmem:s22], [sflag:$0x1] =	stream.indirect.gather [hbm4b:s7+s19], $0x9, s21, s19, $0xb8;
	[tilespmem:$0x1E228] =	vst v63  }
0x44: {  	s12 =	simm.s32 $0x200;
	s13 =	simm.s32 $0x3000  }
0x45: {  	[tilespmem:s13], [sflag:$0x1] =	stream.indirect.gather [hbm4b:s6+s19], $0x9, s12, s19, $0xb8;
	[tilespmem:$0x1E228] =	vst v63  }
0x46: {  	s14 =	simm.s32 $0xA00;
	s15 =	simm.s32 $0xB000  }
0x47: {  	[tilespmem:s15], [sflag:$0x1] =	stream.indirect.gather [hbm4b:s7+s19], $0x9, s14, s19, $0xb8;
	[tilespmem:$0x1E228] =	vst v63  }
0x48: {  	s18 =	simm.s32 $0x280;
	s20 =	simm.s32 $0x3800  }
0x49: {  	[tilespmem:s20], [sflag:$0x1] =	stream.indirect.gather [hbm4b:s6+s19], $0x9, s18, s19, $0xb8;
	[tilespmem:$0x1E228] =	vst v63  }
0x4a: {  	[tilespmem:$0x1FF90] =	vst v44;
	s21 =	simm.s32 $0xA80;
	s22 =	simm.s32 $0xB800  }
0x4b: {  	[tilespmem:s22], [sflag:$0x1] =	stream.indirect.gather [hbm4b:s7+s19], $0x9, s21, s19, $0xb8;
	[tilespmem:$0x1E228] =	vst v63  }
0x4c: {  	[tilespmem:$0x1FFA0] =	vst v45;
	s12 =	simm.s32 $0x300;
	s13 =	simm.s32 $0x4000  }
0x4d: {  	[tilespmem:s13], [sflag:$0x1] =	stream.indirect.gather [hbm4b:s6+s19], $0x9, s12, s19, $0xb8;
	[tilespmem:$0x1E228] =	vst v63  }
0x4e: {  	[tilespmem:$0x1FFB0] =	vst v29;
	s14 =	simm.s32 $0xB00;
	s15 =	simm.s32 $0xC000  }
0x4f: {  	[tilespmem:s15], [sflag:$0x1] =	stream.indirect.gather [hbm4b:s7+s19], $0x9, s14, s19, $0xb8;
	[tilespmem:$0x1E228] =	vst v63  }
0x50: {  	[tilespmem:$0x1FFC0] =	vst v30;
	s18 =	simm.s32 $0x380;
	s20 =	simm.s32 $0x4800  }
0x51: {  	[tilespmem:s20], [sflag:$0x1] =	stream.indirect.gather [hbm4b:s6+s19], $0x9, s18, s19, $0xb8;
	[tilespmem:$0x1E228] =	vst v63  }
0x52: {  	[tilespmem:$0x1FFD0] =	vst v43;
	s21 =	simm.s32 $0xB80;
	s22 =	simm.s32 $0xC800  }
0x53: {  	[tilespmem:s22], [sflag:$0x1] =	stream.indirect.gather [hbm4b:s7+s19], $0x9, s21, s19, $0xb8;
	[tilespmem:$0x1E228] =	vst v63  }
.LBB2_4:
0x54: {  	_ =	swait.ge [sflag:s23], $0x480  }
0x55: {  	[sflag:s23] =	ssyncset.done $0x0  }
0x56: {  	[sflag:s23] =	ssyncadd.s32 $0xFFFFFB80  }
0x57: {  	_ =	swait.ge [sflag:s23], $0x480  }
0x58: {  	[sflag:s23] =	ssyncset.done $0x0  }
0x59: {  	[sflag:s23] =	ssyncadd.s32 $0xFFFFFB80  }
0x5a: {  	_ =	swait.ge [sflag:s23], $0x480  }
0x5b: {  	[sflag:s23] =	ssyncset.done $0x0  }
0x5c: {  	[sflag:s23] =	ssyncadd.s32 $0xFFFFFB80  }
0x5d: {  	_ =	swait.ge [sflag:s23], $0x480  }
0x5e: {  	[sflag:s23] =	ssyncset.done $0x0  }
0x5f: {  	[sflag:s23] =	ssyncadd.s32 $0xFFFFFB80  }
0x60: {  	_ =	swait.ge [sflag:s23], $0x480  }
0x61: {  	[sflag:s23] =	ssyncset.done $0x0  }
0x62: {  	[sflag:s23] =	ssyncadd.s32 $0xFFFFFB80  }
0x63: {  	_ =	swait.ge [sflag:s23], $0x480  }
0x64: {  	[sflag:s23] =	ssyncset.done $0x0  }
0x65: {  	[sflag:s23] =	ssyncadd.s32 $0xFFFFFB80  }
0x66: {  	_ =	swait.ge [sflag:s23], $0x480  }
0x67: {  	[sflag:s23] =	ssyncset.done $0x0  }
0x68: {  	[sflag:s23] =	ssyncadd.s32 $0xFFFFFB80  }
0x69: {  	_ =	swait.ge [sflag:s23], $0x480  }
0x6a: {  	[sflag:s23] =	ssyncset.done $0x0  }
0x6b: {  	[sflag:s23] =	ssyncadd.s32 $0xFFFFFB80  }
0x6c: {  	_ =	swait.ge [sflag:s23], $0x480  }
0x6d: {  	[sflag:s23] =	ssyncset.done $0x0  }
0x6e: {  	[sflag:s23] =	ssyncadd.s32 $0xFFFFFB80  }
0x6f: {  	_ =	swait.ge [sflag:s23], $0x480  }
0x70: {  	[sflag:s23] =	ssyncset.done $0x0  }
0x71: {  	[sflag:s23] =	ssyncadd.s32 $0xFFFFFB80  }
0x72: {  	_ =	swait.ge [sflag:s23], $0x480  }
0x73: {  	[sflag:s23] =	ssyncset.done $0x0  }
0x74: {  	[sflag:s23] =	ssyncadd.s32 $0xFFFFFB80  }
0x75: {  	_ =	swait.ge [sflag:s23], $0x480  }
0x76: {  	[sflag:s23] =	ssyncset.done $0x0  }
0x77: {  	[sflag:s23] =	ssyncadd.s32 $0xFFFFFB80  }
0x78: {  	_ =	swait.ge [sflag:s23], $0x480  }
0x79: {  	[sflag:s23] =	ssyncset.done $0x0  }
0x7a: {  	[sflag:s23] =	ssyncadd.s32 $0xFFFFFB80  }
0x7b: {  	_ =	swait.ge [sflag:s23], $0x480  }
0x7c: {  	[sflag:s23] =	ssyncset.done $0x0  }
0x7d: {  	[sflag:s23] =	ssyncadd.s32 $0xFFFFFB80  }
0x7e: {  	_ =	swait.ge [sflag:s23], $0x480  }
0x7f: {  	[sflag:s23] =	ssyncset.done $0x0  }
0x80: {  	[sflag:s23] =	ssyncadd.s32 $0xFFFFFB80  }
0x81: {  	_ =	swait.ge [sflag:s23], $0x480  }
0x82: {  	s2 =	sand.u32 $0x1, s11;
	[sflag:s23] =	ssyncset.done $0x0  }
0x83: {  	s21 =	sshll.u32 s2, $0xA;
	[sflag:s23] =	ssyncadd.s32 $0xFFFFFB80  }
0x84: {  	[tilespmem:s17], [sflag:$0x2] =	stream.indirect.gather [hbm4b:s9+s19], $0x20, s21, s19, $0xb8;
	[tilespmem:$0x1E228] =	vst v63  }
0x85: {  	s12 =	sor.u32 $0x80, s21  }
0x86: {  	[tilespmem:s24], [sflag:$0x2] =	stream.indirect.gather [hbm4b:s9+s19], $0x20, s12, s19, $0xb8;
	[tilespmem:$0x1E228] =	vst v63  }
0x87: {  	s13 =	sor.u32 $0x100, s21  }
0x88: {  	[tilespmem:s25], [sflag:$0x2] =	stream.indirect.gather [hbm4b:s9+s19], $0x20, s13, s19, $0xb8;
	[tilespmem:$0x1E228] =	vst v63  }
0x89: {  	s14 =	sor.u32 $0x180, s21  }
0x8a: {  	[tilespmem:s26], [sflag:$0x2] =	stream.indirect.gather [hbm4b:s9+s19], $0x20, s14, s19, $0xb8;
	[tilespmem:$0x1E228] =	vst v63  }
0x8b: {  	s15 =	sor.u32 $0x200, s21  }
0x8c: {  	[tilespmem:s28], [sflag:$0x2] =	stream.indirect.gather [hbm4b:s9+s19], $0x20, s15, s19, $0xb8;
	[tilespmem:$0x1E228] =	vst v63  }
0x8d: {  	p0 =	seq.s32 s11, $0x9;
	s18 =	sor.u32 $0x280, s21  }
0x8e: {  	[tilespmem:s29], [sflag:$0x2] =	stream.indirect.gather [hbm4b:s9+s19], $0x20, s18, s19, $0xb8;
	[tilespmem:$0x1E228] =	vst v63  }
.Ltmp1:
0x8f: {  	s20 =	sor.u32 $0x300, s21;
	(pc) =	sbr.rel @p0 .LBB2_6-.Ltmp1, $4  }
0x90: {  	[tilespmem:s30], [sflag:$0x2] =	stream.indirect.gather [hbm4b:s9+s19], $0x20, s20, s19, $0xb8;
	[tilespmem:$0x1E228] =	vst v63  }
0x91: {  	s22 =	sor.u32 $0x380, s21  }
0x92: {  	[tilespmem:s31], [sflag:$0x2] =	stream.indirect.gather [hbm4b:s9+s19], $0x20, s22, s19, $0xb8;
	[tilespmem:$0x1E228] =	vst v63  }
0x93: {  	s22 =	sadd.s32 $0x1, s11  }
0x94: {  	s12 =	sshll.u32 s22, $0xA  }
0x95: {  	s12 =	sadd.s32 s8, s12  }
0x96: {  	s13 =	sxor.u32 $0x1, s2;
	s12 =	sshrl.u32 s12, $0x3  }
0x97: {  	s14 =	sshll.u32 s13, $0xA;
	s12 =	sadd.s32 s5, s12  }
0x98: {  	[tilespmem:s14], [sflag:$0x3] =	stream.linear.gather [hbm4b:s12+s4], $0x400, $0x38;
	[tilespmem:$0x1E228] =	vst v63  }
0x99: {  	_ =	swait.ge [sflag:s16], $0x400  }
0x9a: {  	[sflag:s16] =	ssyncset.done $0x0  }
0x9b: {  	s18 =	sor.u32 $0x800, s14;
	s12 =	sadd.s32 $0x9E80, s12;
	[sflag:s16] =	ssyncadd.s32 $0xFFFFFC00  }
0x9c: {  	[tilespmem:s18], [sflag:$0x3] =	stream.linear.gather [hbm4b:s12+s4], $0x400, $0x38;
	[tilespmem:$0x1E228] =	vst v63  }
0x9d: {  	_ =	swait.ge [sflag:s16], $0x400  }
0x9e: {  	s12 =	sshll.u32 s13, $0xE;
	[sflag:s16] =	ssyncset.done $0x0  }
0x9f: {  	s13 =	sor.u32 $0x1000, s12;
	[sflag:s16] =	ssyncadd.s32 $0xFFFFFC00  }
0xa0: {  	[tilespmem:s13], [sflag:$0x1] =	stream.indirect.gather [hbm4b:s6+s19], $0x9, s14, s19, $0xb8;
	[tilespmem:$0x1E228] =	vst v63  }
0xa1: {  	s20 =	sor.u32 $0x9000, s12  }
0xa2: {  	[tilespmem:s20], [sflag:$0x1] =	stream.indirect.gather [hbm4b:s7+s19], $0x9, s18, s19, $0xb8;
	[tilespmem:$0x1E228] =	vst v63  }
0xa3: {  	s15 =	sor.u32 $0x80, s14;
	s10 =	sor.u32 $0x1800, s12  }
0xa4: {  	[tilespmem:s10], [sflag:$0x1] =	stream.indirect.gather [hbm4b:s6+s19], $0x9, s15, s19, $0xb8;
	[tilespmem:$0x1E228] =	vst v63  }
0xa5: {  	s18 =	sor.u32 $0x9800, s12;
	s20 =	sor.u32 $0x880, s14  }
0xa6: {  	[tilespmem:s18], [sflag:$0x1] =	stream.indirect.gather [hbm4b:s7+s19], $0x9, s20, s19, $0xb8;
	[tilespmem:$0x1E228] =	vst v63  }
0xa7: {  	s10 =	sor.u32 $0x2000, s12;
	s15 =	sor.u32 $0x100, s14  }
0xa8: {  	[tilespmem:s10], [sflag:$0x1] =	stream.indirect.gather [hbm4b:s6+s19], $0x9, s15, s19, $0xb8;
	[tilespmem:$0x1E228] =	vst v63  }
0xa9: {  	s18 =	sor.u32 $0xA000, s12;
	s20 =	sor.u32 $0x900, s14  }
0xaa: {  	[tilespmem:s18], [sflag:$0x1] =	stream.indirect.gather [hbm4b:s7+s19], $0x9, s20, s19, $0xb8;
	[tilespmem:$0x1E228] =	vst v63  }
0xab: {  	s10 =	sor.u32 $0x2800, s12;
	s15 =	sor.u32 $0x180, s14  }
0xac: {  	[tilespmem:s10], [sflag:$0x1] =	stream.indirect.gather [hbm4b:s6+s19], $0x9, s15, s19, $0xb8;
	[tilespmem:$0x1E228] =	vst v63  }
0xad: {  	s18 =	sor.u32 $0xA800, s12;
	s20 =	sor.u32 $0x980, s14  }
0xae: {  	[tilespmem:s18], [sflag:$0x1] =	stream.indirect.gather [hbm4b:s7+s19], $0x9, s20, s19, $0xb8;
	[tilespmem:$0x1E228] =	vst v63  }
0xaf: {  	s10 =	sor.u32 $0x3000, s12;
	s15 =	sor.u32 $0x200, s14  }
0xb0: {  	[tilespmem:s10], [sflag:$0x1] =	stream.indirect.gather [hbm4b:s6+s19], $0x9, s15, s19, $0xb8;
	[tilespmem:$0x1E228] =	vst v63  }
0xb1: {  	s18 =	sor.u32 $0xB000, s12;
	s20 =	sor.u32 $0xA00, s14  }
0xb2: {  	[tilespmem:s18], [sflag:$0x1] =	stream.indirect.gather [hbm4b:s7+s19], $0x9, s20, s19, $0xb8;
	[tilespmem:$0x1E228] =	vst v63  }
0xb3: {  	s10 =	sor.u32 $0x3800, s12;
	s15 =	sor.u32 $0x280, s14  }
0xb4: {  	[tilespmem:s10], [sflag:$0x1] =	stream.indirect.gather [hbm4b:s6+s19], $0x9, s15, s19, $0xb8;
	[tilespmem:$0x1E228] =	vst v63  }
0xb5: {  	s18 =	sor.u32 $0xB800, s12;
	s20 =	sor.u32 $0xA80, s14  }
0xb6: {  	[tilespmem:s18], [sflag:$0x1] =	stream.indirect.gather [hbm4b:s7+s19], $0x9, s20, s19, $0xb8;
	[tilespmem:$0x1E228] =	vst v63  }
0xb7: {  	s10 =	sadd.s32 $0x4000, s12;
	s15 =	sor.u32 $0x300, s14  }
0xb8: {  	[tilespmem:s10], [sflag:$0x1] =	stream.indirect.gather [hbm4b:s6+s19], $0x9, s15, s19, $0xb8;
	[tilespmem:$0x1E228] =	vst v63  }
0xb9: {  	s18 =	sadd.s32 $0xC000, s12;
	s20 =	sor.u32 $0xB00, s14  }
0xba: {  	[tilespmem:s18], [sflag:$0x1] =	stream.indirect.gather [hbm4b:s7+s19], $0x9, s20, s19, $0xb8;
	[tilespmem:$0x1E228] =	vst v63  }
0xbb: {  	s10 =	sadd.s32 $0x4800, s12;
	s15 =	sor.u32 $0x380, s14  }
0xbc: {  	[tilespmem:s10], [sflag:$0x1] =	stream.indirect.gather [hbm4b:s6+s19], $0x9, s15, s19, $0xb8;
	[tilespmem:$0x1E228] =	vst v63  }
0xbd: {  	s12 =	sadd.s32 $0xC800, s12;
	s20 =	sor.u32 $0xB80, s14  }
0xbe: {  	[tilespmem:s12], [sflag:$0x1] =	stream.indirect.gather [hbm4b:s7+s19], $0x9, s20, s19, $0xb8;
	[tilespmem:$0x1E228] =	vst v63  }
.LBB2_6:
0xbf: {  	s12 =	simm.s32 $0x70  }
0xc0: {  	v3 =	vor.u32 s12, v28  }
0xc1: {  	s10 =	simm.s32 $0x30;
	v0 =	vshll.u32 v3, $0x4  }
0xc2: {  	v31 =	vor.u32 s10, v28  }
0xc3: {  	v17 =	vshll.u32 v31, $0x4  }
0xc4: {  	s14 =	sshll.u32 s2, $0xE  }
0xc5: {  	s2 =	sor.u32 $0x1000, s14;
	v1 =	vor.u32 $0x1, v0  }
0xc6: {  	s18 =	sor.u32 $0x9000, s14;
	v4 =	vld.idx.msk [tilespmem:v0+s2+$0x0], $0xffff  }
0xc7: {  	v2 =	vor.u32 $0x2, v0;
	v5 =	vld.idx.msk [tilespmem:v0+s18+$0x0], $0xffff  }
0xc8: {  	v36 =	vld.idx.msk [tilespmem:v17+s2+$0x0], $0xffff  }
0xc9: {  	v6 =	vor.u32 $0x3, v0;
	v62 =	vld.idx.msk [tilespmem:v17+s18+$0x0], $0xffff  }
0xca: {  	v7 =	vld.idx.msk [tilespmem:v1+s2+$0x0], $0xffff  }
0xcb: {  	v8 =	vor.u32 $0x4, v0;
	v1 =	vld.idx.msk [tilespmem:v1+s18+$0x0], $0xffff  }
0xcc: {  	v9 =	vld.idx.msk [tilespmem:v2+s2+$0x0], $0xffff  }
0xcd: {  	v10 =	vor.u32 $0x5, v0;
	v2 =	vld.idx.msk [tilespmem:v2+s18+$0x0], $0xffff  }
0xce: {  	v11 =	vld.idx.msk [tilespmem:v6+s2+$0x0], $0xffff  }
0xcf: {  	v12 =	vor.u32 $0x6, v0;
	v6 =	vld.idx.msk [tilespmem:v6+s18+$0x0], $0xffff  }
0xd0: {  	v13 =	vld.idx.msk [tilespmem:v8+s2+$0x0], $0xffff  }
0xd1: {  	s20 =	simm.s32 $0x20;
	v0 =	vor.u32 $0x7, v0;
	v8 =	vld.idx.msk [tilespmem:v8+s18+$0x0], $0xffff  }
0xd2: {  	s15 =	simm.s32 $0x10;
	s13 =	simm.s32 $0x40;
	v32 =	vor.u32 s20, v28;
	v14 =	vld.idx.msk [tilespmem:v10+s2+$0x0], $0xffff  }
0xd3: {  	v33 =	vor.u32 s15, v28;
	v26 =	vor.u32 s13, v28;
	s14 =	simm.s32 $0x0;
	s20 =	simm.s32 $0x60;
	v16 =	vshll.u32 v32, $0x4;
	v10 =	vld.idx.msk [tilespmem:v10+s18+$0x0], $0xffff  }
0xd4: {  	s15 =	simm.s32 $0x50;
	v15 =	vshll.u32 v33, $0x4;
	v18 =	vor.u32 s14, v28;
	v23 =	vor.u32 s20, v28;
	v19 =	vld.idx.msk [tilespmem:v12+s2+$0x0], $0xffff  }
0xd5: {  	v25 =	vor.u32 s15, v28;
	v24 =	vshll.u32 v23, $0x4;
	v4 =	vadd.f32 v5, v4;
	v5 =	vld.idx.msk [tilespmem:v12+s18+$0x0], $0xffff  }
0xd6: {  	v37 =	vor.u32 $0x1, v15;
	v38 =	vor.u32 $0x1, v16;
	v39 =	vor.u32 $0x1, v17;
	v61 =	vld.idx.msk [tilespmem:v0+s2+$0x0], $0xffff  }
0xd7: {  	v51 =	vor.u32 $0x1, v24;
	v21 =	vld.idx.msk [tilespmem:v0+s18+$0x0], $0xffff;
	v7 =	vadd.f32 v1, v7;
	v1 =	vshll.u32 v26, $0x4  }
0xd8: {  	v34 =	vld.idx.msk [tilespmem:v16+s2+$0x0], $0xffff;
	v9 =	vadd.f32 v2, v9;
	v2 =	vshll.u32 v25, $0x4;
	v6 =	vadd.f32 v6, v11  }
0xd9: {  	v11 =	vld.idx.msk [tilespmem:v16+s18+$0x0], $0xffff;
	v8 =	vadd.f32 v8, v13;
	v13 =	vadd.f32 v62, v36;
	v20 =	vmul.f32 $2.000000030e-01, v4  }
0xda: {  	v10 =	vadd.f32 v10, v14;
	v40 =	vor.u32 $0x1, v1;
	v50 =	vor.u32 $0x1, v2  }
0xdb: {  	v22 =	vld.idx.msk [tilespmem:v15+s2+$0x0], $0xffff;
	v54 =	vmul.f32 $2.000000030e-01, v13;
	v0 =	vmax.f32 v4, v20;
	v4 =	vmul.f32 $2.000000030e-01, v7  }
0xdc: {  	v20 =	vld.idx.msk [tilespmem:v15+s18+$0x0], $0xffff;
	v0 =	vmul.f32 v0, v29;
	v5 =	vadd.f32 v5, v19;
	v12 =	vadd.f32 v21, v61  }
0xdd: {  	v13 =	vmax.f32 v13, v54;
	v4 =	vmax.f32 v7, v4;
	v7 =	vmul.f32 $2.000000030e-01, v9;
	v63 =	vld.idx.msk [tilespmem:v1+s2+$0x0], $0xffff  }
0xde: {  	v46 =	vld.idx.msk [tilespmem:v1+s18+$0x0], $0xffff;
	v11 =	vadd.f32 v11, v34;
	v13 =	vmul.f32 v13, v29;
	v35 =	vadd.f32 $0.0e+00, v0  }
0xdf: {  	v4 =	vmul.f32 v4, v58;
	v0 =	vshll.u32 v18, $0x4;
	v42 =	vld.idx.msk [tilespmem:v40+s2+$0x0], $0xffff;
	v7 =	vmax.f32 v9, v7  }
0xe0: {  	v56 =	vld.idx.msk [tilespmem:v40+s18+$0x0], $0xffff;
	v9 =	vmul.f32 $2.000000030e-01, v6;
	v52 =	vmul.f32 $2.000000030e-01, v11;
	v53 =	vor.u32 $0x1, v0  }
0xe1: {  	v59 =	vld.idx.msk [tilespmem:v50+s2+$0x0], $0xffff;
	v13 =	vadd.f32 $0.0e+00, v13;
	v4 =	vadd.f32 v4, v35;
	v7 =	vmul.f32 v7, v55  }
0xe2: {  	v34 =	vld.idx.msk [tilespmem:v50+s18+$0x0], $0xffff;
	v20 =	vadd.f32 v20, v22;
	v35 =	vor.u32 $0x2, v15;
	v6 =	vmax.f32 v6, v9  }
0xe3: {  	s11 =	sshll.u32 s11, $0xA;
	v9 =	vmul.f32 $2.000000030e-01, v8;
	v11 =	vmax.f32 v11, v52;
	v4 =	vadd.f32 v7, v4  }
0xe4: {  	s11 =	sadd.s32 s8, s11;
	v47 =	vld.idx.msk [tilespmem:v24+s18+$0x0], $0xffff;
	v6 =	vmul.f32 v6, v60;
	v41 =	vmul.f32 $2.000000030e-01, v20;
	v14 =	vadd.f32 v46, v63  }
0xe5: {  	v19 =	vld.idx.msk [tilespmem:v2+s18+$0x0], $0xffff;
	v46 =	vmov s11;
	v11 =	vmul.f32 v11, v29;
	v8 =	vmax.f32 v8, v9  }
0xe6: {  	v7 =	vld.idx.msk [tilespmem:v2+s2+$0x0], $0xffff;
	v9 =	vmul.f32 $2.000000030e-01, v10;
	v3 =	vadd.s32 v46, v3;
	v21 =	vadd.f32 v56, v42  }
0xe7: {  	v48 =	vld.idx.msk [tilespmem:v0+s18+$0x0], $0xffff;
	v22 =	vadd.f32 v34, v59;
	v56 =	vor.u32 $0x2, v1;
	v33 =	vadd.s32 v46, v33  }
0xe8: {  	v32 =	vadd.s32 v46, v32;
	v4 =	vadd.f32 v6, v4;
	v6 =	vmul.f32 v8, v30;
	v8 =	vld.idx.msk [tilespmem:v24+s2+$0x0], $0xffff  }
0xe9: {  	v31 =	vadd.s32 v46, v31;
	v18 =	vadd.s32 v46, v18;
	v20 =	vmax.f32 v20, v41;
	v50 =	vld.idx.msk [tilespmem:v53+s2+$0x0], $0xffff  }
0xea: {  	v36 =	vld.idx.msk [tilespmem:v53+s18+$0x0], $0xffff;
	vm0 =	vlt.u32 v3, v27;
	v11 =	vadd.f32 $0.0e+00, v11;
	vm1 =	vlt.u32 v33, v27  }
0xeb: {  	vm2 =	vlt.u32 v32, v27;
	v9 =	vmax.f32 v10, v9;
	v10 =	vmul.f32 $2.000000030e-01, v5;
	v52 =	vld.idx.msk [tilespmem:v35+s2+$0x0], $0xffff  }
0xec: {  	v35 =	vld.idx.msk [tilespmem:v35+s18+$0x0], $0xffff;
	v20 =	vmul.f32 v20, v29;
	v4 =	vadd.f32 v6, v4;
	v6 =	vmul.f32 v9, v43  }
0xed: {  	v9 =	vld.idx.msk [tilespmem:v0+s2+$0x0], $0xffff;
	v5 =	vmax.f32 v5, v10;
	v10 =	vmul.f32 $2.000000030e-01, v12;
	v7 =	vadd.f32 v19, v7  }
0xee: {  	v49 =	vld.idx.msk [tilespmem:v37+s18+$0x0], $0xffff;
	v19 =	vmul.f32 $2.000000030e-01, v14;
	v20 =	vadd.f32 $0.0e+00, v20;
	v4 =	vadd.f32 v6, v4  }
0xef: {  	v63 =	vld.idx.msk [tilespmem:v51+s2+$0x0], $0xffff;
	v5 =	vmul.f32 v5, v44;
	v10 =	vmax.f32 v12, v10;
	v8 =	vadd.f32 v47, v8  }
0xf0: {  	v6 =	vld.idx.msk [tilespmem:v37+s2+$0x0], $0xffff;
	v57 =	vmul.f32 $2.000000030e-01, v7;
	v59 =	vadd.f32 v36, v50;
	v50 =	vor.u32 $0x2, v24  }
0xf1: {  	v37 =	vld.idx.msk [tilespmem:v51+s18+$0x0], $0xffff;
	v4 =	vadd.f32 v5, v4;
	v5 =	vmul.f32 v10, v45;
	v35 =	vadd.f32 v35, v52  }
0xf2: {  	v10 =	vld.idx.msk [tilespmem:v38+s2+$0x0], $0xffff;
	v52 =	vor.u32 $0x3, v16;
	v9 =	vadd.f32 v48, v9;
	v61 =	vmul.f32 $2.000000030e-01, v8  }
0xf3: {  	v38 =	vld.idx.msk [tilespmem:v38+s18+$0x0], $0xffff;
	v7 =	vmax.f32 v7, v57;
	v48 =	vor.u32 $0x2, v16;
	v57 =	vmul.f32 $2.000000030e-01, v22  }
0xf4: {  	v47 =	vmul.f32 $2.000000030e-01, v59;
	v4 =	vadd.f32 v5, v4;
	v7 =	vmul.f32 v7, v29  }
0xf5: {  	v62 =	vmul.f32 $2.000000030e-01, v9;
	v6 =	vadd.f32 v49, v6;
	v8 =	vmax.f32 v8, v61  }
0xf6: {  	v5 =	vld.idx.msk [tilespmem:v39+s2+$0x0], $0xffff;
	v49 =	vor.u32 $0x2, v17;
	v12 =	vadd.f32 v37, v63;
	v22 =	vmax.f32 v22, v57  }
0xf7: {  	v39 =	vld.idx.msk [tilespmem:v39+s18+$0x0], $0xffff;
	v4 =	vmul.f32 $1.442695020e+00, v4;
	v8 =	vmul.f32 v8, v29;
	v7 =	vadd.f32 $0.0e+00, v7  }
0xf8: {  	v22 =	vmul.f32 v22, v58;
	v9 =	vmax.f32 v9, v62;
	v10 =	vadd.f32 v38, v10  }
0xf9: {  	v51 =	vmul.f32 $2.000000030e-01, v6;
	v61 =	vmul.f32 $2.000000030e-01, v12;
	v62 =	vor.u32 $0x2, v0;
	v54 =	vld.idx.msk [tilespmem:v48+s2+$0x0], $0xffff  }
0xfa: {  	(erf) = vpow2.f32 v4;
	v4 =	vmax.f32 v14, v19;
	v14 =	vld.idx.msk [tilespmem:v48+s18+$0x0], $0xffff;
	v48 =	vor.u32 $0x2, v2  }
0xfb: {  	v37 =	vld.idx.msk [tilespmem:v56+s18+$0x0], $0xffff;
	v9 =	vmul.f32 v9, v29;
	v8 =	vadd.f32 $0.0e+00, v8;
	v7 =	vadd.f32 v22, v7  }
0xfc: {  	v5 =	vadd.f32 v39, v5;
	v3 =	vmul.f32 $2.000000030e-01, v10;
	v6 =	vmax.f32 v6, v51;
	v51 =	vld.idx.msk [tilespmem:v56+s2+$0x0], $0xffff  }
0xfd: {  	v12 =	vmax.f32 v12, v61;
	v4 =	vmul.f32 v4, v29;
	v56 =	vor.u32 $0x3, v17;
	v63 =	vld.idx.msk [tilespmem:v49+s2+$0x0], $0xffff  }
0xfe: {  	v6 =	vmul.f32 v6, v58;
	v40 =	vld.idx.msk [tilespmem:v49+s18+$0x0], $0xffff;
	v49 =	vmul.f32 $2.000000030e-01, v35;
	v9 =	vadd.f32 $0.0e+00, v9  }
0xff: {  	v12 =	vmul.f32 v12, v58;
	v53 =	vmul.f32 $2.000000030e-01, v5;
	v3 =	vmax.f32 v10, v3  }
0x100: {  	v34 =	vld.idx.msk [tilespmem:v50+s18+$0x0], $0xffff;
	v10 =	vmul.f32 $2.000000030e-01, v21;
	v4 =	vadd.f32 $0.0e+00, v4;
	v6 =	vadd.f32 v6, v20  }
0x101: {  	v20 =	vor.u32 $0x3, v15;
	v35 =	vmax.f32 v35, v49;
	v3 =	vmul.f32 v3, v58;
	v38 =	vld.idx.msk [tilespmem:v62+s18+$0x0], $0xffff  }
0x102: {  	v8 =	vadd.f32 v12, v8;
	v49 =	vld.idx.msk [tilespmem:v52+s18+$0x0], $0xffff;
	v5 =	vmax.f32 v5, v53;
	v10 =	vmax.f32 v21, v10  }
0x103: {  	v21 =	vmax.f32 v59, v47;
	v14 =	vadd.f32 v14, v54;
	v47 =	vld.idx.msk [tilespmem:v52+s2+$0x0], $0xffff;
	v52 =	vor.u32 $0x3, v24  }
0x104: {  	v36 =	vld.idx.msk [tilespmem:v48+s18+$0x0], $0xffff;
	v5 =	vmul.f32 v5, v58;
	v3 =	vadd.f32 v3, v11;
	v10 =	vmul.f32 v10, v58  }
0x105: {  	v11 =	vld.idx.msk [tilespmem:v48+s2+$0x0], $0xffff;
	v37 =	vadd.f32 v37, v51;
	v21 =	vmul.f32 v21, v58;
	v48 =	vor.u32 $0x3, v2  }
0x106: {  	v54 =	vld.idx.msk [tilespmem:v50+s2+$0x0], $0xffff;
	v39 =	vadd.f32 v40, v63;
	v53 =	vmul.f32 $2.000000030e-01, v14;
	v63 =	vmul.f32 v35, v55  }
0x107: {  	v51 =	vld.idx.msk [tilespmem:v56+s2+$0x0], $0xffff;
	v40 =	vor.u32 $0x5, v2;
	v5 =	vadd.f32 v5, v13;
	v4 =	vadd.f32 v10, v4  }
0x108: {  	v10 =	vld.idx.msk [tilespmem:v62+s2+$0x0], $0xffff;
	v61 =	vmul.f32 $2.000000030e-01, v37;
	v9 =	vadd.f32 v21, v9;
	v62 =	vor.u32 $0x3, v1  }
0x109: {  	v13 =	vmax.f32 v14, v53;
	v57 =	vmul.f32 $2.000000030e-01, v39;
	v59 =	vld.idx.msk [tilespmem:v20+s2+$0x0], $0xffff;
	v6 =	vadd.f32 v63, v6  }
0x10a: {  	v20 =	vld.idx.msk [tilespmem:v20+s18+$0x0], $0xffff;
	v13 =	vmul.f32 v13, v55;
	v42 =	vmax.f32 v37, v61;
	v11 =	vadd.f32 v36, v11  }
0x10b: {  	v53 =	vld.idx.msk [tilespmem:v56+s18+$0x0], $0xffff;
	v14 =	vadd.f32 v34, v54;
	v22 =	vmax.f32 v39, v57;
	v35 =	vmul.f32 v42, v55  }
0x10c: {  	v63 =	vld.idx.msk [tilespmem:v52+s2+$0x0], $0xffff;
	v57 =	vor.u32 $0x3, v0;
	v36 =	vadd.f32 v49, v47;
	v50 =	vmul.f32 $2.000000030e-01, v11  }
0x10d: {  	v61 =	vld.idx.msk [tilespmem:v48+s2+$0x0], $0xffff;
	v47 =	vor.u32 $0x4, v16;
	v22 =	vmul.f32 v22, v55;
	v3 =	vadd.f32 v13, v3  }
0x10e: {  	v34 =	vld.idx.msk [tilespmem:v48+s18+$0x0], $0xffff;
	v54 =	vmul.f32 $2.000000030e-01, v14;
	v10 =	vadd.f32 v38, v10;
	v11 =	vmax.f32 v11, v50  }
0x10f: {  	v56 =	vld.idx.msk [tilespmem:v62+s2+$0x0], $0xffff;
	v4 =	vadd.f32 v35, v4;
	v48 =	vmul.f32 $2.000000030e-01, v36;
	v11 =	vmul.f32 v11, v55  }
0x110: {  	v12 =	vld.idx.msk [tilespmem:v62+s18+$0x0], $0xffff;
	v5 =	vadd.f32 v22, v5;
	v20 =	vadd.f32 v20, v59;
	v14 =	vmax.f32 v14, v54  }
0x111: {  	v38 =	vld.idx.msk [tilespmem:v52+s18+$0x0], $0xffff;
	v13 =	vadd.f32 v53, v51;
	v7 =	vadd.f32 v11, v7;
	v11 =	vor.u32 $0x4, v15  }
0x112: {  	v54 =	vor.u32 $0x4, v2;
	v59 =	vmul.f32 $2.000000030e-01, v10;
	v62 =	vmul.f32 $2.000000030e-01, v20;
	v49 =	vld.idx.msk [tilespmem:v57+s2+$0x0], $0xffff  }
0x113: {  	v14 =	vmul.f32 v14, v55;
	v36 =	vmax.f32 v36, v48;
	v35 =	vld.idx.msk [tilespmem:v57+s18+$0x0], $0xffff;
	v50 =	vmul.f32 $2.000000030e-01, v13  }
0x114: {  	v36 =	vmul.f32 v36, v60;
	v53 =	vld.idx.msk [tilespmem:v47+s2+$0x0], $0xffff;
	v10 =	vmax.f32 v10, v59;
	v20 =	vmax.f32 v20, v62  }
0x115: {  	v8 =	vadd.f32 v14, v8;
	v14 =	vld.idx.msk [tilespmem:v47+s18+$0x0], $0xffff;
	v62 =	vor.u32 $0x4, v0;
	v20 =	vmul.f32 v20, v60  }
0x116: {  	v21 =	vadd.f32 v34, v61;
	v10 =	vmul.f32 v10, v55;
	v12 =	vadd.f32 v12, v56;
	v51 =	vld.idx.msk [tilespmem:v11+s2+$0x0], $0xffff  }
0x117: {  	v13 =	vmax.f32 v13, v50;
	v6 =	vadd.f32 v20, v6;
	v20 =	vor.u32 $0x4, v1;
	v11 =	vld.idx.msk [tilespmem:v11+s18+$0x0], $0xffff  }
0x118: {  	v3 =	vadd.f32 v36, v3;
	v56 =	vmul.f32 $2.000000030e-01, v21;
	v37 =	vadd.f32 v38, v63;
	v48 =	vld.idx.msk [tilespmem:v54+s2+$0x0], $0xffff  }
0x119: {  	v13 =	vmul.f32 v13, v60;
	v36 =	vld.idx.msk [tilespmem:v54+s18+$0x0], $0xffff;
	v9 =	vadd.f32 v10, v9;
	v10 =	vor.u32 $0x4, v17  }
0x11a: {  	v42 =	vor.u32 $0x5, v15;
	v59 =	vor.u32 $0x4, v24;
	v52 =	vmul.f32 $2.000000030e-01, v12;
	v54 =	vld.idx.msk [tilespmem:v62+s2+$0x0], $0xffff  }
0x11b: {  	v21 =	vmax.f32 v21, v56;
	v61 =	vmul.f32 $2.000000030e-01, v37;
	v5 =	vadd.f32 v13, v5;
	v56 =	vld.idx.msk [tilespmem:v62+s18+$0x0], $0xffff  }
0x11c: {  	v35 =	vadd.f32 v35, v49;
	v12 =	vmax.f32 v12, v52;
	v63 =	vld.idx.msk [tilespmem:v20+s2+$0x0], $0xffff;
	v11 =	vadd.f32 v11, v51  }
0x11d: {  	v37 =	vmax.f32 v37, v61;
	v14 =	vadd.f32 v14, v53;
	v12 =	vmul.f32 v12, v60;
	v20 =	vld.idx.msk [tilespmem:v20+s18+$0x0], $0xffff  }
0x11e: {  	v47 =	vmul.f32 $2.000000030e-01, v35;
	v62 =	vor.u32 $0x5, v1;
	v57 =	vld.idx.msk [tilespmem:v10+s2+$0x0], $0xffff;
	v49 =	vmul.f32 $2.000000030e-01, v11  }
0x11f: {  	v52 =	vmul.f32 $2.000000030e-01, v14;
	v34 =	vadd.f32 v36, v48;
	v10 =	vld.idx.msk [tilespmem:v10+s18+$0x0], $0xffff;
	v4 =	vadd.f32 v12, v4  }
0x120: {  	v22 =	vld.idx.msk [tilespmem:v42+s18+$0x0], $0xffff;
	v35 =	vmax.f32 v35, v47;
	v47 =	vor.u32 $0x5, v24;
	v11 =	vmax.f32 v11, v49  }
0x121: {  	v13 =	vld.idx.msk [tilespmem:v59+s18+$0x0], $0xffff;
	v14 =	vmax.f32 v14, v52;
	v61 =	vmul.f32 $2.000000030e-01, v34;
	v11 =	vmul.f32 v11, v30  }
0x122: {  	v14 =	vmul.f32 v14, v30;
	v51 =	vld.idx.msk [tilespmem:v59+s2+$0x0], $0xffff;
	v12 =	vadd.f32 v20, v63;
	v20 =	vor.u32 $0x5, v16  }
0x123: {  	vm4 =	vlt.u32 v31, v27;
	v48 =	vld.idx.msk [tilespmem:v62+s2+$0x0], $0xffff;
	v6 =	vadd.f32 v11, v6;
	v11 =	vor.u32 $0x5, v17  }
0x124: {  	v3 =	vadd.f32 v14, v3;
	v14 =	vmax.f32 v34, v61;
	v34 =	vld.idx.msk [tilespmem:v40+s18+$0x0], $0xffff;
	v10 =	vadd.f32 v10, v57  }
0x125: {  	v31 =	vor.u32 $0x6, v16;
	v19 =	vadd.s32 v46, v26;
	v50 =	vmul.f32 v35, v60;
	v57 =	vld.idx.msk [tilespmem:v42+s2+$0x0], $0xffff  }
0x126: {  	vm8 =	vlt.u32 v18, v27;
	vm5 =	vlt.u32 v19, v27;
	v52 =	vld.idx.msk [tilespmem:v47+s2+$0x0], $0xffff;
	v53 =	vmul.f32 $2.000000030e-01, v10  }
0x127: {  	v21 =	vmul.f32 v21, v60;
	v9 =	vadd.f32 v50, v9;
	v50 =	vor.u32 $0x5, v0;
	v63 =	vld.idx.msk [tilespmem:v20+s2+$0x0], $0xffff  }
0x128: {  	v19 =	vadd.s32 v46, v25;
	v59 =	vmul.f32 $2.000000030e-01, v12;
	v10 =	vmax.f32 v10, v53;
	v41 =	vld.idx.msk [tilespmem:v11+s2+$0x0], $0xffff  }
0x129: {  	v37 =	vmul.f32 v37, v60;
	v7 =	vadd.f32 v21, v7;
	v10 =	vmul.f32 v10, v30;
	v11 =	vld.idx.msk [tilespmem:v11+s18+$0x0], $0xffff  }
0x12a: {  	v21 =	vadd.f32 v56, v54;
	v13 =	vadd.f32 v13, v51;
	v12 =	vmax.f32 v12, v59;
	v20 =	vld.idx.msk [tilespmem:v20+s18+$0x0], $0xffff  }
0x12b: {  	v33 =	vld.idx.msk [tilespmem:v47+s18+$0x0], $0xffff;
	v51 =	vor.u32 $0x6, v15;
	v5 =	vadd.f32 v10, v5;
	v10 =	vmul.f32 v12, v30  }
0x12c: {  	v8 =	vadd.f32 v37, v8;
	v37 =	vor.u32 $0x6, v24;
	v32 =	vld.idx.msk [tilespmem:v50+s18+$0x0], $0xffff;
	v22 =	vadd.f32 v22, v57  }
0x12d: {  	v42 =	vmul.f32 $2.000000030e-01, v21;
	v12 =	vld.idx.msk [tilespmem:v62+s18+$0x0], $0xffff;
	v4 =	vadd.f32 v10, v4;
	v10 =	vmul.f32 $2.000000030e-01, v13  }
0x12e: {  	v56 =	vor.u32 $0x6, v17;
	v49 =	vmul.f32 $2.000000030e-01, v22;
	v62 =	vld.idx.msk [tilespmem:v31+s2+$0x0], $0xffff;
	v11 =	vadd.f32 v11, v41  }
0x12f: {  	v31 =	vld.idx.msk [tilespmem:v31+s18+$0x0], $0xffff;
	v10 =	vmax.f32 v13, v10;
	v13 =	vmax.f32 v21, v42;
	v20 =	vadd.f32 v20, v63  }
0x130: {  	v59 =	vld.idx.msk [tilespmem:v51+s2+$0x0], $0xffff;
	v21 =	vmax.f32 v22, v49;
	v10 =	vmul.f32 v10, v30;
	v54 =	vmul.f32 $2.000000030e-01, v11  }
0x131: {  	v57 =	vor.u32 $0x6, v1;
	v22 =	vld.idx.msk [tilespmem:v51+s18+$0x0], $0xffff;
	v13 =	vmul.f32 v13, v30;
	v21 =	vmul.f32 v21, v43  }
0x132: {  	v53 =	vmul.f32 $2.000000030e-01, v20;
	v8 =	vadd.f32 v10, v8;
	v10 =	vld.idx.msk [tilespmem:v40+s2+$0x0], $0xffff;
	v11 =	vmax.f32 v11, v54  }
0x133: {  	v63 =	vor.u32 $0x6, v2;
	v6 =	vadd.f32 v21, v6;
	v21 =	vld.idx.msk [tilespmem:v56+s18+$0x0], $0xffff;
	v11 =	vmul.f32 v11, v43  }
0x134: {  	v14 =	vmul.f32 v14, v30;
	v9 =	vadd.f32 v13, v9;
	v13 =	vmax.f32 v20, v53;
	v20 =	vld.idx.msk [tilespmem:v50+s2+$0x0], $0xffff  }
0x135: {  	v36 =	vor.u32 $0x6, v0;
	v12 =	vadd.f32 v12, v48;
	v5 =	vadd.f32 v11, v5;
	v11 =	vld.idx.msk [tilespmem:v56+s2+$0x0], $0xffff;
	[tilespmem:$0x1FF80] =	vst v46  }
0x136: {  	vm6 =	vlt.u32 v19, v27;
	v19 =	vadd.s32 v46, v23;
	v15 =	vor.u32 $0x7, v15;
	v38 =	vld.idx.msk [tilespmem:v57+s2+$0x0], $0xffff  }
0x137: {  	vm7 =	vlt.u32 v19, v27;
	v7 =	vadd.f32 v14, v7;
	v61 =	vmul.f32 $2.000000030e-01, v12;
	v18 =	vld.idx.msk [tilespmem:v57+s18+$0x0], $0xffff  }
0x138: {  	v33 =	vadd.f32 v33, v52;
	v2 =	vor.u32 $0x7, v2;
	v10 =	vadd.f32 v34, v10;
	v40 =	vld.idx.msk [tilespmem:v63+s2+$0x0], $0xffff  }
0x139: {  	v13 =	vmul.f32 v13, v43;
	v12 =	vmax.f32 v12, v61;
	v20 =	vadd.f32 v32, v20;
	v42 =	vld.idx.msk [tilespmem:v37+s18+$0x0], $0xffff  }
0x13a: {  	v17 =	vor.u32 $0x7, v17;
	v12 =	vmul.f32 v12, v43;
	v19 =	vmul.f32 $2.000000030e-01, v10;
	v46 =	vld.idx.msk [tilespmem:v36+s2+$0x0], $0xffff  }
0x13b: {  	v3 =	vadd.f32 v13, v3;
	v13 =	vadd.f32 v31, v62;
	v39 =	vmul.f32 $2.000000030e-01, v20;
	v31 =	vld.idx.msk [tilespmem:v15+s2+$0x0], $0xffff  }
0x13c: {  	v14 =	vadd.f32 v22, v59;
	v10 =	vmax.f32 v10, v19;
	v19 =	vmul.f32 $2.000000030e-01, v33;
	v15 =	vld.idx.msk [tilespmem:v15+s18+$0x0], $0xffff  }
0x13d: {  	v4 =	vadd.f32 v12, v4;
	v10 =	vmul.f32 v10, v43;
	v12 =	vmax.f32 v20, v39;
	v20 =	vld.idx.msk [tilespmem:v37+s2+$0x0], $0xffff  }
0x13e: {  	v1 =	vor.u32 $0x7, v1;
	v47 =	vmul.f32 $2.000000030e-01, v13;
	v57 =	vld.idx.msk [tilespmem:v2+s2+$0x0], $0xffff;
	v41 =	vmax.f32 v33, v19  }
0x13f: {  	v19 =	vld.idx.msk [tilespmem:v63+s18+$0x0], $0xffff;
	v7 =	vadd.f32 v10, v7;
	v10 =	vor.u32 $0x7, v16;
	v16 =	vmul.f32 $2.000000030e-01, v14  }
0x140: {  	vm3 =	vmmov vm1;
	vm2 =	vmmov vm2;
	v13 =	vmax.f32 v13, v47;
	v2 =	vld.idx.msk [tilespmem:v2+s18+$0x0], $0xffff  }
0x141: {  	vm1 =	vmmov vm4;
	v51 =	vmul.f32 v13, v44;
	v14 =	vmax.f32 v14, v16;
	v16 =	vld.idx.msk [tilespmem:v36+s18+$0x0], $0xffff  }
0x142: {  	v24 =	vor.u32 $0x7, v24;
	v0 =	vor.u32 $0x7, v0;
	v54 =	vadd.f32 v42, v20;
	v20 =	vld.idx.msk [tilespmem:v17+s2+$0x0], $0xffff  }
0x143: {  	v12 =	vmul.f32 v12, v43;
	v3 =	vadd.f32 v51, v3;
	v11 =	vadd.f32 v21, v11;
	v17 =	vld.idx.msk [tilespmem:v17+s18+$0x0], $0xffff  }
0x144: {  	v22 =	vmul.f32 v41, v43;
	v50 =	vadd.f32 v18, v38;
	v53 =	vadd.f32 v19, v40;
	v19 =	vld.idx.msk [tilespmem:v1+s2+$0x0], $0xffff  }
0x145: {  	v9 =	vadd.f32 v12, v9;
	v48 =	vmul.f32 v14, v44;
	v49 =	vmul.f32 $2.000000030e-01, v11;
	v1 =	vld.idx.msk [tilespmem:v1+s18+$0x0], $0xffff  }
0x146: {  	v8 =	vadd.f32 v22, v8;
	v15 =	vadd.f32 v15, v31;
	v18 =	vmul.f32 $2.000000030e-01, v50;
	v52 =	vld.idx.msk [tilespmem:v10+s2+$0x0], $0xffff  }
0x147: {  	v2 =	vadd.f32 v2, v57;
	v6 =	vadd.f32 v48, v6;
	v11 =	vmax.f32 v11, v49;
	v10 =	vld.idx.msk [tilespmem:v10+s18+$0x0], $0xffff  }
0x148: {  	v11 =	vmul.f32 v11, v44;
	v22 =	vmax.f32 v50, v18;
	v18 =	vmul.f32 $2.000000030e-01, v53  }
0x149: {  	v22 =	vmul.f32 v22, v44;
	v21 =	vadd.f32 v16, v46;
	v16 =	vmul.f32 $2.000000030e-01, v54  }
0x14a: {  	v5 =	vadd.f32 v11, v5;
	v11 =	vmax.f32 v53, v18;
	v20 =	vadd.f32 v17, v20  }
0x14b: {  	v56 =	vmul.f32 $2.000000030e-01, v21;
	v12 =	vmax.f32 v54, v16;
	v11 =	vmul.f32 v11, v44  }
0x14c: {  	v59 =	vld.idx.msk [tilespmem:v24+s2+$0x0], $0xffff;
	v1 =	vadd.f32 v1, v19;
	v12 =	vmul.f32 v12, v44;
	v10 =	vadd.f32 v10, v52  }
0x14d: {  	v61 =	vld.idx.msk [tilespmem:v24+s18+$0x0], $0xffff;
	v14 =	vmax.f32 v21, v56;
	v7 =	vadd.f32 v11, v7;
	v11 =	vmul.f32 $2.000000030e-01, v15  }
0x14e: {  	v4 =	vadd.f32 v22, v4;
	v16 =	vld.idx.msk [tilespmem:v0+s2+$0x0], $0xffff;
	v14 =	vmul.f32 v14, v44;
	v62 =	vmul.f32 $2.000000030e-01, v10  }
0x14f: {  	v0 =	vld.idx.msk [tilespmem:v0+s18+$0x0], $0xffff;
	v17 =	vmul.f32 $2.000000030e-01, v20;
	v63 =	vmul.f32 $2.000000030e-01, v1;
	v11 =	vmax.f32 v15, v11  }
0x150: {  	v18 =	vadd.f32 v14, v9;
	v9 =	vmax.f32 v10, v62;
	v11 =	vmul.f32 v11, v45  }
0x151: {  	v8 =	vadd.f32 v12, v8;
	v10 =	vmax.f32 v20, v17;
	v9 =	vmul.f32 v9, v45  }
0x152: {  	v10 =	vmul.f32 v10, v45;
	v6 =	vadd.f32 v11, v6;
	v11 =	vadd.f32 v61, v59  }
0x153: {  	v1 =	vmax.f32 v1, v63;
	v3 =	vadd.f32 v9, v3;
	v9 =	vmul.f32 $2.000000030e-01, v2  }
0x154: {  	v0 =	vadd.f32 v0, v16;
	v5 =	vadd.f32 v10, v5;
	v10 =	vmul.f32 $2.000000030e-01, v11  }
0x155: {  	v1 =	vmul.f32 v1, v45;
	v6 =	vmul.f32 $1.442695020e+00, v6;
	v2 =	vmax.f32 v2, v9  }
0x156: {  	v3 =	vmul.f32 $1.442695020e+00, v3;
	v2 =	vmul.f32 v2, v45;
	v9 =	vmax.f32 v11, v10  }
0x157: {  	v1 =	vadd.f32 v1, v4;
	v10 =	vmul.f32 $2.000000030e-01, v0;
	v4 =	vmul.f32 v9, v45  }
0x158: {  	vm4 =	vmmov vm6;
	(erf) = vpow2.f32 v6;
	v2 =	vadd.f32 v2, v7  }
0x159: {  	v6 =	vmax.f32 v0, v10;
	v0 =	vpop (erf);
	(erf) = vpow2.f32 v3;
	v4 =	vadd.f32 v4, v8  }
0x15a: {  	s13 =	simm.s32 $0x19040;
	v3 =	vnsel vm0, $0x0, v0;
	v0 =	vmul.f32 $1.442695020e+00, v5;
	v8 =	vmul.f32 $1.442695020e+00, v1  }
0x15b: {  	s12 =	simm.s32 $0x19040;
	s14 =	simm.s32 $0x0;
	s11 =	simm.s32 $0x80;
	vm0 =	vmmov vm5;
	v1 =	vmul.f32 v6, v45;
	[tilespmem:s13+$0x30] =	vst v3;
	v2 =	vmul.f32 $1.442695020e+00, v2  }
.LBB2_7:
0x15c: {  	s20 =	sadd.s32 $0x70, s11  }
0x15d: {  	v59 =	vor.u32 s20, v28  }
0x15e: {  	s10 =	sadd.s32 $0x10, s11;
	s15 =	sadd.s32 $0x20, s11;
	(erf) = vpow2.f32 v0;
	[tilespmem:$0x1FE00] =	vst v1;
	v40 =	vshll.u32 v59, $0x4  }
0x15f: {  	[tilespmem:$0x1FE70] =	vst v2;
	v2 =	vor.u32 s11, v28;
	v1 =	vor.u32 s10, v28;
	v5 =	vor.u32 s15, v28;
	s10 =	sadd.s32 $0x30, s11  }
0x160: {  	v0 =	vor.u32 s10, v28;
	v56 =	vshll.u32 v1, $0x4;
	v57 =	vshll.u32 v5, $0x4  }
0x161: {  	v39 =	vshll.u32 v2, $0x4;
	[tilespmem:$0x1FED0] =	vst v0;
	v63 =	vor.u32 $0x4, v57  }
0x162: {  	v53 =	vshll.u32 v0, $0x4;
	v0 =	vor.u32 $0x1, v40;
	[tilespmem:$0x1FE60] =	vst v63;
	v63 =	vld [tilespmem:$0x1FFB0]  }
0x163: {  	v41 =	vld.idx.msk [tilespmem:v40+s2+$0x0], $0xffff  }
0x164: {  	v43 =	vor.u32 $0x3, v40;
	v42 =	vld.idx.msk [tilespmem:v40+s18+$0x0], $0xffff  }
0x165: {  	v46 =	vor.u32 $0x4, v40;
	v19 =	vld.idx.msk [tilespmem:v56+s18+$0x0], $0xffff  }
0x166: {  	v29 =	vld.idx.msk [tilespmem:v39+s2+$0x0], $0xffff  }
0x167: {  	v49 =	vor.u32 $0x5, v40;
	v44 =	vld.idx.msk [tilespmem:v0+s2+$0x0], $0xffff  }
0x168: {  	v45 =	vld.idx.msk [tilespmem:v0+s18+$0x0], $0xffff  }
0x169: {  	s15 =	sadd.s32 $0x40, s11;
	s20 =	sadd.s32 $0x60, s11;
	v50 =	vld.idx.msk [tilespmem:v43+s2+$0x0], $0xffff  }
0x16a: {  	[tilespmem:$0x1FE20] =	vst v4;
	v4 =	vor.u32 s15, v28;
	s15 =	sadd.s32 $0x50, s11;
	v6 =	vor.u32 s20, v28;
	v51 =	vld.idx.msk [tilespmem:v46+s2+$0x0], $0xffff  }
0x16b: {  	[tilespmem:$0x1FE50] =	vst v8;
	v3 =	vor.u32 s15, v28;
	v8 =	vshll.u32 v4, $0x4;
	v38 =	vshll.u32 v6, $0x4;
	v23 =	vld.idx.msk [tilespmem:v46+s18+$0x0], $0xffff  }
0x16c: {  	[tilespmem:$0x1FEA0] =	vst v1;
	v37 =	vor.u32 $0x1, v56;
	v52 =	vshll.u32 v3, $0x4;
	v25 =	vor.u32 $0x4, v8;
	v32 =	vld.idx.msk [tilespmem:v49+s2+$0x0], $0xffff  }
0x16d: {  	[tilespmem:$0x1FE90] =	vst v25;
	v26 =	vor.u32 $0x4, v52;
	v35 =	vld.idx.msk [tilespmem:v49+s18+$0x0], $0xffff  }
0x16e: {  	[tilespmem:$0x1FEB0] =	vst v26;
	v1 =	vpop (erf);
	v25 =	vld.idx.msk [tilespmem:v53+s2+$0x0], $0xffff  }
0x16f: {  	[tilespmem:$0x1FF40] =	vst v1;
	v1 =	vor.u32 $0x2, v40;
	v26 =	vld.idx.msk [tilespmem:v53+s18+$0x0], $0xffff  }
0x170: {  	v28 =	vld.idx.msk [tilespmem:v38+s2+$0x0], $0xffff  }
0x171: {  	v30 =	vld.idx.msk [tilespmem:v37+s2+$0x0], $0xffff  }
0x172: {  	v37 =	vld.idx.msk [tilespmem:v37+s18+$0x0], $0xffff  }
0x173: {  	v41 =	vadd.f32 v42, v41;
	v42 =	vld.idx.msk [tilespmem:v43+s18+$0x0], $0xffff  }
0x174: {  	v43 =	vor.u32 $0x6, v40;
	v47 =	vld.idx.msk [tilespmem:v1+s2+$0x0], $0xffff  }
0x175: {  	vm6 =	vmmov vm7;
	v36 =	vor.u32 $0x1, v57;
	v48 =	vld.idx.msk [tilespmem:v1+s18+$0x0], $0xffff  }
0x176: {  	v40 =	vor.u32 $0x7, v40;
	v44 =	vadd.f32 v45, v44;
	v45 =	vadd.f32 v23, v51;
	v51 =	vld.idx.msk [tilespmem:v56+s2+$0x0], $0xffff  }
0x177: {  	v11 =	vor.u32 $0x1, v39;
	v10 =	vor.u32 $0x2, v56;
	v15 =	vor.u32 $0x3, v39;
	v23 =	vld.idx.msk [tilespmem:v57+s18+$0x0], $0xffff  }
0x178: {  	v22 =	vor.u32 $0x2, v57;
	[tilespmem:$0x1FE30] =	vst v15;
	v15 =	vadd.f32 v35, v32;
	v35 =	vld [tilespmem:$0x1FFC0];
	v54 =	vmul.f32 $2.000000030e-01, v41  }
0x179: {  	[tilespmem:$0x1FF00] =	vst v6;
	v7 =	vor.u32 $0x2, v39;
	v6 =	vor.u32 $0x3, v56;
	v62 =	vor.u32 $0x4, v56;
	v16 =	vld.idx.msk [tilespmem:v43+s2+$0x0], $0xffff  }
0x17a: {  	v33 =	vmul.f32 $2.000000030e-01, v44;
	v41 =	vmax.f32 v41, v54;
	v43 =	vld.idx.msk [tilespmem:v43+s18+$0x0], $0xffff;
	v47 =	vadd.f32 v48, v47  }
0x17b: {  	v34 =	vor.u32 $0x1, v53;
	v41 =	vmul.f32 v41, v63;
	v42 =	vadd.f32 v42, v50;
	v50 =	vld.idx.msk [tilespmem:v40+s2+$0x0], $0xffff  }
0x17c: {  	v61 =	vmul.f32 $2.000000030e-01, v45;
	v44 =	vmax.f32 v44, v33;
	v40 =	vld.idx.msk [tilespmem:v40+s18+$0x0], $0xffff;
	v17 =	vmul.f32 $2.000000030e-01, v47  }
0x17d: {  	[tilespmem:$0x1FE10] =	vst v18;
	v12 =	vor.u32 $0x1, v38;
	v32 =	vld.idx.msk [tilespmem:v8+s2+$0x0], $0xffff;
	v44 =	vmul.f32 v44, v58;
	v41 =	vadd.f32 $0.0e+00, v41  }
0x17e: {  	[tilespmem:$0x1FE40] =	vst v62;
	v62 =	vmax.f32 v45, v61;
	v45 =	vld.idx.msk [tilespmem:v36+s2+$0x0], $0xffff;
	v18 =	vmul.f32 $2.000000030e-01, v42;
	v17 =	vmax.f32 v47, v17  }
0x17f: {  	v25 =	vadd.f32 v26, v25;
	v36 =	vld.idx.msk [tilespmem:v36+s18+$0x0], $0xffff;
	v41 =	vadd.f32 v44, v41;
	v17 =	vmul.f32 v17, v55  }
0x180: {  	v26 =	vld.idx.msk [tilespmem:v38+s18+$0x0], $0xffff;
	v61 =	vmul.f32 $2.000000030e-01, v15;
	v18 =	vmax.f32 v42, v18;
	v16 =	vadd.f32 v43, v16  }
0x181: {  	v18 =	vmul.f32 v18, v60;
	v43 =	vadd.f32 v40, v50;
	v40 =	vld [tilespmem:$0x1FFD0];
	v17 =	vadd.f32 v17, v41  }
0x182: {  	v14 =	vor.u32 $0x1, v8;
	v21 =	vor.u32 $0x2, v53;
	v48 =	vld.idx.msk [tilespmem:v57+s2+$0x0], $0xffff;
	v15 =	vmax.f32 v15, v61  }
0x183: {  	v61 =	vld [tilespmem:$0x1FF90];
	v17 =	vadd.f32 v18, v17;
	v18 =	vmul.f32 v62, v35;
	v62 =	vmul.f32 $2.000000030e-01, v16  }
0x184: {  	v9 =	vor.u32 $0x2, v38;
	v24 =	vor.u32 $0x4, v53;
	v36 =	vadd.f32 v36, v45;
	v45 =	vld.idx.msk [tilespmem:v12+s2+$0x0], $0xffff  }
0x185: {  	v13 =	vor.u32 $0x1, v52;
	[tilespmem:$0x1FE80] =	vst v24;
	v24 =	vor.u32 $0x5, v52;
	v16 =	vmax.f32 v16, v62;
	v62 =	vld [tilespmem:$0x1FFA0]  }
0x186: {  	v15 =	vmul.f32 v15, v40;
	v17 =	vadd.f32 v18, v17;
	v18 =	vadd.f32 v19, v51;
	v19 =	vld.idx.msk [tilespmem:v8+s18+$0x0], $0xffff  }
0x187: {  	[tilespmem:$0x1FF20] =	vst v24;
	v30 =	vadd.f32 v37, v30;
	v24 =	vmul.f32 $2.000000030e-01, v25;
	v12 =	vld.idx.msk [tilespmem:v12+s18+$0x0], $0xffff;
	v50 =	vmul.f32 $2.000000030e-01, v43  }
0x188: {  	v27 =	vld.idx.msk [tilespmem:v52+s2+$0x0], $0xffff;
	v16 =	vmul.f32 v16, v61;
	v15 =	vadd.f32 v15, v17;
	v17 =	vmul.f32 $2.000000030e-01, v18  }
0x189: {  	v37 =	vmul.f32 $2.000000030e-01, v30;
	v33 =	vld.idx.msk [tilespmem:v52+s18+$0x0], $0xffff;
	v26 =	vadd.f32 v26, v28;
	v50 =	vmax.f32 v43, v50  }
0x18a: {  	v28 =	vld.idx.msk [tilespmem:v34+s2+$0x0], $0xffff;
	v15 =	vadd.f32 v16, v15;
	v17 =	vmax.f32 v18, v17;
	v16 =	vmul.f32 v50, v62  }
0x18b: {  	v34 =	vld.idx.msk [tilespmem:v34+s18+$0x0], $0xffff;
	v23 =	vadd.f32 v23, v48;
	v17 =	vmul.f32 v17, v63;
	v19 =	vadd.f32 v19, v32  }
0x18c: {  	v30 =	vmax.f32 v30, v37;
	v12 =	vadd.f32 v12, v45;
	v45 =	vld.idx.msk [tilespmem:v21+s2+$0x0], $0xffff;
	v15 =	vadd.f32 v16, v15  }
0x18d: {  	v30 =	vmul.f32 v30, v58;
	v16 =	vld.idx.msk [tilespmem:v39+s18+$0x0], $0xffff;
	v32 =	vmul.f32 $2.000000030e-01, v19;
	v17 =	vadd.f32 $0.0e+00, v17  }
0x18e: {  	[tilespmem:$0x1FF10] =	vst v2;
	v27 =	vadd.f32 v33, v27;
	v21 =	vld.idx.msk [tilespmem:v21+s18+$0x0], $0xffff;
	v18 =	vmul.f32 $2.000000030e-01, v23;
	v15 =	vmul.f32 $1.442695020e+00, v15  }
0x18f: {  	[tilespmem:$0x1FEC0] =	vst v5;
	v2 =	vpop (erf);
	v33 =	vmax.f32 v19, v32;
	v32 =	vor.u32 $0x6, v52;
	v17 =	vadd.f32 v30, v17;
	v30 =	vld.idx.msk [tilespmem:v9+s2+$0x0], $0xffff  }
0x190: {  	[tilespmem:$0x1FF50] =	vst v2;
	v18 =	vmax.f32 v23, v18;
	v23 =	vmax.f32 v25, v24;
	v25 =	vmul.f32 $2.000000030e-01, v27;
	v9 =	vld.idx.msk [tilespmem:v9+s18+$0x0], $0xffff  }
0x191: {  	v2 =	vpop (erf);
	v24 =	vmul.f32 v33, v63;
	[tilespmem:$0x1FF30] =	vst v32;
	v33 =	vor.u32 $0x6, v39;
	(erf) = vpow2.f32 v15;
	v15 =	vld [tilespmem:$0x1FF80]  }
0x192: {  	v29 =	vadd.f32 v16, v29;
	v16 =	vmax.f32 v27, v25;
	v27 =	vmul.f32 $2.000000030e-01, v26;
	v32 =	vmovc v55;
	v55 =	vld.idx.msk [tilespmem:v14+s2+$0x0], $0xffff  }
0x193: {  	[tilespmem:$0x1FEE0] =	vst v4;
	v5 =	vor.u32 $0x3, v57;
	v20 =	vor.u32 $0x2, v8;
	v31 =	vmul.f32 v16, v63;
	v16 =	vld [tilespmem:$0x1FFF0]  }
0x194: {  	[tilespmem:$0x1FEF0] =	vst v3;
	v4 =	vor.u32 $0x3, v53;
	v3 =	vor.u32 $0x3, v8;
	v26 =	vmax.f32 v26, v27;
	v27 =	vld.idx.msk [tilespmem:v13+s2+$0x0], $0xffff  }
0x195: {  	v0 =	vor.u32 $0x2, v52;
	v46 =	vor.u32 $0x5, v56;
	[tilespmem:$0x1FF60] =	vst v33;
	v33 =	vmovc v60;
	v60 =	vmul.f32 $2.000000030e-01, v29;
	v13 =	vld.idx.msk [tilespmem:v13+s18+$0x0], $0xffff  }
0x196: {  	[tilespmem:$0x1FF70] =	vst v2;
	v2 =	vor.u32 $0x3, v52;
	v18 =	vmul.f32 v18, v63;
	v14 =	vld.idx.msk [tilespmem:v14+s18+$0x0], $0xffff;
	v9 =	vadd.f32 v9, v30  }
0x197: {  	v30 =	vld [tilespmem:$0x1FEF0];
	v29 =	vmax.f32 v29, v60;
	v60 =	vadd.s32 v15, v59;
	v59 =	vmul.f32 $2.000000030e-01, v36  }
0x198: {  	v44 =	vor.u32 $0x5, v53;
	v29 =	vmul.f32 v29, v63;
	vm7 =	vlt.u32 v60, v16;
	v60 =	vld.idx.msk [tilespmem:v11+s2+$0x0], $0xffff  }
0x199: {  	v28 =	vadd.f32 v34, v28;
	v18 =	vadd.f32 $0.0e+00, v18;
	v11 =	vld.idx.msk [tilespmem:v11+s18+$0x0], $0xffff;
	v36 =	vmax.f32 v36, v59  }
0x19a: {  	v13 =	vadd.f32 v13, v27;
	v27 =	vadd.f32 $0.0e+00, v29;
	v29 =	vmul.f32 v36, v58;
	v36 =	vld.idx.msk [tilespmem:v22+s2+$0x0], $0xffff  }
0x19b: {  	v42 =	vor.u32 $0x5, v8;
	v47 =	vor.u32 $0x5, v57;
	v48 =	vor.u32 $0x6, v53;
	v22 =	vld.idx.msk [tilespmem:v22+s18+$0x0], $0xffff;
	v34 =	vpop (erf)  }
0x19c: {  	s13 =	sadd.s32 $0x80, s13;
	v59 =	vmul.f32 $2.000000030e-01, v28;
	v34 =	vnsel vm7, $0x0, v34;
	v18 =	vadd.f32 v29, v18;
	v29 =	vld.idx.msk [tilespmem:v46+s18+$0x0], $0xffff  }
0x19d: {  	v23 =	vmul.f32 v23, v63;
	v14 =	vadd.f32 v14, v55;
	v55 =	vmul.f32 $2.000000030e-01, v13;
	[tilespmem:s13+$0x30] =	vst v34;
	v34 =	vld.idx.msk [tilespmem:v10+s2+$0x0], $0xffff  }
0x19e: {  	v37 =	vmul.f32 $2.000000030e-01, v12;
	v21 =	vadd.f32 v21, v45;
	v28 =	vmax.f32 v28, v59;
	v10 =	vld.idx.msk [tilespmem:v10+s18+$0x0], $0xffff  }
0x19f: {  	v23 =	vadd.f32 $0.0e+00, v23;
	v28 =	vmul.f32 v28, v58;
	v13 =	vmax.f32 v13, v55;
	v55 =	vld.idx.msk [tilespmem:v20+s2+$0x0], $0xffff  }
0x1a0: {  	v12 =	vmax.f32 v12, v37;
	v50 =	vor.u32 $0x6, v56;
	v37 =	vmul.f32 $2.000000030e-01, v21;
	v20 =	vld.idx.msk [tilespmem:v20+s18+$0x0], $0xffff  }
0x1a1: {  	v19 =	vor.u32 $0x6, v8;
	v26 =	vmul.f32 v26, v63;
	v23 =	vadd.f32 v28, v23;
	v28 =	vld.idx.msk [tilespmem:v6+s2+$0x0], $0xffff  }
0x1a2: {  	v63 =	vmul.f32 $2.000000030e-01, v14;
	v11 =	vadd.f32 v11, v60;
	v22 =	vadd.f32 v22, v36;
	v36 =	vld.idx.msk [tilespmem:v7+s2+$0x0], $0xffff  }
0x1a3: {  	v31 =	vadd.f32 $0.0e+00, v31;
	v59 =	vor.u32 $0x7, v56;
	v56 =	vor.u32 $0x7, v53;
	v7 =	vld.idx.msk [tilespmem:v7+s18+$0x0], $0xffff  }
0x1a4: {  	v14 =	vmax.f32 v14, v63;
	v6 =	vld.idx.msk [tilespmem:v6+s18+$0x0], $0xffff;
	v63 =	vmul.f32 $2.000000030e-01, v11;
	v10 =	vadd.f32 v10, v34  }
0x1a5: {  	v53 =	vor.u32 $0x7, v8;
	v8 =	vmul.f32 v13, v58;
	v34 =	vld.idx.msk [tilespmem:v0+s2+$0x0], $0xffff;
	v20 =	vadd.f32 v20, v55  }
0x1a6: {  	v12 =	vmul.f32 v12, v58;
	v11 =	vmax.f32 v11, v63;
	v0 =	vld.idx.msk [tilespmem:v0+s18+$0x0], $0xffff;
	v63 =	vmul.f32 $2.000000030e-01, v10  }
0x1a7: {  	v21 =	vmax.f32 v21, v37;
	v8 =	vadd.f32 v8, v31;
	v31 =	vld.idx.msk [tilespmem:v47+s18+$0x0], $0xffff;
	v45 =	vmul.f32 $2.000000030e-01, v20  }
0x1a8: {  	v7 =	vadd.f32 v7, v36;
	v36 =	vld [tilespmem:$0x1FE10];
	v10 =	vmax.f32 v10, v63;
	v63 =	vmul.f32 $2.000000030e-01, v22  }
0x1a9: {  	v24 =	vadd.f32 $0.0e+00, v24;
	v26 =	vadd.f32 $0.0e+00, v26;
	v20 =	vmax.f32 v20, v45;
	v45 =	vld [tilespmem:$0x1FE20]  }
0x1aa: {  	v14 =	vmul.f32 v14, v58;
	v10 =	vmul.f32 v10, v32;
	v13 =	vmax.f32 v22, v63;
	v63 =	vld.idx.msk [tilespmem:v5+s2+$0x0], $0xffff  }
0x1ab: {  	v12 =	vadd.f32 v12, v26;
	v0 =	vadd.f32 v0, v34;
	v5 =	vld.idx.msk [tilespmem:v5+s18+$0x0], $0xffff;
	v13 =	vmul.f32 v13, v32  }
0x1ac: {  	v21 =	vmul.f32 v21, v32;
	v14 =	vadd.f32 v14, v24;
	v10 =	vadd.f32 v10, v17;
	v17 =	vld.idx.msk [tilespmem:v4+s2+$0x0], $0xffff  }
0x1ad: {  	v26 =	vmul.f32 $2.000000030e-01, v0;
	v4 =	vld.idx.msk [tilespmem:v4+s18+$0x0], $0xffff;
	v13 =	vadd.f32 v13, v18;
	v18 =	vmul.f32 v20, v32  }
0x1ae: {  	v21 =	vadd.f32 v21, v23;
	v23 =	vmul.f32 $1.442695020e+00, v45;
	v45 =	vld [tilespmem:$0x1FE60]  }
0x1af: {  	v0 =	vmax.f32 v0, v26;
	v20 =	vmul.f32 $2.000000030e-01, v9;
	v14 =	vadd.f32 v18, v14;
	v18 =	vld.idx.msk [tilespmem:v3+s2+$0x0], $0xffff  }
0x1b0: {  	v1 =	vor.u32 $0x3, v38;
	v0 =	vmul.f32 v0, v32;
	v3 =	vld.idx.msk [tilespmem:v3+s18+$0x0], $0xffff  }
0x1b1: {  	v34 =	vmul.f32 $2.000000030e-01, v7;
	v9 =	vmax.f32 v9, v20;
	v20 =	vld [tilespmem:$0x1FE00]  }
0x1b2: {  	v0 =	vadd.f32 v0, v8;
	v8 =	vld.idx.msk [tilespmem:v2+s2+$0x0], $0xffff  }
0x1b3: {  	v7 =	vmax.f32 v7, v34;
	v5 =	vadd.f32 v5, v63;
	v9 =	vmul.f32 v9, v32;
	v2 =	vld.idx.msk [tilespmem:v2+s18+$0x0], $0xffff  }
0x1b4: {  	v55 =	vmov v32;
	v7 =	vmul.f32 v7, v32;
	v32 =	vld [tilespmem:$0x1FE30]  }
0x1b5: {  	v63 =	vmul.f32 $2.000000030e-01, v5;
	v9 =	vadd.f32 v9, v12;
	v12 =	vld.idx.msk [tilespmem:v1+s2+$0x0], $0xffff  }
0x1b6: {  	v1 =	vld.idx.msk [tilespmem:v1+s18+$0x0], $0xffff  }
0x1b7: {  	v5 =	vmax.f32 v5, v63;
	v63 =	vld [tilespmem:$0x1FE70]  }
0x1b8: {  	v20 =	vadd.f32 v20, v36;
	v36 =	vld [tilespmem:$0x1FE40]  }
0x1b9: {  	v11 =	vmul.f32 v11, v58;
	v3 =	vadd.f32 v3, v18;
	v5 =	vmul.f32 v5, v33;
	v18 =	vld [tilespmem:$0x1FE50]  }
0x1ba: {  	v2 =	vadd.f32 v2, v8;
	v8 =	vld.idx.msk [tilespmem:v45+s2+$0x0], $0xffff  }
0x1bb: {  	v11 =	vadd.f32 v11, v27;
	v5 =	vadd.f32 v5, v13;
	v13 =	vld.idx.msk [tilespmem:v45+s18+$0x0], $0xffff  }
0x1bc: {  	v49 =	vor.u32 $0x4, v39;
	v4 =	vadd.f32 v4, v17;
	v45 =	vld [tilespmem:$0x1FEA0]  }
0x1bd: {  	v6 =	vadd.f32 v6, v28;
	v7 =	vadd.f32 v7, v11;
	v11 =	vld.idx.msk [tilespmem:v32+s2+$0x0], $0xffff  }
0x1be: {  	v34 =	vmul.f32 $2.000000030e-01, v4;
	v17 =	vmul.f32 $1.442695020e+00, v20;
	v20 =	vld.idx.msk [tilespmem:v32+s18+$0x0], $0xffff  }
0x1bf: {  	v37 =	vmul.f32 $2.000000030e-01, v6;
	v32 =	vld [tilespmem:$0x1FE80]  }
0x1c0: {  	v28 =	vld [tilespmem:$0x1FEE0];
	v4 =	vmax.f32 v4, v34  }
0x1c1: {  	v27 =	vld.idx.msk [tilespmem:v49+s18+$0x0], $0xffff;
	v6 =	vmax.f32 v6, v37;
	v4 =	vmul.f32 v4, v33;
	(erf) = vpow2.f32 v18  }
0x1c2: {  	v6 =	vmul.f32 v6, v33;
	(erf) = vpow2.f32 v63;
	v63 =	vld [tilespmem:$0x1FEB0]  }
0x1c3: {  	v4 =	vadd.f32 v4, v21;
	v21 =	vadd.s32 v15, v45;
	v45 =	vld [tilespmem:$0x1FED0]  }
0x1c4: {  	v54 =	vor.u32 $0x4, v38;
	v6 =	vadd.f32 v6, v10;
	v1 =	vadd.f32 v1, v12;
	v10 =	vld.idx.msk [tilespmem:v36+s2+$0x0], $0xffff  }
0x1c5: {  	v37 =	vmul.f32 $2.000000030e-01, v3;
	v26 =	vmul.f32 $2.000000030e-01, v2;
	v18 =	vld.idx.msk [tilespmem:v36+s18+$0x0], $0xffff  }
0x1c6: {  	v34 =	vmul.f32 $2.000000030e-01, v1;
	v36 =	vld [tilespmem:$0x1FE90]  }
0x1c7: {  	v3 =	vmax.f32 v3, v37;
	v2 =	vmax.f32 v2, v26;
	v12 =	vld.idx.msk [tilespmem:v32+s2+$0x0], $0xffff  }
0x1c8: {  	v2 =	vmul.f32 v2, v33;
	v37 =	vmax.f32 v1, v34;
	v11 =	vadd.f32 v20, v11;
	v20 =	vld.idx.msk [tilespmem:v32+s18+$0x0], $0xffff  }
0x1c9: {  	(erf) = vpow2.f32 v23;
	v32 =	vmul.f32 v37, v33;
	v37 =	vld.idx.msk [tilespmem:v54+s2+$0x0], $0xffff  }
0x1ca: {  	(erf) = vpow2.f32 v17;
	v22 =	vadd.f32 v2, v0;
	v17 =	vmul.f32 $2.000000030e-01, v11;
	v0 =	vld.idx.msk [tilespmem:v63+s2+$0x0], $0xffff  }
0x1cb: {  	v34 =	vld.idx.msk [tilespmem:v63+s18+$0x0], $0xffff  }
0x1cc: {  	v3 =	vmul.f32 v3, v33;
	v11 =	vmax.f32 v11, v17;
	v63 =	vld [tilespmem:$0x1FF10]  }
0x1cd: {  	v60 =	vmov v33;
	v11 =	vmul.f32 v11, v33;
	v33 =	vld.idx.msk [tilespmem:v48+s2+$0x0], $0xffff  }
0x1ce: {  	v14 =	vadd.f32 v3, v14;
	v3 =	vld.idx.msk [tilespmem:v36+s2+$0x0], $0xffff  }
0x1cf: {  	vm5 =	vmmov vm8;
	v41 =	vor.u32 $0x5, v38;
	v10 =	vadd.f32 v18, v10;
	v18 =	vld.idx.msk [tilespmem:v36+s18+$0x0], $0xffff  }
0x1d0: {  	v43 =	vor.u32 $0x5, v39;
	v51 =	vor.u32 $0x6, v57;
	v57 =	vor.u32 $0x7, v57;
	v36 =	vld [tilespmem:$0x1FEC0]  }
0x1d1: {  	v52 =	vor.u32 $0x7, v52;
	v17 =	vmul.f32 $2.000000030e-01, v10;
	v7 =	vadd.f32 v11, v7;
	v11 =	vld.idx.msk [tilespmem:v49+s2+$0x0], $0xffff  }
0x1d2: {  	v39 =	vor.u32 $0x7, v39;
	v30 =	vadd.s32 v15, v30;
	v28 =	vadd.s32 v15, v28;
	v49 =	vld.idx.msk [tilespmem:v44+s2+$0x0], $0xffff  }
0x1d3: {  	v8 =	vadd.f32 v13, v8;
	v10 =	vmax.f32 v10, v17;
	v12 =	vadd.f32 v20, v12;
	v20 =	vld.idx.msk [tilespmem:v54+s18+$0x0], $0xffff  }
0x1d4: {  	vm9 =	vlt.u32 v30, v16;
	vm13 =	vlt.u32 v28, v16;
	v54 =	vld [tilespmem:$0x1FF00];
	v10 =	vmul.f32 v10, v35  }
0x1d5: {  	vm10 =	vlt.u32 v21, v16;
	v17 =	vmul.f32 $2.000000030e-01, v8;
	v13 =	vadd.f32 v34, v0;
	v34 =	vld.idx.msk [tilespmem:v48+s18+$0x0], $0xffff  }
0x1d6: {  	v26 =	vadd.s32 v15, v45;
	v9 =	vadd.f32 v32, v9;
	v6 =	vadd.f32 v10, v6;
	v10 =	vld.idx.msk [tilespmem:v46+s2+$0x0], $0xffff  }
0x1d7: {  	v8 =	vmax.f32 v8, v17;
	v17 =	vmul.f32 $2.000000030e-01, v12;
	v32 =	vadd.s32 v15, v63;
	v46 =	vld.idx.msk [tilespmem:v41+s18+$0x0], $0xffff  }
0x1d8: {  	v8 =	vmul.f32 v8, v35;
	v18 =	vadd.f32 v18, v3;
	v11 =	vadd.f32 v27, v11;
	v27 =	vld.idx.msk [tilespmem:v44+s18+$0x0], $0xffff  }
0x1d9: {  	vm12 =	vlt.u32 v26, v16;
	vm8 =	vlt.u32 v32, v16;
	v20 =	vadd.f32 v20, v37;
	v37 =	vld [tilespmem:$0x1FF20]  }
0x1da: {  	v12 =	vmax.f32 v12, v17;
	v5 =	vadd.f32 v8, v5;
	v8 =	vld.idx.msk [tilespmem:v47+s2+$0x0], $0xffff;
	v17 =	vmul.f32 $2.000000030e-01, v18  }
0x1db: {  	v23 =	vadd.s32 v15, v36;
	v24 =	vadd.s32 v15, v54;
	v47 =	vld.idx.msk [tilespmem:v43+s18+$0x0], $0xffff;
	v36 =	vmul.f32 $2.000000030e-01, v11  }
0x1dc: {  	vm11 =	vlt.u32 v23, v16;
	v54 =	vld.idx.msk [tilespmem:v51+s18+$0x0], $0xffff;
	v17 =	vmax.f32 v18, v17;
	v18 =	vmul.f32 $2.000000030e-01, v13  }
0x1dd: {  	vm7 =	vlt.u32 v24, v16;
	v16 =	vld [tilespmem:$0x1FF30];
	v11 =	vmax.f32 v11, v36;
	v17 =	vmul.f32 v17, v35  }
0x1de: {  	v10 =	vadd.f32 v29, v10;
	v29 =	vld.idx.msk [tilespmem:v42+s18+$0x0], $0xffff;
	v11 =	vmul.f32 v11, v35;
	v13 =	vmax.f32 v13, v18  }
0x1df: {  	v18 =	vmul.f32 $2.000000030e-01, v20;
	v8 =	vadd.f32 v31, v8;
	v14 =	vadd.f32 v17, v14;
	v17 =	vld.idx.msk [tilespmem:v42+s2+$0x0], $0xffff  }
0x1e0: {  	v25 =	vor.u32 $0x6, v38;
	v38 =	vor.u32 $0x7, v38;
	v7 =	vadd.f32 v11, v7;
	v11 =	vld.idx.msk [tilespmem:v43+s2+$0x0], $0xffff  }
0x1e1: {  	v1 =	vpop (erf);
	v42 =	vmul.f32 $2.000000030e-01, v10;
	v18 =	vmax.f32 v20, v18;
	v45 =	vmul.f32 $2.000000030e-01, v8;
	v20 =	vld.idx.msk [tilespmem:v37+s2+$0x0], $0xffff  }
0x1e2: {  	v28 =	vlaneseq.u32;
	v1 =	vnsel vm0, $0x0, v1;
	v12 =	vmul.f32 v12, v35;
	v44 =	vld.idx.msk [tilespmem:v37+s18+$0x0], $0xffff  }
0x1e3: {  	v18 =	vmul.f32 v18, v35;
	v10 =	vmax.f32 v10, v42;
	v8 =	vmax.f32 v8, v45;
	v45 =	vld [tilespmem:$0x1FF60]  }
0x1e4: {  	v4 =	vadd.f32 v12, v4;
	v12 =	vadd.f32 v27, v49;
	v27 =	vld.idx.msk [tilespmem:v50+s18+$0x0], $0xffff;
	v10 =	vmul.f32 v10, v40  }
0x1e5: {  	vm0 =	vmmov vm13;
	v9 =	vadd.f32 v18, v9;
	v18 =	vld.idx.msk [tilespmem:v41+s2+$0x0], $0xffff;
	v17 =	vadd.f32 v29, v17  }
0x1e6: {  	v13 =	vmul.f32 v13, v35;
	v49 =	vmul.f32 $2.000000030e-01, v12;
	v6 =	vadd.f32 v10, v6;
	v10 =	vld.idx.msk [tilespmem:v50+s2+$0x0], $0xffff  }
0x1e7: {  	v37 =	vld [tilespmem:$0x1FF40];
	v8 =	vmul.f32 v8, v40;
	v50 =	vmul.f32 $2.000000030e-01, v17;
	v20 =	vadd.f32 v44, v20  }
0x1e8: {  	v13 =	vadd.f32 v13, v22;
	v12 =	vmax.f32 v12, v49;
	v43 =	vld.idx.msk [tilespmem:v16+s18+$0x0], $0xffff;
	v11 =	vadd.f32 v47, v11  }
0x1e9: {  	v5 =	vadd.f32 v8, v5;
	v8 =	vld.idx.msk [tilespmem:v51+s2+$0x0], $0xffff;
	v17 =	vmax.f32 v17, v50;
	v63 =	vmul.f32 $2.000000030e-01, v20  }
0x1ea: {  	v12 =	vmul.f32 v12, v40;
	v18 =	vadd.f32 v46, v18;
	v46 =	vld [tilespmem:$0x1FF70];
	v17 =	vmul.f32 v17, v40  }
0x1eb: {  	v36 =	vmul.f32 $2.000000030e-01, v11;
	v10 =	vadd.f32 v27, v10;
	v20 =	vmax.f32 v20, v63;
	v23 =	vld.idx.msk [tilespmem:v45+s18+$0x0], $0xffff  }
0x1ec: {  	v35 =	vmul.f32 $2.000000030e-01, v18;
	v14 =	vadd.f32 v17, v14;
	v17 =	vld.idx.msk [tilespmem:v19+s2+$0x0], $0xffff;
	v20 =	vmul.f32 v20, v40  }
0x1ed: {  	v4 =	vadd.f32 v12, v4;
	v11 =	vmax.f32 v11, v36;
	v19 =	vld.idx.msk [tilespmem:v19+s18+$0x0], $0xffff;
	v42 =	vmul.f32 $2.000000030e-01, v10  }
0x1ee: {  	v11 =	vmul.f32 v11, v40;
	v18 =	vmax.f32 v18, v35;
	v13 =	vadd.f32 v20, v13;
	v20 =	vld.idx.msk [tilespmem:v16+s2+$0x0], $0xffff  }
0x1ef: {  	v2 =	vpop (erf);
	v8 =	vadd.f32 v54, v8;
	v18 =	vmul.f32 v18, v40;
	v16 =	vld [tilespmem:$0x1FF50];
	v10 =	vmax.f32 v10, v42  }
0x1f0: {  	v3 =	vpop (erf);
	v41 =	vnsel vm3, $0x0, v37;
	v7 =	vadd.f32 v11, v7;
	v11 =	vld.idx.msk [tilespmem:v45+s2+$0x0], $0xffff;
	v10 =	vmul.f32 v10, v61  }
0x1f1: {  	v0 =	vpop (erf);
	v12 =	vadd.f32 v34, v33;
	[tilespmem:s12+$0xFFFFFFD0] =	vst v41;
	v22 =	vmul.f32 $2.000000030e-01, v8;
	v9 =	vadd.f32 v18, v9;
	v18 =	vld.idx.msk [tilespmem:v25+s2+$0x0], $0xffff  }
0x1f2: {  	v2 =	vnsel vm4, $0x0, v2;
	v0 =	vnsel vm5, $0x0, v0;
	v6 =	vadd.f32 v10, v6;
	v10 =	vld.idx.msk [tilespmem:v59+s2+$0x0], $0xffff  }
0x1f3: {  	v47 =	vmul.f32 $2.000000030e-01, v12;
	[tilespmem:s12+$0xFFFFFFC0] =	vst v0;
	v8 =	vmax.f32 v8, v22;
	v17 =	vadd.f32 v19, v17;
	v19 =	vld.idx.msk [tilespmem:v59+s18+$0x0], $0xffff  }
0x1f4: {  	vm4 =	vmmov vm9;
	[tilespmem:s12+$0x10] =	vst v2;
	v8 =	vmul.f32 v8, v61;
	v44 =	vnsel vm2, $0x0, v16;
	v16 =	vld.idx.msk [tilespmem:v25+s18+$0x0], $0xffff  }
0x1f5: {  	v12 =	vmax.f32 v12, v47;
	v21 =	vnsel vm1, $0x0, v46;
	v0 =	vld.idx.msk [tilespmem:v52+s2+$0x0], $0xffff;
	v11 =	vadd.f32 v23, v11;
	[tilespmem:s12+$0xFFFFFFE0] =	vst v44  }
0x1f6: {  	[tilespmem:s12+$0x0] =	vst v1;
	v1 =	vadd.f32 v8, v5;
	v8 =	vmul.f32 v12, v61;
	v48 =	vmul.f32 $2.000000030e-01, v17;
	v5 =	vld.idx.msk [tilespmem:v57+s2+$0x0], $0xffff  }
0x1f7: {  	v3 =	vnsel vm6, $0x0, v3;
	vm3 =	vmmov vm10;
	[tilespmem:s12+$0xFFFFFFF0] =	vst v21;
	v15 =	vadd.f32 v43, v20;
	v49 =	vld.idx.msk [tilespmem:v57+s18+$0x0], $0xffff  }
0x1f8: {  	v51 =	vmul.f32 $2.000000030e-01, v11;
	v2 =	vadd.f32 v8, v4;
	v4 =	vld.idx.msk [tilespmem:v56+s2+$0x0], $0xffff;
	v17 =	vmax.f32 v17, v48  }
0x1f9: {  	v8 =	vmul.f32 v17, v61;
	v17 =	vld.idx.msk [tilespmem:v56+s18+$0x0], $0xffff;
	v10 =	vadd.f32 v19, v10;
	v16 =	vadd.f32 v16, v18  }
0x1fa: {  	vm1 =	vmmov vm12;
	v20 =	vmul.f32 $2.000000030e-01, v15;
	v11 =	vmax.f32 v11, v51;
	v19 =	vld.idx.msk [tilespmem:v53+s18+$0x0], $0xffff  }
0x1fb: {  	[tilespmem:s12+$0x20] =	vst v3;
	v3 =	vadd.f32 v8, v14;
	v8 =	vld.idx.msk [tilespmem:v53+s2+$0x0], $0xffff;
	v56 =	vmul.f32 $2.000000030e-01, v10;
	v18 =	vmul.f32 $2.000000030e-01, v16  }
0x1fc: {  	v57 =	vld.idx.msk [tilespmem:v52+s18+$0x0], $0xffff;
	v11 =	vmul.f32 v11, v61;
	v15 =	vmax.f32 v15, v20;
	v5 =	vadd.f32 v49, v5  }
0x1fd: {  	v50 =	vmul.f32 v15, v61;
	v10 =	vmax.f32 v10, v56;
	v16 =	vmax.f32 v16, v18  }
0x1fe: {  	v59 =	vld.idx.msk [tilespmem:v38+s2+$0x0], $0xffff;
	v4 =	vadd.f32 v17, v4;
	v54 =	vmul.f32 v16, v61;
	v61 =	vmul.f32 $2.000000030e-01, v5  }
0x1ff: {  	v13 =	vadd.f32 v50, v13;
	v10 =	vmul.f32 v10, v62;
	v18 =	vadd.f32 v11, v7;
	v16 =	vld.idx.msk [tilespmem:v38+s18+$0x0], $0xffff  }
0x200: {  	v7 =	vld.idx.msk [tilespmem:v39+s2+$0x0], $0xffff;
	v63 =	vmul.f32 $2.000000030e-01, v4;
	v8 =	vadd.f32 v19, v8;
	v5 =	vmax.f32 v5, v61  }
0x201: {  	v0 =	vadd.f32 v57, v0;
	v11 =	vld.idx.msk [tilespmem:v39+s18+$0x0], $0xffff;
	v6 =	vadd.f32 v10, v6;
	v5 =	vmul.f32 v5, v62  }
0x202: {  	v9 =	vadd.f32 v54, v9;
	v4 =	vmax.f32 v4, v63;
	v10 =	vmul.f32 $2.000000030e-01, v8  }
0x203: {  	v6 =	vmul.f32 $1.442695020e+00, v6;
	v4 =	vmul.f32 v4, v62;
	v1 =	vadd.f32 v5, v1  }
0x204: {  	v5 =	vmax.f32 v8, v10;
	v8 =	vmul.f32 $2.000000030e-01, v0;
	v10 =	vadd.f32 v16, v59  }
0x205: {  	s14 =	sadd.s32 $0x8, s14;
	(erf) = vpow2.f32 v6;
	v2 =	vadd.f32 v4, v2;
	v4 =	vmul.f32 v5, v62  }
0x206: {  	p0 =	slt.u32 s14, $0x38;
	v5 =	vadd.f32 v11, v7;
	v7 =	vmax.f32 v0, v8;
	v8 =	vmul.f32 $2.000000030e-01, v10  }
.Ltmp2:
0x207: {  	v0 =	vmul.f32 $1.442695020e+00, v2;
	v2 =	vadd.f32 v4, v3;
	v3 =	vmul.f32 v7, v62;
	(pc) =	sbr.rel @p0 .LBB2_7-.Ltmp2, $4  }
0x208: {  	v1 =	vmul.f32 $1.442695020e+00, v1;
	v4 =	vmul.f32 $2.000000030e-01, v5;
	v7 =	vmax.f32 v10, v8  }
0x209: {  	v8 =	vmul.f32 $1.442695020e+00, v2;
	v2 =	vadd.f32 v3, v13;
	v3 =	vmul.f32 v7, v62  }
0x20a: {  	vm2 =	vmmov vm11;
	(erf) = vpow2.f32 v1;
	v4 =	vmax.f32 v5, v4  }
0x20b: {  	s11 =	sadd.s32 $0x80, s11;
	s12 =	smov.u32 s13;
	v1 =	vmul.f32 v4, v62;
	v2 =	vmul.f32 $1.442695020e+00, v2;
	v4 =	vadd.f32 v3, v9  }
0x20c: {  	_ = 	snop  }
0x20d: {  	(erf) = vpow2.f32 v0;
	v0 =	vadd.f32 v1, v18  }
0x20e: {  	v1 =	vmul.f32 $1.442695020e+00, v4;
	(erf) = vpow2.f32 v8  }
0x20f: {  	(erf) = vpow2.f32 v2;
	v0 =	vmul.f32 $1.442695020e+00, v0  }
0x210: {  	(erf) = vpow2.f32 v1  }
0x211: {  	v45 =	vld [tilespmem:$0x1FFA0];
	(erf) = vpow2.f32 v0  }
0x212: {  	v44 =	vld [tilespmem:$0x1FF90]  }
0x213: {  	v43 =	vld [tilespmem:$0x1FFD0]  }
0x214: {  	v30 =	vld [tilespmem:$0x1FFC0];
	v0 =	vpop (erf)  }
0x215: {  	v29 =	vld [tilespmem:$0x1FFB0];
	v1 =	vpop (erf);
	v0 =	vnsel vm3, $0x0, v0  }
0x216: {  	v27 =	vld [tilespmem:$0x1FFF0];
	v2 =	vpop (erf);
	[tilespmem:s12+$0xFFFFFFD0] =	vst v0;
	v0 =	vnsel vm2, $0x0, v1  }
0x217: {  	v1 =	vpop (erf);
	[tilespmem:s12+$0xFFFFFFE0] =	vst v0;
	v0 =	vnsel vm1, $0x0, v2  }
0x218: {  	v2 =	vpop (erf);
	[tilespmem:s12+$0xFFFFFFF0] =	vst v0;
	v0 =	vnsel vm0, $0x0, v1  }
0x219: {  	vm14 =	vmmov vm7;
	v1 =	vpop (erf);
	[tilespmem:s12+$0x0] =	vst v0;
	v0 =	vnsel vm4, $0x0, v2  }
0x21a: {  	vm15 =	vmmov vm8;
	[tilespmem:s12+$0x10] =	vst v0;
	v0 =	vnsel vm14, $0x0, v1;
	v2 =	vpop (erf)  }
0x21b: {  	[tilespmem:s12+$0x20] =	vst v0;
	v0 =	vnsel vm15, $0x0, v2  }
0x21c: {  	[tilespmem:s12+$0xFFFFFFC0] =	vst v0  }
0x21d: {  	_ =	swait.ge [sflag:s0], $0x1000  }
0x21e: {  	[sflag:s0] =	ssyncset.done $0x0  }
0x21f: {  	[sflag:s0] =	ssyncadd.s32 $0xFFFFF000  }
0x220: {  	_ =	swait.ge [sflag:s0], $0x1000  }
0x221: {  	[sflag:s0] =	ssyncset.done $0x0  }
0x222: {  	[sflag:s0] =	ssyncadd.s32 $0xFFFFF000  }
0x223: {  	_ =	swait.ge [sflag:s0], $0x1000  }
0x224: {  	[sflag:s0] =	ssyncset.done $0x0  }
0x225: {  	[sflag:s0] =	ssyncadd.s32 $0xFFFFF000  }
0x226: {  	_ =	swait.ge [sflag:s0], $0x1000  }
0x227: {  	[sflag:s0] =	ssyncset.done $0x0  }
0x228: {  	[sflag:s0] =	ssyncadd.s32 $0xFFFFF000  }
0x229: {  	_ =	swait.ge [sflag:s0], $0x1000  }
0x22a: {  	[sflag:s0] =	ssyncset.done $0x0  }
0x22b: {  	v25 =	vld [tilespmem:$0x1FFE0];
	[sflag:s0] =	ssyncadd.s32 $0xFFFFF000  }
0x22c: {  	_ =	swait.ge [sflag:s0], $0x1000  }
0x22d: {  	s14 =	simm.s32 $0x1;
	[sflag:s0] =	ssyncset.done $0x0  }
0x22e: {  	v1 =	vmov s14;
	[sflag:s0] =	ssyncadd.s32 $0xFFFFF000  }
0x22f: {  	v1 =	vshrl.u32 v1, $0x3;
	_ =	swait.ge [sflag:s0], $0x1000  }
0x230: {  	s11 =	simm.s32 $0x3;
	s15 =	simm.s32 $0x4;
	v1 =	vshll.u32 v1, v25;
	[sflag:s0] =	ssyncset.done $0x0  }
0x231: {  	s18 =	simm.s32 $0x5;
	v3 =	vmov s11;
	v4 =	vmov s15;
	v1 =	vadd.s32 $0x1, v1;
	[sflag:s0] =	ssyncadd.s32 $0xFFFFF000  }
0x232: {  	s2 =	simm.s32 $0x0;
	s10 =	simm.s32 $0x2;
	v5 =	vmov s18;
	v4 =	vshrl.u32 v4, $0x3;
	v1 =	vbroadcast v1, $0x0;
	_ =	swait.ge [sflag:s0], $0x1000  }
0x233: {  	v2 =	vmov s10;
	s10 =	simm.s32 $0x7;
	v0 =	vmov s2;
	v4 =	vshll.u32 v4, v25;
	[sflag:s0] =	ssyncset.done $0x0  }
0x234: {  	v7 =	vmov s10;
	s2 =	simm.s32 $0x11080;
	v0 =	vshrl.u32 v0, $0x3;
	v4 =	vadd.s32 $0x4, v4;
	[sflag:s0] =	ssyncadd.s32 $0xFFFFF000  }
0x235: {  	v0 =	vshll.u32 v0, v25;
	v8 =	vbroadcast v4, $0x0;
	v4 =	vshrl.u32 v7, $0x3;
	v13 =	vld [tilespmem:s2+$0xFFFFFF80]  }
0x236: {  	s20 =	simm.s32 $0x6;
	v3 =	vshrl.u32 v3, $0x3;
	v0 =	vbroadcast v0, $0x0;
	v4 =	vshll.u32 v4, v25;
	v17 =	vld [tilespmem:s2+$0xFFFFFF90]  }
0x237: {  	v6 =	vmov s20;
	v3 =	vshll.u32 v3, v25;
	v4 =	vadd.s32 $0x7, v4;
	v18 =	vld [tilespmem:s2+$0xFFFFFFA0]  }
0x238: {  	v2 =	vshrl.u32 v2, $0x3;
	v3 =	vadd.s32 $0x3, v3;
	v9 =	vld.idx.msk [tilespmem:v1+s1+$0x0], $0xffff;
	v1 =	vbroadcast v4, $0x0  }
0x239: {  	v5 =	vshrl.u32 v5, $0x3;
	v2 =	vshll.u32 v2, v25;
	v3 =	vbroadcast v3, $0x0;
	v19 =	vld [tilespmem:s2+$0xFFFFFFB0]  }
0x23a: {  	v6 =	vshrl.u32 v6, $0x3;
	v5 =	vshll.u32 v5, v25;
	v2 =	vadd.s32 $0x2, v2;
	v20 =	vld [tilespmem:s2+$0xFFFFFFC0]  }
0x23b: {  	v6 =	vshll.u32 v6, v25;
	v5 =	vadd.s32 $0x5, v5;
	v2 =	vbroadcast v2, $0x0;
	v22 =	vld [tilespmem:s2+$0xFFFFFFD0]  }
0x23c: {  	s13 =	simm.s32 $0xA;
	s15 =	simm.s32 $0xC;
	v6 =	vadd.s32 $0x6, v6;
	v5 =	vbroadcast v5, $0x0;
	v7 =	vld.idx.msk [tilespmem:v0+s1+$0x0], $0xffff  }
0x23d: {  	v10 =	vmov s13;
	s18 =	simm.s32 $0xD;
	s20 =	simm.s32 $0xE;
	v14 =	vmov s15;
	v0 =	vbroadcast v6, $0x0;
	v6 =	vld [tilespmem:s2+$0x70]  }
0x23e: {  	v15 =	vmov s18;
	v16 =	vmov s20;
	v10 =	vshrl.u32 v10, $0x3;
	s14 =	simm.s32 $0xB;
	v1 =	vld.idx.msk [tilespmem:v1+s1+$0x0], $0xffff  }
0x23f: {  	v14 =	vshrl.u32 v14, $0x3;
	v15 =	vshrl.u32 v15, $0x3;
	v12 =	vmov s14;
	s12 =	simm.s32 $0x9;
	v4 =	vld.idx.msk [tilespmem:v3+s1+$0x0], $0xffff  }
0x240: {  	v16 =	vshrl.u32 v16, $0x3;
	v12 =	vshrl.u32 v12, $0x3;
	v3 =	vld.idx.msk [tilespmem:v8+s1+$0x0], $0xffff;
	v8 =	vmov s12  }
0x241: {  	v10 =	vshll.u32 v10, v25;
	v12 =	vshll.u32 v12, v25;
	v11 =	vld.idx.msk [tilespmem:v2+s1+$0x0], $0xffff;
	v8 =	vshrl.u32 v8, $0x3  }
0x242: {  	v14 =	vshll.u32 v14, v25;
	v2 =	vld.idx.msk [tilespmem:v5+s1+$0x0], $0xffff;
	v8 =	vshll.u32 v8, v25;
	v13 =	vmul.f32 v13, v7  }
0x243: {  	s11 =	simm.s32 $0x8;
	v15 =	vshll.u32 v15, v25;
	v23 =	vadd.s32 $0x1, v8;
	v8 =	vld [tilespmem:s2+$0x10];
	v6 =	vmul.f32 v6, v1  }
0x244: {  	v24 =	vadd.s32 $0x2, v10;
	v5 =	vmov s11;
	v7 =	vmul.f32 v17, v7;
	v17 =	vld [tilespmem:s2+$0xFFFFFFE0];
	[tilespmem:s2+$0xFFFFFF80] =	vst v13  }
0x245: {  	v21 =	vadd.s32 $0x3, v12;
	v5 =	vshrl.u32 v5, $0x3;
	v18 =	vmul.f32 v18, v9;
	[tilespmem:s2+$0x70] =	vst v6;
	v6 =	vld [tilespmem:s2+$0xFFFFFFF0]  }
0x246: {  	v12 =	vbroadcast v24, $0x0;
	v5 =	vshll.u32 v5, v25;
	v9 =	vmul.f32 v19, v9;
	[tilespmem:s2+$0xFFFFFF90] =	vst v7;
	v7 =	vld [tilespmem:s2+$0x0]  }
0x247: {  	v16 =	vshll.u32 v16, v25;
	v5 =	vbroadcast v5, $0x0;
	v0 =	vld.idx.msk [tilespmem:v0+s1+$0x0], $0xffff;
	[tilespmem:s2+$0xFFFFFFA0] =	vst v18;
	v18 =	vmul.f32 v20, v11  }
0x248: {  	v10 =	vbroadcast v23, $0x0;
	v19 =	vadd.s32 $0x6, v16;
	[tilespmem:s2+$0xFFFFFFB0] =	vst v9;
	v20 =	vmul.f32 v22, v11;
	v9 =	vld [tilespmem:s2+$0x20]  }
0x249: {  	s12 =	simm.s32 $0xF;
	s11 =	simm.s32 $0x10;
	v13 =	vadd.s32 $0x4, v14;
	v14 =	vadd.s32 $0x5, v15;
	v11 =	vld [tilespmem:s2+$0x30];
	[tilespmem:s2+$0xFFFFFFC0] =	vst v18;
	v22 =	vmul.f32 v17, v4  }
.LBB2_9:
0x24a: {  	p0 =	slt.u32 s11, $0x3F8;
	v15 =	vbroadcast v21, $0x0;
	v16 =	vmov s12;
	[tilespmem:s2+$0xFFFFFFD0] =	vst v20;
	v4 =	vmul.f32 v6, v4;
	v6 =	vld [tilespmem:s2+$0x40]  }
0x24b: {  	v13 =	vbroadcast v13, $0x0;
	v16 =	vshrl.u32 v16, $0x3;
	[tilespmem:s2+$0xFFFFFFE0] =	vst v22;
	v7 =	vmul.f32 v7, v3;
	v17 =	vld [tilespmem:s2+$0x50]  }
0x24c: {  	v14 =	vbroadcast v14, $0x0;
	v16 =	vshll.u32 v16, v25;
	[tilespmem:s2+$0xFFFFFFF0] =	vst v4;
	v3 =	vmul.f32 v8, v3;
	v8 =	vld [tilespmem:s2+$0x60]  }
0x24d: {  	v18 =	vld.idx.msk [tilespmem:v5+s1+$0x0], $0xffff;
	v5 =	vbroadcast v19, $0x0;
	v4 =	vadd.s32 $0x7, v16;
	[tilespmem:s2+$0x0] =	vst v7;
	v7 =	vmul.f32 v9, v2  }
0x24e: {  	v9 =	vld.idx.msk [tilespmem:v10+s1+$0x0], $0xffff;
	v10 =	vbroadcast v4, $0x0;
	[tilespmem:s2+$0x10] =	vst v3;
	v2 =	vmul.f32 v11, v2  }
0x24f: {  	v11 =	vld.idx.msk [tilespmem:v12+s1+$0x0], $0xffff;
	[tilespmem:s2+$0x20] =	vst v7;
	v6 =	vmul.f32 v6, v0  }
0x250: {  	v4 =	vld.idx.msk [tilespmem:v15+s1+$0x0], $0xffff;
	[tilespmem:s2+$0x30] =	vst v2;
	v0 =	vmul.f32 v17, v0  }
0x251: {  	v3 =	vld.idx.msk [tilespmem:v13+s1+$0x0], $0xffff;
	[tilespmem:s2+$0x40] =	vst v6;
	v1 =	vmul.f32 v8, v1  }
0x252: {  	v2 =	vld.idx.msk [tilespmem:v14+s1+$0x0], $0xffff;
	[tilespmem:s2+$0x50] =	vst v0  }
0x253: {  	v0 =	vld.idx.msk [tilespmem:v5+s1+$0x0], $0xffff;
	[tilespmem:s2+$0x60] =	vst v1  }
0x254: {  	v5 =	vmov s11;
	s2 =	sadd.s32 $0x100, s2;
	v1 =	vld.idx.msk [tilespmem:v10+s1+$0x0], $0xffff  }
0x255: {  	s10 =	sadd.s32 $0x1, s11;
	s12 =	sadd.s32 $0x2, s11;
	s13 =	sadd.s32 $0x3, s11;
	v5 =	vshrl.u32 v5, $0x3;
	v6 =	vld [tilespmem:s2+$0x70]  }
0x256: {  	v7 =	vmov s10;
	s10 =	sadd.s32 $0x4, s11;
	v8 =	vmov s12;
	s12 =	sadd.s32 $0x5, s11;
	v10 =	vmov s13;
	s13 =	sadd.s32 $0x6, s11;
	v12 =	vld [tilespmem:s2+$0xFFFFFF80]  }
0x257: {  	v13 =	vmov s10;
	v14 =	vmov s12;
	v15 =	vmov s13;
	v16 =	vld [tilespmem:s2+$0xFFFFFF90]  }
0x258: {  	v7 =	vshrl.u32 v7, $0x3;
	v8 =	vshrl.u32 v8, $0x3;
	v5 =	vshll.u32 v5, v25;
	v17 =	vld [tilespmem:s2+$0xFFFFFFA0]  }
0x259: {  	v13 =	vshrl.u32 v13, $0x3;
	v14 =	vshrl.u32 v14, $0x3;
	v10 =	vshrl.u32 v10, $0x3;
	v19 =	vld [tilespmem:s2+$0xFFFFFFB0]  }
0x25a: {  	v5 =	vbroadcast v5, $0x0;
	v15 =	vshrl.u32 v15, $0x3;
	v20 =	vld [tilespmem:s2+$0xFFFFFFC0];
	v6 =	vmul.f32 v6, v1  }
0x25b: {  	v7 =	vshll.u32 v7, v25;
	v8 =	vshll.u32 v8, v25;
	v12 =	vmul.f32 v12, v18;
	v22 =	vld [tilespmem:s2+$0xFFFFFFD0]  }
0x25c: {  	v13 =	vshll.u32 v13, v25;
	v10 =	vshll.u32 v10, v25;
	v16 =	vmul.f32 v16, v18;
	v18 =	vld [tilespmem:s2+$0xFFFFFFE0];
	[tilespmem:s2+$0x70] =	vst v6  }
.Ltmp3:
0x25d: {  	v14 =	vshll.u32 v14, v25;
	v15 =	vshll.u32 v15, v25;
	[tilespmem:s2+$0xFFFFFF80] =	vst v12;
	v12 =	vmul.f32 v17, v9;
	v6 =	vld [tilespmem:s2+$0xFFFFFFF0];
	(pc) =	sbr.rel @p0 .LBB2_9-.Ltmp3, $4  }
0x25e: {  	v23 =	vadd.s32 $0x2, v8;
	v17 =	vadd.s32 $0x1, v7;
	[tilespmem:s2+$0xFFFFFF90] =	vst v16;
	v9 =	vmul.f32 v19, v9;
	v7 =	vld [tilespmem:s2+$0x0]  }
0x25f: {  	v13 =	vadd.s32 $0x4, v13;
	v21 =	vadd.s32 $0x3, v10;
	[tilespmem:s2+$0xFFFFFFA0] =	vst v12;
	v16 =	vmul.f32 v20, v11;
	v8 =	vld [tilespmem:s2+$0x10]  }
0x260: {  	v14 =	vadd.s32 $0x5, v14;
	v10 =	vbroadcast v17, $0x0;
	[tilespmem:s2+$0xFFFFFFB0] =	vst v9;
	v20 =	vmul.f32 v22, v11;
	v9 =	vld [tilespmem:s2+$0x20]  }
0x261: {  	s12 =	sadd.s32 $0x7, s11;
	s11 =	sadd.s32 $0x8, s11;
	v19 =	vadd.s32 $0x6, v15;
	v12 =	vbroadcast v23, $0x0;
	[tilespmem:s2+$0xFFFFFFC0] =	vst v16;
	v22 =	vmul.f32 v18, v4;
	v11 =	vld [tilespmem:s2+$0x30]  }
0x262: {  	_ = 	snop  }
0x263: {  	v17 =	vld [tilespmem:s2+$0x40]  }
0x264: {  	v18 =	vld [tilespmem:s2+$0x50]  }
0x265: {  	v59 =	vld [tilespmem:s2+$0x60]  }
0x266: {  	v5 =	vld.idx.msk [tilespmem:v5+s1+$0x0], $0xffff  }
0x267: {  	v10 =	vld.idx.msk [tilespmem:v10+s1+$0x0], $0xffff  }
0x268: {  	s10 =	sadd.s32 $0x100, s2;
	v12 =	vld.idx.msk [tilespmem:v12+s1+$0x0], $0xffff  }
0x269: {  	[tilespmem:s2+$0xFFFFFFD0] =	vst v20;
	v20 =	vld [tilespmem:s10+$0x70]  }
0x26a: {  	v23 =	vld [tilespmem:s10+$0xFFFFFF80]  }
0x26b: {  	v4 =	vmul.f32 v6, v4;
	v33 =	vld [tilespmem:s10+$0xFFFFFF90]  }
0x26c: {  	v19 =	vbroadcast v19, $0x0;
	[tilespmem:s2+$0xFFFFFFE0] =	vst v22;
	v7 =	vmul.f32 v7, v3;
	v35 =	vld [tilespmem:s10+$0xFFFFFFA0]  }
0x26d: {  	v36 =	vld [tilespmem:s10+$0xFFFFFFB0];
	[tilespmem:s2+$0xFFFFFFF0] =	vst v4;
	v63 =	vmul.f32 v8, v3  }
0x26e: {  	v15 =	vbroadcast v21, $0x0;
	v37 =	vld [tilespmem:s10+$0xFFFFFFC0];
	[tilespmem:s2+$0x0] =	vst v7;
	v22 =	vmul.f32 v11, v2  }
0x26f: {  	v39 =	vld [tilespmem:s10+$0xFFFFFFD0];
	[tilespmem:s2+$0x10] =	vst v63;
	v32 =	vmul.f32 v17, v0  }
0x270: {  	v13 =	vbroadcast v13, $0x0;
	v40 =	vld [tilespmem:s10+$0xFFFFFFE0];
	v34 =	vmul.f32 v18, v0;
	[tilespmem:s2+$0x30] =	vst v22  }
0x271: {  	v42 =	vld [tilespmem:s10+$0xFFFFFFF0];
	v1 =	vmul.f32 v59, v1;
	[tilespmem:s2+$0x40] =	vst v32  }
0x272: {  	v16 =	vmov s12;
	v14 =	vbroadcast v14, $0x0;
	v62 =	vld.idx.msk [tilespmem:v19+s1+$0x0], $0xffff;
	v19 =	vmul.f32 v9, v2;
	[tilespmem:s2+$0x50] =	vst v34  }
0x273: {  	v16 =	vshrl.u32 v16, $0x3;
	v47 =	vld [tilespmem:s10+$0x0];
	v38 =	vmul.f32 v23, v5;
	[tilespmem:s2+$0x60] =	vst v1  }
0x274: {  	v16 =	vshll.u32 v16, v25;
	v15 =	vld.idx.msk [tilespmem:v15+s1+$0x0], $0xffff;
	v5 =	vmul.f32 v33, v5;
	[tilespmem:s2+$0x20] =	vst v19  }
0x275: {  	v48 =	vld [tilespmem:s10+$0x10];
	v16 =	vadd.s32 $0x7, v16;
	v41 =	vmul.f32 v35, v10;
	[tilespmem:s10+$0xFFFFFF80] =	vst v38  }
0x276: {  	v16 =	vbroadcast v16, $0x0;
	v13 =	vld.idx.msk [tilespmem:v13+s1+$0x0], $0xffff;
	v46 =	vmul.f32 v36, v10;
	[tilespmem:s10+$0xFFFFFF90] =	vst v5  }
0x277: {  	v49 =	vld [tilespmem:s10+$0x20];
	v0 =	vmul.f32 v37, v12;
	[tilespmem:s10+$0xFFFFFFA0] =	vst v41  }
0x278: {  	v61 =	vld.idx.msk [tilespmem:v14+s1+$0x0], $0xffff;
	v3 =	vmul.f32 v39, v12;
	[tilespmem:s10+$0xFFFFFFB0] =	vst v46  }
0x279: {  	v51 =	vld [tilespmem:s10+$0x30];
	[tilespmem:s10+$0xFFFFFFC0] =	vst v0;
	v50 =	vmul.f32 v40, v15  }
0x27a: {  	v52 =	vld [tilespmem:s10+$0x40];
	[tilespmem:s10+$0xFFFFFFD0] =	vst v3;
	v2 =	vmul.f32 v42, v15  }
0x27b: {  	v54 =	vld [tilespmem:s10+$0x50];
	v53 =	vmul.f32 v47, v13;
	[tilespmem:s10+$0xFFFFFFE0] =	vst v50  }
0x27c: {  	v16 =	vld.idx.msk [tilespmem:v16+s1+$0x0], $0xffff;
	v1 =	vmul.f32 v48, v13;
	[tilespmem:s10+$0xFFFFFFF0] =	vst v2  }
0x27d: {  	v56 =	vld [tilespmem:s10+$0x60];
	v57 =	vmul.f32 v49, v61;
	[tilespmem:s10+$0x0] =	vst v53  }
0x27e: {  	v59 =	vmul.f32 v51, v61;
	[tilespmem:s10+$0x10] =	vst v1  }
0x27f: {  	v61 =	vmul.f32 v52, v62;
	[tilespmem:s10+$0x20] =	vst v57  }
0x280: {  	v62 =	vmul.f32 v54, v62;
	[tilespmem:s10+$0x30] =	vst v59  }
0x281: {  	[tilespmem:s10+$0x40] =	vst v61;
	v8 =	vmul.f32 v20, v16  }
0x282: {  	[tilespmem:s10+$0x50] =	vst v62;
	v63 =	vmul.f32 v56, v16  }
0x283: {  	[tilespmem:s10+$0x70] =	vst v8  }
0x284: {  	s11 =	sor.u32 $0x800, s21;
	[tilespmem:s10+$0x60] =	vst v63  }
0x285: {  	[spmem:s3] =	stream.indirect.scatter.add.f32 [tilespmem:s17], [sflag:$0x3], $0x20, s11, s19, $0xb8;
	[tilespmem:$0x1E228] =	vst v63  }
0x286: {  	_ =	swait.ge [sflag:s16], $0x1000  }
0x287: {  	[sflag:s16] =	ssyncset.done $0x0  }
0x288: {  	s12 =	sadd.s32 $0x880, s21;
	[sflag:s16] =	ssyncadd.s32 $0xFFFFF000  }
0x289: {  	[spmem:s3] =	stream.indirect.scatter.add.f32 [tilespmem:s24], [sflag:$0x3], $0x20, s12, s19, $0xb8;
	[tilespmem:$0x1E228] =	vst v63  }
0x28a: {  	_ =	swait.ge [sflag:s16], $0x1000  }
0x28b: {  	[sflag:s16] =	ssyncset.done $0x0  }
0x28c: {  	s13 =	sadd.s32 $0x900, s21;
	[sflag:s16] =	ssyncadd.s32 $0xFFFFF000  }
0x28d: {  	[spmem:s3] =	stream.indirect.scatter.add.f32 [tilespmem:s25], [sflag:$0x3], $0x20, s13, s19, $0xb8;
	[tilespmem:$0x1E228] =	vst v63  }
0x28e: {  	_ =	swait.ge [sflag:s16], $0x1000  }
0x28f: {  	[sflag:s16] =	ssyncset.done $0x0  }
0x290: {  	s14 =	sadd.s32 $0x980, s21;
	[sflag:s16] =	ssyncadd.s32 $0xFFFFF000  }
0x291: {  	[spmem:s3] =	stream.indirect.scatter.add.f32 [tilespmem:s26], [sflag:$0x3], $0x20, s14, s19, $0xb8;
	[tilespmem:$0x1E228] =	vst v63  }
0x292: {  	_ =	swait.ge [sflag:s16], $0x1000  }
0x293: {  	[sflag:s16] =	ssyncset.done $0x0  }
0x294: {  	s15 =	sadd.s32 $0xA00, s21;
	[sflag:s16] =	ssyncadd.s32 $0xFFFFF000  }
0x295: {  	[spmem:s3] =	stream.indirect.scatter.add.f32 [tilespmem:s28], [sflag:$0x3], $0x20, s15, s19, $0xb8;
	[tilespmem:$0x1E228] =	vst v63  }
0x296: {  	_ =	swait.ge [sflag:s16], $0x1000  }
0x297: {  	[sflag:s16] =	ssyncset.done $0x0  }
0x298: {  	s18 =	sadd.s32 $0xA80, s21;
	[sflag:s16] =	ssyncadd.s32 $0xFFFFF000  }
0x299: {  	[spmem:s3] =	stream.indirect.scatter.add.f32 [tilespmem:s29], [sflag:$0x3], $0x20, s18, s19, $0xb8;
	[tilespmem:$0x1E228] =	vst v63  }
0x29a: {  	_ =	swait.ge [sflag:s16], $0x1000  }
0x29b: {  	[sflag:s16] =	ssyncset.done $0x0  }
0x29c: {  	s20 =	sadd.s32 $0xB00, s21;
	[sflag:s16] =	ssyncadd.s32 $0xFFFFF000  }
0x29d: {  	[spmem:s3] =	stream.indirect.scatter.add.f32 [tilespmem:s30], [sflag:$0x3], $0x20, s20, s19, $0xb8;
	[tilespmem:$0x1E228] =	vst v63  }
0x29e: {  	_ =	swait.ge [sflag:s16], $0x1000  }
0x29f: {  	p0 =	sne.s32 s22, $0xA;
	[sflag:s16] =	ssyncset.done $0x0  }
.Ltmp4:
0x2a0: {  	s21 =	sadd.s32 $0xB80, s21;
	[sflag:s16] =	ssyncadd.s32 $0xFFFFF000;
	(pc) =	sbr.rel @p0 .LBB2_4-.Ltmp4, $4  }
0x2a1: {  	[spmem:s3] =	stream.indirect.scatter.add.f32 [tilespmem:s31], [sflag:$0x3], $0x20, s21, s19, $0xb8;
	[tilespmem:$0x1E228] =	vst v63  }
0x2a2: {  	_ =	swait.ge [sflag:s16], $0x1000  }
0x2a3: {  	[sflag:s16] =	ssyncset.done $0x0  }
0x2a4: {  	s11 =	smov.u32 s22;
	[sflag:s16] =	ssyncadd.s32 $0xFFFFF000  }
0x2a5: {  	s2 =	stileid.u32;
	[bflag:$0x0] =	sbarrier.arrive $0xFFFF  }
0x2a6: {  	s2 =	sshll.u32 s2, $0x6;
	s13 =	rddreg [dreg:$0x4]  }
0x2a7: {  	s11 =	rddreg [dreg:$0x7];
	s2 =	sor.u32 $0x1C03, s2;
	s10 =	sshrl.u32 s13, $0x3  }
0x2a8: {  	[hbm:s11], [sflag:s2] =	dma.local [spmem:s10], $0x9C4  }
0x2a9: {  	_ =	swait.ge [sflag:s16], $0x9C4  }
0x2aa: {  	s21 =	rddreg [dreg:$0x9]  }
0x2ab: {  	s22 =	rddreg [dreg:$0x8];
	s10 =	sadd.s32 $0x1, s21  }
0x2ac: {  	p0 =	sne.s32 s10, s22  }
.Ltmp5:
0x2ad: {  	_ = 	snop;
	(pc) =	sbr.rel @p0 .LBB2_1-.Ltmp5, $3  }
0x2ae: {  	_ =	sdelay $0x1  }
0x2af: {  	[sflag:s16] =	ssyncset.done $0x0  }
0x2b0: {  	v1 =	vimm.f32 $0.0e+00;
	[sflag:s16] =	ssyncadd.s32 $0xFFFFF63C  }
0x2b1: {  	_ =	sfence.sel $0x180000  }
0x2b2: {  	[bflag:$0x0] =	sbarrier.arrive $0xFFFF  }
0x2b3: {  	_ =	strace $0x9000004A  }
0x2b4: {  	s0 =	stileid.u32;
	[bflag:$0x2] =	sbarrier.arrive $0xFFFF  }
0x2b5: {  	p0 =	sne.s32 s0, $0x0;
	s0 =	rddreg [dreg:$0x3]  }
0x2b6: {  	s0 =	sadd.s32 @!p0 $0x100000, s0  }
0x2b7: {  	[sflag:s0] =	ssyncadd.tile.s32 @!p0 $0x1;
	_ =	shalt  }
.Lfunc_end2:
_tile_overlayer_lowered:
.L_overlay_start_2:
0x2b8: {  	(tag) =	ssettag $0x2  }
0x2b9: {  	s0 =	rddreg [dreg:$0x0];
	s2 =	stileid.u32  }
0x2ba: {  	s1 =	rddreg [dreg:$0x1];
	p0 =	sne.s32 s2, $0x0  }
0x2bb: {  	s3 =	rddreg [dreg:$0x2];
	[bflag:$0x3] =	sbarrier.arrive $0xFFFF;
	s2 =	simm.s32 @!p0 $0x1C03  }
0x2bc: {  	[timem:s3], [sflag:s2] =	dma.local @!p0 [hbm:s0], s1  }
0x2bd: {  	s0 =	simm.s32 @!p0 $0x3  }
0x2be: {  	_ =	swait.ge @!p0 [sflag:s0], s1  }
0x2bf: {  	s1 =	ssub.s32 @!p0 $0x0, s1;
	[sflag:s0] =	ssyncset.done @!p0 $0x0  }
0x2c0: {  	[sflag:s0] =	ssyncadd.s32 @!p0 s1  }
0x2c1: {  	[bflag:$0x3] =	sbarrier.arrive $0xFFFF  }
0x2c2: {  	_ =	shalt  }

</sc_bundles>
